<compile_context>
chip_gen: v7x
topology: tpu7x:2x2x1
jax: 0.10.2.dev20260603
libtpu: 0.0.44.dev20260713+nightly
codegen_flags: <defaults>
</compile_context>

<pallas_src>
import functools

import jax
import jax.numpy as jnp
from jax import lax
from jax.experimental import pallas as pl
from jax.experimental.pallas import tpu as pltpu
from jax.experimental.pallas import tpu_sc as plsc

N_NODES = 100000
N_EDGES = 6400000
NUM_TYPES = 4

NW = 32
PER_W = N_EDGES // NW
OUTER = 2048
SUB = 128
N_SUB = OUTER // SUB
N_GROUPS = OUTER // 16
N_BLOCKS = -(-PER_W // OUTER)

_MAGIC = 0x5F3759DF


def _rsqrt(x):
    i = plsc.bitcast(x, jnp.int32)
    i = _MAGIC - lax.shift_right_arithmetic(i, 1)
    y = plsc.bitcast(i, jnp.float32)
    hx = 0.5 * x
    for _ in range(2):
        y = y * (1.5 - hx * y * y)
    return y


def _edge_body(packed, ei, recip_hbm, out_len, out_et,
               idxs_a, idxd_a, idxs_b, idxd_b, gs_a, gd_a, gs_b, gd_b,
               len_v, ts_v, td_v, recip_v, sem_a, sem_b):
    pltpu.sync_copy(recip_hbm, recip_v)
    wid = lax.axis_index("s") * 2 + lax.axis_index("c")
    lanes = lax.broadcasted_iota(jnp.int32, (16,), 0)
    cols = [jnp.full((16,), c, jnp.int32) for c in range(4)]

    def base(j):
        return wid * PER_W + jnp.minimum(j * OUTER, PER_W - OUTER)

    def load_idx(bs, idxs, idxd):
        pltpu.sync_copy(ei.at[pl.ds(bs, OUTER)], idxs)
        pltpu.sync_copy(ei.at[pl.ds(N_EDGES + bs, OUTER)], idxd)

    def fire(idxs, idxd, gs, gd, sem):
        for s in range(N_SUB):
            o = s * SUB
            pltpu.make_async_copy(packed.at[idxs.at[pl.ds(o, SUB)]],
                                  gs.at[pl.ds(o, SUB)], sem).start()
            pltpu.make_async_copy(packed.at[idxd.at[pl.ds(o, SUB)]],
                                  gd.at[pl.ds(o, SUB)], sem).start()

    def drain(idxs, idxd, gs, gd, sem):
        for s in range(N_SUB):
            o = s * SUB
            pltpu.make_async_copy(packed.at[idxs.at[pl.ds(o, SUB)]],
                                  gs.at[pl.ds(o, SUB)], sem).wait()
            pltpu.make_async_copy(packed.at[idxd.at[pl.ds(o, SUB)]],
                                  gd.at[pl.ds(o, SUB)], sem).wait()

    def compute(gs_v, gd_v):
        def group(g, c):
            row = lanes + g * 16
            xs = plsc.bitcast(plsc.load_gather(gs_v, [row, cols[0]]),
                              jnp.float32)
            ys = plsc.bitcast(plsc.load_gather(gs_v, [row, cols[1]]),
                              jnp.float32)
            zs = plsc.bitcast(plsc.load_gather(gs_v, [row, cols[2]]),
                              jnp.float32)
            tsi = plsc.load_gather(gs_v, [row, cols[3]])
            xd = plsc.bitcast(plsc.load_gather(gd_v, [row, cols[0]]),
                              jnp.float32)
            yd = plsc.bitcast(plsc.load_gather(gd_v, [row, cols[1]]),
                              jnp.float32)
            zd = plsc.bitcast(plsc.load_gather(gd_v, [row, cols[2]]),
                              jnp.float32)
            tdi = plsc.load_gather(gd_v, [row, cols[3]])
            dx = xd - xs
            dy = yd - ys
            dz = zd - zs
            ss = dx * dx + dy * dy + dz * dz
            r = ss * _rsqrt(ss)
            et = tsi * NUM_TYPES + tdi
            rc = plsc.load_gather(recip_v, [et])
            off = g * 16
            len_v[pl.ds(off, 16)] = r * rc
            ts_v[pl.ds(off, 16)] = tsi
            td_v[pl.ds(off, 16)] = tdi
            return c

        lax.fori_loop(0, N_GROUPS, group, 0)

    def flush(bs):
        pltpu.sync_copy(len_v, out_len.at[pl.ds(bs, OUTER)])
        pltpu.sync_copy(ts_v, out_et.at[pl.ds(bs, OUTER)])
        pltpu.sync_copy(td_v, out_et.at[pl.ds(N_EDGES + bs, OUTER)])

    load_idx(base(0), idxs_a, idxd_a)
    fire(idxs_a, idxd_a, gs_a, gd_a, sem_a)

    def body(jj, c):
        j = jj * 2
        load_idx(base(j + 1), idxs_b, idxd_b)
        fire(idxs_b, idxd_b, gs_b, gd_b, sem_b)
        drain(idxs_a, idxd_a, gs_a, gd_a, sem_a)
        compute(gs_a, gd_a)
        flush(base(j))
        load_idx(base(j + 2), idxs_a, idxd_a)
        fire(idxs_a, idxd_a, gs_a, gd_a, sem_a)
        drain(idxs_b, idxd_b, gs_b, gd_b, sem_b)
        compute(gs_b, gd_b)
        flush(base(j + 1))
        return c

    lax.fori_loop(0, N_BLOCKS // 2, body, 0)
    drain(idxs_a, idxd_a, gs_a, gd_a, sem_a)


_edge_call = functools.partial(
    pl.kernel,
    out_type=[
        jax.ShapeDtypeStruct((N_EDGES,), jnp.float32),
        jax.ShapeDtypeStruct((2 * N_EDGES,), jnp.int32),
    ],
    mesh=plsc.VectorSubcoreMesh(core_axis_name="c", subcore_axis_name="s"),
    compiler_params=pltpu.CompilerParams(
        needs_layout_passes=False, use_tc_tiling_on_sc=False),
    scratch_types=[
        pltpu.VMEM((OUTER,), jnp.int32),
        pltpu.VMEM((OUTER,), jnp.int32),
        pltpu.VMEM((OUTER,), jnp.int32),
        pltpu.VMEM((OUTER,), jnp.int32),
        pltpu.VMEM((OUTER, 8), jnp.int32),
        pltpu.VMEM((OUTER, 8), jnp.int32),
        pltpu.VMEM((OUTER, 8), jnp.int32),
        pltpu.VMEM((OUTER, 8), jnp.int32),
        pltpu.VMEM((OUTER,), jnp.float32),
        pltpu.VMEM((OUTER,), jnp.int32),
        pltpu.VMEM((OUTER,), jnp.int32),
        pltpu.VMEM((16,), jnp.float32),
        pltpu.SemaphoreType.DMA,
        pltpu.SemaphoreType.DMA,
    ],
)(_edge_body)


def kernel(pos, edge_index, atom_type, rmax_recip):
    pos_bits = lax.bitcast_convert_type(pos.astype(jnp.float32), jnp.int32)
    pad = jnp.zeros((N_NODES, 4), jnp.int32)
    packed = jnp.concatenate(
        [pos_bits, atom_type.astype(jnp.int32).reshape(-1, 1), pad], axis=1)
    ei_flat = edge_index.astype(jnp.int32).reshape(-1)
    out_len, out_et = _edge_call(packed, ei_flat,
                                 rmax_recip.astype(jnp.float32))
    return out_len.reshape(-1, 1), out_et.reshape(2, -1)

# --- scband reference (transcript-rebuilt; emitter-appended) ---
"""Pipeline reference for scband-edge-length-normalizer-27298812133412 (READ-ONLY COPY).

The authoritative reference and input builder live on the scoring server;
editing this copy changes nothing except your own understanding.
"""

import jax, jax.numpy as jnp
import numpy as np

N_NODES = 100000
N_EDGES = 6400000
NUM_TYPES = 4
R_MAX = 6.0
# per_edge_type_cutoff = {H:4.0, C:6.0, N:5.0, O:6.0}; scalar per source type -> row broadcast
_CUTOFFS = np.array([4.0, 6.0, 5.0, 6.0], dtype=np.float32)


def setup_inputs(seed: int = 0) -> dict:
    key = jax.random.key(seed)
    k1, k2, k3 = jax.random.split(key, 3)
    pos = jax.random.normal(k1, (N_NODES, 3), dtype=jnp.float32)
    edge_index = jax.random.randint(k2, (2, N_EDGES), 0, N_NODES)
    atom_type = jax.random.randint(k3, (N_NODES,), 0, NUM_TYPES)
    # per-edge-type cutoff matrix [num_types, num_types]: row i filled with cutoff of source type i
    per_edge_type_cutoff = np.tile(_CUTOFFS[:, None], (1, NUM_TYPES))
    assert per_edge_type_cutoff.shape == (NUM_TYPES, NUM_TYPES)
    assert np.all(per_edge_type_cutoff > 0) and np.all(per_edge_type_cutoff <= R_MAX)
    rmax_recip = jnp.asarray((1.0 / per_edge_type_cutoff).reshape(-1), dtype=jnp.float32)
    return {"pos": pos, "edge_index": edge_index, "atom_type": atom_type, "rmax_recip": rmax_recip}


def reference(pos, edge_index, atom_type, rmax_recip):
    # with_edge_vectors(with_lengths=True): edge_vec = pos[dst] - pos[src] (no cell/PBC)
    edge_vec = jnp.take(pos, edge_index[1], axis=0) - jnp.take(pos, edge_index[0], axis=0)
    r = jnp.sqrt(jnp.sum(edge_vec * edge_vec, axis=-1)).reshape(-1, 1)
    # per-edge-type path: gather atom types at both ends of each edge
    edge_type = jnp.take(atom_type.reshape(-1), edge_index.reshape(-1), axis=0).reshape(2, -1)
    et_flat = edge_type[0] * NUM_TYPES + edge_type[1]
    recip = jnp.take(rmax_recip, et_flat, axis=0)[:, None]
    norm_length = r * recip
    return norm_length, edge_type

if __name__ == "__main__":
    import jax
    _d = setup_inputs()
    print(jax.jit(kernel)(*tuple(_d.values())))

</pallas_src>

<mosaic_0001>
#map = affine_map<(d0, d1) -> (0, 0)>
#map1 = affine_map<(d0, d1) -> (0)>
module attributes {stable_mosaic.version = 14 : i64} {
  func.func @_edge_body(%arg0: i32, %arg1: i32, %arg2: memref<100000x8xi32, #tpu.memory_space<hbm>>, %arg3: memref<12800000xi32, #tpu.memory_space<hbm>>, %arg4: memref<16xf32, #tpu.memory_space<hbm>>, %arg5: memref<6400000xf32, #tpu.memory_space<hbm>>, %arg6: memref<12800000xi32, #tpu.memory_space<hbm>>, %arg7: memref<2048xi32, #tpu.memory_space<vmem>>, %arg8: memref<2048xi32, #tpu.memory_space<vmem>>, %arg9: memref<2048xi32, #tpu.memory_space<vmem>>, %arg10: memref<2048xi32, #tpu.memory_space<vmem>>, %arg11: memref<2048x8xi32, #tpu.memory_space<vmem>>, %arg12: memref<2048x8xi32, #tpu.memory_space<vmem>>, %arg13: memref<2048x8xi32, #tpu.memory_space<vmem>>, %arg14: memref<2048x8xi32, #tpu.memory_space<vmem>>, %arg15: memref<2048xf32, #tpu.memory_space<vmem>>, %arg16: memref<2048xi32, #tpu.memory_space<vmem>>, %arg17: memref<2048xi32, #tpu.memory_space<vmem>>, %arg18: memref<16xf32, #tpu.memory_space<vmem>>, %arg19: memref<!tpu.dma_semaphore, #tpu.memory_space<semaphore_mem>>, %arg20: memref<!tpu.dma_semaphore, #tpu.memory_space<semaphore_mem>>) attributes {dimension_semantics = [#tpu.dimension_semantics<core_parallel>, #tpu.dimension_semantics<subcore_parallel>], iteration_bounds = array<i64: 2, 16>, scalar_prefetch = 0 : i64, scratch_operands = 14 : i64, tpu.core_type = #tpu.core_type<sc_vector_subcore>, window_params = [{transform_indices = #map}, {transform_indices = #map1}, {transform_indices = #map1}, {transform_indices = #map1}, {transform_indices = #map1}]} {
    "tpu.region"() ({
      %run_scoped3A = tpu.sem_alloc : memref<!tpu.dma_semaphore, #tpu.memory_space<semaphore_mem>>
      tpu.enqueue_dma source(%arg4 : memref<16xf32, #tpu.memory_space<hbm>>) target(%arg18 : memref<16xf32, #tpu.memory_space<vmem>>) target_semaphore(%run_scoped3A : memref<!tpu.dma_semaphore, #tpu.memory_space<semaphore_mem>>)
      tpu.wait_dma2 semaphore(%run_scoped3A : memref<!tpu.dma_semaphore, #tpu.memory_space<semaphore_mem>>) src(%arg4 : memref<16xf32, #tpu.memory_space<hbm>>) dst(%arg18 : memref<16xf32, #tpu.memory_space<vmem>>)
      tpu.yield
    }) : () -> ()
    %mul3A = arith.constant 2 : i32
    %mul3A_0 = arith.muli %arg1, %mul3A : i32
    %add3A = arith.addi %mul3A_0, %arg0 : i32
    %iota3A = tpu.iota {dimensions = array<i32: 0>} : vector<16xi32>
    %broadcast_in_dim3A = arith.constant 0 : i32
    %broadcast_in_dim3A_1 = vector.broadcast %broadcast_in_dim3A : i32 to vector<16xi32>
    %broadcast_in_dim3A_2 = arith.constant 1 : i32
    %broadcast_in_dim3A_3 = vector.broadcast %broadcast_in_dim3A_2 : i32 to vector<16xi32>
    %broadcast_in_dim3A_4 = arith.constant 2 : i32
    %broadcast_in_dim3A_5 = vector.broadcast %broadcast_in_dim3A_4 : i32 to vector<16xi32>
    %broadcast_in_dim3A_6 = arith.constant 3 : i32
    %broadcast_in_dim3A_7 = vector.broadcast %broadcast_in_dim3A_6 : i32 to vector<16xi32>
    %mul3A_8 = arith.constant 200000 : i32
    %mul3A_9 = arith.muli %add3A, %mul3A_8 : i32
    %min3A = arith.constant 0 : i32
    %min3A_10 = arith.constant 197952 : i32
    %min3A_11 = arith.minsi %min3A, %min3A_10 : i32
    %add3A_12 = arith.addi %mul3A_9, %min3A_11 : i32
    "tpu.region"() ({
      %run_scoped3A = tpu.sem_alloc : memref<!tpu.dma_semaphore, #tpu.memory_space<semaphore_mem>>
      %dma_start3A_530 = tpu.memref_slice %arg3[%add3A_12] : memref<12800000xi32, #tpu.memory_space<hbm>> -> memref<2048xi32, #tpu.memory_space<hbm>>
      %dma_start3A_531 = tpu.memref_slice %arg3[%add3A_12] : memref<12800000xi32, #tpu.memory_space<hbm>> -> memref<2048xi32, #tpu.memory_space<hbm>>
      tpu.enqueue_dma source(%dma_start3A_531 : memref<2048xi32, #tpu.memory_space<hbm>>) target(%arg7 : memref<2048xi32, #tpu.memory_space<vmem>>) target_semaphore(%run_scoped3A : memref<!tpu.dma_semaphore, #tpu.memory_space<semaphore_mem>>)
      %dma_wait3A_532 = tpu.memref_slice %arg3[%add3A_12] : memref<12800000xi32, #tpu.memory_space<hbm>> -> memref<2048xi32, #tpu.memory_space<hbm>>
      %dma_wait3A_533 = tpu.memref_slice %arg3[%add3A_12] : memref<12800000xi32, #tpu.memory_space<hbm>> -> memref<2048xi32, #tpu.memory_space<hbm>>
      tpu.wait_dma2 semaphore(%run_scoped3A : memref<!tpu.dma_semaphore, #tpu.memory_space<semaphore_mem>>) src(%dma_wait3A_533 : memref<2048xi32, #tpu.memory_space<hbm>>) dst(%arg7 : memref<2048xi32, #tpu.memory_space<vmem>>)
      tpu.yield
    }) : () -> ()
    %add3A_13 = arith.constant 6400000 : i32
    %add3A_14 = arith.addi %add3A_13, %add3A_12 : i32
    "tpu.region"() ({
      %run_scoped3A = tpu.sem_alloc : memref<!tpu.dma_semaphore, #tpu.memory_space<semaphore_mem>>
      %dma_start3A_530 = tpu.memref_slice %arg3[%add3A_14] : memref<12800000xi32, #tpu.memory_space<hbm>> -> memref<2048xi32, #tpu.memory_space<hbm>>
      %dma_start3A_531 = tpu.memref_slice %arg3[%add3A_14] : memref<12800000xi32, #tpu.memory_space<hbm>> -> memref<2048xi32, #tpu.memory_space<hbm>>
      tpu.enqueue_dma source(%dma_start3A_531 : memref<2048xi32, #tpu.memory_space<hbm>>) target(%arg8 : memref<2048xi32, #tpu.memory_space<vmem>>) target_semaphore(%run_scoped3A : memref<!tpu.dma_semaphore, #tpu.memory_space<semaphore_mem>>)
      %dma_wait3A_532 = tpu.memref_slice %arg3[%add3A_14] : memref<12800000xi32, #tpu.memory_space<hbm>> -> memref<2048xi32, #tpu.memory_space<hbm>>
      %dma_wait3A_533 = tpu.memref_slice %arg3[%add3A_14] : memref<12800000xi32, #tpu.memory_space<hbm>> -> memref<2048xi32, #tpu.memory_space<hbm>>
      tpu.wait_dma2 semaphore(%run_scoped3A : memref<!tpu.dma_semaphore, #tpu.memory_space<semaphore_mem>>) src(%dma_wait3A_533 : memref<2048xi32, #tpu.memory_space<hbm>>) dst(%arg8 : memref<2048xi32, #tpu.memory_space<vmem>>)
      tpu.yield
    }) : () -> ()
    %dma_start3A = arith.constant 0 : i32
    %dma_start3A_15 = arith.constant 0 : i32
    %dma_start3A_16 = tpu.memref_slice %arg11[%dma_start3A, %dma_start3A_15] : memref<2048x8xi32, #tpu.memory_space<vmem>> -> memref<128x8xi32, #tpu.memory_space<vmem>>
    %dma_start3A_17 = arith.constant 0 : i32
    %dma_start3A_18 = tpu.memref_slice %arg7[%dma_start3A_17] : memref<2048xi32, #tpu.memory_space<vmem>> -> memref<128xi32, #tpu.memory_space<vmem>>
    %dma_start3A_19 = arith.constant 0 : i32
    %dma_start3A_20 = arith.constant 0 : i32
    %dma_start3A_21 = tpu.memref_slice %arg2[%dma_start3A_19, %dma_start3A_20] : memref<100000x8xi32, #tpu.memory_space<hbm>> -> memref<100000x8xi32, #tpu.memory_space<hbm>>
    tpu.enqueue_indirect_dma source(%dma_start3A_21 : memref<100000x8xi32, #tpu.memory_space<hbm>>) target(%dma_start3A_16 : memref<128x8xi32, #tpu.memory_space<vmem>>) offsets(%dma_start3A_18 : memref<128xi32, #tpu.memory_space<vmem>>) semaphore(%arg19 : memref<!tpu.dma_semaphore, #tpu.memory_space<semaphore_mem>>)
    %dma_start3A_22 = arith.constant 0 : i32
    %dma_start3A_23 = arith.constant 0 : i32
    %dma_start3A_24 = tpu.memref_slice %arg12[%dma_start3A_22, %dma_start3A_23] : memref<2048x8xi32, #tpu.memory_space<vmem>> -> memref<128x8xi32, #tpu.memory_space<vmem>>
    %dma_start3A_25 = arith.constant 0 : i32
    %dma_start3A_26 = tpu.memref_slice %arg8[%dma_start3A_25] : memref<2048xi32, #tpu.memory_space<vmem>> -> memref<128xi32, #tpu.memory_space<vmem>>
    %dma_start3A_27 = arith.constant 0 : i32
    %dma_start3A_28 = arith.constant 0 : i32
    %dma_start3A_29 = tpu.memref_slice %arg2[%dma_start3A_27, %dma_start3A_28] : memref<100000x8xi32, #tpu.memory_space<hbm>> -> memref<100000x8xi32, #tpu.memory_space<hbm>>
    tpu.enqueue_indirect_dma source(%dma_start3A_29 : memref<100000x8xi32, #tpu.memory_space<hbm>>) target(%dma_start3A_24 : memref<128x8xi32, #tpu.memory_space<vmem>>) offsets(%dma_start3A_26 : memref<128xi32, #tpu.memory_space<vmem>>) semaphore(%arg19 : memref<!tpu.dma_semaphore, #tpu.memory_space<semaphore_mem>>)
    %dma_start3A_30 = arith.constant 128 : i32
    %dma_start3A_31 = arith.constant 0 : i32
    %dma_start3A_32 = tpu.memref_slice %arg11[%dma_start3A_30, %dma_start3A_31] : memref<2048x8xi32, #tpu.memory_space<vmem>> -> memref<128x8xi32, #tpu.memory_space<vmem>>
    %dma_start3A_33 = arith.constant 128 : i32
    %dma_start3A_34 = tpu.memref_slice %arg7[%dma_start3A_33] : memref<2048xi32, #tpu.memory_space<vmem>> -> memref<128xi32, #tpu.memory_space<vmem>>
    %dma_start3A_35 = arith.constant 0 : i32
    %dma_start3A_36 = arith.constant 0 : i32
    %dma_start3A_37 = tpu.memref_slice %arg2[%dma_start3A_35, %dma_start3A_36] : memref<100000x8xi32, #tpu.memory_space<hbm>> -> memref<100000x8xi32, #tpu.memory_space<hbm>>
    tpu.enqueue_indirect_dma source(%dma_start3A_37 : memref<100000x8xi32, #tpu.memory_space<hbm>>) target(%dma_start3A_32 : memref<128x8xi32, #tpu.memory_space<vmem>>) offsets(%dma_start3A_34 : memref<128xi32, #tpu.memory_space<vmem>>) semaphore(%arg19 : memref<!tpu.dma_semaphore, #tpu.memory_space<semaphore_mem>>)
    %dma_start3A_38 = arith.constant 128 : i32
    %dma_start3A_39 = arith.constant 0 : i32
    %dma_start3A_40 = tpu.memref_slice %arg12[%dma_start3A_38, %dma_start3A_39] : memref<2048x8xi32, #tpu.memory_space<vmem>> -> memref<128x8xi32, #tpu.memory_space<vmem>>
    %dma_start3A_41 = arith.constant 128 : i32
    %dma_start3A_42 = tpu.memref_slice %arg8[%dma_start3A_41] : memref<2048xi32, #tpu.memory_space<vmem>> -> memref<128xi32, #tpu.memory_space<vmem>>
    %dma_start3A_43 = arith.constant 0 : i32
    %dma_start3A_44 = arith.constant 0 : i32
    %dma_start3A_45 = tpu.memref_slice %arg2[%dma_start3A_43, %dma_start3A_44] : memref<100000x8xi32, #tpu.memory_space<hbm>> -> memref<100000x8xi32, #tpu.memory_space<hbm>>
    tpu.enqueue_indirect_dma source(%dma_start3A_45 : memref<100000x8xi32, #tpu.memory_space<hbm>>) target(%dma_start3A_40 : memref<128x8xi32, #tpu.memory_space<vmem>>) offsets(%dma_start3A_42 : memref<128xi32, #tpu.memory_space<vmem>>) semaphore(%arg19 : memref<!tpu.dma_semaphore, #tpu.memory_space<semaphore_mem>>)
    %dma_start3A_46 = arith.constant 256 : i32
    %dma_start3A_47 = arith.constant 0 : i32
    %dma_start3A_48 = tpu.memref_slice %arg11[%dma_start3A_46, %dma_start3A_47] : memref<2048x8xi32, #tpu.memory_space<vmem>> -> memref<128x8xi32, #tpu.memory_space<vmem>>
    %dma_start3A_49 = arith.constant 256 : i32
    %dma_start3A_50 = tpu.memref_slice %arg7[%dma_start3A_49] : memref<2048xi32, #tpu.memory_space<vmem>> -> memref<128xi32, #tpu.memory_space<vmem>>
    %dma_start3A_51 = arith.constant 0 : i32
    %dma_start3A_52 = arith.constant 0 : i32
    %dma_start3A_53 = tpu.memref_slice %arg2[%dma_start3A_51, %dma_start3A_52] : memref<100000x8xi32, #tpu.memory_space<hbm>> -> memref<100000x8xi32, #tpu.memory_space<hbm>>
    tpu.enqueue_indirect_dma source(%dma_start3A_53 : memref<100000x8xi32, #tpu.memory_space<hbm>>) target(%dma_start3A_48 : memref<128x8xi32, #tpu.memory_space<vmem>>) offsets(%dma_start3A_50 : memref<128xi32, #tpu.memory_space<vmem>>) semaphore(%arg19 : memref<!tpu.dma_semaphore, #tpu.memory_space<semaphore_mem>>)
    %dma_start3A_54 = arith.constant 256 : i32
    %dma_start3A_55 = arith.constant 0 : i32
    %dma_start3A_56 = tpu.memref_slice %arg12[%dma_start3A_54, %dma_start3A_55] : memref<2048x8xi32, #tpu.memory_space<vmem>> -> memref<128x8xi32, #tpu.memory_space<vmem>>
    %dma_start3A_57 = arith.constant 256 : i32
    %dma_start3A_58 = tpu.memref_slice %arg8[%dma_start3A_57] : memref<2048xi32, #tpu.memory_space<vmem>> -> memref<128xi32, #tpu.memory_space<vmem>>
    %dma_start3A_59 = arith.constant 0 : i32
    %dma_start3A_60 = arith.constant 0 : i32
    %dma_start3A_61 = tpu.memref_slice %arg2[%dma_start3A_59, %dma_start3A_60] : memref<100000x8xi32, #tpu.memory_space<hbm>> -> memref<100000x8xi32, #tpu.memory_space<hbm>>
    tpu.enqueue_indirect_dma source(%dma_start3A_61 : memref<100000x8xi32, #tpu.memory_space<hbm>>) target(%dma_start3A_56 : memref<128x8xi32, #tpu.memory_space<vmem>>) offsets(%dma_start3A_58 : memref<128xi32, #tpu.memory_space<vmem>>) semaphore(%arg19 : memref<!tpu.dma_semaphore, #tpu.memory_space<semaphore_mem>>)
    %dma_start3A_62 = arith.constant 384 : i32
    %dma_start3A_63 = arith.constant 0 : i32
    %dma_start3A_64 = tpu.memref_slice %arg11[%dma_start3A_62, %dma_start3A_63] : memref<2048x8xi32, #tpu.memory_space<vmem>> -> memref<128x8xi32, #tpu.memory_space<vmem>>
    %dma_start3A_65 = arith.constant 384 : i32
    %dma_start3A_66 = tpu.memref_slice %arg7[%dma_start3A_65] : memref<2048xi32, #tpu.memory_space<vmem>> -> memref<128xi32, #tpu.memory_space<vmem>>
    %dma_start3A_67 = arith.constant 0 : i32
    %dma_start3A_68 = arith.constant 0 : i32
    %dma_start3A_69 = tpu.memref_slice %arg2[%dma_start3A_67, %dma_start3A_68] : memref<100000x8xi32, #tpu.memory_space<hbm>> -> memref<100000x8xi32, #tpu.memory_space<hbm>>
    tpu.enqueue_indirect_dma source(%dma_start3A_69 : memref<100000x8xi32, #tpu.memory_space<hbm>>) target(%dma_start3A_64 : memref<128x8xi32, #tpu.memory_space<vmem>>) offsets(%dma_start3A_66 : memref<128xi32, #tpu.memory_space<vmem>>) semaphore(%arg19 : memref<!tpu.dma_semaphore, #tpu.memory_space<semaphore_mem>>)
    %dma_start3A_70 = arith.constant 384 : i32
    %dma_start3A_71 = arith.constant 0 : i32
    %dma_start3A_72 = tpu.memref_slice %arg12[%dma_start3A_70, %dma_start3A_71] : memref<2048x8xi32, #tpu.memory_space<vmem>> -> memref<128x8xi32, #tpu.memory_space<vmem>>
    %dma_start3A_73 = arith.constant 384 : i32
    %dma_start3A_74 = tpu.memref_slice %arg8[%dma_start3A_73] : memref<2048xi32, #tpu.memory_space<vmem>> -> memref<128xi32, #tpu.memory_space<vmem>>
    %dma_start3A_75 = arith.constant 0 : i32
    %dma_start3A_76 = arith.constant 0 : i32
    %dma_start3A_77 = tpu.memref_slice %arg2[%dma_start3A_75, %dma_start3A_76] : memref<100000x8xi32, #tpu.memory_space<hbm>> -> memref<100000x8xi32, #tpu.memory_space<hbm>>
    tpu.enqueue_indirect_dma source(%dma_start3A_77 : memref<100000x8xi32, #tpu.memory_space<hbm>>) target(%dma_start3A_72 : memref<128x8xi32, #tpu.memory_space<vmem>>) offsets(%dma_start3A_74 : memref<128xi32, #tpu.memory_space<vmem>>) semaphore(%arg19 : memref<!tpu.dma_semaphore, #tpu.memory_space<semaphore_mem>>)
    %dma_start3A_78 = arith.constant 512 : i32
    %dma_start3A_79 = arith.constant 0 : i32
    %dma_start3A_80 = tpu.memref_slice %arg11[%dma_start3A_78, %dma_start3A_79] : memref<2048x8xi32, #tpu.memory_space<vmem>> -> memref<128x8xi32, #tpu.memory_space<vmem>>
    %dma_start3A_81 = arith.constant 512 : i32
    %dma_start3A_82 = tpu.memref_slice %arg7[%dma_start3A_81] : memref<2048xi32, #tpu.memory_space<vmem>> -> memref<128xi32, #tpu.memory_space<vmem>>
    %dma_start3A_83 = arith.constant 0 : i32
    %dma_start3A_84 = arith.constant 0 : i32
    %dma_start3A_85 = tpu.memref_slice %arg2[%dma_start3A_83, %dma_start3A_84] : memref<100000x8xi32, #tpu.memory_space<hbm>> -> memref<100000x8xi32, #tpu.memory_space<hbm>>
    tpu.enqueue_indirect_dma source(%dma_start3A_85 : memref<100000x8xi32, #tpu.memory_space<hbm>>) target(%dma_start3A_80 : memref<128x8xi32, #tpu.memory_space<vmem>>) offsets(%dma_start3A_82 : memref<128xi32, #tpu.memory_space<vmem>>) semaphore(%arg19 : memref<!tpu.dma_semaphore, #tpu.memory_space<semaphore_mem>>)
    %dma_start3A_86 = arith.constant 512 : i32
    %dma_start3A_87 = arith.constant 0 : i32
    %dma_start3A_88 = tpu.memref_slice %arg12[%dma_start3A_86, %dma_start3A_87] : memref<2048x8xi32, #tpu.memory_space<vmem>> -> memref<128x8xi32, #tpu.memory_space<vmem>>
    %dma_start3A_89 = arith.constant 512 : i32
    %dma_start3A_90 = tpu.memref_slice %arg8[%dma_start3A_89] : memref<2048xi32, #tpu.memory_space<vmem>> -> memref<128xi32, #tpu.memory_space<vmem>>
    %dma_start3A_91 = arith.constant 0 : i32
    %dma_start3A_92 = arith.constant 0 : i32
    %dma_start3A_93 = tpu.memref_slice %arg2[%dma_start3A_91, %dma_start3A_92] : memref<100000x8xi32, #tpu.memory_space<hbm>> -> memref<100000x8xi32, #tpu.memory_space<hbm>>
    tpu.enqueue_indirect_dma source(%dma_start3A_93 : memref<100000x8xi32, #tpu.memory_space<hbm>>) target(%dma_start3A_88 : memref<128x8xi32, #tpu.memory_space<vmem>>) offsets(%dma_start3A_90 : memref<128xi32, #tpu.memory_space<vmem>>) semaphore(%arg19 : memref<!tpu.dma_semaphore, #tpu.memory_space<semaphore_mem>>)
    %dma_start3A_94 = arith.constant 640 : i32
    %dma_start3A_95 = arith.constant 0 : i32
    %dma_start3A_96 = tpu.memref_slice %arg11[%dma_start3A_94, %dma_start3A_95] : memref<2048x8xi32, #tpu.memory_space<vmem>> -> memref<128x8xi32, #tpu.memory_space<vmem>>
    %dma_start3A_97 = arith.constant 640 : i32
    %dma_start3A_98 = tpu.memref_slice %arg7[%dma_start3A_97] : memref<2048xi32, #tpu.memory_space<vmem>> -> memref<128xi32, #tpu.memory_space<vmem>>
    %dma_start3A_99 = arith.constant 0 : i32
    %dma_start3A_100 = arith.constant 0 : i32
    %dma_start3A_101 = tpu.memref_slice %arg2[%dma_start3A_99, %dma_start3A_100] : memref<100000x8xi32, #tpu.memory_space<hbm>> -> memref<100000x8xi32, #tpu.memory_space<hbm>>
    tpu.enqueue_indirect_dma source(%dma_start3A_101 : memref<100000x8xi32, #tpu.memory_space<hbm>>) target(%dma_start3A_96 : memref<128x8xi32, #tpu.memory_space<vmem>>) offsets(%dma_start3A_98 : memref<128xi32, #tpu.memory_space<vmem>>) semaphore(%arg19 : memref<!tpu.dma_semaphore, #tpu.memory_space<semaphore_mem>>)
    %dma_start3A_102 = arith.constant 640 : i32
    %dma_start3A_103 = arith.constant 0 : i32
    %dma_start3A_104 = tpu.memref_slice %arg12[%dma_start3A_102, %dma_start3A_103] : memref<2048x8xi32, #tpu.memory_space<vmem>> -> memref<128x8xi32, #tpu.memory_space<vmem>>
    %dma_start3A_105 = arith.constant 640 : i32
    %dma_start3A_106 = tpu.memref_slice %arg8[%dma_start3A_105] : memref<2048xi32, #tpu.memory_space<vmem>> -> memref<128xi32, #tpu.memory_space<vmem>>
    %dma_start3A_107 = arith.constant 0 : i32
    %dma_start3A_108 = arith.constant 0 : i32
    %dma_start3A_109 = tpu.memref_slice %arg2[%dma_start3A_107, %dma_start3A_108] : memref<100000x8xi32, #tpu.memory_space<hbm>> -> memref<100000x8xi32, #tpu.memory_space<hbm>>
    tpu.enqueue_indirect_dma source(%dma_start3A_109 : memref<100000x8xi32, #tpu.memory_space<hbm>>) target(%dma_start3A_104 : memref<128x8xi32, #tpu.memory_space<vmem>>) offsets(%dma_start3A_106 : memref<128xi32, #tpu.memory_space<vmem>>) semaphore(%arg19 : memref<!tpu.dma_semaphore, #tpu.memory_space<semaphore_mem>>)
    %dma_start3A_110 = arith.constant 768 : i32
    %dma_start3A_111 = arith.constant 0 : i32
    %dma_start3A_112 = tpu.memref_slice %arg11[%dma_start3A_110, %dma_start3A_111] : memref<2048x8xi32, #tpu.memory_space<vmem>> -> memref<128x8xi32, #tpu.memory_space<vmem>>
    %dma_start3A_113 = arith.constant 768 : i32
    %dma_start3A_114 = tpu.memref_slice %arg7[%dma_start3A_113] : memref<2048xi32, #tpu.memory_space<vmem>> -> memref<128xi32, #tpu.memory_space<vmem>>
    %dma_start3A_115 = arith.constant 0 : i32
    %dma_start3A_116 = arith.constant 0 : i32
    %dma_start3A_117 = tpu.memref_slice %arg2[%dma_start3A_115, %dma_start3A_116] : memref<100000x8xi32, #tpu.memory_space<hbm>> -> memref<100000x8xi32, #tpu.memory_space<hbm>>
    tpu.enqueue_indirect_dma source(%dma_start3A_117 : memref<100000x8xi32, #tpu.memory_space<hbm>>) target(%dma_start3A_112 : memref<128x8xi32, #tpu.memory_space<vmem>>) offsets(%dma_start3A_114 : memref<128xi32, #tpu.memory_space<vmem>>) semaphore(%arg19 : memref<!tpu.dma_semaphore, #tpu.memory_space<semaphore_mem>>)
    %dma_start3A_118 = arith.constant 768 : i32
    %dma_start3A_119 = arith.constant 0 : i32
    %dma_start3A_120 = tpu.memref_slice %arg12[%dma_start3A_118, %dma_start3A_119] : memref<2048x8xi32, #tpu.memory_space<vmem>> -> memref<128x8xi32, #tpu.memory_space<vmem>>
    %dma_start3A_121 = arith.constant 768 : i32
    %dma_start3A_122 = tpu.memref_slice %arg8[%dma_start3A_121] : memref<2048xi32, #tpu.memory_space<vmem>> -> memref<128xi32, #tpu.memory_space<vmem>>
    %dma_start3A_123 = arith.constant 0 : i32
    %dma_start3A_124 = arith.constant 0 : i32
    %dma_start3A_125 = tpu.memref_slice %arg2[%dma_start3A_123, %dma_start3A_124] : memref<100000x8xi32, #tpu.memory_space<hbm>> -> memref<100000x8xi32, #tpu.memory_space<hbm>>
    tpu.enqueue_indirect_dma source(%dma_start3A_125 : memref<100000x8xi32, #tpu.memory_space<hbm>>) target(%dma_start3A_120 : memref<128x8xi32, #tpu.memory_space<vmem>>) offsets(%dma_start3A_122 : memref<128xi32, #tpu.memory_space<vmem>>) semaphore(%arg19 : memref<!tpu.dma_semaphore, #tpu.memory_space<semaphore_mem>>)
    %dma_start3A_126 = arith.constant 896 : i32
    %dma_start3A_127 = arith.constant 0 : i32
    %dma_start3A_128 = tpu.memref_slice %arg11[%dma_start3A_126, %dma_start3A_127] : memref<2048x8xi32, #tpu.memory_space<vmem>> -> memref<128x8xi32, #tpu.memory_space<vmem>>
    %dma_start3A_129 = arith.constant 896 : i32
    %dma_start3A_130 = tpu.memref_slice %arg7[%dma_start3A_129] : memref<2048xi32, #tpu.memory_space<vmem>> -> memref<128xi32, #tpu.memory_space<vmem>>
    %dma_start3A_131 = arith.constant 0 : i32
    %dma_start3A_132 = arith.constant 0 : i32
    %dma_start3A_133 = tpu.memref_slice %arg2[%dma_start3A_131, %dma_start3A_132] : memref<100000x8xi32, #tpu.memory_space<hbm>> -> memref<100000x8xi32, #tpu.memory_space<hbm>>
    tpu.enqueue_indirect_dma source(%dma_start3A_133 : memref<100000x8xi32, #tpu.memory_space<hbm>>) target(%dma_start3A_128 : memref<128x8xi32, #tpu.memory_space<vmem>>) offsets(%dma_start3A_130 : memref<128xi32, #tpu.memory_space<vmem>>) semaphore(%arg19 : memref<!tpu.dma_semaphore, #tpu.memory_space<semaphore_mem>>)
    %dma_start3A_134 = arith.constant 896 : i32
    %dma_start3A_135 = arith.constant 0 : i32
    %dma_start3A_136 = tpu.memref_slice %arg12[%dma_start3A_134, %dma_start3A_135] : memref<2048x8xi32, #tpu.memory_space<vmem>> -> memref<128x8xi32, #tpu.memory_space<vmem>>
    %dma_start3A_137 = arith.constant 896 : i32
    %dma_start3A_138 = tpu.memref_slice %arg8[%dma_start3A_137] : memref<2048xi32, #tpu.memory_space<vmem>> -> memref<128xi32, #tpu.memory_space<vmem>>
    %dma_start3A_139 = arith.constant 0 : i32
    %dma_start3A_140 = arith.constant 0 : i32
    %dma_start3A_141 = tpu.memref_slice %arg2[%dma_start3A_139, %dma_start3A_140] : memref<100000x8xi32, #tpu.memory_space<hbm>> -> memref<100000x8xi32, #tpu.memory_space<hbm>>
    tpu.enqueue_indirect_dma source(%dma_start3A_141 : memref<100000x8xi32, #tpu.memory_space<hbm>>) target(%dma_start3A_136 : memref<128x8xi32, #tpu.memory_space<vmem>>) offsets(%dma_start3A_138 : memref<128xi32, #tpu.memory_space<vmem>>) semaphore(%arg19 : memref<!tpu.dma_semaphore, #tpu.memory_space<semaphore_mem>>)
    %dma_start3A_142 = arith.constant 1024 : i32
    %dma_start3A_143 = arith.constant 0 : i32
    %dma_start3A_144 = tpu.memref_slice %arg11[%dma_start3A_142, %dma_start3A_143] : memref<2048x8xi32, #tpu.memory_space<vmem>> -> memref<128x8xi32, #tpu.memory_space<vmem>>
    %dma_start3A_145 = arith.constant 1024 : i32
    %dma_start3A_146 = tpu.memref_slice %arg7[%dma_start3A_145] : memref<2048xi32, #tpu.memory_space<vmem>> -> memref<128xi32, #tpu.memory_space<vmem>>
    %dma_start3A_147 = arith.constant 0 : i32
    %dma_start3A_148 = arith.constant 0 : i32
    %dma_start3A_149 = tpu.memref_slice %arg2[%dma_start3A_147, %dma_start3A_148] : memref<100000x8xi32, #tpu.memory_space<hbm>> -> memref<100000x8xi32, #tpu.memory_space<hbm>>
    tpu.enqueue_indirect_dma source(%dma_start3A_149 : memref<100000x8xi32, #tpu.memory_space<hbm>>) target(%dma_start3A_144 : memref<128x8xi32, #tpu.memory_space<vmem>>) offsets(%dma_start3A_146 : memref<128xi32, #tpu.memory_space<vmem>>) semaphore(%arg19 : memref<!tpu.dma_semaphore, #tpu.memory_space<semaphore_mem>>)
    %dma_start3A_150 = arith.constant 1024 : i32
    %dma_start3A_151 = arith.constant 0 : i32
    %dma_start3A_152 = tpu.memref_slice %arg12[%dma_start3A_150, %dma_start3A_151] : memref<2048x8xi32, #tpu.memory_space<vmem>> -> memref<128x8xi32, #tpu.memory_space<vmem>>
    %dma_start3A_153 = arith.constant 1024 : i32
    %dma_start3A_154 = tpu.memref_slice %arg8[%dma_start3A_153] : memref<2048xi32, #tpu.memory_space<vmem>> -> memref<128xi32, #tpu.memory_space<vmem>>
    %dma_start3A_155 = arith.constant 0 : i32
    %dma_start3A_156 = arith.constant 0 : i32
    %dma_start3A_157 = tpu.memref_slice %arg2[%dma_start3A_155, %dma_start3A_156] : memref<100000x8xi32, #tpu.memory_space<hbm>> -> memref<100000x8xi32, #tpu.memory_space<hbm>>
    tpu.enqueue_indirect_dma source(%dma_start3A_157 : memref<100000x8xi32, #tpu.memory_space<hbm>>) target(%dma_start3A_152 : memref<128x8xi32, #tpu.memory_space<vmem>>) offsets(%dma_start3A_154 : memref<128xi32, #tpu.memory_space<vmem>>) semaphore(%arg19 : memref<!tpu.dma_semaphore, #tpu.memory_space<semaphore_mem>>)
    %dma_start3A_158 = arith.constant 1152 : i32
    %dma_start3A_159 = arith.constant 0 : i32
    %dma_start3A_160 = tpu.memref_slice %arg11[%dma_start3A_158, %dma_start3A_159] : memref<2048x8xi32, #tpu.memory_space<vmem>> -> memref<128x8xi32, #tpu.memory_space<vmem>>
    %dma_start3A_161 = arith.constant 1152 : i32
    %dma_start3A_162 = tpu.memref_slice %arg7[%dma_start3A_161] : memref<2048xi32, #tpu.memory_space<vmem>> -> memref<128xi32, #tpu.memory_space<vmem>>
    %dma_start3A_163 = arith.constant 0 : i32
    %dma_start3A_164 = arith.constant 0 : i32
    %dma_start3A_165 = tpu.memref_slice %arg2[%dma_start3A_163, %dma_start3A_164] : memref<100000x8xi32, #tpu.memory_space<hbm>> -> memref<100000x8xi32, #tpu.memory_space<hbm>>
    tpu.enqueue_indirect_dma source(%dma_start3A_165 : memref<100000x8xi32, #tpu.memory_space<hbm>>) target(%dma_start3A_160 : memref<128x8xi32, #tpu.memory_space<vmem>>) offsets(%dma_start3A_162 : memref<128xi32, #tpu.memory_space<vmem>>) semaphore(%arg19 : memref<!tpu.dma_semaphore, #tpu.memory_space<semaphore_mem>>)
    %dma_start3A_166 = arith.constant 1152 : i32
    %dma_start3A_167 = arith.constant 0 : i32
    %dma_start3A_168 = tpu.memref_slice %arg12[%dma_start3A_166, %dma_start3A_167] : memref<2048x8xi32, #tpu.memory_space<vmem>> -> memref<128x8xi32, #tpu.memory_space<vmem>>
    %dma_start3A_169 = arith.constant 1152 : i32
    %dma_start3A_170 = tpu.memref_slice %arg8[%dma_start3A_169] : memref<2048xi32, #tpu.memory_space<vmem>> -> memref<128xi32, #tpu.memory_space<vmem>>
    %dma_start3A_171 = arith.constant 0 : i32
    %dma_start3A_172 = arith.constant 0 : i32
    %dma_start3A_173 = tpu.memref_slice %arg2[%dma_start3A_171, %dma_start3A_172] : memref<100000x8xi32, #tpu.memory_space<hbm>> -> memref<100000x8xi32, #tpu.memory_space<hbm>>
    tpu.enqueue_indirect_dma source(%dma_start3A_173 : memref<100000x8xi32, #tpu.memory_space<hbm>>) target(%dma_start3A_168 : memref<128x8xi32, #tpu.memory_space<vmem>>) offsets(%dma_start3A_170 : memref<128xi32, #tpu.memory_space<vmem>>) semaphore(%arg19 : memref<!tpu.dma_semaphore, #tpu.memory_space<semaphore_mem>>)
    %dma_start3A_174 = arith.constant 1280 : i32
    %dma_start3A_175 = arith.constant 0 : i32
    %dma_start3A_176 = tpu.memref_slice %arg11[%dma_start3A_174, %dma_start3A_175] : memref<2048x8xi32, #tpu.memory_space<vmem>> -> memref<128x8xi32, #tpu.memory_space<vmem>>
    %dma_start3A_177 = arith.constant 1280 : i32
    %dma_start3A_178 = tpu.memref_slice %arg7[%dma_start3A_177] : memref<2048xi32, #tpu.memory_space<vmem>> -> memref<128xi32, #tpu.memory_space<vmem>>
    %dma_start3A_179 = arith.constant 0 : i32
    %dma_start3A_180 = arith.constant 0 : i32
    %dma_start3A_181 = tpu.memref_slice %arg2[%dma_start3A_179, %dma_start3A_180] : memref<100000x8xi32, #tpu.memory_space<hbm>> -> memref<100000x8xi32, #tpu.memory_space<hbm>>
    tpu.enqueue_indirect_dma source(%dma_start3A_181 : memref<100000x8xi32, #tpu.memory_space<hbm>>) target(%dma_start3A_176 : memref<128x8xi32, #tpu.memory_space<vmem>>) offsets(%dma_start3A_178 : memref<128xi32, #tpu.memory_space<vmem>>) semaphore(%arg19 : memref<!tpu.dma_semaphore, #tpu.memory_space<semaphore_mem>>)
    %dma_start3A_182 = arith.constant 1280 : i32
    %dma_start3A_183 = arith.constant 0 : i32
    %dma_start3A_184 = tpu.memref_slice %arg12[%dma_start3A_182, %dma_start3A_183] : memref<2048x8xi32, #tpu.memory_space<vmem>> -> memref<128x8xi32, #tpu.memory_space<vmem>>
    %dma_start3A_185 = arith.constant 1280 : i32
    %dma_start3A_186 = tpu.memref_slice %arg8[%dma_start3A_185] : memref<2048xi32, #tpu.memory_space<vmem>> -> memref<128xi32, #tpu.memory_space<vmem>>
    %dma_start3A_187 = arith.constant 0 : i32
    %dma_start3A_188 = arith.constant 0 : i32
    %dma_start3A_189 = tpu.memref_slice %arg2[%dma_start3A_187, %dma_start3A_188] : memref<100000x8xi32, #tpu.memory_space<hbm>> -> memref<100000x8xi32, #tpu.memory_space<hbm>>
    tpu.enqueue_indirect_dma source(%dma_start3A_189 : memref<100000x8xi32, #tpu.memory_space<hbm>>) target(%dma_start3A_184 : memref<128x8xi32, #tpu.memory_space<vmem>>) offsets(%dma_start3A_186 : memref<128xi32, #tpu.memory_space<vmem>>) semaphore(%arg19 : memref<!tpu.dma_semaphore, #tpu.memory_space<semaphore_mem>>)
    %dma_start3A_190 = arith.constant 1408 : i32
    %dma_start3A_191 = arith.constant 0 : i32
    %dma_start3A_192 = tpu.memref_slice %arg11[%dma_start3A_190, %dma_start3A_191] : memref<2048x8xi32, #tpu.memory_space<vmem>> -> memref<128x8xi32, #tpu.memory_space<vmem>>
    %dma_start3A_193 = arith.constant 1408 : i32
    %dma_start3A_194 = tpu.memref_slice %arg7[%dma_start3A_193] : memref<2048xi32, #tpu.memory_space<vmem>> -> memref<128xi32, #tpu.memory_space<vmem>>
    %dma_start3A_195 = arith.constant 0 : i32
    %dma_start3A_196 = arith.constant 0 : i32
    %dma_start3A_197 = tpu.memref_slice %arg2[%dma_start3A_195, %dma_start3A_196] : memref<100000x8xi32, #tpu.memory_space<hbm>> -> memref<100000x8xi32, #tpu.memory_space<hbm>>
    tpu.enqueue_indirect_dma source(%dma_start3A_197 : memref<100000x8xi32, #tpu.memory_space<hbm>>) target(%dma_start3A_192 : memref<128x8xi32, #tpu.memory_space<vmem>>) offsets(%dma_start3A_194 : memref<128xi32, #tpu.memory_space<vmem>>) semaphore(%arg19 : memref<!tpu.dma_semaphore, #tpu.memory_space<semaphore_mem>>)
    %dma_start3A_198 = arith.constant 1408 : i32
    %dma_start3A_199 = arith.constant 0 : i32
    %dma_start3A_200 = tpu.memref_slice %arg12[%dma_start3A_198, %dma_start3A_199] : memref<2048x8xi32, #tpu.memory_space<vmem>> -> memref<128x8xi32, #tpu.memory_space<vmem>>
    %dma_start3A_201 = arith.constant 1408 : i32
    %dma_start3A_202 = tpu.memref_slice %arg8[%dma_start3A_201] : memref<2048xi32, #tpu.memory_space<vmem>> -> memref<128xi32, #tpu.memory_space<vmem>>
    %dma_start3A_203 = arith.constant 0 : i32
    %dma_start3A_204 = arith.constant 0 : i32
    %dma_start3A_205 = tpu.memref_slice %arg2[%dma_start3A_203, %dma_start3A_204] : memref<100000x8xi32, #tpu.memory_space<hbm>> -> memref<100000x8xi32, #tpu.memory_space<hbm>>
    tpu.enqueue_indirect_dma source(%dma_start3A_205 : memref<100000x8xi32, #tpu.memory_space<hbm>>) target(%dma_start3A_200 : memref<128x8xi32, #tpu.memory_space<vmem>>) offsets(%dma_start3A_202 : memref<128xi32, #tpu.memory_space<vmem>>) semaphore(%arg19 : memref<!tpu.dma_semaphore, #tpu.memory_space<semaphore_mem>>)
    %dma_start3A_206 = arith.constant 1536 : i32
    %dma_start3A_207 = arith.constant 0 : i32
    %dma_start3A_208 = tpu.memref_slice %arg11[%dma_start3A_206, %dma_start3A_207] : memref<2048x8xi32, #tpu.memory_space<vmem>> -> memref<128x8xi32, #tpu.memory_space<vmem>>
    %dma_start3A_209 = arith.constant 1536 : i32
    %dma_start3A_210 = tpu.memref_slice %arg7[%dma_start3A_209] : memref<2048xi32, #tpu.memory_space<vmem>> -> memref<128xi32, #tpu.memory_space<vmem>>
    %dma_start3A_211 = arith.constant 0 : i32
    %dma_start3A_212 = arith.constant 0 : i32
    %dma_start3A_213 = tpu.memref_slice %arg2[%dma_start3A_211, %dma_start3A_212] : memref<100000x8xi32, #tpu.memory_space<hbm>> -> memref<100000x8xi32, #tpu.memory_space<hbm>>
    tpu.enqueue_indirect_dma source(%dma_start3A_213 : memref<100000x8xi32, #tpu.memory_space<hbm>>) target(%dma_start3A_208 : memref<128x8xi32, #tpu.memory_space<vmem>>) offsets(%dma_start3A_210 : memref<128xi32, #tpu.memory_space<vmem>>) semaphore(%arg19 : memref<!tpu.dma_semaphore, #tpu.memory_space<semaphore_mem>>)
    %dma_start3A_214 = arith.constant 1536 : i32
    %dma_start3A_215 = arith.constant 0 : i32
    %dma_start3A_216 = tpu.memref_slice %arg12[%dma_start3A_214, %dma_start3A_215] : memref<2048x8xi32, #tpu.memory_space<vmem>> -> memref<128x8xi32, #tpu.memory_space<vmem>>
    %dma_start3A_217 = arith.constant 1536 : i32
    %dma_start3A_218 = tpu.memref_slice %arg8[%dma_start3A_217] : memref<2048xi32, #tpu.memory_space<vmem>> -> memref<128xi32, #tpu.memory_space<vmem>>
    %dma_start3A_219 = arith.constant 0 : i32
    %dma_start3A_220 = arith.constant 0 : i32
    %dma_start3A_221 = tpu.memref_slice %arg2[%dma_start3A_219, %dma_start3A_220] : memref<100000x8xi32, #tpu.memory_space<hbm>> -> memref<100000x8xi32, #tpu.memory_space<hbm>>
    tpu.enqueue_indirect_dma source(%dma_start3A_221 : memref<100000x8xi32, #tpu.memory_space<hbm>>) target(%dma_start3A_216 : memref<128x8xi32, #tpu.memory_space<vmem>>) offsets(%dma_start3A_218 : memref<128xi32, #tpu.memory_space<vmem>>) semaphore(%arg19 : memref<!tpu.dma_semaphore, #tpu.memory_space<semaphore_mem>>)
    %dma_start3A_222 = arith.constant 1664 : i32
    %dma_start3A_223 = arith.constant 0 : i32
    %dma_start3A_224 = tpu.memref_slice %arg11[%dma_start3A_222, %dma_start3A_223] : memref<2048x8xi32, #tpu.memory_space<vmem>> -> memref<128x8xi32, #tpu.memory_space<vmem>>
    %dma_start3A_225 = arith.constant 1664 : i32
    %dma_start3A_226 = tpu.memref_slice %arg7[%dma_start3A_225] : memref<2048xi32, #tpu.memory_space<vmem>> -> memref<128xi32, #tpu.memory_space<vmem>>
    %dma_start3A_227 = arith.constant 0 : i32
    %dma_start3A_228 = arith.constant 0 : i32
    %dma_start3A_229 = tpu.memref_slice %arg2[%dma_start3A_227, %dma_start3A_228] : memref<100000x8xi32, #tpu.memory_space<hbm>> -> memref<100000x8xi32, #tpu.memory_space<hbm>>
    tpu.enqueue_indirect_dma source(%dma_start3A_229 : memref<100000x8xi32, #tpu.memory_space<hbm>>) target(%dma_start3A_224 : memref<128x8xi32, #tpu.memory_space<vmem>>) offsets(%dma_start3A_226 : memref<128xi32, #tpu.memory_space<vmem>>) semaphore(%arg19 : memref<!tpu.dma_semaphore, #tpu.memory_space<semaphore_mem>>)
    %dma_start3A_230 = arith.constant 1664 : i32
    %dma_start3A_231 = arith.constant 0 : i32
    %dma_start3A_232 = tpu.memref_slice %arg12[%dma_start3A_230, %dma_start3A_231] : memref<2048x8xi32, #tpu.memory_space<vmem>> -> memref<128x8xi32, #tpu.memory_space<vmem>>
    %dma_start3A_233 = arith.constant 1664 : i32
    %dma_start3A_234 = tpu.memref_slice %arg8[%dma_start3A_233] : memref<2048xi32, #tpu.memory_space<vmem>> -> memref<128xi32, #tpu.memory_space<vmem>>
    %dma_start3A_235 = arith.constant 0 : i32
    %dma_start3A_236 = arith.constant 0 : i32
    %dma_start3A_237 = tpu.memref_slice %arg2[%dma_start3A_235, %dma_start3A_236] : memref<100000x8xi32, #tpu.memory_space<hbm>> -> memref<100000x8xi32, #tpu.memory_space<hbm>>
    tpu.enqueue_indirect_dma source(%dma_start3A_237 : memref<100000x8xi32, #tpu.memory_space<hbm>>) target(%dma_start3A_232 : memref<128x8xi32, #tpu.memory_space<vmem>>) offsets(%dma_start3A_234 : memref<128xi32, #tpu.memory_space<vmem>>) semaphore(%arg19 : memref<!tpu.dma_semaphore, #tpu.memory_space<semaphore_mem>>)
    %dma_start3A_238 = arith.constant 1792 : i32
    %dma_start3A_239 = arith.constant 0 : i32
    %dma_start3A_240 = tpu.memref_slice %arg11[%dma_start3A_238, %dma_start3A_239] : memref<2048x8xi32, #tpu.memory_space<vmem>> -> memref<128x8xi32, #tpu.memory_space<vmem>>
    %dma_start3A_241 = arith.constant 1792 : i32
    %dma_start3A_242 = tpu.memref_slice %arg7[%dma_start3A_241] : memref<2048xi32, #tpu.memory_space<vmem>> -> memref<128xi32, #tpu.memory_space<vmem>>
    %dma_start3A_243 = arith.constant 0 : i32
    %dma_start3A_244 = arith.constant 0 : i32
    %dma_start3A_245 = tpu.memref_slice %arg2[%dma_start3A_243, %dma_start3A_244] : memref<100000x8xi32, #tpu.memory_space<hbm>> -> memref<100000x8xi32, #tpu.memory_space<hbm>>
    tpu.enqueue_indirect_dma source(%dma_start3A_245 : memref<100000x8xi32, #tpu.memory_space<hbm>>) target(%dma_start3A_240 : memref<128x8xi32, #tpu.memory_space<vmem>>) offsets(%dma_start3A_242 : memref<128xi32, #tpu.memory_space<vmem>>) semaphore(%arg19 : memref<!tpu.dma_semaphore, #tpu.memory_space<semaphore_mem>>)
    %dma_start3A_246 = arith.constant 1792 : i32
    %dma_start3A_247 = arith.constant 0 : i32
    %dma_start3A_248 = tpu.memref_slice %arg12[%dma_start3A_246, %dma_start3A_247] : memref<2048x8xi32, #tpu.memory_space<vmem>> -> memref<128x8xi32, #tpu.memory_space<vmem>>
    %dma_start3A_249 = arith.constant 1792 : i32
    %dma_start3A_250 = tpu.memref_slice %arg8[%dma_start3A_249] : memref<2048xi32, #tpu.memory_space<vmem>> -> memref<128xi32, #tpu.memory_space<vmem>>
    %dma_start3A_251 = arith.constant 0 : i32
    %dma_start3A_252 = arith.constant 0 : i32
    %dma_start3A_253 = tpu.memref_slice %arg2[%dma_start3A_251, %dma_start3A_252] : memref<100000x8xi32, #tpu.memory_space<hbm>> -> memref<100000x8xi32, #tpu.memory_space<hbm>>
    tpu.enqueue_indirect_dma source(%dma_start3A_253 : memref<100000x8xi32, #tpu.memory_space<hbm>>) target(%dma_start3A_248 : memref<128x8xi32, #tpu.memory_space<vmem>>) offsets(%dma_start3A_250 : memref<128xi32, #tpu.memory_space<vmem>>) semaphore(%arg19 : memref<!tpu.dma_semaphore, #tpu.memory_space<semaphore_mem>>)
    %dma_start3A_254 = arith.constant 1920 : i32
    %dma_start3A_255 = arith.constant 0 : i32
    %dma_start3A_256 = tpu.memref_slice %arg11[%dma_start3A_254, %dma_start3A_255] : memref<2048x8xi32, #tpu.memory_space<vmem>> -> memref<128x8xi32, #tpu.memory_space<vmem>>
    %dma_start3A_257 = arith.constant 1920 : i32
    %dma_start3A_258 = tpu.memref_slice %arg7[%dma_start3A_257] : memref<2048xi32, #tpu.memory_space<vmem>> -> memref<128xi32, #tpu.memory_space<vmem>>
    %dma_start3A_259 = arith.constant 0 : i32
    %dma_start3A_260 = arith.constant 0 : i32
    %dma_start3A_261 = tpu.memref_slice %arg2[%dma_start3A_259, %dma_start3A_260] : memref<100000x8xi32, #tpu.memory_space<hbm>> -> memref<100000x8xi32, #tpu.memory_space<hbm>>
    tpu.enqueue_indirect_dma source(%dma_start3A_261 : memref<100000x8xi32, #tpu.memory_space<hbm>>) target(%dma_start3A_256 : memref<128x8xi32, #tpu.memory_space<vmem>>) offsets(%dma_start3A_258 : memref<128xi32, #tpu.memory_space<vmem>>) semaphore(%arg19 : memref<!tpu.dma_semaphore, #tpu.memory_space<semaphore_mem>>)
    %dma_start3A_262 = arith.constant 1920 : i32
    %dma_start3A_263 = arith.constant 0 : i32
    %dma_start3A_264 = tpu.memref_slice %arg12[%dma_start3A_262, %dma_start3A_263] : memref<2048x8xi32, #tpu.memory_space<vmem>> -> memref<128x8xi32, #tpu.memory_space<vmem>>
    %dma_start3A_265 = arith.constant 1920 : i32
    %dma_start3A_266 = tpu.memref_slice %arg8[%dma_start3A_265] : memref<2048xi32, #tpu.memory_space<vmem>> -> memref<128xi32, #tpu.memory_space<vmem>>
    %dma_start3A_267 = arith.constant 0 : i32
    %dma_start3A_268 = arith.constant 0 : i32
    %dma_start3A_269 = tpu.memref_slice %arg2[%dma_start3A_267, %dma_start3A_268] : memref<100000x8xi32, #tpu.memory_space<hbm>> -> memref<100000x8xi32, #tpu.memory_space<hbm>>
    tpu.enqueue_indirect_dma source(%dma_start3A_269 : memref<100000x8xi32, #tpu.memory_space<hbm>>) target(%dma_start3A_264 : memref<128x8xi32, #tpu.memory_space<vmem>>) offsets(%dma_start3A_266 : memref<128xi32, #tpu.memory_space<vmem>>) semaphore(%arg19 : memref<!tpu.dma_semaphore, #tpu.memory_space<semaphore_mem>>)
    %scan3A = arith.constant 0 : i32
    %scan3A_270 = arith.constant 0 : i32
    %scan3A_271 = arith.constant 49 : i32
    %scan3A_272 = arith.addi %scan3A_270, %scan3A_271 : i32
    %scan3A_273 = arith.constant 1 : i32
    scf.for %scan3A_530 = %scan3A_270 to %scan3A_272 step %scan3A_273  : i32 {
      %mul3A_531 = arith.constant 2 : i32
      %mul3A_532 = arith.muli %scan3A_530, %mul3A_531 : i32
      %add3A_533 = arith.constant 1 : i32
      %add3A_534 = arith.addi %mul3A_532, %add3A_533 : i32
      %mul3A_535 = arith.constant 200000 : i32
      %mul3A_536 = arith.muli %add3A, %mul3A_535 : i32
      %mul3A_537 = arith.constant 2048 : i32
      %mul3A_538 = arith.muli %add3A_534, %mul3A_537 : i32
      %min3A_539 = arith.constant 197952 : i32
      %min3A_540 = arith.minsi %mul3A_538, %min3A_539 : i32
      %add3A_541 = arith.addi %mul3A_536, %min3A_540 : i32
      "tpu.region"() ({
        %run_scoped3A = tpu.sem_alloc : memref<!tpu.dma_semaphore, #tpu.memory_space<semaphore_mem>>
        %dma_start3A_1611 = tpu.memref_slice %arg3[%add3A_541] : memref<12800000xi32, #tpu.memory_space<hbm>> -> memref<2048xi32, #tpu.memory_space<hbm>>
        %dma_start3A_1612 = tpu.memref_slice %arg3[%add3A_541] : memref<12800000xi32, #tpu.memory_space<hbm>> -> memref<2048xi32, #tpu.memory_space<hbm>>
        tpu.enqueue_dma source(%dma_start3A_1612 : memref<2048xi32, #tpu.memory_space<hbm>>) target(%arg9 : memref<2048xi32, #tpu.memory_space<vmem>>) target_semaphore(%run_scoped3A : memref<!tpu.dma_semaphore, #tpu.memory_space<semaphore_mem>>)
        %dma_wait3A_1613 = tpu.memref_slice %arg3[%add3A_541] : memref<12800000xi32, #tpu.memory_space<hbm>> -> memref<2048xi32, #tpu.memory_space<hbm>>
        %dma_wait3A_1614 = tpu.memref_slice %arg3[%add3A_541] : memref<12800000xi32, #tpu.memory_space<hbm>> -> memref<2048xi32, #tpu.memory_space<hbm>>
        tpu.wait_dma2 semaphore(%run_scoped3A : memref<!tpu.dma_semaphore, #tpu.memory_space<semaphore_mem>>) src(%dma_wait3A_1614 : memref<2048xi32, #tpu.memory_space<hbm>>) dst(%arg9 : memref<2048xi32, #tpu.memory_space<vmem>>)
        tpu.yield
      }) : () -> ()
      %add3A_542 = arith.constant 6400000 : i32
      %add3A_543 = arith.addi %add3A_542, %add3A_541 : i32
      "tpu.region"() ({
        %run_scoped3A = tpu.sem_alloc : memref<!tpu.dma_semaphore, #tpu.memory_space<semaphore_mem>>
        %dma_start3A_1611 = tpu.memref_slice %arg3[%add3A_543] : memref<12800000xi32, #tpu.memory_space<hbm>> -> memref<2048xi32, #tpu.memory_space<hbm>>
        %dma_start3A_1612 = tpu.memref_slice %arg3[%add3A_543] : memref<12800000xi32, #tpu.memory_space<hbm>> -> memref<2048xi32, #tpu.memory_space<hbm>>
        tpu.enqueue_dma source(%dma_start3A_1612 : memref<2048xi32, #tpu.memory_space<hbm>>) target(%arg10 : memref<2048xi32, #tpu.memory_space<vmem>>) target_semaphore(%run_scoped3A : memref<!tpu.dma_semaphore, #tpu.memory_space<semaphore_mem>>)
        %dma_wait3A_1613 = tpu.memref_slice %arg3[%add3A_543] : memref<12800000xi32, #tpu.memory_space<hbm>> -> memref<2048xi32, #tpu.memory_space<hbm>>
        %dma_wait3A_1614 = tpu.memref_slice %arg3[%add3A_543] : memref<12800000xi32, #tpu.memory_space<hbm>> -> memref<2048xi32, #tpu.memory_space<hbm>>
        tpu.wait_dma2 semaphore(%run_scoped3A : memref<!tpu.dma_semaphore, #tpu.memory_space<semaphore_mem>>) src(%dma_wait3A_1614 : memref<2048xi32, #tpu.memory_space<hbm>>) dst(%arg10 : memref<2048xi32, #tpu.memory_space<vmem>>)
        tpu.yield
      }) : () -> ()
      %dma_start3A_544 = arith.constant 0 : i32
      %dma_start3A_545 = arith.constant 0 : i32
      %dma_start3A_546 = tpu.memref_slice %arg13[%dma_start3A_544, %dma_start3A_545] : memref<2048x8xi32, #tpu.memory_space<vmem>> -> memref<128x8xi32, #tpu.memory_space<vmem>>
      %dma_start3A_547 = arith.constant 0 : i32
      %dma_start3A_548 = tpu.memref_slice %arg9[%dma_start3A_547] : memref<2048xi32, #tpu.memory_space<vmem>> -> memref<128xi32, #tpu.memory_space<vmem>>
      %dma_start3A_549 = arith.constant 0 : i32
      %dma_start3A_550 = arith.constant 0 : i32
      %dma_start3A_551 = tpu.memref_slice %arg2[%dma_start3A_549, %dma_start3A_550] : memref<100000x8xi32, #tpu.memory_space<hbm>> -> memref<100000x8xi32, #tpu.memory_space<hbm>>
      tpu.enqueue_indirect_dma source(%dma_start3A_551 : memref<100000x8xi32, #tpu.memory_space<hbm>>) target(%dma_start3A_546 : memref<128x8xi32, #tpu.memory_space<vmem>>) offsets(%dma_start3A_548 : memref<128xi32, #tpu.memory_space<vmem>>) semaphore(%arg20 : memref<!tpu.dma_semaphore, #tpu.memory_space<semaphore_mem>>)
      %dma_start3A_552 = arith.constant 0 : i32
      %dma_start3A_553 = arith.constant 0 : i32
      %dma_start3A_554 = tpu.memref_slice %arg14[%dma_start3A_552, %dma_start3A_553] : memref<2048x8xi32, #tpu.memory_space<vmem>> -> memref<128x8xi32, #tpu.memory_space<vmem>>
      %dma_start3A_555 = arith.constant 0 : i32
      %dma_start3A_556 = tpu.memref_slice %arg10[%dma_start3A_555] : memref<2048xi32, #tpu.memory_space<vmem>> -> memref<128xi32, #tpu.memory_space<vmem>>
      %dma_start3A_557 = arith.constant 0 : i32
      %dma_start3A_558 = arith.constant 0 : i32
      %dma_start3A_559 = tpu.memref_slice %arg2[%dma_start3A_557, %dma_start3A_558] : memref<100000x8xi32, #tpu.memory_space<hbm>> -> memref<100000x8xi32, #tpu.memory_space<hbm>>
      tpu.enqueue_indirect_dma source(%dma_start3A_559 : memref<100000x8xi32, #tpu.memory_space<hbm>>) target(%dma_start3A_554 : memref<128x8xi32, #tpu.memory_space<vmem>>) offsets(%dma_start3A_556 : memref<128xi32, #tpu.memory_space<vmem>>) semaphore(%arg20 : memref<!tpu.dma_semaphore, #tpu.memory_space<semaphore_mem>>)
      %dma_start3A_560 = arith.constant 128 : i32
      %dma_start3A_561 = arith.constant 0 : i32
      %dma_start3A_562 = tpu.memref_slice %arg13[%dma_start3A_560, %dma_start3A_561] : memref<2048x8xi32, #tpu.memory_space<vmem>> -> memref<128x8xi32, #tpu.memory_space<vmem>>
      %dma_start3A_563 = arith.constant 128 : i32
      %dma_start3A_564 = tpu.memref_slice %arg9[%dma_start3A_563] : memref<2048xi32, #tpu.memory_space<vmem>> -> memref<128xi32, #tpu.memory_space<vmem>>
      %dma_start3A_565 = arith.constant 0 : i32
      %dma_start3A_566 = arith.constant 0 : i32
      %dma_start3A_567 = tpu.memref_slice %arg2[%dma_start3A_565, %dma_start3A_566] : memref<100000x8xi32, #tpu.memory_space<hbm>> -> memref<100000x8xi32, #tpu.memory_space<hbm>>
      tpu.enqueue_indirect_dma source(%dma_start3A_567 : memref<100000x8xi32, #tpu.memory_space<hbm>>) target(%dma_start3A_562 : memref<128x8xi32, #tpu.memory_space<vmem>>) offsets(%dma_start3A_564 : memref<128xi32, #tpu.memory_space<vmem>>) semaphore(%arg20 : memref<!tpu.dma_semaphore, #tpu.memory_space<semaphore_mem>>)
      %dma_start3A_568 = arith.constant 128 : i32
      %dma_start3A_569 = arith.constant 0 : i32
      %dma_start3A_570 = tpu.memref_slice %arg14[%dma_start3A_568, %dma_start3A_569] : memref<2048x8xi32, #tpu.memory_space<vmem>> -> memref<128x8xi32, #tpu.memory_space<vmem>>
      %dma_start3A_571 = arith.constant 128 : i32
      %dma_start3A_572 = tpu.memref_slice %arg10[%dma_start3A_571] : memref<2048xi32, #tpu.memory_space<vmem>> -> memref<128xi32, #tpu.memory_space<vmem>>
      %dma_start3A_573 = arith.constant 0 : i32
      %dma_start3A_574 = arith.constant 0 : i32
      %dma_start3A_575 = tpu.memref_slice %arg2[%dma_start3A_573, %dma_start3A_574] : memref<100000x8xi32, #tpu.memory_space<hbm>> -> memref<100000x8xi32, #tpu.memory_space<hbm>>
      tpu.enqueue_indirect_dma source(%dma_start3A_575 : memref<100000x8xi32, #tpu.memory_space<hbm>>) target(%dma_start3A_570 : memref<128x8xi32, #tpu.memory_space<vmem>>) offsets(%dma_start3A_572 : memref<128xi32, #tpu.memory_space<vmem>>) semaphore(%arg20 : memref<!tpu.dma_semaphore, #tpu.memory_space<semaphore_mem>>)
      %dma_start3A_576 = arith.constant 256 : i32
      %dma_start3A_577 = arith.constant 0 : i32
      %dma_start3A_578 = tpu.memref_slice %arg13[%dma_start3A_576, %dma_start3A_577] : memref<2048x8xi32, #tpu.memory_space<vmem>> -> memref<128x8xi32, #tpu.memory_space<vmem>>
      %dma_start3A_579 = arith.constant 256 : i32
      %dma_start3A_580 = tpu.memref_slice %arg9[%dma_start3A_579] : memref<2048xi32, #tpu.memory_space<vmem>> -> memref<128xi32, #tpu.memory_space<vmem>>
      %dma_start3A_581 = arith.constant 0 : i32
      %dma_start3A_582 = arith.constant 0 : i32
      %dma_start3A_583 = tpu.memref_slice %arg2[%dma_start3A_581, %dma_start3A_582] : memref<100000x8xi32, #tpu.memory_space<hbm>> -> memref<100000x8xi32, #tpu.memory_space<hbm>>
      tpu.enqueue_indirect_dma source(%dma_start3A_583 : memref<100000x8xi32, #tpu.memory_space<hbm>>) target(%dma_start3A_578 : memref<128x8xi32, #tpu.memory_space<vmem>>) offsets(%dma_start3A_580 : memref<128xi32, #tpu.memory_space<vmem>>) semaphore(%arg20 : memref<!tpu.dma_semaphore, #tpu.memory_space<semaphore_mem>>)
      %dma_start3A_584 = arith.constant 256 : i32
      %dma_start3A_585 = arith.constant 0 : i32
      %dma_start3A_586 = tpu.memref_slice %arg14[%dma_start3A_584, %dma_start3A_585] : memref<2048x8xi32, #tpu.memory_space<vmem>> -> memref<128x8xi32, #tpu.memory_space<vmem>>
      %dma_start3A_587 = arith.constant 256 : i32
      %dma_start3A_588 = tpu.memref_slice %arg10[%dma_start3A_587] : memref<2048xi32, #tpu.memory_space<vmem>> -> memref<128xi32, #tpu.memory_space<vmem>>
      %dma_start3A_589 = arith.constant 0 : i32
      %dma_start3A_590 = arith.constant 0 : i32
      %dma_start3A_591 = tpu.memref_slice %arg2[%dma_start3A_589, %dma_start3A_590] : memref<100000x8xi32, #tpu.memory_space<hbm>> -> memref<100000x8xi32, #tpu.memory_space<hbm>>
      tpu.enqueue_indirect_dma source(%dma_start3A_591 : memref<100000x8xi32, #tpu.memory_space<hbm>>) target(%dma_start3A_586 : memref<128x8xi32, #tpu.memory_space<vmem>>) offsets(%dma_start3A_588 : memref<128xi32, #tpu.memory_space<vmem>>) semaphore(%arg20 : memref<!tpu.dma_semaphore, #tpu.memory_space<semaphore_mem>>)
      %dma_start3A_592 = arith.constant 384 : i32
      %dma_start3A_593 = arith.constant 0 : i32
      %dma_start3A_594 = tpu.memref_slice %arg13[%dma_start3A_592, %dma_start3A_593] : memref<2048x8xi32, #tpu.memory_space<vmem>> -> memref<128x8xi32, #tpu.memory_space<vmem>>
      %dma_start3A_595 = arith.constant 384 : i32
      %dma_start3A_596 = tpu.memref_slice %arg9[%dma_start3A_595] : memref<2048xi32, #tpu.memory_space<vmem>> -> memref<128xi32, #tpu.memory_space<vmem>>
      %dma_start3A_597 = arith.constant 0 : i32
      %dma_start3A_598 = arith.constant 0 : i32
      %dma_start3A_599 = tpu.memref_slice %arg2[%dma_start3A_597, %dma_start3A_598] : memref<100000x8xi32, #tpu.memory_space<hbm>> -> memref<100000x8xi32, #tpu.memory_space<hbm>>
      tpu.enqueue_indirect_dma source(%dma_start3A_599 : memref<100000x8xi32, #tpu.memory_space<hbm>>) target(%dma_start3A_594 : memref<128x8xi32, #tpu.memory_space<vmem>>) offsets(%dma_start3A_596 : memref<128xi32, #tpu.memory_space<vmem>>) semaphore(%arg20 : memref<!tpu.dma_semaphore, #tpu.memory_space<semaphore_mem>>)
      %dma_start3A_600 = arith.constant 384 : i32
      %dma_start3A_601 = arith.constant 0 : i32
      %dma_start3A_602 = tpu.memref_slice %arg14[%dma_start3A_600, %dma_start3A_601] : memref<2048x8xi32, #tpu.memory_space<vmem>> -> memref<128x8xi32, #tpu.memory_space<vmem>>
      %dma_start3A_603 = arith.constant 384 : i32
      %dma_start3A_604 = tpu.memref_slice %arg10[%dma_start3A_603] : memref<2048xi32, #tpu.memory_space<vmem>> -> memref<128xi32, #tpu.memory_space<vmem>>
      %dma_start3A_605 = arith.constant 0 : i32
      %dma_start3A_606 = arith.constant 0 : i32
      %dma_start3A_607 = tpu.memref_slice %arg2[%dma_start3A_605, %dma_start3A_606] : memref<100000x8xi32, #tpu.memory_space<hbm>> -> memref<100000x8xi32, #tpu.memory_space<hbm>>
      tpu.enqueue_indirect_dma source(%dma_start3A_607 : memref<100000x8xi32, #tpu.memory_space<hbm>>) target(%dma_start3A_602 : memref<128x8xi32, #tpu.memory_space<vmem>>) offsets(%dma_start3A_604 : memref<128xi32, #tpu.memory_space<vmem>>) semaphore(%arg20 : memref<!tpu.dma_semaphore, #tpu.memory_space<semaphore_mem>>)
      %dma_start3A_608 = arith.constant 512 : i32
      %dma_start3A_609 = arith.constant 0 : i32
      %dma_start3A_610 = tpu.memref_slice %arg13[%dma_start3A_608, %dma_start3A_609] : memref<2048x8xi32, #tpu.memory_space<vmem>> -> memref<128x8xi32, #tpu.memory_space<vmem>>
      %dma_start3A_611 = arith.constant 512 : i32
      %dma_start3A_612 = tpu.memref_slice %arg9[%dma_start3A_611] : memref<2048xi32, #tpu.memory_space<vmem>> -> memref<128xi32, #tpu.memory_space<vmem>>
      %dma_start3A_613 = arith.constant 0 : i32
      %dma_start3A_614 = arith.constant 0 : i32
      %dma_start3A_615 = tpu.memref_slice %arg2[%dma_start3A_613, %dma_start3A_614] : memref<100000x8xi32, #tpu.memory_space<hbm>> -> memref<100000x8xi32, #tpu.memory_space<hbm>>
      tpu.enqueue_indirect_dma source(%dma_start3A_615 : memref<100000x8xi32, #tpu.memory_space<hbm>>) target(%dma_start3A_610 : memref<128x8xi32, #tpu.memory_space<vmem>>) offsets(%dma_start3A_612 : memref<128xi32, #tpu.memory_space<vmem>>) semaphore(%arg20 : memref<!tpu.dma_semaphore, #tpu.memory_space<semaphore_mem>>)
      %dma_start3A_616 = arith.constant 512 : i32
      %dma_start3A_617 = arith.constant 0 : i32
      %dma_start3A_618 = tpu.memref_slice %arg14[%dma_start3A_616, %dma_start3A_617] : memref<2048x8xi32, #tpu.memory_space<vmem>> -> memref<128x8xi32, #tpu.memory_space<vmem>>
      %dma_start3A_619 = arith.constant 512 : i32
      %dma_start3A_620 = tpu.memref_slice %arg10[%dma_start3A_619] : memref<2048xi32, #tpu.memory_space<vmem>> -> memref<128xi32, #tpu.memory_space<vmem>>
      %dma_start3A_621 = arith.constant 0 : i32
      %dma_start3A_622 = arith.constant 0 : i32
      %dma_start3A_623 = tpu.memref_slice %arg2[%dma_start3A_621, %dma_start3A_622] : memref<100000x8xi32, #tpu.memory_space<hbm>> -> memref<100000x8xi32, #tpu.memory_space<hbm>>
      tpu.enqueue_indirect_dma source(%dma_start3A_623 : memref<100000x8xi32, #tpu.memory_space<hbm>>) target(%dma_start3A_618 : memref<128x8xi32, #tpu.memory_space<vmem>>) offsets(%dma_start3A_620 : memref<128xi32, #tpu.memory_space<vmem>>) semaphore(%arg20 : memref<!tpu.dma_semaphore, #tpu.memory_space<semaphore_mem>>)
      %dma_start3A_624 = arith.constant 640 : i32
      %dma_start3A_625 = arith.constant 0 : i32
      %dma_start3A_626 = tpu.memref_slice %arg13[%dma_start3A_624, %dma_start3A_625] : memref<2048x8xi32, #tpu.memory_space<vmem>> -> memref<128x8xi32, #tpu.memory_space<vmem>>
      %dma_start3A_627 = arith.constant 640 : i32
      %dma_start3A_628 = tpu.memref_slice %arg9[%dma_start3A_627] : memref<2048xi32, #tpu.memory_space<vmem>> -> memref<128xi32, #tpu.memory_space<vmem>>
      %dma_start3A_629 = arith.constant 0 : i32
      %dma_start3A_630 = arith.constant 0 : i32
      %dma_start3A_631 = tpu.memref_slice %arg2[%dma_start3A_629, %dma_start3A_630] : memref<100000x8xi32, #tpu.memory_space<hbm>> -> memref<100000x8xi32, #tpu.memory_space<hbm>>
      tpu.enqueue_indirect_dma source(%dma_start3A_631 : memref<100000x8xi32, #tpu.memory_space<hbm>>) target(%dma_start3A_626 : memref<128x8xi32, #tpu.memory_space<vmem>>) offsets(%dma_start3A_628 : memref<128xi32, #tpu.memory_space<vmem>>) semaphore(%arg20 : memref<!tpu.dma_semaphore, #tpu.memory_space<semaphore_mem>>)
      %dma_start3A_632 = arith.constant 640 : i32
      %dma_start3A_633 = arith.constant 0 : i32
      %dma_start3A_634 = tpu.memref_slice %arg14[%dma_start3A_632, %dma_start3A_633] : memref<2048x8xi32, #tpu.memory_space<vmem>> -> memref<128x8xi32, #tpu.memory_space<vmem>>
      %dma_start3A_635 = arith.constant 640 : i32
      %dma_start3A_636 = tpu.memref_slice %arg10[%dma_start3A_635] : memref<2048xi32, #tpu.memory_space<vmem>> -> memref<128xi32, #tpu.memory_space<vmem>>
      %dma_start3A_637 = arith.constant 0 : i32
      %dma_start3A_638 = arith.constant 0 : i32
      %dma_start3A_639 = tpu.memref_slice %arg2[%dma_start3A_637, %dma_start3A_638] : memref<100000x8xi32, #tpu.memory_space<hbm>> -> memref<100000x8xi32, #tpu.memory_space<hbm>>
      tpu.enqueue_indirect_dma source(%dma_start3A_639 : memref<100000x8xi32, #tpu.memory_space<hbm>>) target(%dma_start3A_634 : memref<128x8xi32, #tpu.memory_space<vmem>>) offsets(%dma_start3A_636 : memref<128xi32, #tpu.memory_space<vmem>>) semaphore(%arg20 : memref<!tpu.dma_semaphore, #tpu.memory_space<semaphore_mem>>)
      %dma_start3A_640 = arith.constant 768 : i32
      %dma_start3A_641 = arith.constant 0 : i32
      %dma_start3A_642 = tpu.memref_slice %arg13[%dma_start3A_640, %dma_start3A_641] : memref<2048x8xi32, #tpu.memory_space<vmem>> -> memref<128x8xi32, #tpu.memory_space<vmem>>
      %dma_start3A_643 = arith.constant 768 : i32
      %dma_start3A_644 = tpu.memref_slice %arg9[%dma_start3A_643] : memref<2048xi32, #tpu.memory_space<vmem>> -> memref<128xi32, #tpu.memory_space<vmem>>
      %dma_start3A_645 = arith.constant 0 : i32
      %dma_start3A_646 = arith.constant 0 : i32
      %dma_start3A_647 = tpu.memref_slice %arg2[%dma_start3A_645, %dma_start3A_646] : memref<100000x8xi32, #tpu.memory_space<hbm>> -> memref<100000x8xi32, #tpu.memory_space<hbm>>
      tpu.enqueue_indirect_dma source(%dma_start3A_647 : memref<100000x8xi32, #tpu.memory_space<hbm>>) target(%dma_start3A_642 : memref<128x8xi32, #tpu.memory_space<vmem>>) offsets(%dma_start3A_644 : memref<128xi32, #tpu.memory_space<vmem>>) semaphore(%arg20 : memref<!tpu.dma_semaphore, #tpu.memory_space<semaphore_mem>>)
      %dma_start3A_648 = arith.constant 768 : i32
      %dma_start3A_649 = arith.constant 0 : i32
      %dma_start3A_650 = tpu.memref_slice %arg14[%dma_start3A_648, %dma_start3A_649] : memref<2048x8xi32, #tpu.memory_space<vmem>> -> memref<128x8xi32, #tpu.memory_space<vmem>>
      %dma_start3A_651 = arith.constant 768 : i32
      %dma_start3A_652 = tpu.memref_slice %arg10[%dma_start3A_651] : memref<2048xi32, #tpu.memory_space<vmem>> -> memref<128xi32, #tpu.memory_space<vmem>>
      %dma_start3A_653 = arith.constant 0 : i32
      %dma_start3A_654 = arith.constant 0 : i32
      %dma_start3A_655 = tpu.memref_slice %arg2[%dma_start3A_653, %dma_start3A_654] : memref<100000x8xi32, #tpu.memory_space<hbm>> -> memref<100000x8xi32, #tpu.memory_space<hbm>>
      tpu.enqueue_indirect_dma source(%dma_start3A_655 : memref<100000x8xi32, #tpu.memory_space<hbm>>) target(%dma_start3A_650 : memref<128x8xi32, #tpu.memory_space<vmem>>) offsets(%dma_start3A_652 : memref<128xi32, #tpu.memory_space<vmem>>) semaphore(%arg20 : memref<!tpu.dma_semaphore, #tpu.memory_space<semaphore_mem>>)
      %dma_start3A_656 = arith.constant 896 : i32
      %dma_start3A_657 = arith.constant 0 : i32
      %dma_start3A_658 = tpu.memref_slice %arg13[%dma_start3A_656, %dma_start3A_657] : memref<2048x8xi32, #tpu.memory_space<vmem>> -> memref<128x8xi32, #tpu.memory_space<vmem>>
      %dma_start3A_659 = arith.constant 896 : i32
      %dma_start3A_660 = tpu.memref_slice %arg9[%dma_start3A_659] : memref<2048xi32, #tpu.memory_space<vmem>> -> memref<128xi32, #tpu.memory_space<vmem>>
      %dma_start3A_661 = arith.constant 0 : i32
      %dma_start3A_662 = arith.constant 0 : i32
      %dma_start3A_663 = tpu.memref_slice %arg2[%dma_start3A_661, %dma_start3A_662] : memref<100000x8xi32, #tpu.memory_space<hbm>> -> memref<100000x8xi32, #tpu.memory_space<hbm>>
      tpu.enqueue_indirect_dma source(%dma_start3A_663 : memref<100000x8xi32, #tpu.memory_space<hbm>>) target(%dma_start3A_658 : memref<128x8xi32, #tpu.memory_space<vmem>>) offsets(%dma_start3A_660 : memref<128xi32, #tpu.memory_space<vmem>>) semaphore(%arg20 : memref<!tpu.dma_semaphore, #tpu.memory_space<semaphore_mem>>)
      %dma_start3A_664 = arith.constant 896 : i32
      %dma_start3A_665 = arith.constant 0 : i32
      %dma_start3A_666 = tpu.memref_slice %arg14[%dma_start3A_664, %dma_start3A_665] : memref<2048x8xi32, #tpu.memory_space<vmem>> -> memref<128x8xi32, #tpu.memory_space<vmem>>
      %dma_start3A_667 = arith.constant 896 : i32
      %dma_start3A_668 = tpu.memref_slice %arg10[%dma_start3A_667] : memref<2048xi32, #tpu.memory_space<vmem>> -> memref<128xi32, #tpu.memory_space<vmem>>
      %dma_start3A_669 = arith.constant 0 : i32
      %dma_start3A_670 = arith.constant 0 : i32
      %dma_start3A_671 = tpu.memref_slice %arg2[%dma_start3A_669, %dma_start3A_670] : memref<100000x8xi32, #tpu.memory_space<hbm>> -> memref<100000x8xi32, #tpu.memory_space<hbm>>
      tpu.enqueue_indirect_dma source(%dma_start3A_671 : memref<100000x8xi32, #tpu.memory_space<hbm>>) target(%dma_start3A_666 : memref<128x8xi32, #tpu.memory_space<vmem>>) offsets(%dma_start3A_668 : memref<128xi32, #tpu.memory_space<vmem>>) semaphore(%arg20 : memref<!tpu.dma_semaphore, #tpu.memory_space<semaphore_mem>>)
      %dma_start3A_672 = arith.constant 1024 : i32
      %dma_start3A_673 = arith.constant 0 : i32
      %dma_start3A_674 = tpu.memref_slice %arg13[%dma_start3A_672, %dma_start3A_673] : memref<2048x8xi32, #tpu.memory_space<vmem>> -> memref<128x8xi32, #tpu.memory_space<vmem>>
      %dma_start3A_675 = arith.constant 1024 : i32
      %dma_start3A_676 = tpu.memref_slice %arg9[%dma_start3A_675] : memref<2048xi32, #tpu.memory_space<vmem>> -> memref<128xi32, #tpu.memory_space<vmem>>
      %dma_start3A_677 = arith.constant 0 : i32
      %dma_start3A_678 = arith.constant 0 : i32
      %dma_start3A_679 = tpu.memref_slice %arg2[%dma_start3A_677, %dma_start3A_678] : memref<100000x8xi32, #tpu.memory_space<hbm>> -> memref<100000x8xi32, #tpu.memory_space<hbm>>
      tpu.enqueue_indirect_dma source(%dma_start3A_679 : memref<100000x8xi32, #tpu.memory_space<hbm>>) target(%dma_start3A_674 : memref<128x8xi32, #tpu.memory_space<vmem>>) offsets(%dma_start3A_676 : memref<128xi32, #tpu.memory_space<vmem>>) semaphore(%arg20 : memref<!tpu.dma_semaphore, #tpu.memory_space<semaphore_mem>>)
      %dma_start3A_680 = arith.constant 1024 : i32
      %dma_start3A_681 = arith.constant 0 : i32
      %dma_start3A_682 = tpu.memref_slice %arg14[%dma_start3A_680, %dma_start3A_681] : memref<2048x8xi32, #tpu.memory_space<vmem>> -> memref<128x8xi32, #tpu.memory_space<vmem>>
      %dma_start3A_683 = arith.constant 1024 : i32
      %dma_start3A_684 = tpu.memref_slice %arg10[%dma_start3A_683] : memref<2048xi32, #tpu.memory_space<vmem>> -> memref<128xi32, #tpu.memory_space<vmem>>
      %dma_start3A_685 = arith.constant 0 : i32
      %dma_start3A_686 = arith.constant 0 : i32
      %dma_start3A_687 = tpu.memref_slice %arg2[%dma_start3A_685, %dma_start3A_686] : memref<100000x8xi32, #tpu.memory_space<hbm>> -> memref<100000x8xi32, #tpu.memory_space<hbm>>
      tpu.enqueue_indirect_dma source(%dma_start3A_687 : memref<100000x8xi32, #tpu.memory_space<hbm>>) target(%dma_start3A_682 : memref<128x8xi32, #tpu.memory_space<vmem>>) offsets(%dma_start3A_684 : memref<128xi32, #tpu.memory_space<vmem>>) semaphore(%arg20 : memref<!tpu.dma_semaphore, #tpu.memory_space<semaphore_mem>>)
      %dma_start3A_688 = arith.constant 1152 : i32
      %dma_start3A_689 = arith.constant 0 : i32
      %dma_start3A_690 = tpu.memref_slice %arg13[%dma_start3A_688, %dma_start3A_689] : memref<2048x8xi32, #tpu.memory_space<vmem>> -> memref<128x8xi32, #tpu.memory_space<vmem>>
      %dma_start3A_691 = arith.constant 1152 : i32
      %dma_start3A_692 = tpu.memref_slice %arg9[%dma_start3A_691] : memref<2048xi32, #tpu.memory_space<vmem>> -> memref<128xi32, #tpu.memory_space<vmem>>
      %dma_start3A_693 = arith.constant 0 : i32
      %dma_start3A_694 = arith.constant 0 : i32
      %dma_start3A_695 = tpu.memref_slice %arg2[%dma_start3A_693, %dma_start3A_694] : memref<100000x8xi32, #tpu.memory_space<hbm>> -> memref<100000x8xi32, #tpu.memory_space<hbm>>
      tpu.enqueue_indirect_dma source(%dma_start3A_695 : memref<100000x8xi32, #tpu.memory_space<hbm>>) target(%dma_start3A_690 : memref<128x8xi32, #tpu.memory_space<vmem>>) offsets(%dma_start3A_692 : memref<128xi32, #tpu.memory_space<vmem>>) semaphore(%arg20 : memref<!tpu.dma_semaphore, #tpu.memory_space<semaphore_mem>>)
      %dma_start3A_696 = arith.constant 1152 : i32
      %dma_start3A_697 = arith.constant 0 : i32
      %dma_start3A_698 = tpu.memref_slice %arg14[%dma_start3A_696, %dma_start3A_697] : memref<2048x8xi32, #tpu.memory_space<vmem>> -> memref<128x8xi32, #tpu.memory_space<vmem>>
      %dma_start3A_699 = arith.constant 1152 : i32
      %dma_start3A_700 = tpu.memref_slice %arg10[%dma_start3A_699] : memref<2048xi32, #tpu.memory_space<vmem>> -> memref<128xi32, #tpu.memory_space<vmem>>
      %dma_start3A_701 = arith.constant 0 : i32
      %dma_start3A_702 = arith.constant 0 : i32
      %dma_start3A_703 = tpu.memref_slice %arg2[%dma_start3A_701, %dma_start3A_702] : memref<100000x8xi32, #tpu.memory_space<hbm>> -> memref<100000x8xi32, #tpu.memory_space<hbm>>
      tpu.enqueue_indirect_dma source(%dma_start3A_703 : memref<100000x8xi32, #tpu.memory_space<hbm>>) target(%dma_start3A_698 : memref<128x8xi32, #tpu.memory_space<vmem>>) offsets(%dma_start3A_700 : memref<128xi32, #tpu.memory_space<vmem>>) semaphore(%arg20 : memref<!tpu.dma_semaphore, #tpu.memory_space<semaphore_mem>>)
      %dma_start3A_704 = arith.constant 1280 : i32
      %dma_start3A_705 = arith.constant 0 : i32
      %dma_start3A_706 = tpu.memref_slice %arg13[%dma_start3A_704, %dma_start3A_705] : memref<2048x8xi32, #tpu.memory_space<vmem>> -> memref<128x8xi32, #tpu.memory_space<vmem>>
      %dma_start3A_707 = arith.constant 1280 : i32
      %dma_start3A_708 = tpu.memref_slice %arg9[%dma_start3A_707] : memref<2048xi32, #tpu.memory_space<vmem>> -> memref<128xi32, #tpu.memory_space<vmem>>
      %dma_start3A_709 = arith.constant 0 : i32
      %dma_start3A_710 = arith.constant 0 : i32
      %dma_start3A_711 = tpu.memref_slice %arg2[%dma_start3A_709, %dma_start3A_710] : memref<100000x8xi32, #tpu.memory_space<hbm>> -> memref<100000x8xi32, #tpu.memory_space<hbm>>
      tpu.enqueue_indirect_dma source(%dma_start3A_711 : memref<100000x8xi32, #tpu.memory_space<hbm>>) target(%dma_start3A_706 : memref<128x8xi32, #tpu.memory_space<vmem>>) offsets(%dma_start3A_708 : memref<128xi32, #tpu.memory_space<vmem>>) semaphore(%arg20 : memref<!tpu.dma_semaphore, #tpu.memory_space<semaphore_mem>>)
      %dma_start3A_712 = arith.constant 1280 : i32
      %dma_start3A_713 = arith.constant 0 : i32
      %dma_start3A_714 = tpu.memref_slice %arg14[%dma_start3A_712, %dma_start3A_713] : memref<2048x8xi32, #tpu.memory_space<vmem>> -> memref<128x8xi32, #tpu.memory_space<vmem>>
      %dma_start3A_715 = arith.constant 1280 : i32
      %dma_start3A_716 = tpu.memref_slice %arg10[%dma_start3A_715] : memref<2048xi32, #tpu.memory_space<vmem>> -> memref<128xi32, #tpu.memory_space<vmem>>
      %dma_start3A_717 = arith.constant 0 : i32
      %dma_start3A_718 = arith.constant 0 : i32
      %dma_start3A_719 = tpu.memref_slice %arg2[%dma_start3A_717, %dma_start3A_718] : memref<100000x8xi32, #tpu.memory_space<hbm>> -> memref<100000x8xi32, #tpu.memory_space<hbm>>
      tpu.enqueue_indirect_dma source(%dma_start3A_719 : memref<100000x8xi32, #tpu.memory_space<hbm>>) target(%dma_start3A_714 : memref<128x8xi32, #tpu.memory_space<vmem>>) offsets(%dma_start3A_716 : memref<128xi32, #tpu.memory_space<vmem>>) semaphore(%arg20 : memref<!tpu.dma_semaphore, #tpu.memory_space<semaphore_mem>>)
      %dma_start3A_720 = arith.constant 1408 : i32
      %dma_start3A_721 = arith.constant 0 : i32
      %dma_start3A_722 = tpu.memref_slice %arg13[%dma_start3A_720, %dma_start3A_721] : memref<2048x8xi32, #tpu.memory_space<vmem>> -> memref<128x8xi32, #tpu.memory_space<vmem>>
      %dma_start3A_723 = arith.constant 1408 : i32
      %dma_start3A_724 = tpu.memref_slice %arg9[%dma_start3A_723] : memref<2048xi32, #tpu.memory_space<vmem>> -> memref<128xi32, #tpu.memory_space<vmem>>
      %dma_start3A_725 = arith.constant 0 : i32
      %dma_start3A_726 = arith.constant 0 : i32
      %dma_start3A_727 = tpu.memref_slice %arg2[%dma_start3A_725, %dma_start3A_726] : memref<100000x8xi32, #tpu.memory_space<hbm>> -> memref<100000x8xi32, #tpu.memory_space<hbm>>
      tpu.enqueue_indirect_dma source(%dma_start3A_727 : memref<100000x8xi32, #tpu.memory_space<hbm>>) target(%dma_start3A_722 : memref<128x8xi32, #tpu.memory_space<vmem>>) offsets(%dma_start3A_724 : memref<128xi32, #tpu.memory_space<vmem>>) semaphore(%arg20 : memref<!tpu.dma_semaphore, #tpu.memory_space<semaphore_mem>>)
      %dma_start3A_728 = arith.constant 1408 : i32
      %dma_start3A_729 = arith.constant 0 : i32
      %dma_start3A_730 = tpu.memref_slice %arg14[%dma_start3A_728, %dma_start3A_729] : memref<2048x8xi32, #tpu.memory_space<vmem>> -> memref<128x8xi32, #tpu.memory_space<vmem>>
      %dma_start3A_731 = arith.constant 1408 : i32
      %dma_start3A_732 = tpu.memref_slice %arg10[%dma_start3A_731] : memref<2048xi32, #tpu.memory_space<vmem>> -> memref<128xi32, #tpu.memory_space<vmem>>
      %dma_start3A_733 = arith.constant 0 : i32
      %dma_start3A_734 = arith.constant 0 : i32
      %dma_start3A_735 = tpu.memref_slice %arg2[%dma_start3A_733, %dma_start3A_734] : memref<100000x8xi32, #tpu.memory_space<hbm>> -> memref<100000x8xi32, #tpu.memory_space<hbm>>
      tpu.enqueue_indirect_dma source(%dma_start3A_735 : memref<100000x8xi32, #tpu.memory_space<hbm>>) target(%dma_start3A_730 : memref<128x8xi32, #tpu.memory_space<vmem>>) offsets(%dma_start3A_732 : memref<128xi32, #tpu.memory_space<vmem>>) semaphore(%arg20 : memref<!tpu.dma_semaphore, #tpu.memory_space<semaphore_mem>>)
      %dma_start3A_736 = arith.constant 1536 : i32
      %dma_start3A_737 = arith.constant 0 : i32
      %dma_start3A_738 = tpu.memref_slice %arg13[%dma_start3A_736, %dma_start3A_737] : memref<2048x8xi32, #tpu.memory_space<vmem>> -> memref<128x8xi32, #tpu.memory_space<vmem>>
      %dma_start3A_739 = arith.constant 1536 : i32
      %dma_start3A_740 = tpu.memref_slice %arg9[%dma_start3A_739] : memref<2048xi32, #tpu.memory_space<vmem>> -> memref<128xi32, #tpu.memory_space<vmem>>
      %dma_start3A_741 = arith.constant 0 : i32
      %dma_start3A_742 = arith.constant 0 : i32
      %dma_start3A_743 = tpu.memref_slice %arg2[%dma_start3A_741, %dma_start3A_742] : memref<100000x8xi32, #tpu.memory_space<hbm>> -> memref<100000x8xi32, #tpu.memory_space<hbm>>
      tpu.enqueue_indirect_dma source(%dma_start3A_743 : memref<100000x8xi32, #tpu.memory_space<hbm>>) target(%dma_start3A_738 : memref<128x8xi32, #tpu.memory_space<vmem>>) offsets(%dma_start3A_740 : memref<128xi32, #tpu.memory_space<vmem>>) semaphore(%arg20 : memref<!tpu.dma_semaphore, #tpu.memory_space<semaphore_mem>>)
      %dma_start3A_744 = arith.constant 1536 : i32
      %dma_start3A_745 = arith.constant 0 : i32
      %dma_start3A_746 = tpu.memref_slice %arg14[%dma_start3A_744, %dma_start3A_745] : memref<2048x8xi32, #tpu.memory_space<vmem>> -> memref<128x8xi32, #tpu.memory_space<vmem>>
      %dma_start3A_747 = arith.constant 1536 : i32
      %dma_start3A_748 = tpu.memref_slice %arg10[%dma_start3A_747] : memref<2048xi32, #tpu.memory_space<vmem>> -> memref<128xi32, #tpu.memory_space<vmem>>
      %dma_start3A_749 = arith.constant 0 : i32
      %dma_start3A_750 = arith.constant 0 : i32
      %dma_start3A_751 = tpu.memref_slice %arg2[%dma_start3A_749, %dma_start3A_750] : memref<100000x8xi32, #tpu.memory_space<hbm>> -> memref<100000x8xi32, #tpu.memory_space<hbm>>
      tpu.enqueue_indirect_dma source(%dma_start3A_751 : memref<100000x8xi32, #tpu.memory_space<hbm>>) target(%dma_start3A_746 : memref<128x8xi32, #tpu.memory_space<vmem>>) offsets(%dma_start3A_748 : memref<128xi32, #tpu.memory_space<vmem>>) semaphore(%arg20 : memref<!tpu.dma_semaphore, #tpu.memory_space<semaphore_mem>>)
      %dma_start3A_752 = arith.constant 1664 : i32
      %dma_start3A_753 = arith.constant 0 : i32
      %dma_start3A_754 = tpu.memref_slice %arg13[%dma_start3A_752, %dma_start3A_753] : memref<2048x8xi32, #tpu.memory_space<vmem>> -> memref<128x8xi32, #tpu.memory_space<vmem>>
      %dma_start3A_755 = arith.constant 1664 : i32
      %dma_start3A_756 = tpu.memref_slice %arg9[%dma_start3A_755] : memref<2048xi32, #tpu.memory_space<vmem>> -> memref<128xi32, #tpu.memory_space<vmem>>
      %dma_start3A_757 = arith.constant 0 : i32
      %dma_start3A_758 = arith.constant 0 : i32
      %dma_start3A_759 = tpu.memref_slice %arg2[%dma_start3A_757, %dma_start3A_758] : memref<100000x8xi32, #tpu.memory_space<hbm>> -> memref<100000x8xi32, #tpu.memory_space<hbm>>
      tpu.enqueue_indirect_dma source(%dma_start3A_759 : memref<100000x8xi32, #tpu.memory_space<hbm>>) target(%dma_start3A_754 : memref<128x8xi32, #tpu.memory_space<vmem>>) offsets(%dma_start3A_756 : memref<128xi32, #tpu.memory_space<vmem>>) semaphore(%arg20 : memref<!tpu.dma_semaphore, #tpu.memory_space<semaphore_mem>>)
      %dma_start3A_760 = arith.constant 1664 : i32
      %dma_start3A_761 = arith.constant 0 : i32
      %dma_start3A_762 = tpu.memref_slice %arg14[%dma_start3A_760, %dma_start3A_761] : memref<2048x8xi32, #tpu.memory_space<vmem>> -> memref<128x8xi32, #tpu.memory_space<vmem>>
      %dma_start3A_763 = arith.constant 1664 : i32
      %dma_start3A_764 = tpu.memref_slice %arg10[%dma_start3A_763] : memref<2048xi32, #tpu.memory_space<vmem>> -> memref<128xi32, #tpu.memory_space<vmem>>
      %dma_start3A_765 = arith.constant 0 : i32
      %dma_start3A_766 = arith.constant 0 : i32
      %dma_start3A_767 = tpu.memref_slice %arg2[%dma_start3A_765, %dma_start3A_766] : memref<100000x8xi32, #tpu.memory_space<hbm>> -> memref<100000x8xi32, #tpu.memory_space<hbm>>
      tpu.enqueue_indirect_dma source(%dma_start3A_767 : memref<100000x8xi32, #tpu.memory_space<hbm>>) target(%dma_start3A_762 : memref<128x8xi32, #tpu.memory_space<vmem>>) offsets(%dma_start3A_764 : memref<128xi32, #tpu.memory_space<vmem>>) semaphore(%arg20 : memref<!tpu.dma_semaphore, #tpu.memory_space<semaphore_mem>>)
      %dma_start3A_768 = arith.constant 1792 : i32
      %dma_start3A_769 = arith.constant 0 : i32
      %dma_start3A_770 = tpu.memref_slice %arg13[%dma_start3A_768, %dma_start3A_769] : memref<2048x8xi32, #tpu.memory_space<vmem>> -> memref<128x8xi32, #tpu.memory_space<vmem>>
      %dma_start3A_771 = arith.constant 1792 : i32
      %dma_start3A_772 = tpu.memref_slice %arg9[%dma_start3A_771] : memref<2048xi32, #tpu.memory_space<vmem>> -> memref<128xi32, #tpu.memory_space<vmem>>
      %dma_start3A_773 = arith.constant 0 : i32
      %dma_start3A_774 = arith.constant 0 : i32
      %dma_start3A_775 = tpu.memref_slice %arg2[%dma_start3A_773, %dma_start3A_774] : memref<100000x8xi32, #tpu.memory_space<hbm>> -> memref<100000x8xi32, #tpu.memory_space<hbm>>
      tpu.enqueue_indirect_dma source(%dma_start3A_775 : memref<100000x8xi32, #tpu.memory_space<hbm>>) target(%dma_start3A_770 : memref<128x8xi32, #tpu.memory_space<vmem>>) offsets(%dma_start3A_772 : memref<128xi32, #tpu.memory_space<vmem>>) semaphore(%arg20 : memref<!tpu.dma_semaphore, #tpu.memory_space<semaphore_mem>>)
      %dma_start3A_776 = arith.constant 1792 : i32
      %dma_start3A_777 = arith.constant 0 : i32
      %dma_start3A_778 = tpu.memref_slice %arg14[%dma_start3A_776, %dma_start3A_777] : memref<2048x8xi32, #tpu.memory_space<vmem>> -> memref<128x8xi32, #tpu.memory_space<vmem>>
      %dma_start3A_779 = arith.constant 1792 : i32
      %dma_start3A_780 = tpu.memref_slice %arg10[%dma_start3A_779] : memref<2048xi32, #tpu.memory_space<vmem>> -> memref<128xi32, #tpu.memory_space<vmem>>
      %dma_start3A_781 = arith.constant 0 : i32
      %dma_start3A_782 = arith.constant 0 : i32
      %dma_start3A_783 = tpu.memref_slice %arg2[%dma_start3A_781, %dma_start3A_782] : memref<100000x8xi32, #tpu.memory_space<hbm>> -> memref<100000x8xi32, #tpu.memory_space<hbm>>
      tpu.enqueue_indirect_dma source(%dma_start3A_783 : memref<100000x8xi32, #tpu.memory_space<hbm>>) target(%dma_start3A_778 : memref<128x8xi32, #tpu.memory_space<vmem>>) offsets(%dma_start3A_780 : memref<128xi32, #tpu.memory_space<vmem>>) semaphore(%arg20 : memref<!tpu.dma_semaphore, #tpu.memory_space<semaphore_mem>>)
      %dma_start3A_784 = arith.constant 1920 : i32
      %dma_start3A_785 = arith.constant 0 : i32
      %dma_start3A_786 = tpu.memref_slice %arg13[%dma_start3A_784, %dma_start3A_785] : memref<2048x8xi32, #tpu.memory_space<vmem>> -> memref<128x8xi32, #tpu.memory_space<vmem>>
      %dma_start3A_787 = arith.constant 1920 : i32
      %dma_start3A_788 = tpu.memref_slice %arg9[%dma_start3A_787] : memref<2048xi32, #tpu.memory_space<vmem>> -> memref<128xi32, #tpu.memory_space<vmem>>
      %dma_start3A_789 = arith.constant 0 : i32
      %dma_start3A_790 = arith.constant 0 : i32
      %dma_start3A_791 = tpu.memref_slice %arg2[%dma_start3A_789, %dma_start3A_790] : memref<100000x8xi32, #tpu.memory_space<hbm>> -> memref<100000x8xi32, #tpu.memory_space<hbm>>
      tpu.enqueue_indirect_dma source(%dma_start3A_791 : memref<100000x8xi32, #tpu.memory_space<hbm>>) target(%dma_start3A_786 : memref<128x8xi32, #tpu.memory_space<vmem>>) offsets(%dma_start3A_788 : memref<128xi32, #tpu.memory_space<vmem>>) semaphore(%arg20 : memref<!tpu.dma_semaphore, #tpu.memory_space<semaphore_mem>>)
      %dma_start3A_792 = arith.constant 1920 : i32
      %dma_start3A_793 = arith.constant 0 : i32
      %dma_start3A_794 = tpu.memref_slice %arg14[%dma_start3A_792, %dma_start3A_793] : memref<2048x8xi32, #tpu.memory_space<vmem>> -> memref<128x8xi32, #tpu.memory_space<vmem>>
      %dma_start3A_795 = arith.constant 1920 : i32
      %dma_start3A_796 = tpu.memref_slice %arg10[%dma_start3A_795] : memref<2048xi32, #tpu.memory_space<vmem>> -> memref<128xi32, #tpu.memory_space<vmem>>
      %dma_start3A_797 = arith.constant 0 : i32
      %dma_start3A_798 = arith.constant 0 : i32
      %dma_start3A_799 = tpu.memref_slice %arg2[%dma_start3A_797, %dma_start3A_798] : memref<100000x8xi32, #tpu.memory_space<hbm>> -> memref<100000x8xi32, #tpu.memory_space<hbm>>
      tpu.enqueue_indirect_dma source(%dma_start3A_799 : memref<100000x8xi32, #tpu.memory_space<hbm>>) target(%dma_start3A_794 : memref<128x8xi32, #tpu.memory_space<vmem>>) offsets(%dma_start3A_796 : memref<128xi32, #tpu.memory_space<vmem>>) semaphore(%arg20 : memref<!tpu.dma_semaphore, #tpu.memory_space<semaphore_mem>>)
      %dma_wait3A_800 = arith.constant 0 : i32
      %dma_wait3A_801 = arith.constant 0 : i32
      %dma_wait3A_802 = tpu.memref_slice %arg11[%dma_wait3A_800, %dma_wait3A_801] : memref<2048x8xi32, #tpu.memory_space<vmem>> -> memref<128x8xi32, #tpu.memory_space<vmem>>
      %dma_wait3A_803 = arith.constant 0 : i32
      %dma_wait3A_804 = tpu.memref_slice %arg7[%dma_wait3A_803] : memref<2048xi32, #tpu.memory_space<vmem>> -> memref<128xi32, #tpu.memory_space<vmem>>
      %dma_wait3A_805 = arith.constant 0 : i32
      %dma_wait3A_806 = arith.constant 0 : i32
      %dma_wait3A_807 = tpu.memref_slice %arg2[%dma_wait3A_805, %dma_wait3A_806] : memref<100000x8xi32, #tpu.memory_space<hbm>> -> memref<100000x8xi32, #tpu.memory_space<hbm>>
      tpu.wait_indirect_dma semaphore(%arg19 : memref<!tpu.dma_semaphore, #tpu.memory_space<semaphore_mem>>) src(%dma_wait3A_807 : memref<100000x8xi32, #tpu.memory_space<hbm>>) dst(%dma_wait3A_802 : memref<128x8xi32, #tpu.memory_space<vmem>>)
      %dma_wait3A_808 = arith.constant 0 : i32
      %dma_wait3A_809 = arith.constant 0 : i32
      %dma_wait3A_810 = tpu.memref_slice %arg12[%dma_wait3A_808, %dma_wait3A_809] : memref<2048x8xi32, #tpu.memory_space<vmem>> -> memref<128x8xi32, #tpu.memory_space<vmem>>
      %dma_wait3A_811 = arith.constant 0 : i32
      %dma_wait3A_812 = tpu.memref_slice %arg8[%dma_wait3A_811] : memref<2048xi32, #tpu.memory_space<vmem>> -> memref<128xi32, #tpu.memory_space<vmem>>
      %dma_wait3A_813 = arith.constant 0 : i32
      %dma_wait3A_814 = arith.constant 0 : i32
      %dma_wait3A_815 = tpu.memref_slice %arg2[%dma_wait3A_813, %dma_wait3A_814] : memref<100000x8xi32, #tpu.memory_space<hbm>> -> memref<100000x8xi32, #tpu.memory_space<hbm>>
      tpu.wait_indirect_dma semaphore(%arg19 : memref<!tpu.dma_semaphore, #tpu.memory_space<semaphore_mem>>) src(%dma_wait3A_815 : memref<100000x8xi32, #tpu.memory_space<hbm>>) dst(%dma_wait3A_810 : memref<128x8xi32, #tpu.memory_space<vmem>>)
      %dma_wait3A_816 = arith.constant 128 : i32
      %dma_wait3A_817 = arith.constant 0 : i32
      %dma_wait3A_818 = tpu.memref_slice %arg11[%dma_wait3A_816, %dma_wait3A_817] : memref<2048x8xi32, #tpu.memory_space<vmem>> -> memref<128x8xi32, #tpu.memory_space<vmem>>
      %dma_wait3A_819 = arith.constant 128 : i32
      %dma_wait3A_820 = tpu.memref_slice %arg7[%dma_wait3A_819] : memref<2048xi32, #tpu.memory_space<vmem>> -> memref<128xi32, #tpu.memory_space<vmem>>
      %dma_wait3A_821 = arith.constant 0 : i32
      %dma_wait3A_822 = arith.constant 0 : i32
      %dma_wait3A_823 = tpu.memref_slice %arg2[%dma_wait3A_821, %dma_wait3A_822] : memref<100000x8xi32, #tpu.memory_space<hbm>> -> memref<100000x8xi32, #tpu.memory_space<hbm>>
      tpu.wait_indirect_dma semaphore(%arg19 : memref<!tpu.dma_semaphore, #tpu.memory_space<semaphore_mem>>) src(%dma_wait3A_823 : memref<100000x8xi32, #tpu.memory_space<hbm>>) dst(%dma_wait3A_818 : memref<128x8xi32, #tpu.memory_space<vmem>>)
      %dma_wait3A_824 = arith.constant 128 : i32
      %dma_wait3A_825 = arith.constant 0 : i32
      %dma_wait3A_826 = tpu.memref_slice %arg12[%dma_wait3A_824, %dma_wait3A_825] : memref<2048x8xi32, #tpu.memory_space<vmem>> -> memref<128x8xi32, #tpu.memory_space<vmem>>
      %dma_wait3A_827 = arith.constant 128 : i32
      %dma_wait3A_828 = tpu.memref_slice %arg8[%dma_wait3A_827] : memref<2048xi32, #tpu.memory_space<vmem>> -> memref<128xi32, #tpu.memory_space<vmem>>
      %dma_wait3A_829 = arith.constant 0 : i32
      %dma_wait3A_830 = arith.constant 0 : i32
      %dma_wait3A_831 = tpu.memref_slice %arg2[%dma_wait3A_829, %dma_wait3A_830] : memref<100000x8xi32, #tpu.memory_space<hbm>> -> memref<100000x8xi32, #tpu.memory_space<hbm>>
      tpu.wait_indirect_dma semaphore(%arg19 : memref<!tpu.dma_semaphore, #tpu.memory_space<semaphore_mem>>) src(%dma_wait3A_831 : memref<100000x8xi32, #tpu.memory_space<hbm>>) dst(%dma_wait3A_826 : memref<128x8xi32, #tpu.memory_space<vmem>>)
      %dma_wait3A_832 = arith.constant 256 : i32
      %dma_wait3A_833 = arith.constant 0 : i32
      %dma_wait3A_834 = tpu.memref_slice %arg11[%dma_wait3A_832, %dma_wait3A_833] : memref<2048x8xi32, #tpu.memory_space<vmem>> -> memref<128x8xi32, #tpu.memory_space<vmem>>
      %dma_wait3A_835 = arith.constant 256 : i32
      %dma_wait3A_836 = tpu.memref_slice %arg7[%dma_wait3A_835] : memref<2048xi32, #tpu.memory_space<vmem>> -> memref<128xi32, #tpu.memory_space<vmem>>
      %dma_wait3A_837 = arith.constant 0 : i32
      %dma_wait3A_838 = arith.constant 0 : i32
      %dma_wait3A_839 = tpu.memref_slice %arg2[%dma_wait3A_837, %dma_wait3A_838] : memref<100000x8xi32, #tpu.memory_space<hbm>> -> memref<100000x8xi32, #tpu.memory_space<hbm>>
      tpu.wait_indirect_dma semaphore(%arg19 : memref<!tpu.dma_semaphore, #tpu.memory_space<semaphore_mem>>) src(%dma_wait3A_839 : memref<100000x8xi32, #tpu.memory_space<hbm>>) dst(%dma_wait3A_834 : memref<128x8xi32, #tpu.memory_space<vmem>>)
      %dma_wait3A_840 = arith.constant 256 : i32
      %dma_wait3A_841 = arith.constant 0 : i32
      %dma_wait3A_842 = tpu.memref_slice %arg12[%dma_wait3A_840, %dma_wait3A_841] : memref<2048x8xi32, #tpu.memory_space<vmem>> -> memref<128x8xi32, #tpu.memory_space<vmem>>
      %dma_wait3A_843 = arith.constant 256 : i32
      %dma_wait3A_844 = tpu.memref_slice %arg8[%dma_wait3A_843] : memref<2048xi32, #tpu.memory_space<vmem>> -> memref<128xi32, #tpu.memory_space<vmem>>
      %dma_wait3A_845 = arith.constant 0 : i32
      %dma_wait3A_846 = arith.constant 0 : i32
      %dma_wait3A_847 = tpu.memref_slice %arg2[%dma_wait3A_845, %dma_wait3A_846] : memref<100000x8xi32, #tpu.memory_space<hbm>> -> memref<100000x8xi32, #tpu.memory_space<hbm>>
      tpu.wait_indirect_dma semaphore(%arg19 : memref<!tpu.dma_semaphore, #tpu.memory_space<semaphore_mem>>) src(%dma_wait3A_847 : memref<100000x8xi32, #tpu.memory_space<hbm>>) dst(%dma_wait3A_842 : memref<128x8xi32, #tpu.memory_space<vmem>>)
      %dma_wait3A_848 = arith.constant 384 : i32
      %dma_wait3A_849 = arith.constant 0 : i32
      %dma_wait3A_850 = tpu.memref_slice %arg11[%dma_wait3A_848, %dma_wait3A_849] : memref<2048x8xi32, #tpu.memory_space<vmem>> -> memref<128x8xi32, #tpu.memory_space<vmem>>
      %dma_wait3A_851 = arith.constant 384 : i32
      %dma_wait3A_852 = tpu.memref_slice %arg7[%dma_wait3A_851] : memref<2048xi32, #tpu.memory_space<vmem>> -> memref<128xi32, #tpu.memory_space<vmem>>
      %dma_wait3A_853 = arith.constant 0 : i32
      %dma_wait3A_854 = arith.constant 0 : i32
      %dma_wait3A_855 = tpu.memref_slice %arg2[%dma_wait3A_853, %dma_wait3A_854] : memref<100000x8xi32, #tpu.memory_space<hbm>> -> memref<100000x8xi32, #tpu.memory_space<hbm>>
      tpu.wait_indirect_dma semaphore(%arg19 : memref<!tpu.dma_semaphore, #tpu.memory_space<semaphore_mem>>) src(%dma_wait3A_855 : memref<100000x8xi32, #tpu.memory_space<hbm>>) dst(%dma_wait3A_850 : memref<128x8xi32, #tpu.memory_space<vmem>>)
      %dma_wait3A_856 = arith.constant 384 : i32
      %dma_wait3A_857 = arith.constant 0 : i32
      %dma_wait3A_858 = tpu.memref_slice %arg12[%dma_wait3A_856, %dma_wait3A_857] : memref<2048x8xi32, #tpu.memory_space<vmem>> -> memref<128x8xi32, #tpu.memory_space<vmem>>
      %dma_wait3A_859 = arith.constant 384 : i32
      %dma_wait3A_860 = tpu.memref_slice %arg8[%dma_wait3A_859] : memref<2048xi32, #tpu.memory_space<vmem>> -> memref<128xi32, #tpu.memory_space<vmem>>
      %dma_wait3A_861 = arith.constant 0 : i32
      %dma_wait3A_862 = arith.constant 0 : i32
      %dma_wait3A_863 = tpu.memref_slice %arg2[%dma_wait3A_861, %dma_wait3A_862] : memref<100000x8xi32, #tpu.memory_space<hbm>> -> memref<100000x8xi32, #tpu.memory_space<hbm>>
      tpu.wait_indirect_dma semaphore(%arg19 : memref<!tpu.dma_semaphore, #tpu.memory_space<semaphore_mem>>) src(%dma_wait3A_863 : memref<100000x8xi32, #tpu.memory_space<hbm>>) dst(%dma_wait3A_858 : memref<128x8xi32, #tpu.memory_space<vmem>>)
      %dma_wait3A_864 = arith.constant 512 : i32
      %dma_wait3A_865 = arith.constant 0 : i32
      %dma_wait3A_866 = tpu.memref_slice %arg11[%dma_wait3A_864, %dma_wait3A_865] : memref<2048x8xi32, #tpu.memory_space<vmem>> -> memref<128x8xi32, #tpu.memory_space<vmem>>
      %dma_wait3A_867 = arith.constant 512 : i32
      %dma_wait3A_868 = tpu.memref_slice %arg7[%dma_wait3A_867] : memref<2048xi32, #tpu.memory_space<vmem>> -> memref<128xi32, #tpu.memory_space<vmem>>
      %dma_wait3A_869 = arith.constant 0 : i32
      %dma_wait3A_870 = arith.constant 0 : i32
      %dma_wait3A_871 = tpu.memref_slice %arg2[%dma_wait3A_869, %dma_wait3A_870] : memref<100000x8xi32, #tpu.memory_space<hbm>> -> memref<100000x8xi32, #tpu.memory_space<hbm>>
      tpu.wait_indirect_dma semaphore(%arg19 : memref<!tpu.dma_semaphore, #tpu.memory_space<semaphore_mem>>) src(%dma_wait3A_871 : memref<100000x8xi32, #tpu.memory_space<hbm>>) dst(%dma_wait3A_866 : memref<128x8xi32, #tpu.memory_space<vmem>>)
      %dma_wait3A_872 = arith.constant 512 : i32
      %dma_wait3A_873 = arith.constant 0 : i32
      %dma_wait3A_874 = tpu.memref_slice %arg12[%dma_wait3A_872, %dma_wait3A_873] : memref<2048x8xi32, #tpu.memory_space<vmem>> -> memref<128x8xi32, #tpu.memory_space<vmem>>
      %dma_wait3A_875 = arith.constant 512 : i32
      %dma_wait3A_876 = tpu.memref_slice %arg8[%dma_wait3A_875] : memref<2048xi32, #tpu.memory_space<vmem>> -> memref<128xi32, #tpu.memory_space<vmem>>
      %dma_wait3A_877 = arith.constant 0 : i32
      %dma_wait3A_878 = arith.constant 0 : i32
      %dma_wait3A_879 = tpu.memref_slice %arg2[%dma_wait3A_877, %dma_wait3A_878] : memref<100000x8xi32, #tpu.memory_space<hbm>> -> memref<100000x8xi32, #tpu.memory_space<hbm>>
      tpu.wait_indirect_dma semaphore(%arg19 : memref<!tpu.dma_semaphore, #tpu.memory_space<semaphore_mem>>) src(%dma_wait3A_879 : memref<100000x8xi32, #tpu.memory_space<hbm>>) dst(%dma_wait3A_874 : memref<128x8xi32, #tpu.memory_space<vmem>>)
      %dma_wait3A_880 = arith.constant 640 : i32
      %dma_wait3A_881 = arith.constant 0 : i32
      %dma_wait3A_882 = tpu.memref_slice %arg11[%dma_wait3A_880, %dma_wait3A_881] : memref<2048x8xi32, #tpu.memory_space<vmem>> -> memref<128x8xi32, #tpu.memory_space<vmem>>
      %dma_wait3A_883 = arith.constant 640 : i32
      %dma_wait3A_884 = tpu.memref_slice %arg7[%dma_wait3A_883] : memref<2048xi32, #tpu.memory_space<vmem>> -> memref<128xi32, #tpu.memory_space<vmem>>
      %dma_wait3A_885 = arith.constant 0 : i32
      %dma_wait3A_886 = arith.constant 0 : i32
      %dma_wait3A_887 = tpu.memref_slice %arg2[%dma_wait3A_885, %dma_wait3A_886] : memref<100000x8xi32, #tpu.memory_space<hbm>> -> memref<100000x8xi32, #tpu.memory_space<hbm>>
      tpu.wait_indirect_dma semaphore(%arg19 : memref<!tpu.dma_semaphore, #tpu.memory_space<semaphore_mem>>) src(%dma_wait3A_887 : memref<100000x8xi32, #tpu.memory_space<hbm>>) dst(%dma_wait3A_882 : memref<128x8xi32, #tpu.memory_space<vmem>>)
      %dma_wait3A_888 = arith.constant 640 : i32
      %dma_wait3A_889 = arith.constant 0 : i32
      %dma_wait3A_890 = tpu.memref_slice %arg12[%dma_wait3A_888, %dma_wait3A_889] : memref<2048x8xi32, #tpu.memory_space<vmem>> -> memref<128x8xi32, #tpu.memory_space<vmem>>
      %dma_wait3A_891 = arith.constant 640 : i32
      %dma_wait3A_892 = tpu.memref_slice %arg8[%dma_wait3A_891] : memref<2048xi32, #tpu.memory_space<vmem>> -> memref<128xi32, #tpu.memory_space<vmem>>
      %dma_wait3A_893 = arith.constant 0 : i32
      %dma_wait3A_894 = arith.constant 0 : i32
      %dma_wait3A_895 = tpu.memref_slice %arg2[%dma_wait3A_893, %dma_wait3A_894] : memref<100000x8xi32, #tpu.memory_space<hbm>> -> memref<100000x8xi32, #tpu.memory_space<hbm>>
      tpu.wait_indirect_dma semaphore(%arg19 : memref<!tpu.dma_semaphore, #tpu.memory_space<semaphore_mem>>) src(%dma_wait3A_895 : memref<100000x8xi32, #tpu.memory_space<hbm>>) dst(%dma_wait3A_890 : memref<128x8xi32, #tpu.memory_space<vmem>>)
      %dma_wait3A_896 = arith.constant 768 : i32
      %dma_wait3A_897 = arith.constant 0 : i32
      %dma_wait3A_898 = tpu.memref_slice %arg11[%dma_wait3A_896, %dma_wait3A_897] : memref<2048x8xi32, #tpu.memory_space<vmem>> -> memref<128x8xi32, #tpu.memory_space<vmem>>
      %dma_wait3A_899 = arith.constant 768 : i32
      %dma_wait3A_900 = tpu.memref_slice %arg7[%dma_wait3A_899] : memref<2048xi32, #tpu.memory_space<vmem>> -> memref<128xi32, #tpu.memory_space<vmem>>
      %dma_wait3A_901 = arith.constant 0 : i32
      %dma_wait3A_902 = arith.constant 0 : i32
      %dma_wait3A_903 = tpu.memref_slice %arg2[%dma_wait3A_901, %dma_wait3A_902] : memref<100000x8xi32, #tpu.memory_space<hbm>> -> memref<100000x8xi32, #tpu.memory_space<hbm>>
      tpu.wait_indirect_dma semaphore(%arg19 : memref<!tpu.dma_semaphore, #tpu.memory_space<semaphore_mem>>) src(%dma_wait3A_903 : memref<100000x8xi32, #tpu.memory_space<hbm>>) dst(%dma_wait3A_898 : memref<128x8xi32, #tpu.memory_space<vmem>>)
      %dma_wait3A_904 = arith.constant 768 : i32
      %dma_wait3A_905 = arith.constant 0 : i32
      %dma_wait3A_906 = tpu.memref_slice %arg12[%dma_wait3A_904, %dma_wait3A_905] : memref<2048x8xi32, #tpu.memory_space<vmem>> -> memref<128x8xi32, #tpu.memory_space<vmem>>
      %dma_wait3A_907 = arith.constant 768 : i32
      %dma_wait3A_908 = tpu.memref_slice %arg8[%dma_wait3A_907] : memref<2048xi32, #tpu.memory_space<vmem>> -> memref<128xi32, #tpu.memory_space<vmem>>
      %dma_wait3A_909 = arith.constant 0 : i32
      %dma_wait3A_910 = arith.constant 0 : i32
      %dma_wait3A_911 = tpu.memref_slice %arg2[%dma_wait3A_909, %dma_wait3A_910] : memref<100000x8xi32, #tpu.memory_space<hbm>> -> memref<100000x8xi32, #tpu.memory_space<hbm>>
      tpu.wait_indirect_dma semaphore(%arg19 : memref<!tpu.dma_semaphore, #tpu.memory_space<semaphore_mem>>) src(%dma_wait3A_911 : memref<100000x8xi32, #tpu.memory_space<hbm>>) dst(%dma_wait3A_906 : memref<128x8xi32, #tpu.memory_space<vmem>>)
      %dma_wait3A_912 = arith.constant 896 : i32
      %dma_wait3A_913 = arith.constant 0 : i32
      %dma_wait3A_914 = tpu.memref_slice %arg11[%dma_wait3A_912, %dma_wait3A_913] : memref<2048x8xi32, #tpu.memory_space<vmem>> -> memref<128x8xi32, #tpu.memory_space<vmem>>
      %dma_wait3A_915 = arith.constant 896 : i32
      %dma_wait3A_916 = tpu.memref_slice %arg7[%dma_wait3A_915] : memref<2048xi32, #tpu.memory_space<vmem>> -> memref<128xi32, #tpu.memory_space<vmem>>
      %dma_wait3A_917 = arith.constant 0 : i32
      %dma_wait3A_918 = arith.constant 0 : i32
      %dma_wait3A_919 = tpu.memref_slice %arg2[%dma_wait3A_917, %dma_wait3A_918] : memref<100000x8xi32, #tpu.memory_space<hbm>> -> memref<100000x8xi32, #tpu.memory_space<hbm>>
      tpu.wait_indirect_dma semaphore(%arg19 : memref<!tpu.dma_semaphore, #tpu.memory_space<semaphore_mem>>) src(%dma_wait3A_919 : memref<100000x8xi32, #tpu.memory_space<hbm>>) dst(%dma_wait3A_914 : memref<128x8xi32, #tpu.memory_space<vmem>>)
      %dma_wait3A_920 = arith.constant 896 : i32
      %dma_wait3A_921 = arith.constant 0 : i32
      %dma_wait3A_922 = tpu.memref_slice %arg12[%dma_wait3A_920, %dma_wait3A_921] : memref<2048x8xi32, #tpu.memory_space<vmem>> -> memref<128x8xi32, #tpu.memory_space<vmem>>
      %dma_wait3A_923 = arith.constant 896 : i32
      %dma_wait3A_924 = tpu.memref_slice %arg8[%dma_wait3A_923] : memref<2048xi32, #tpu.memory_space<vmem>> -> memref<128xi32, #tpu.memory_space<vmem>>
      %dma_wait3A_925 = arith.constant 0 : i32
      %dma_wait3A_926 = arith.constant 0 : i32
      %dma_wait3A_927 = tpu.memref_slice %arg2[%dma_wait3A_925, %dma_wait3A_926] : memref<100000x8xi32, #tpu.memory_space<hbm>> -> memref<100000x8xi32, #tpu.memory_space<hbm>>
      tpu.wait_indirect_dma semaphore(%arg19 : memref<!tpu.dma_semaphore, #tpu.memory_space<semaphore_mem>>) src(%dma_wait3A_927 : memref<100000x8xi32, #tpu.memory_space<hbm>>) dst(%dma_wait3A_922 : memref<128x8xi32, #tpu.memory_space<vmem>>)
      %dma_wait3A_928 = arith.constant 1024 : i32
      %dma_wait3A_929 = arith.constant 0 : i32
      %dma_wait3A_930 = tpu.memref_slice %arg11[%dma_wait3A_928, %dma_wait3A_929] : memref<2048x8xi32, #tpu.memory_space<vmem>> -> memref<128x8xi32, #tpu.memory_space<vmem>>
      %dma_wait3A_931 = arith.constant 1024 : i32
      %dma_wait3A_932 = tpu.memref_slice %arg7[%dma_wait3A_931] : memref<2048xi32, #tpu.memory_space<vmem>> -> memref<128xi32, #tpu.memory_space<vmem>>
      %dma_wait3A_933 = arith.constant 0 : i32
      %dma_wait3A_934 = arith.constant 0 : i32
      %dma_wait3A_935 = tpu.memref_slice %arg2[%dma_wait3A_933, %dma_wait3A_934] : memref<100000x8xi32, #tpu.memory_space<hbm>> -> memref<100000x8xi32, #tpu.memory_space<hbm>>
      tpu.wait_indirect_dma semaphore(%arg19 : memref<!tpu.dma_semaphore, #tpu.memory_space<semaphore_mem>>) src(%dma_wait3A_935 : memref<100000x8xi32, #tpu.memory_space<hbm>>) dst(%dma_wait3A_930 : memref<128x8xi32, #tpu.memory_space<vmem>>)
      %dma_wait3A_936 = arith.constant 1024 : i32
      %dma_wait3A_937 = arith.constant 0 : i32
      %dma_wait3A_938 = tpu.memref_slice %arg12[%dma_wait3A_936, %dma_wait3A_937] : memref<2048x8xi32, #tpu.memory_space<vmem>> -> memref<128x8xi32, #tpu.memory_space<vmem>>
      %dma_wait3A_939 = arith.constant 1024 : i32
      %dma_wait3A_940 = tpu.memref_slice %arg8[%dma_wait3A_939] : memref<2048xi32, #tpu.memory_space<vmem>> -> memref<128xi32, #tpu.memory_space<vmem>>
      %dma_wait3A_941 = arith.constant 0 : i32
      %dma_wait3A_942 = arith.constant 0 : i32
      %dma_wait3A_943 = tpu.memref_slice %arg2[%dma_wait3A_941, %dma_wait3A_942] : memref<100000x8xi32, #tpu.memory_space<hbm>> -> memref<100000x8xi32, #tpu.memory_space<hbm>>
      tpu.wait_indirect_dma semaphore(%arg19 : memref<!tpu.dma_semaphore, #tpu.memory_space<semaphore_mem>>) src(%dma_wait3A_943 : memref<100000x8xi32, #tpu.memory_space<hbm>>) dst(%dma_wait3A_938 : memref<128x8xi32, #tpu.memory_space<vmem>>)
      %dma_wait3A_944 = arith.constant 1152 : i32
      %dma_wait3A_945 = arith.constant 0 : i32
      %dma_wait3A_946 = tpu.memref_slice %arg11[%dma_wait3A_944, %dma_wait3A_945] : memref<2048x8xi32, #tpu.memory_space<vmem>> -> memref<128x8xi32, #tpu.memory_space<vmem>>
      %dma_wait3A_947 = arith.constant 1152 : i32
      %dma_wait3A_948 = tpu.memref_slice %arg7[%dma_wait3A_947] : memref<2048xi32, #tpu.memory_space<vmem>> -> memref<128xi32, #tpu.memory_space<vmem>>
      %dma_wait3A_949 = arith.constant 0 : i32
      %dma_wait3A_950 = arith.constant 0 : i32
      %dma_wait3A_951 = tpu.memref_slice %arg2[%dma_wait3A_949, %dma_wait3A_950] : memref<100000x8xi32, #tpu.memory_space<hbm>> -> memref<100000x8xi32, #tpu.memory_space<hbm>>
      tpu.wait_indirect_dma semaphore(%arg19 : memref<!tpu.dma_semaphore, #tpu.memory_space<semaphore_mem>>) src(%dma_wait3A_951 : memref<100000x8xi32, #tpu.memory_space<hbm>>) dst(%dma_wait3A_946 : memref<128x8xi32, #tpu.memory_space<vmem>>)
      %dma_wait3A_952 = arith.constant 1152 : i32
      %dma_wait3A_953 = arith.constant 0 : i32
      %dma_wait3A_954 = tpu.memref_slice %arg12[%dma_wait3A_952, %dma_wait3A_953] : memref<2048x8xi32, #tpu.memory_space<vmem>> -> memref<128x8xi32, #tpu.memory_space<vmem>>
      %dma_wait3A_955 = arith.constant 1152 : i32
      %dma_wait3A_956 = tpu.memref_slice %arg8[%dma_wait3A_955] : memref<2048xi32, #tpu.memory_space<vmem>> -> memref<128xi32, #tpu.memory_space<vmem>>
      %dma_wait3A_957 = arith.constant 0 : i32
      %dma_wait3A_958 = arith.constant 0 : i32
      %dma_wait3A_959 = tpu.memref_slice %arg2[%dma_wait3A_957, %dma_wait3A_958] : memref<100000x8xi32, #tpu.memory_space<hbm>> -> memref<100000x8xi32, #tpu.memory_space<hbm>>
      tpu.wait_indirect_dma semaphore(%arg19 : memref<!tpu.dma_semaphore, #tpu.memory_space<semaphore_mem>>) src(%dma_wait3A_959 : memref<100000x8xi32, #tpu.memory_space<hbm>>) dst(%dma_wait3A_954 : memref<128x8xi32, #tpu.memory_space<vmem>>)
      %dma_wait3A_960 = arith.constant 1280 : i32
      %dma_wait3A_961 = arith.constant 0 : i32
      %dma_wait3A_962 = tpu.memref_slice %arg11[%dma_wait3A_960, %dma_wait3A_961] : memref<2048x8xi32, #tpu.memory_space<vmem>> -> memref<128x8xi32, #tpu.memory_space<vmem>>
      %dma_wait3A_963 = arith.constant 1280 : i32
      %dma_wait3A_964 = tpu.memref_slice %arg7[%dma_wait3A_963] : memref<2048xi32, #tpu.memory_space<vmem>> -> memref<128xi32, #tpu.memory_space<vmem>>
      %dma_wait3A_965 = arith.constant 0 : i32
      %dma_wait3A_966 = arith.constant 0 : i32
      %dma_wait3A_967 = tpu.memref_slice %arg2[%dma_wait3A_965, %dma_wait3A_966] : memref<100000x8xi32, #tpu.memory_space<hbm>> -> memref<100000x8xi32, #tpu.memory_space<hbm>>
      tpu.wait_indirect_dma semaphore(%arg19 : memref<!tpu.dma_semaphore, #tpu.memory_space<semaphore_mem>>) src(%dma_wait3A_967 : memref<100000x8xi32, #tpu.memory_space<hbm>>) dst(%dma_wait3A_962 : memref<128x8xi32, #tpu.memory_space<vmem>>)
      %dma_wait3A_968 = arith.constant 1280 : i32
      %dma_wait3A_969 = arith.constant 0 : i32
      %dma_wait3A_970 = tpu.memref_slice %arg12[%dma_wait3A_968, %dma_wait3A_969] : memref<2048x8xi32, #tpu.memory_space<vmem>> -> memref<128x8xi32, #tpu.memory_space<vmem>>
      %dma_wait3A_971 = arith.constant 1280 : i32
      %dma_wait3A_972 = tpu.memref_slice %arg8[%dma_wait3A_971] : memref<2048xi32, #tpu.memory_space<vmem>> -> memref<128xi32, #tpu.memory_space<vmem>>
      %dma_wait3A_973 = arith.constant 0 : i32
      %dma_wait3A_974 = arith.constant 0 : i32
      %dma_wait3A_975 = tpu.memref_slice %arg2[%dma_wait3A_973, %dma_wait3A_974] : memref<100000x8xi32, #tpu.memory_space<hbm>> -> memref<100000x8xi32, #tpu.memory_space<hbm>>
      tpu.wait_indirect_dma semaphore(%arg19 : memref<!tpu.dma_semaphore, #tpu.memory_space<semaphore_mem>>) src(%dma_wait3A_975 : memref<100000x8xi32, #tpu.memory_space<hbm>>) dst(%dma_wait3A_970 : memref<128x8xi32, #tpu.memory_space<vmem>>)
      %dma_wait3A_976 = arith.constant 1408 : i32
      %dma_wait3A_977 = arith.constant 0 : i32
      %dma_wait3A_978 = tpu.memref_slice %arg11[%dma_wait3A_976, %dma_wait3A_977] : memref<2048x8xi32, #tpu.memory_space<vmem>> -> memref<128x8xi32, #tpu.memory_space<vmem>>
      %dma_wait3A_979 = arith.constant 1408 : i32
      %dma_wait3A_980 = tpu.memref_slice %arg7[%dma_wait3A_979] : memref<2048xi32, #tpu.memory_space<vmem>> -> memref<128xi32, #tpu.memory_space<vmem>>
      %dma_wait3A_981 = arith.constant 0 : i32
      %dma_wait3A_982 = arith.constant 0 : i32
      %dma_wait3A_983 = tpu.memref_slice %arg2[%dma_wait3A_981, %dma_wait3A_982] : memref<100000x8xi32, #tpu.memory_space<hbm>> -> memref<100000x8xi32, #tpu.memory_space<hbm>>
      tpu.wait_indirect_dma semaphore(%arg19 : memref<!tpu.dma_semaphore, #tpu.memory_space<semaphore_mem>>) src(%dma_wait3A_983 : memref<100000x8xi32, #tpu.memory_space<hbm>>) dst(%dma_wait3A_978 : memref<128x8xi32, #tpu.memory_space<vmem>>)
      %dma_wait3A_984 = arith.constant 1408 : i32
      %dma_wait3A_985 = arith.constant 0 : i32
      %dma_wait3A_986 = tpu.memref_slice %arg12[%dma_wait3A_984, %dma_wait3A_985] : memref<2048x8xi32, #tpu.memory_space<vmem>> -> memref<128x8xi32, #tpu.memory_space<vmem>>
      %dma_wait3A_987 = arith.constant 1408 : i32
      %dma_wait3A_988 = tpu.memref_slice %arg8[%dma_wait3A_987] : memref<2048xi32, #tpu.memory_space<vmem>> -> memref<128xi32, #tpu.memory_space<vmem>>
      %dma_wait3A_989 = arith.constant 0 : i32
      %dma_wait3A_990 = arith.constant 0 : i32
      %dma_wait3A_991 = tpu.memref_slice %arg2[%dma_wait3A_989, %dma_wait3A_990] : memref<100000x8xi32, #tpu.memory_space<hbm>> -> memref<100000x8xi32, #tpu.memory_space<hbm>>
      tpu.wait_indirect_dma semaphore(%arg19 : memref<!tpu.dma_semaphore, #tpu.memory_space<semaphore_mem>>) src(%dma_wait3A_991 : memref<100000x8xi32, #tpu.memory_space<hbm>>) dst(%dma_wait3A_986 : memref<128x8xi32, #tpu.memory_space<vmem>>)
      %dma_wait3A_992 = arith.constant 1536 : i32
      %dma_wait3A_993 = arith.constant 0 : i32
      %dma_wait3A_994 = tpu.memref_slice %arg11[%dma_wait3A_992, %dma_wait3A_993] : memref<2048x8xi32, #tpu.memory_space<vmem>> -> memref<128x8xi32, #tpu.memory_space<vmem>>
      %dma_wait3A_995 = arith.constant 1536 : i32
      %dma_wait3A_996 = tpu.memref_slice %arg7[%dma_wait3A_995] : memref<2048xi32, #tpu.memory_space<vmem>> -> memref<128xi32, #tpu.memory_space<vmem>>
      %dma_wait3A_997 = arith.constant 0 : i32
      %dma_wait3A_998 = arith.constant 0 : i32
      %dma_wait3A_999 = tpu.memref_slice %arg2[%dma_wait3A_997, %dma_wait3A_998] : memref<100000x8xi32, #tpu.memory_space<hbm>> -> memref<100000x8xi32, #tpu.memory_space<hbm>>
      tpu.wait_indirect_dma semaphore(%arg19 : memref<!tpu.dma_semaphore, #tpu.memory_space<semaphore_mem>>) src(%dma_wait3A_999 : memref<100000x8xi32, #tpu.memory_space<hbm>>) dst(%dma_wait3A_994 : memref<128x8xi32, #tpu.memory_space<vmem>>)
      %dma_wait3A_1000 = arith.constant 1536 : i32
      %dma_wait3A_1001 = arith.constant 0 : i32
      %dma_wait3A_1002 = tpu.memref_slice %arg12[%dma_wait3A_1000, %dma_wait3A_1001] : memref<2048x8xi32, #tpu.memory_space<vmem>> -> memref<128x8xi32, #tpu.memory_space<vmem>>
      %dma_wait3A_1003 = arith.constant 1536 : i32
      %dma_wait3A_1004 = tpu.memref_slice %arg8[%dma_wait3A_1003] : memref<2048xi32, #tpu.memory_space<vmem>> -> memref<128xi32, #tpu.memory_space<vmem>>
      %dma_wait3A_1005 = arith.constant 0 : i32
      %dma_wait3A_1006 = arith.constant 0 : i32
      %dma_wait3A_1007 = tpu.memref_slice %arg2[%dma_wait3A_1005, %dma_wait3A_1006] : memref<100000x8xi32, #tpu.memory_space<hbm>> -> memref<100000x8xi32, #tpu.memory_space<hbm>>
      tpu.wait_indirect_dma semaphore(%arg19 : memref<!tpu.dma_semaphore, #tpu.memory_space<semaphore_mem>>) src(%dma_wait3A_1007 : memref<100000x8xi32, #tpu.memory_space<hbm>>) dst(%dma_wait3A_1002 : memref<128x8xi32, #tpu.memory_space<vmem>>)
      %dma_wait3A_1008 = arith.constant 1664 : i32
      %dma_wait3A_1009 = arith.constant 0 : i32
      %dma_wait3A_1010 = tpu.memref_slice %arg11[%dma_wait3A_1008, %dma_wait3A_1009] : memref<2048x8xi32, #tpu.memory_space<vmem>> -> memref<128x8xi32, #tpu.memory_space<vmem>>
      %dma_wait3A_1011 = arith.constant 1664 : i32
      %dma_wait3A_1012 = tpu.memref_slice %arg7[%dma_wait3A_1011] : memref<2048xi32, #tpu.memory_space<vmem>> -> memref<128xi32, #tpu.memory_space<vmem>>
      %dma_wait3A_1013 = arith.constant 0 : i32
      %dma_wait3A_1014 = arith.constant 0 : i32
      %dma_wait3A_1015 = tpu.memref_slice %arg2[%dma_wait3A_1013, %dma_wait3A_1014] : memref<100000x8xi32, #tpu.memory_space<hbm>> -> memref<100000x8xi32, #tpu.memory_space<hbm>>
      tpu.wait_indirect_dma semaphore(%arg19 : memref<!tpu.dma_semaphore, #tpu.memory_space<semaphore_mem>>) src(%dma_wait3A_1015 : memref<100000x8xi32, #tpu.memory_space<hbm>>) dst(%dma_wait3A_1010 : memref<128x8xi32, #tpu.memory_space<vmem>>)
      %dma_wait3A_1016 = arith.constant 1664 : i32
      %dma_wait3A_1017 = arith.constant 0 : i32
      %dma_wait3A_1018 = tpu.memref_slice %arg12[%dma_wait3A_1016, %dma_wait3A_1017] : memref<2048x8xi32, #tpu.memory_space<vmem>> -> memref<128x8xi32, #tpu.memory_space<vmem>>
      %dma_wait3A_1019 = arith.constant 1664 : i32
      %dma_wait3A_1020 = tpu.memref_slice %arg8[%dma_wait3A_1019] : memref<2048xi32, #tpu.memory_space<vmem>> -> memref<128xi32, #tpu.memory_space<vmem>>
      %dma_wait3A_1021 = arith.constant 0 : i32
      %dma_wait3A_1022 = arith.constant 0 : i32
      %dma_wait3A_1023 = tpu.memref_slice %arg2[%dma_wait3A_1021, %dma_wait3A_1022] : memref<100000x8xi32, #tpu.memory_space<hbm>> -> memref<100000x8xi32, #tpu.memory_space<hbm>>
      tpu.wait_indirect_dma semaphore(%arg19 : memref<!tpu.dma_semaphore, #tpu.memory_space<semaphore_mem>>) src(%dma_wait3A_1023 : memref<100000x8xi32, #tpu.memory_space<hbm>>) dst(%dma_wait3A_1018 : memref<128x8xi32, #tpu.memory_space<vmem>>)
      %dma_wait3A_1024 = arith.constant 1792 : i32
      %dma_wait3A_1025 = arith.constant 0 : i32
      %dma_wait3A_1026 = tpu.memref_slice %arg11[%dma_wait3A_1024, %dma_wait3A_1025] : memref<2048x8xi32, #tpu.memory_space<vmem>> -> memref<128x8xi32, #tpu.memory_space<vmem>>
      %dma_wait3A_1027 = arith.constant 1792 : i32
      %dma_wait3A_1028 = tpu.memref_slice %arg7[%dma_wait3A_1027] : memref<2048xi32, #tpu.memory_space<vmem>> -> memref<128xi32, #tpu.memory_space<vmem>>
      %dma_wait3A_1029 = arith.constant 0 : i32
      %dma_wait3A_1030 = arith.constant 0 : i32
      %dma_wait3A_1031 = tpu.memref_slice %arg2[%dma_wait3A_1029, %dma_wait3A_1030] : memref<100000x8xi32, #tpu.memory_space<hbm>> -> memref<100000x8xi32, #tpu.memory_space<hbm>>
      tpu.wait_indirect_dma semaphore(%arg19 : memref<!tpu.dma_semaphore, #tpu.memory_space<semaphore_mem>>) src(%dma_wait3A_1031 : memref<100000x8xi32, #tpu.memory_space<hbm>>) dst(%dma_wait3A_1026 : memref<128x8xi32, #tpu.memory_space<vmem>>)
      %dma_wait3A_1032 = arith.constant 1792 : i32
      %dma_wait3A_1033 = arith.constant 0 : i32
      %dma_wait3A_1034 = tpu.memref_slice %arg12[%dma_wait3A_1032, %dma_wait3A_1033] : memref<2048x8xi32, #tpu.memory_space<vmem>> -> memref<128x8xi32, #tpu.memory_space<vmem>>
      %dma_wait3A_1035 = arith.constant 1792 : i32
      %dma_wait3A_1036 = tpu.memref_slice %arg8[%dma_wait3A_1035] : memref<2048xi32, #tpu.memory_space<vmem>> -> memref<128xi32, #tpu.memory_space<vmem>>
      %dma_wait3A_1037 = arith.constant 0 : i32
      %dma_wait3A_1038 = arith.constant 0 : i32
      %dma_wait3A_1039 = tpu.memref_slice %arg2[%dma_wait3A_1037, %dma_wait3A_1038] : memref<100000x8xi32, #tpu.memory_space<hbm>> -> memref<100000x8xi32, #tpu.memory_space<hbm>>
      tpu.wait_indirect_dma semaphore(%arg19 : memref<!tpu.dma_semaphore, #tpu.memory_space<semaphore_mem>>) src(%dma_wait3A_1039 : memref<100000x8xi32, #tpu.memory_space<hbm>>) dst(%dma_wait3A_1034 : memref<128x8xi32, #tpu.memory_space<vmem>>)
      %dma_wait3A_1040 = arith.constant 1920 : i32
      %dma_wait3A_1041 = arith.constant 0 : i32
      %dma_wait3A_1042 = tpu.memref_slice %arg11[%dma_wait3A_1040, %dma_wait3A_1041] : memref<2048x8xi32, #tpu.memory_space<vmem>> -> memref<128x8xi32, #tpu.memory_space<vmem>>
      %dma_wait3A_1043 = arith.constant 1920 : i32
      %dma_wait3A_1044 = tpu.memref_slice %arg7[%dma_wait3A_1043] : memref<2048xi32, #tpu.memory_space<vmem>> -> memref<128xi32, #tpu.memory_space<vmem>>
      %dma_wait3A_1045 = arith.constant 0 : i32
      %dma_wait3A_1046 = arith.constant 0 : i32
      %dma_wait3A_1047 = tpu.memref_slice %arg2[%dma_wait3A_1045, %dma_wait3A_1046] : memref<100000x8xi32, #tpu.memory_space<hbm>> -> memref<100000x8xi32, #tpu.memory_space<hbm>>
      tpu.wait_indirect_dma semaphore(%arg19 : memref<!tpu.dma_semaphore, #tpu.memory_space<semaphore_mem>>) src(%dma_wait3A_1047 : memref<100000x8xi32, #tpu.memory_space<hbm>>) dst(%dma_wait3A_1042 : memref<128x8xi32, #tpu.memory_space<vmem>>)
      %dma_wait3A_1048 = arith.constant 1920 : i32
      %dma_wait3A_1049 = arith.constant 0 : i32
      %dma_wait3A_1050 = tpu.memref_slice %arg12[%dma_wait3A_1048, %dma_wait3A_1049] : memref<2048x8xi32, #tpu.memory_space<vmem>> -> memref<128x8xi32, #tpu.memory_space<vmem>>
      %dma_wait3A_1051 = arith.constant 1920 : i32
      %dma_wait3A_1052 = tpu.memref_slice %arg8[%dma_wait3A_1051] : memref<2048xi32, #tpu.memory_space<vmem>> -> memref<128xi32, #tpu.memory_space<vmem>>
      %dma_wait3A_1053 = arith.constant 0 : i32
      %dma_wait3A_1054 = arith.constant 0 : i32
      %dma_wait3A_1055 = tpu.memref_slice %arg2[%dma_wait3A_1053, %dma_wait3A_1054] : memref<100000x8xi32, #tpu.memory_space<hbm>> -> memref<100000x8xi32, #tpu.memory_space<hbm>>
      tpu.wait_indirect_dma semaphore(%arg19 : memref<!tpu.dma_semaphore, #tpu.memory_space<semaphore_mem>>) src(%dma_wait3A_1055 : memref<100000x8xi32, #tpu.memory_space<hbm>>) dst(%dma_wait3A_1050 : memref<128x8xi32, #tpu.memory_space<vmem>>)
      %scan3A_1056 = arith.constant 0 : i32
      %scan3A_1057 = arith.constant 0 : i32
      %scan3A_1058 = arith.constant 128 : i32
      %scan3A_1059 = arith.addi %scan3A_1057, %scan3A_1058 : i32
      %scan3A_1060 = arith.constant 1 : i32
      scf.for %scan3A_1611 = %scan3A_1057 to %scan3A_1059 step %scan3A_1060  : i32 {
        %mul3A_1612 = arith.constant 16 : i32
        %mul3A_1613 = arith.muli %scan3A_1611, %mul3A_1612 : i32
        %add3A_1614 = vector.broadcast %mul3A_1613 : i32 to vector<16xi32>
        %add3A_1615 = arith.addi %iota3A, %add3A_1614 : vector<16xi32>
        %gather3A = tpu.vector_load_idx %arg11[%add3A_1615, %broadcast_in_dim3A_1] : memref<2048x8xi32, #tpu.memory_space<vmem>>[vector<16xi32>, vector<16xi32>], vector<16xi32>,
        %bitcast3A = vector.bitcast %gather3A : vector<16xi32> to vector<16xf32>
        %gather3A_1616 = tpu.vector_load_idx %arg11[%add3A_1615, %broadcast_in_dim3A_3] : memref<2048x8xi32, #tpu.memory_space<vmem>>[vector<16xi32>, vector<16xi32>], vector<16xi32>,
        %bitcast3A_1617 = vector.bitcast %gather3A_1616 : vector<16xi32> to vector<16xf32>
        %gather3A_1618 = tpu.vector_load_idx %arg11[%add3A_1615, %broadcast_in_dim3A_5] : memref<2048x8xi32, #tpu.memory_space<vmem>>[vector<16xi32>, vector<16xi32>], vector<16xi32>,
        %bitcast3A_1619 = vector.bitcast %gather3A_1618 : vector<16xi32> to vector<16xf32>
        %gather3A_1620 = tpu.vector_load_idx %arg11[%add3A_1615, %broadcast_in_dim3A_7] : memref<2048x8xi32, #tpu.memory_space<vmem>>[vector<16xi32>, vector<16xi32>], vector<16xi32>,
        %gather3A_1621 = tpu.vector_load_idx %arg12[%add3A_1615, %broadcast_in_dim3A_1] : memref<2048x8xi32, #tpu.memory_space<vmem>>[vector<16xi32>, vector<16xi32>], vector<16xi32>,
        %bitcast3A_1622 = vector.bitcast %gather3A_1621 : vector<16xi32> to vector<16xf32>
        %gather3A_1623 = tpu.vector_load_idx %arg12[%add3A_1615, %broadcast_in_dim3A_3] : memref<2048x8xi32, #tpu.memory_space<vmem>>[vector<16xi32>, vector<16xi32>], vector<16xi32>,
        %bitcast3A_1624 = vector.bitcast %gather3A_1623 : vector<16xi32> to vector<16xf32>
        %gather3A_1625 = tpu.vector_load_idx %arg12[%add3A_1615, %broadcast_in_dim3A_5] : memref<2048x8xi32, #tpu.memory_space<vmem>>[vector<16xi32>, vector<16xi32>], vector<16xi32>,
        %bitcast3A_1626 = vector.bitcast %gather3A_1625 : vector<16xi32> to vector<16xf32>
        %gather3A_1627 = tpu.vector_load_idx %arg12[%add3A_1615, %broadcast_in_dim3A_7] : memref<2048x8xi32, #tpu.memory_space<vmem>>[vector<16xi32>, vector<16xi32>], vector<16xi32>,
        %sub3A = arith.subf %bitcast3A_1622, %bitcast3A : vector<16xf32>
        %sub3A_1628 = arith.subf %bitcast3A_1624, %bitcast3A_1617 : vector<16xf32>
        %sub3A_1629 = arith.subf %bitcast3A_1626, %bitcast3A_1619 : vector<16xf32>
        %mul3A_1630 = arith.mulf %sub3A, %sub3A : vector<16xf32>
        %mul3A_1631 = arith.mulf %sub3A_1628, %sub3A_1628 : vector<16xf32>
        %add3A_1632 = arith.addf %mul3A_1630, %mul3A_1631 : vector<16xf32>
        %mul3A_1633 = arith.mulf %sub3A_1629, %sub3A_1629 : vector<16xf32>
        %add3A_1634 = arith.addf %add3A_1632, %mul3A_1633 : vector<16xf32>
        %bitcast3A_1635 = vector.bitcast %add3A_1634 : vector<16xf32> to vector<16xi32>
        %shift_right_arithmetic3A = arith.constant 1 : i32
        %shift_right_arithmetic3A_1636 = vector.broadcast %shift_right_arithmetic3A : i32 to vector<16xi32>
        %shift_right_arithmetic3A_1637 = arith.shrsi %bitcast3A_1635, %shift_right_arithmetic3A_1636 : vector<16xi32>
        %sub3A_1638 = arith.constant 1597463007 : i32
        %sub3A_1639 = vector.broadcast %sub3A_1638 : i32 to vector<16xi32>
        %sub3A_1640 = arith.subi %sub3A_1639, %shift_right_arithmetic3A_1637 : vector<16xi32>
        %bitcast3A_1641 = vector.bitcast %sub3A_1640 : vector<16xi32> to vector<16xf32>
        %mul3A_1642 = arith.constant 5.000000e-01 : f32
        %mul3A_1643 = vector.broadcast %mul3A_1642 : f32 to vector<16xf32>
        %mul3A_1644 = arith.mulf %mul3A_1643, %add3A_1634 : vector<16xf32>
        %mul3A_1645 = arith.mulf %mul3A_1644, %bitcast3A_1641 : vector<16xf32>
        %mul3A_1646 = arith.mulf %mul3A_1645, %bitcast3A_1641 : vector<16xf32>
        %sub3A_1647 = arith.constant 1.500000e+00 : f32
        %sub3A_1648 = vector.broadcast %sub3A_1647 : f32 to vector<16xf32>
        %sub3A_1649 = arith.subf %sub3A_1648, %mul3A_1646 : vector<16xf32>
        %mul3A_1650 = arith.mulf %bitcast3A_1641, %sub3A_1649 : vector<16xf32>
        %mul3A_1651 = arith.mulf %mul3A_1644, %mul3A_1650 : vector<16xf32>
        %mul3A_1652 = arith.mulf %mul3A_1651, %mul3A_1650 : vector<16xf32>
        %sub3A_1653 = arith.constant 1.500000e+00 : f32
        %sub3A_1654 = vector.broadcast %sub3A_1653 : f32 to vector<16xf32>
        %sub3A_1655 = arith.subf %sub3A_1654, %mul3A_1652 : vector<16xf32>
        %mul3A_1656 = arith.mulf %mul3A_1650, %sub3A_1655 : vector<16xf32>
        %mul3A_1657 = arith.mulf %add3A_1634, %mul3A_1656 : vector<16xf32>
        %mul3A_1658 = arith.constant 4 : i32
        %mul3A_1659 = vector.broadcast %mul3A_1658 : i32 to vector<16xi32>
        %mul3A_1660 = arith.muli %gather3A_1620, %mul3A_1659 : vector<16xi32>
        %add3A_1661 = arith.addi %mul3A_1660, %gather3A_1627 : vector<16xi32>
        %gather3A_1662 = tpu.vector_load_idx %arg18[%add3A_1661] : memref<16xf32, #tpu.memory_space<vmem>>[vector<16xi32>], vector<16xf32>,
        %mul3A_1663 = arith.constant 16 : i32
        %mul3A_1664 = arith.muli %scan3A_1611, %mul3A_1663 : i32
        %mul3A_1665 = arith.mulf %mul3A_1657, %gather3A_1662 : vector<16xf32>
        %swap3A = arith.index_cast %mul3A_1664 : i32 to index
        %swap3A_1666 = tpu.vector_load %arg15[%swap3A] {strides = array<i32>} : memref<2048xf32, #tpu.memory_space<vmem>>, vector<16xf32>,
        tpu.vector_store %arg15[%swap3A], %mul3A_1665 {strides = array<i32>} : memref<2048xf32, #tpu.memory_space<vmem>>, vector<16xf32>,
        %swap3A_1667 = arith.index_cast %mul3A_1664 : i32 to index
        %swap3A_1668 = tpu.vector_load %arg16[%swap3A_1667] {strides = array<i32>} : memref<2048xi32, #tpu.memory_space<vmem>>, vector<16xi32>,
        tpu.vector_store %arg16[%swap3A_1667], %gather3A_1620 {strides = array<i32>} : memref<2048xi32, #tpu.memory_space<vmem>>, vector<16xi32>,
        %swap3A_1669 = arith.index_cast %mul3A_1664 : i32 to index
        %swap3A_1670 = tpu.vector_load %arg17[%swap3A_1669] {strides = array<i32>} : memref<2048xi32, #tpu.memory_space<vmem>>, vector<16xi32>,
        tpu.vector_store %arg17[%swap3A_1669], %gather3A_1627 {strides = array<i32>} : memref<2048xi32, #tpu.memory_space<vmem>>, vector<16xi32>,
      }
      %scan3A_1061 = arith.constant 128 : i32
      %mul3A_1062 = arith.constant 200000 : i32
      %mul3A_1063 = arith.muli %add3A, %mul3A_1062 : i32
      %mul3A_1064 = arith.constant 2048 : i32
      %mul3A_1065 = arith.muli %mul3A_532, %mul3A_1064 : i32
      %min3A_1066 = arith.constant 197952 : i32
      %min3A_1067 = arith.minsi %mul3A_1065, %min3A_1066 : i32
      %add3A_1068 = arith.addi %mul3A_1063, %min3A_1067 : i32
      "tpu.region"() ({
        %run_scoped3A = tpu.sem_alloc : memref<!tpu.dma_semaphore, #tpu.memory_space<semaphore_mem>>
        %dma_start3A_1611 = tpu.memref_slice %arg5[%add3A_1068] : memref<6400000xf32, #tpu.memory_space<hbm>> -> memref<2048xf32, #tpu.memory_space<hbm>>
        %dma_start3A_1612 = tpu.memref_slice %arg5[%add3A_1068] : memref<6400000xf32, #tpu.memory_space<hbm>> -> memref<2048xf32, #tpu.memory_space<hbm>>
        tpu.enqueue_dma source(%arg15 : memref<2048xf32, #tpu.memory_space<vmem>>) target(%dma_start3A_1612 : memref<2048xf32, #tpu.memory_space<hbm>>) target_semaphore(%run_scoped3A : memref<!tpu.dma_semaphore, #tpu.memory_space<semaphore_mem>>)
        %dma_wait3A_1613 = tpu.memref_slice %arg5[%add3A_1068] : memref<6400000xf32, #tpu.memory_space<hbm>> -> memref<2048xf32, #tpu.memory_space<hbm>>
        %dma_wait3A_1614 = tpu.memref_slice %arg5[%add3A_1068] : memref<6400000xf32, #tpu.memory_space<hbm>> -> memref<2048xf32, #tpu.memory_space<hbm>>
        tpu.wait_dma2 semaphore(%run_scoped3A : memref<!tpu.dma_semaphore, #tpu.memory_space<semaphore_mem>>) src(%arg15 : memref<2048xf32, #tpu.memory_space<vmem>>) dst(%dma_wait3A_1614 : memref<2048xf32, #tpu.memory_space<hbm>>)
        tpu.yield
      }) : () -> ()
      "tpu.region"() ({
        %run_scoped3A = tpu.sem_alloc : memref<!tpu.dma_semaphore, #tpu.memory_space<semaphore_mem>>
        %dma_start3A_1611 = tpu.memref_slice %arg6[%add3A_1068] : memref<12800000xi32, #tpu.memory_space<hbm>> -> memref<2048xi32, #tpu.memory_space<hbm>>
        %dma_start3A_1612 = tpu.memref_slice %arg6[%add3A_1068] : memref<12800000xi32, #tpu.memory_space<hbm>> -> memref<2048xi32, #tpu.memory_space<hbm>>
        tpu.enqueue_dma source(%arg16 : memref<2048xi32, #tpu.memory_space<vmem>>) target(%dma_start3A_1612 : memref<2048xi32, #tpu.memory_space<hbm>>) target_semaphore(%run_scoped3A : memref<!tpu.dma_semaphore, #tpu.memory_space<semaphore_mem>>)
        %dma_wait3A_1613 = tpu.memref_slice %arg6[%add3A_1068] : memref<12800000xi32, #tpu.memory_space<hbm>> -> memref<2048xi32, #tpu.memory_space<hbm>>
        %dma_wait3A_1614 = tpu.memref_slice %arg6[%add3A_1068] : memref<12800000xi32, #tpu.memory_space<hbm>> -> memref<2048xi32, #tpu.memory_space<hbm>>
        tpu.wait_dma2 semaphore(%run_scoped3A : memref<!tpu.dma_semaphore, #tpu.memory_space<semaphore_mem>>) src(%arg16 : memref<2048xi32, #tpu.memory_space<vmem>>) dst(%dma_wait3A_1614 : memref<2048xi32, #tpu.memory_space<hbm>>)
        tpu.yield
      }) : () -> ()
      %add3A_1069 = arith.constant 6400000 : i32
      %add3A_1070 = arith.addi %add3A_1069, %add3A_1068 : i32
      "tpu.region"() ({
        %run_scoped3A = tpu.sem_alloc : memref<!tpu.dma_semaphore, #tpu.memory_space<semaphore_mem>>
        %dma_start3A_1611 = tpu.memref_slice %arg6[%add3A_1070] : memref<12800000xi32, #tpu.memory_space<hbm>> -> memref<2048xi32, #tpu.memory_space<hbm>>
        %dma_start3A_1612 = tpu.memref_slice %arg6[%add3A_1070] : memref<12800000xi32, #tpu.memory_space<hbm>> -> memref<2048xi32, #tpu.memory_space<hbm>>
        tpu.enqueue_dma source(%arg17 : memref<2048xi32, #tpu.memory_space<vmem>>) target(%dma_start3A_1612 : memref<2048xi32, #tpu.memory_space<hbm>>) target_semaphore(%run_scoped3A : memref<!tpu.dma_semaphore, #tpu.memory_space<semaphore_mem>>)
        %dma_wait3A_1613 = tpu.memref_slice %arg6[%add3A_1070] : memref<12800000xi32, #tpu.memory_space<hbm>> -> memref<2048xi32, #tpu.memory_space<hbm>>
        %dma_wait3A_1614 = tpu.memref_slice %arg6[%add3A_1070] : memref<12800000xi32, #tpu.memory_space<hbm>> -> memref<2048xi32, #tpu.memory_space<hbm>>
        tpu.wait_dma2 semaphore(%run_scoped3A : memref<!tpu.dma_semaphore, #tpu.memory_space<semaphore_mem>>) src(%arg17 : memref<2048xi32, #tpu.memory_space<vmem>>) dst(%dma_wait3A_1614 : memref<2048xi32, #tpu.memory_space<hbm>>)
        tpu.yield
      }) : () -> ()
      %add3A_1071 = arith.constant 2 : i32
      %add3A_1072 = arith.addi %mul3A_532, %add3A_1071 : i32
      %mul3A_1073 = arith.constant 200000 : i32
      %mul3A_1074 = arith.muli %add3A, %mul3A_1073 : i32
      %mul3A_1075 = arith.constant 2048 : i32
      %mul3A_1076 = arith.muli %add3A_1072, %mul3A_1075 : i32
      %min3A_1077 = arith.constant 197952 : i32
      %min3A_1078 = arith.minsi %mul3A_1076, %min3A_1077 : i32
      %add3A_1079 = arith.addi %mul3A_1074, %min3A_1078 : i32
      "tpu.region"() ({
        %run_scoped3A = tpu.sem_alloc : memref<!tpu.dma_semaphore, #tpu.memory_space<semaphore_mem>>
        %dma_start3A_1611 = tpu.memref_slice %arg3[%add3A_1079] : memref<12800000xi32, #tpu.memory_space<hbm>> -> memref<2048xi32, #tpu.memory_space<hbm>>
        %dma_start3A_1612 = tpu.memref_slice %arg3[%add3A_1079] : memref<12800000xi32, #tpu.memory_space<hbm>> -> memref<2048xi32, #tpu.memory_space<hbm>>
        tpu.enqueue_dma source(%dma_start3A_1612 : memref<2048xi32, #tpu.memory_space<hbm>>) target(%arg7 : memref<2048xi32, #tpu.memory_space<vmem>>) target_semaphore(%run_scoped3A : memref<!tpu.dma_semaphore, #tpu.memory_space<semaphore_mem>>)
        %dma_wait3A_1613 = tpu.memref_slice %arg3[%add3A_1079] : memref<12800000xi32, #tpu.memory_space<hbm>> -> memref<2048xi32, #tpu.memory_space<hbm>>
        %dma_wait3A_1614 = tpu.memref_slice %arg3[%add3A_1079] : memref<12800000xi32, #tpu.memory_space<hbm>> -> memref<2048xi32, #tpu.memory_space<hbm>>
        tpu.wait_dma2 semaphore(%run_scoped3A : memref<!tpu.dma_semaphore, #tpu.memory_space<semaphore_mem>>) src(%dma_wait3A_1614 : memref<2048xi32, #tpu.memory_space<hbm>>) dst(%arg7 : memref<2048xi32, #tpu.memory_space<vmem>>)
        tpu.yield
      }) : () -> ()
      %add3A_1080 = arith.constant 6400000 : i32
      %add3A_1081 = arith.addi %add3A_1080, %add3A_1079 : i32
      "tpu.region"() ({
        %run_scoped3A = tpu.sem_alloc : memref<!tpu.dma_semaphore, #tpu.memory_space<semaphore_mem>>
        %dma_start3A_1611 = tpu.memref_slice %arg3[%add3A_1081] : memref<12800000xi32, #tpu.memory_space<hbm>> -> memref<2048xi32, #tpu.memory_space<hbm>>
        %dma_start3A_1612 = tpu.memref_slice %arg3[%add3A_1081] : memref<12800000xi32, #tpu.memory_space<hbm>> -> memref<2048xi32, #tpu.memory_space<hbm>>
        tpu.enqueue_dma source(%dma_start3A_1612 : memref<2048xi32, #tpu.memory_space<hbm>>) target(%arg8 : memref<2048xi32, #tpu.memory_space<vmem>>) target_semaphore(%run_scoped3A : memref<!tpu.dma_semaphore, #tpu.memory_space<semaphore_mem>>)
        %dma_wait3A_1613 = tpu.memref_slice %arg3[%add3A_1081] : memref<12800000xi32, #tpu.memory_space<hbm>> -> memref<2048xi32, #tpu.memory_space<hbm>>
        %dma_wait3A_1614 = tpu.memref_slice %arg3[%add3A_1081] : memref<12800000xi32, #tpu.memory_space<hbm>> -> memref<2048xi32, #tpu.memory_space<hbm>>
        tpu.wait_dma2 semaphore(%run_scoped3A : memref<!tpu.dma_semaphore, #tpu.memory_space<semaphore_mem>>) src(%dma_wait3A_1614 : memref<2048xi32, #tpu.memory_space<hbm>>) dst(%arg8 : memref<2048xi32, #tpu.memory_space<vmem>>)
        tpu.yield
      }) : () -> ()
      %dma_start3A_1082 = arith.constant 0 : i32
      %dma_start3A_1083 = arith.constant 0 : i32
      %dma_start3A_1084 = tpu.memref_slice %arg11[%dma_start3A_1082, %dma_start3A_1083] : memref<2048x8xi32, #tpu.memory_space<vmem>> -> memref<128x8xi32, #tpu.memory_space<vmem>>
      %dma_start3A_1085 = arith.constant 0 : i32
      %dma_start3A_1086 = tpu.memref_slice %arg7[%dma_start3A_1085] : memref<2048xi32, #tpu.memory_space<vmem>> -> memref<128xi32, #tpu.memory_space<vmem>>
      %dma_start3A_1087 = arith.constant 0 : i32
      %dma_start3A_1088 = arith.constant 0 : i32
      %dma_start3A_1089 = tpu.memref_slice %arg2[%dma_start3A_1087, %dma_start3A_1088] : memref<100000x8xi32, #tpu.memory_space<hbm>> -> memref<100000x8xi32, #tpu.memory_space<hbm>>
      tpu.enqueue_indirect_dma source(%dma_start3A_1089 : memref<100000x8xi32, #tpu.memory_space<hbm>>) target(%dma_start3A_1084 : memref<128x8xi32, #tpu.memory_space<vmem>>) offsets(%dma_start3A_1086 : memref<128xi32, #tpu.memory_space<vmem>>) semaphore(%arg19 : memref<!tpu.dma_semaphore, #tpu.memory_space<semaphore_mem>>)
      %dma_start3A_1090 = arith.constant 0 : i32
      %dma_start3A_1091 = arith.constant 0 : i32
      %dma_start3A_1092 = tpu.memref_slice %arg12[%dma_start3A_1090, %dma_start3A_1091] : memref<2048x8xi32, #tpu.memory_space<vmem>> -> memref<128x8xi32, #tpu.memory_space<vmem>>
      %dma_start3A_1093 = arith.constant 0 : i32
      %dma_start3A_1094 = tpu.memref_slice %arg8[%dma_start3A_1093] : memref<2048xi32, #tpu.memory_space<vmem>> -> memref<128xi32, #tpu.memory_space<vmem>>
      %dma_start3A_1095 = arith.constant 0 : i32
      %dma_start3A_1096 = arith.constant 0 : i32
      %dma_start3A_1097 = tpu.memref_slice %arg2[%dma_start3A_1095, %dma_start3A_1096] : memref<100000x8xi32, #tpu.memory_space<hbm>> -> memref<100000x8xi32, #tpu.memory_space<hbm>>
      tpu.enqueue_indirect_dma source(%dma_start3A_1097 : memref<100000x8xi32, #tpu.memory_space<hbm>>) target(%dma_start3A_1092 : memref<128x8xi32, #tpu.memory_space<vmem>>) offsets(%dma_start3A_1094 : memref<128xi32, #tpu.memory_space<vmem>>) semaphore(%arg19 : memref<!tpu.dma_semaphore, #tpu.memory_space<semaphore_mem>>)
      %dma_start3A_1098 = arith.constant 128 : i32
      %dma_start3A_1099 = arith.constant 0 : i32
      %dma_start3A_1100 = tpu.memref_slice %arg11[%dma_start3A_1098, %dma_start3A_1099] : memref<2048x8xi32, #tpu.memory_space<vmem>> -> memref<128x8xi32, #tpu.memory_space<vmem>>
      %dma_start3A_1101 = arith.constant 128 : i32
      %dma_start3A_1102 = tpu.memref_slice %arg7[%dma_start3A_1101] : memref<2048xi32, #tpu.memory_space<vmem>> -> memref<128xi32, #tpu.memory_space<vmem>>
      %dma_start3A_1103 = arith.constant 0 : i32
      %dma_start3A_1104 = arith.constant 0 : i32
      %dma_start3A_1105 = tpu.memref_slice %arg2[%dma_start3A_1103, %dma_start3A_1104] : memref<100000x8xi32, #tpu.memory_space<hbm>> -> memref<100000x8xi32, #tpu.memory_space<hbm>>
      tpu.enqueue_indirect_dma source(%dma_start3A_1105 : memref<100000x8xi32, #tpu.memory_space<hbm>>) target(%dma_start3A_1100 : memref<128x8xi32, #tpu.memory_space<vmem>>) offsets(%dma_start3A_1102 : memref<128xi32, #tpu.memory_space<vmem>>) semaphore(%arg19 : memref<!tpu.dma_semaphore, #tpu.memory_space<semaphore_mem>>)
      %dma_start3A_1106 = arith.constant 128 : i32
      %dma_start3A_1107 = arith.constant 0 : i32
      %dma_start3A_1108 = tpu.memref_slice %arg12[%dma_start3A_1106, %dma_start3A_1107] : memref<2048x8xi32, #tpu.memory_space<vmem>> -> memref<128x8xi32, #tpu.memory_space<vmem>>
      %dma_start3A_1109 = arith.constant 128 : i32
      %dma_start3A_1110 = tpu.memref_slice %arg8[%dma_start3A_1109] : memref<2048xi32, #tpu.memory_space<vmem>> -> memref<128xi32, #tpu.memory_space<vmem>>
      %dma_start3A_1111 = arith.constant 0 : i32
      %dma_start3A_1112 = arith.constant 0 : i32
      %dma_start3A_1113 = tpu.memref_slice %arg2[%dma_start3A_1111, %dma_start3A_1112] : memref<100000x8xi32, #tpu.memory_space<hbm>> -> memref<100000x8xi32, #tpu.memory_space<hbm>>
      tpu.enqueue_indirect_dma source(%dma_start3A_1113 : memref<100000x8xi32, #tpu.memory_space<hbm>>) target(%dma_start3A_1108 : memref<128x8xi32, #tpu.memory_space<vmem>>) offsets(%dma_start3A_1110 : memref<128xi32, #tpu.memory_space<vmem>>) semaphore(%arg19 : memref<!tpu.dma_semaphore, #tpu.memory_space<semaphore_mem>>)
      %dma_start3A_1114 = arith.constant 256 : i32
      %dma_start3A_1115 = arith.constant 0 : i32
      %dma_start3A_1116 = tpu.memref_slice %arg11[%dma_start3A_1114, %dma_start3A_1115] : memref<2048x8xi32, #tpu.memory_space<vmem>> -> memref<128x8xi32, #tpu.memory_space<vmem>>
      %dma_start3A_1117 = arith.constant 256 : i32
      %dma_start3A_1118 = tpu.memref_slice %arg7[%dma_start3A_1117] : memref<2048xi32, #tpu.memory_space<vmem>> -> memref<128xi32, #tpu.memory_space<vmem>>
      %dma_start3A_1119 = arith.constant 0 : i32
      %dma_start3A_1120 = arith.constant 0 : i32
      %dma_start3A_1121 = tpu.memref_slice %arg2[%dma_start3A_1119, %dma_start3A_1120] : memref<100000x8xi32, #tpu.memory_space<hbm>> -> memref<100000x8xi32, #tpu.memory_space<hbm>>
      tpu.enqueue_indirect_dma source(%dma_start3A_1121 : memref<100000x8xi32, #tpu.memory_space<hbm>>) target(%dma_start3A_1116 : memref<128x8xi32, #tpu.memory_space<vmem>>) offsets(%dma_start3A_1118 : memref<128xi32, #tpu.memory_space<vmem>>) semaphore(%arg19 : memref<!tpu.dma_semaphore, #tpu.memory_space<semaphore_mem>>)
      %dma_start3A_1122 = arith.constant 256 : i32
      %dma_start3A_1123 = arith.constant 0 : i32
      %dma_start3A_1124 = tpu.memref_slice %arg12[%dma_start3A_1122, %dma_start3A_1123] : memref<2048x8xi32, #tpu.memory_space<vmem>> -> memref<128x8xi32, #tpu.memory_space<vmem>>
      %dma_start3A_1125 = arith.constant 256 : i32
      %dma_start3A_1126 = tpu.memref_slice %arg8[%dma_start3A_1125] : memref<2048xi32, #tpu.memory_space<vmem>> -> memref<128xi32, #tpu.memory_space<vmem>>
      %dma_start3A_1127 = arith.constant 0 : i32
      %dma_start3A_1128 = arith.constant 0 : i32
      %dma_start3A_1129 = tpu.memref_slice %arg2[%dma_start3A_1127, %dma_start3A_1128] : memref<100000x8xi32, #tpu.memory_space<hbm>> -> memref<100000x8xi32, #tpu.memory_space<hbm>>
      tpu.enqueue_indirect_dma source(%dma_start3A_1129 : memref<100000x8xi32, #tpu.memory_space<hbm>>) target(%dma_start3A_1124 : memref<128x8xi32, #tpu.memory_space<vmem>>) offsets(%dma_start3A_1126 : memref<128xi32, #tpu.memory_space<vmem>>) semaphore(%arg19 : memref<!tpu.dma_semaphore, #tpu.memory_space<semaphore_mem>>)
      %dma_start3A_1130 = arith.constant 384 : i32
      %dma_start3A_1131 = arith.constant 0 : i32
      %dma_start3A_1132 = tpu.memref_slice %arg11[%dma_start3A_1130, %dma_start3A_1131] : memref<2048x8xi32, #tpu.memory_space<vmem>> -> memref<128x8xi32, #tpu.memory_space<vmem>>
      %dma_start3A_1133 = arith.constant 384 : i32
      %dma_start3A_1134 = tpu.memref_slice %arg7[%dma_start3A_1133] : memref<2048xi32, #tpu.memory_space<vmem>> -> memref<128xi32, #tpu.memory_space<vmem>>
      %dma_start3A_1135 = arith.constant 0 : i32
      %dma_start3A_1136 = arith.constant 0 : i32
      %dma_start3A_1137 = tpu.memref_slice %arg2[%dma_start3A_1135, %dma_start3A_1136] : memref<100000x8xi32, #tpu.memory_space<hbm>> -> memref<100000x8xi32, #tpu.memory_space<hbm>>
      tpu.enqueue_indirect_dma source(%dma_start3A_1137 : memref<100000x8xi32, #tpu.memory_space<hbm>>) target(%dma_start3A_1132 : memref<128x8xi32, #tpu.memory_space<vmem>>) offsets(%dma_start3A_1134 : memref<128xi32, #tpu.memory_space<vmem>>) semaphore(%arg19 : memref<!tpu.dma_semaphore, #tpu.memory_space<semaphore_mem>>)
      %dma_start3A_1138 = arith.constant 384 : i32
      %dma_start3A_1139 = arith.constant 0 : i32
      %dma_start3A_1140 = tpu.memref_slice %arg12[%dma_start3A_1138, %dma_start3A_1139] : memref<2048x8xi32, #tpu.memory_space<vmem>> -> memref<128x8xi32, #tpu.memory_space<vmem>>
      %dma_start3A_1141 = arith.constant 384 : i32
      %dma_start3A_1142 = tpu.memref_slice %arg8[%dma_start3A_1141] : memref<2048xi32, #tpu.memory_space<vmem>> -> memref<128xi32, #tpu.memory_space<vmem>>
      %dma_start3A_1143 = arith.constant 0 : i32
      %dma_start3A_1144 = arith.constant 0 : i32
      %dma_start3A_1145 = tpu.memref_slice %arg2[%dma_start3A_1143, %dma_start3A_1144] : memref<100000x8xi32, #tpu.memory_space<hbm>> -> memref<100000x8xi32, #tpu.memory_space<hbm>>
      tpu.enqueue_indirect_dma source(%dma_start3A_1145 : memref<100000x8xi32, #tpu.memory_space<hbm>>) target(%dma_start3A_1140 : memref<128x8xi32, #tpu.memory_space<vmem>>) offsets(%dma_start3A_1142 : memref<128xi32, #tpu.memory_space<vmem>>) semaphore(%arg19 : memref<!tpu.dma_semaphore, #tpu.memory_space<semaphore_mem>>)
      %dma_start3A_1146 = arith.constant 512 : i32
      %dma_start3A_1147 = arith.constant 0 : i32
      %dma_start3A_1148 = tpu.memref_slice %arg11[%dma_start3A_1146, %dma_start3A_1147] : memref<2048x8xi32, #tpu.memory_space<vmem>> -> memref<128x8xi32, #tpu.memory_space<vmem>>
      %dma_start3A_1149 = arith.constant 512 : i32
      %dma_start3A_1150 = tpu.memref_slice %arg7[%dma_start3A_1149] : memref<2048xi32, #tpu.memory_space<vmem>> -> memref<128xi32, #tpu.memory_space<vmem>>
      %dma_start3A_1151 = arith.constant 0 : i32
      %dma_start3A_1152 = arith.constant 0 : i32
      %dma_start3A_1153 = tpu.memref_slice %arg2[%dma_start3A_1151, %dma_start3A_1152] : memref<100000x8xi32, #tpu.memory_space<hbm>> -> memref<100000x8xi32, #tpu.memory_space<hbm>>
      tpu.enqueue_indirect_dma source(%dma_start3A_1153 : memref<100000x8xi32, #tpu.memory_space<hbm>>) target(%dma_start3A_1148 : memref<128x8xi32, #tpu.memory_space<vmem>>) offsets(%dma_start3A_1150 : memref<128xi32, #tpu.memory_space<vmem>>) semaphore(%arg19 : memref<!tpu.dma_semaphore, #tpu.memory_space<semaphore_mem>>)
      %dma_start3A_1154 = arith.constant 512 : i32
      %dma_start3A_1155 = arith.constant 0 : i32
      %dma_start3A_1156 = tpu.memref_slice %arg12[%dma_start3A_1154, %dma_start3A_1155] : memref<2048x8xi32, #tpu.memory_space<vmem>> -> memref<128x8xi32, #tpu.memory_space<vmem>>
      %dma_start3A_1157 = arith.constant 512 : i32
      %dma_start3A_1158 = tpu.memref_slice %arg8[%dma_start3A_1157] : memref<2048xi32, #tpu.memory_space<vmem>> -> memref<128xi32, #tpu.memory_space<vmem>>
      %dma_start3A_1159 = arith.constant 0 : i32
      %dma_start3A_1160 = arith.constant 0 : i32
      %dma_start3A_1161 = tpu.memref_slice %arg2[%dma_start3A_1159, %dma_start3A_1160] : memref<100000x8xi32, #tpu.memory_space<hbm>> -> memref<100000x8xi32, #tpu.memory_space<hbm>>
      tpu.enqueue_indirect_dma source(%dma_start3A_1161 : memref<100000x8xi32, #tpu.memory_space<hbm>>) target(%dma_start3A_1156 : memref<128x8xi32, #tpu.memory_space<vmem>>) offsets(%dma_start3A_1158 : memref<128xi32, #tpu.memory_space<vmem>>) semaphore(%arg19 : memref<!tpu.dma_semaphore, #tpu.memory_space<semaphore_mem>>)
      %dma_start3A_1162 = arith.constant 640 : i32
      %dma_start3A_1163 = arith.constant 0 : i32
      %dma_start3A_1164 = tpu.memref_slice %arg11[%dma_start3A_1162, %dma_start3A_1163] : memref<2048x8xi32, #tpu.memory_space<vmem>> -> memref<128x8xi32, #tpu.memory_space<vmem>>
      %dma_start3A_1165 = arith.constant 640 : i32
      %dma_start3A_1166 = tpu.memref_slice %arg7[%dma_start3A_1165] : memref<2048xi32, #tpu.memory_space<vmem>> -> memref<128xi32, #tpu.memory_space<vmem>>
      %dma_start3A_1167 = arith.constant 0 : i32
      %dma_start3A_1168 = arith.constant 0 : i32
      %dma_start3A_1169 = tpu.memref_slice %arg2[%dma_start3A_1167, %dma_start3A_1168] : memref<100000x8xi32, #tpu.memory_space<hbm>> -> memref<100000x8xi32, #tpu.memory_space<hbm>>
      tpu.enqueue_indirect_dma source(%dma_start3A_1169 : memref<100000x8xi32, #tpu.memory_space<hbm>>) target(%dma_start3A_1164 : memref<128x8xi32, #tpu.memory_space<vmem>>) offsets(%dma_start3A_1166 : memref<128xi32, #tpu.memory_space<vmem>>) semaphore(%arg19 : memref<!tpu.dma_semaphore, #tpu.memory_space<semaphore_mem>>)
      %dma_start3A_1170 = arith.constant 640 : i32
      %dma_start3A_1171 = arith.constant 0 : i32
      %dma_start3A_1172 = tpu.memref_slice %arg12[%dma_start3A_1170, %dma_start3A_1171] : memref<2048x8xi32, #tpu.memory_space<vmem>> -> memref<128x8xi32, #tpu.memory_space<vmem>>
      %dma_start3A_1173 = arith.constant 640 : i32
      %dma_start3A_1174 = tpu.memref_slice %arg8[%dma_start3A_1173] : memref<2048xi32, #tpu.memory_space<vmem>> -> memref<128xi32, #tpu.memory_space<vmem>>
      %dma_start3A_1175 = arith.constant 0 : i32
      %dma_start3A_1176 = arith.constant 0 : i32
      %dma_start3A_1177 = tpu.memref_slice %arg2[%dma_start3A_1175, %dma_start3A_1176] : memref<100000x8xi32, #tpu.memory_space<hbm>> -> memref<100000x8xi32, #tpu.memory_space<hbm>>
      tpu.enqueue_indirect_dma source(%dma_start3A_1177 : memref<100000x8xi32, #tpu.memory_space<hbm>>) target(%dma_start3A_1172 : memref<128x8xi32, #tpu.memory_space<vmem>>) offsets(%dma_start3A_1174 : memref<128xi32, #tpu.memory_space<vmem>>) semaphore(%arg19 : memref<!tpu.dma_semaphore, #tpu.memory_space<semaphore_mem>>)
      %dma_start3A_1178 = arith.constant 768 : i32
      %dma_start3A_1179 = arith.constant 0 : i32
      %dma_start3A_1180 = tpu.memref_slice %arg11[%dma_start3A_1178, %dma_start3A_1179] : memref<2048x8xi32, #tpu.memory_space<vmem>> -> memref<128x8xi32, #tpu.memory_space<vmem>>
      %dma_start3A_1181 = arith.constant 768 : i32
      %dma_start3A_1182 = tpu.memref_slice %arg7[%dma_start3A_1181] : memref<2048xi32, #tpu.memory_space<vmem>> -> memref<128xi32, #tpu.memory_space<vmem>>
      %dma_start3A_1183 = arith.constant 0 : i32
      %dma_start3A_1184 = arith.constant 0 : i32
      %dma_start3A_1185 = tpu.memref_slice %arg2[%dma_start3A_1183, %dma_start3A_1184] : memref<100000x8xi32, #tpu.memory_space<hbm>> -> memref<100000x8xi32, #tpu.memory_space<hbm>>
      tpu.enqueue_indirect_dma source(%dma_start3A_1185 : memref<100000x8xi32, #tpu.memory_space<hbm>>) target(%dma_start3A_1180 : memref<128x8xi32, #tpu.memory_space<vmem>>) offsets(%dma_start3A_1182 : memref<128xi32, #tpu.memory_space<vmem>>) semaphore(%arg19 : memref<!tpu.dma_semaphore, #tpu.memory_space<semaphore_mem>>)
      %dma_start3A_1186 = arith.constant 768 : i32
      %dma_start3A_1187 = arith.constant 0 : i32
      %dma_start3A_1188 = tpu.memref_slice %arg12[%dma_start3A_1186, %dma_start3A_1187] : memref<2048x8xi32, #tpu.memory_space<vmem>> -> memref<128x8xi32, #tpu.memory_space<vmem>>
      %dma_start3A_1189 = arith.constant 768 : i32
      %dma_start3A_1190 = tpu.memref_slice %arg8[%dma_start3A_1189] : memref<2048xi32, #tpu.memory_space<vmem>> -> memref<128xi32, #tpu.memory_space<vmem>>
      %dma_start3A_1191 = arith.constant 0 : i32
      %dma_start3A_1192 = arith.constant 0 : i32
      %dma_start3A_1193 = tpu.memref_slice %arg2[%dma_start3A_1191, %dma_start3A_1192] : memref<100000x8xi32, #tpu.memory_space<hbm>> -> memref<100000x8xi32, #tpu.memory_space<hbm>>
      tpu.enqueue_indirect_dma source(%dma_start3A_1193 : memref<100000x8xi32, #tpu.memory_space<hbm>>) target(%dma_start3A_1188 : memref<128x8xi32, #tpu.memory_space<vmem>>) offsets(%dma_start3A_1190 : memref<128xi32, #tpu.memory_space<vmem>>) semaphore(%arg19 : memref<!tpu.dma_semaphore, #tpu.memory_space<semaphore_mem>>)
      %dma_start3A_1194 = arith.constant 896 : i32
      %dma_start3A_1195 = arith.constant 0 : i32
      %dma_start3A_1196 = tpu.memref_slice %arg11[%dma_start3A_1194, %dma_start3A_1195] : memref<2048x8xi32, #tpu.memory_space<vmem>> -> memref<128x8xi32, #tpu.memory_space<vmem>>
      %dma_start3A_1197 = arith.constant 896 : i32
      %dma_start3A_1198 = tpu.memref_slice %arg7[%dma_start3A_1197] : memref<2048xi32, #tpu.memory_space<vmem>> -> memref<128xi32, #tpu.memory_space<vmem>>
      %dma_start3A_1199 = arith.constant 0 : i32
      %dma_start3A_1200 = arith.constant 0 : i32
      %dma_start3A_1201 = tpu.memref_slice %arg2[%dma_start3A_1199, %dma_start3A_1200] : memref<100000x8xi32, #tpu.memory_space<hbm>> -> memref<100000x8xi32, #tpu.memory_space<hbm>>
      tpu.enqueue_indirect_dma source(%dma_start3A_1201 : memref<100000x8xi32, #tpu.memory_space<hbm>>) target(%dma_start3A_1196 : memref<128x8xi32, #tpu.memory_space<vmem>>) offsets(%dma_start3A_1198 : memref<128xi32, #tpu.memory_space<vmem>>) semaphore(%arg19 : memref<!tpu.dma_semaphore, #tpu.memory_space<semaphore_mem>>)
      %dma_start3A_1202 = arith.constant 896 : i32
      %dma_start3A_1203 = arith.constant 0 : i32
      %dma_start3A_1204 = tpu.memref_slice %arg12[%dma_start3A_1202, %dma_start3A_1203] : memref<2048x8xi32, #tpu.memory_space<vmem>> -> memref<128x8xi32, #tpu.memory_space<vmem>>
      %dma_start3A_1205 = arith.constant 896 : i32
      %dma_start3A_1206 = tpu.memref_slice %arg8[%dma_start3A_1205] : memref<2048xi32, #tpu.memory_space<vmem>> -> memref<128xi32, #tpu.memory_space<vmem>>
      %dma_start3A_1207 = arith.constant 0 : i32
      %dma_start3A_1208 = arith.constant 0 : i32
      %dma_start3A_1209 = tpu.memref_slice %arg2[%dma_start3A_1207, %dma_start3A_1208] : memref<100000x8xi32, #tpu.memory_space<hbm>> -> memref<100000x8xi32, #tpu.memory_space<hbm>>
      tpu.enqueue_indirect_dma source(%dma_start3A_1209 : memref<100000x8xi32, #tpu.memory_space<hbm>>) target(%dma_start3A_1204 : memref<128x8xi32, #tpu.memory_space<vmem>>) offsets(%dma_start3A_1206 : memref<128xi32, #tpu.memory_space<vmem>>) semaphore(%arg19 : memref<!tpu.dma_semaphore, #tpu.memory_space<semaphore_mem>>)
      %dma_start3A_1210 = arith.constant 1024 : i32
      %dma_start3A_1211 = arith.constant 0 : i32
      %dma_start3A_1212 = tpu.memref_slice %arg11[%dma_start3A_1210, %dma_start3A_1211] : memref<2048x8xi32, #tpu.memory_space<vmem>> -> memref<128x8xi32, #tpu.memory_space<vmem>>
      %dma_start3A_1213 = arith.constant 1024 : i32
      %dma_start3A_1214 = tpu.memref_slice %arg7[%dma_start3A_1213] : memref<2048xi32, #tpu.memory_space<vmem>> -> memref<128xi32, #tpu.memory_space<vmem>>
      %dma_start3A_1215 = arith.constant 0 : i32
      %dma_start3A_1216 = arith.constant 0 : i32
      %dma_start3A_1217 = tpu.memref_slice %arg2[%dma_start3A_1215, %dma_start3A_1216] : memref<100000x8xi32, #tpu.memory_space<hbm>> -> memref<100000x8xi32, #tpu.memory_space<hbm>>
      tpu.enqueue_indirect_dma source(%dma_start3A_1217 : memref<100000x8xi32, #tpu.memory_space<hbm>>) target(%dma_start3A_1212 : memref<128x8xi32, #tpu.memory_space<vmem>>) offsets(%dma_start3A_1214 : memref<128xi32, #tpu.memory_space<vmem>>) semaphore(%arg19 : memref<!tpu.dma_semaphore, #tpu.memory_space<semaphore_mem>>)
      %dma_start3A_1218 = arith.constant 1024 : i32
      %dma_start3A_1219 = arith.constant 0 : i32
      %dma_start3A_1220 = tpu.memref_slice %arg12[%dma_start3A_1218, %dma_start3A_1219] : memref<2048x8xi32, #tpu.memory_space<vmem>> -> memref<128x8xi32, #tpu.memory_space<vmem>>
      %dma_start3A_1221 = arith.constant 1024 : i32
      %dma_start3A_1222 = tpu.memref_slice %arg8[%dma_start3A_1221] : memref<2048xi32, #tpu.memory_space<vmem>> -> memref<128xi32, #tpu.memory_space<vmem>>
      %dma_start3A_1223 = arith.constant 0 : i32
      %dma_start3A_1224 = arith.constant 0 : i32
      %dma_start3A_1225 = tpu.memref_slice %arg2[%dma_start3A_1223, %dma_start3A_1224] : memref<100000x8xi32, #tpu.memory_space<hbm>> -> memref<100000x8xi32, #tpu.memory_space<hbm>>
      tpu.enqueue_indirect_dma source(%dma_start3A_1225 : memref<100000x8xi32, #tpu.memory_space<hbm>>) target(%dma_start3A_1220 : memref<128x8xi32, #tpu.memory_space<vmem>>) offsets(%dma_start3A_1222 : memref<128xi32, #tpu.memory_space<vmem>>) semaphore(%arg19 : memref<!tpu.dma_semaphore, #tpu.memory_space<semaphore_mem>>)
      %dma_start3A_1226 = arith.constant 1152 : i32
      %dma_start3A_1227 = arith.constant 0 : i32
      %dma_start3A_1228 = tpu.memref_slice %arg11[%dma_start3A_1226, %dma_start3A_1227] : memref<2048x8xi32, #tpu.memory_space<vmem>> -> memref<128x8xi32, #tpu.memory_space<vmem>>
      %dma_start3A_1229 = arith.constant 1152 : i32
      %dma_start3A_1230 = tpu.memref_slice %arg7[%dma_start3A_1229] : memref<2048xi32, #tpu.memory_space<vmem>> -> memref<128xi32, #tpu.memory_space<vmem>>
      %dma_start3A_1231 = arith.constant 0 : i32
      %dma_start3A_1232 = arith.constant 0 : i32
      %dma_start3A_1233 = tpu.memref_slice %arg2[%dma_start3A_1231, %dma_start3A_1232] : memref<100000x8xi32, #tpu.memory_space<hbm>> -> memref<100000x8xi32, #tpu.memory_space<hbm>>
      tpu.enqueue_indirect_dma source(%dma_start3A_1233 : memref<100000x8xi32, #tpu.memory_space<hbm>>) target(%dma_start3A_1228 : memref<128x8xi32, #tpu.memory_space<vmem>>) offsets(%dma_start3A_1230 : memref<128xi32, #tpu.memory_space<vmem>>) semaphore(%arg19 : memref<!tpu.dma_semaphore, #tpu.memory_space<semaphore_mem>>)
      %dma_start3A_1234 = arith.constant 1152 : i32
      %dma_start3A_1235 = arith.constant 0 : i32
      %dma_start3A_1236 = tpu.memref_slice %arg12[%dma_start3A_1234, %dma_start3A_1235] : memref<2048x8xi32, #tpu.memory_space<vmem>> -> memref<128x8xi32, #tpu.memory_space<vmem>>
      %dma_start3A_1237 = arith.constant 1152 : i32
      %dma_start3A_1238 = tpu.memref_slice %arg8[%dma_start3A_1237] : memref<2048xi32, #tpu.memory_space<vmem>> -> memref<128xi32, #tpu.memory_space<vmem>>
      %dma_start3A_1239 = arith.constant 0 : i32
      %dma_start3A_1240 = arith.constant 0 : i32
      %dma_start3A_1241 = tpu.memref_slice %arg2[%dma_start3A_1239, %dma_start3A_1240] : memref<100000x8xi32, #tpu.memory_space<hbm>> -> memref<100000x8xi32, #tpu.memory_space<hbm>>
      tpu.enqueue_indirect_dma source(%dma_start3A_1241 : memref<100000x8xi32, #tpu.memory_space<hbm>>) target(%dma_start3A_1236 : memref<128x8xi32, #tpu.memory_space<vmem>>) offsets(%dma_start3A_1238 : memref<128xi32, #tpu.memory_space<vmem>>) semaphore(%arg19 : memref<!tpu.dma_semaphore, #tpu.memory_space<semaphore_mem>>)
      %dma_start3A_1242 = arith.constant 1280 : i32
      %dma_start3A_1243 = arith.constant 0 : i32
      %dma_start3A_1244 = tpu.memref_slice %arg11[%dma_start3A_1242, %dma_start3A_1243] : memref<2048x8xi32, #tpu.memory_space<vmem>> -> memref<128x8xi32, #tpu.memory_space<vmem>>
      %dma_start3A_1245 = arith.constant 1280 : i32
      %dma_start3A_1246 = tpu.memref_slice %arg7[%dma_start3A_1245] : memref<2048xi32, #tpu.memory_space<vmem>> -> memref<128xi32, #tpu.memory_space<vmem>>
      %dma_start3A_1247 = arith.constant 0 : i32
      %dma_start3A_1248 = arith.constant 0 : i32
      %dma_start3A_1249 = tpu.memref_slice %arg2[%dma_start3A_1247, %dma_start3A_1248] : memref<100000x8xi32, #tpu.memory_space<hbm>> -> memref<100000x8xi32, #tpu.memory_space<hbm>>
      tpu.enqueue_indirect_dma source(%dma_start3A_1249 : memref<100000x8xi32, #tpu.memory_space<hbm>>) target(%dma_start3A_1244 : memref<128x8xi32, #tpu.memory_space<vmem>>) offsets(%dma_start3A_1246 : memref<128xi32, #tpu.memory_space<vmem>>) semaphore(%arg19 : memref<!tpu.dma_semaphore, #tpu.memory_space<semaphore_mem>>)
      %dma_start3A_1250 = arith.constant 1280 : i32
      %dma_start3A_1251 = arith.constant 0 : i32
      %dma_start3A_1252 = tpu.memref_slice %arg12[%dma_start3A_1250, %dma_start3A_1251] : memref<2048x8xi32, #tpu.memory_space<vmem>> -> memref<128x8xi32, #tpu.memory_space<vmem>>
      %dma_start3A_1253 = arith.constant 1280 : i32
      %dma_start3A_1254 = tpu.memref_slice %arg8[%dma_start3A_1253] : memref<2048xi32, #tpu.memory_space<vmem>> -> memref<128xi32, #tpu.memory_space<vmem>>
      %dma_start3A_1255 = arith.constant 0 : i32
      %dma_start3A_1256 = arith.constant 0 : i32
      %dma_start3A_1257 = tpu.memref_slice %arg2[%dma_start3A_1255, %dma_start3A_1256] : memref<100000x8xi32, #tpu.memory_space<hbm>> -> memref<100000x8xi32, #tpu.memory_space<hbm>>
      tpu.enqueue_indirect_dma source(%dma_start3A_1257 : memref<100000x8xi32, #tpu.memory_space<hbm>>) target(%dma_start3A_1252 : memref<128x8xi32, #tpu.memory_space<vmem>>) offsets(%dma_start3A_1254 : memref<128xi32, #tpu.memory_space<vmem>>) semaphore(%arg19 : memref<!tpu.dma_semaphore, #tpu.memory_space<semaphore_mem>>)
      %dma_start3A_1258 = arith.constant 1408 : i32
      %dma_start3A_1259 = arith.constant 0 : i32
      %dma_start3A_1260 = tpu.memref_slice %arg11[%dma_start3A_1258, %dma_start3A_1259] : memref<2048x8xi32, #tpu.memory_space<vmem>> -> memref<128x8xi32, #tpu.memory_space<vmem>>
      %dma_start3A_1261 = arith.constant 1408 : i32
      %dma_start3A_1262 = tpu.memref_slice %arg7[%dma_start3A_1261] : memref<2048xi32, #tpu.memory_space<vmem>> -> memref<128xi32, #tpu.memory_space<vmem>>
      %dma_start3A_1263 = arith.constant 0 : i32
      %dma_start3A_1264 = arith.constant 0 : i32
      %dma_start3A_1265 = tpu.memref_slice %arg2[%dma_start3A_1263, %dma_start3A_1264] : memref<100000x8xi32, #tpu.memory_space<hbm>> -> memref<100000x8xi32, #tpu.memory_space<hbm>>
      tpu.enqueue_indirect_dma source(%dma_start3A_1265 : memref<100000x8xi32, #tpu.memory_space<hbm>>) target(%dma_start3A_1260 : memref<128x8xi32, #tpu.memory_space<vmem>>) offsets(%dma_start3A_1262 : memref<128xi32, #tpu.memory_space<vmem>>) semaphore(%arg19 : memref<!tpu.dma_semaphore, #tpu.memory_space<semaphore_mem>>)
      %dma_start3A_1266 = arith.constant 1408 : i32
      %dma_start3A_1267 = arith.constant 0 : i32
      %dma_start3A_1268 = tpu.memref_slice %arg12[%dma_start3A_1266, %dma_start3A_1267] : memref<2048x8xi32, #tpu.memory_space<vmem>> -> memref<128x8xi32, #tpu.memory_space<vmem>>
      %dma_start3A_1269 = arith.constant 1408 : i32
      %dma_start3A_1270 = tpu.memref_slice %arg8[%dma_start3A_1269] : memref<2048xi32, #tpu.memory_space<vmem>> -> memref<128xi32, #tpu.memory_space<vmem>>
      %dma_start3A_1271 = arith.constant 0 : i32
      %dma_start3A_1272 = arith.constant 0 : i32
      %dma_start3A_1273 = tpu.memref_slice %arg2[%dma_start3A_1271, %dma_start3A_1272] : memref<100000x8xi32, #tpu.memory_space<hbm>> -> memref<100000x8xi32, #tpu.memory_space<hbm>>
      tpu.enqueue_indirect_dma source(%dma_start3A_1273 : memref<100000x8xi32, #tpu.memory_space<hbm>>) target(%dma_start3A_1268 : memref<128x8xi32, #tpu.memory_space<vmem>>) offsets(%dma_start3A_1270 : memref<128xi32, #tpu.memory_space<vmem>>) semaphore(%arg19 : memref<!tpu.dma_semaphore, #tpu.memory_space<semaphore_mem>>)
      %dma_start3A_1274 = arith.constant 1536 : i32
      %dma_start3A_1275 = arith.constant 0 : i32
      %dma_start3A_1276 = tpu.memref_slice %arg11[%dma_start3A_1274, %dma_start3A_1275] : memref<2048x8xi32, #tpu.memory_space<vmem>> -> memref<128x8xi32, #tpu.memory_space<vmem>>
      %dma_start3A_1277 = arith.constant 1536 : i32
      %dma_start3A_1278 = tpu.memref_slice %arg7[%dma_start3A_1277] : memref<2048xi32, #tpu.memory_space<vmem>> -> memref<128xi32, #tpu.memory_space<vmem>>
      %dma_start3A_1279 = arith.constant 0 : i32
      %dma_start3A_1280 = arith.constant 0 : i32
      %dma_start3A_1281 = tpu.memref_slice %arg2[%dma_start3A_1279, %dma_start3A_1280] : memref<100000x8xi32, #tpu.memory_space<hbm>> -> memref<100000x8xi32, #tpu.memory_space<hbm>>
      tpu.enqueue_indirect_dma source(%dma_start3A_1281 : memref<100000x8xi32, #tpu.memory_space<hbm>>) target(%dma_start3A_1276 : memref<128x8xi32, #tpu.memory_space<vmem>>) offsets(%dma_start3A_1278 : memref<128xi32, #tpu.memory_space<vmem>>) semaphore(%arg19 : memref<!tpu.dma_semaphore, #tpu.memory_space<semaphore_mem>>)
      %dma_start3A_1282 = arith.constant 1536 : i32
      %dma_start3A_1283 = arith.constant 0 : i32
      %dma_start3A_1284 = tpu.memref_slice %arg12[%dma_start3A_1282, %dma_start3A_1283] : memref<2048x8xi32, #tpu.memory_space<vmem>> -> memref<128x8xi32, #tpu.memory_space<vmem>>
      %dma_start3A_1285 = arith.constant 1536 : i32
      %dma_start3A_1286 = tpu.memref_slice %arg8[%dma_start3A_1285] : memref<2048xi32, #tpu.memory_space<vmem>> -> memref<128xi32, #tpu.memory_space<vmem>>
      %dma_start3A_1287 = arith.constant 0 : i32
      %dma_start3A_1288 = arith.constant 0 : i32
      %dma_start3A_1289 = tpu.memref_slice %arg2[%dma_start3A_1287, %dma_start3A_1288] : memref<100000x8xi32, #tpu.memory_space<hbm>> -> memref<100000x8xi32, #tpu.memory_space<hbm>>
      tpu.enqueue_indirect_dma source(%dma_start3A_1289 : memref<100000x8xi32, #tpu.memory_space<hbm>>) target(%dma_start3A_1284 : memref<128x8xi32, #tpu.memory_space<vmem>>) offsets(%dma_start3A_1286 : memref<128xi32, #tpu.memory_space<vmem>>) semaphore(%arg19 : memref<!tpu.dma_semaphore, #tpu.memory_space<semaphore_mem>>)
      %dma_start3A_1290 = arith.constant 1664 : i32
      %dma_start3A_1291 = arith.constant 0 : i32
      %dma_start3A_1292 = tpu.memref_slice %arg11[%dma_start3A_1290, %dma_start3A_1291] : memref<2048x8xi32, #tpu.memory_space<vmem>> -> memref<128x8xi32, #tpu.memory_space<vmem>>
      %dma_start3A_1293 = arith.constant 1664 : i32
      %dma_start3A_1294 = tpu.memref_slice %arg7[%dma_start3A_1293] : memref<2048xi32, #tpu.memory_space<vmem>> -> memref<128xi32, #tpu.memory_space<vmem>>
      %dma_start3A_1295 = arith.constant 0 : i32
      %dma_start3A_1296 = arith.constant 0 : i32
      %dma_start3A_1297 = tpu.memref_slice %arg2[%dma_start3A_1295, %dma_start3A_1296] : memref<100000x8xi32, #tpu.memory_space<hbm>> -> memref<100000x8xi32, #tpu.memory_space<hbm>>
      tpu.enqueue_indirect_dma source(%dma_start3A_1297 : memref<100000x8xi32, #tpu.memory_space<hbm>>) target(%dma_start3A_1292 : memref<128x8xi32, #tpu.memory_space<vmem>>) offsets(%dma_start3A_1294 : memref<128xi32, #tpu.memory_space<vmem>>) semaphore(%arg19 : memref<!tpu.dma_semaphore, #tpu.memory_space<semaphore_mem>>)
      %dma_start3A_1298 = arith.constant 1664 : i32
      %dma_start3A_1299 = arith.constant 0 : i32
      %dma_start3A_1300 = tpu.memref_slice %arg12[%dma_start3A_1298, %dma_start3A_1299] : memref<2048x8xi32, #tpu.memory_space<vmem>> -> memref<128x8xi32, #tpu.memory_space<vmem>>
      %dma_start3A_1301 = arith.constant 1664 : i32
      %dma_start3A_1302 = tpu.memref_slice %arg8[%dma_start3A_1301] : memref<2048xi32, #tpu.memory_space<vmem>> -> memref<128xi32, #tpu.memory_space<vmem>>
      %dma_start3A_1303 = arith.constant 0 : i32
      %dma_start3A_1304 = arith.constant 0 : i32
      %dma_start3A_1305 = tpu.memref_slice %arg2[%dma_start3A_1303, %dma_start3A_1304] : memref<100000x8xi32, #tpu.memory_space<hbm>> -> memref<100000x8xi32, #tpu.memory_space<hbm>>
      tpu.enqueue_indirect_dma source(%dma_start3A_1305 : memref<100000x8xi32, #tpu.memory_space<hbm>>) target(%dma_start3A_1300 : memref<128x8xi32, #tpu.memory_space<vmem>>) offsets(%dma_start3A_1302 : memref<128xi32, #tpu.memory_space<vmem>>) semaphore(%arg19 : memref<!tpu.dma_semaphore, #tpu.memory_space<semaphore_mem>>)
      %dma_start3A_1306 = arith.constant 1792 : i32
      %dma_start3A_1307 = arith.constant 0 : i32
      %dma_start3A_1308 = tpu.memref_slice %arg11[%dma_start3A_1306, %dma_start3A_1307] : memref<2048x8xi32, #tpu.memory_space<vmem>> -> memref<128x8xi32, #tpu.memory_space<vmem>>
      %dma_start3A_1309 = arith.constant 1792 : i32
      %dma_start3A_1310 = tpu.memref_slice %arg7[%dma_start3A_1309] : memref<2048xi32, #tpu.memory_space<vmem>> -> memref<128xi32, #tpu.memory_space<vmem>>
      %dma_start3A_1311 = arith.constant 0 : i32
      %dma_start3A_1312 = arith.constant 0 : i32
      %dma_start3A_1313 = tpu.memref_slice %arg2[%dma_start3A_1311, %dma_start3A_1312] : memref<100000x8xi32, #tpu.memory_space<hbm>> -> memref<100000x8xi32, #tpu.memory_space<hbm>>
      tpu.enqueue_indirect_dma source(%dma_start3A_1313 : memref<100000x8xi32, #tpu.memory_space<hbm>>) target(%dma_start3A_1308 : memref<128x8xi32, #tpu.memory_space<vmem>>) offsets(%dma_start3A_1310 : memref<128xi32, #tpu.memory_space<vmem>>) semaphore(%arg19 : memref<!tpu.dma_semaphore, #tpu.memory_space<semaphore_mem>>)
      %dma_start3A_1314 = arith.constant 1792 : i32
      %dma_start3A_1315 = arith.constant 0 : i32
      %dma_start3A_1316 = tpu.memref_slice %arg12[%dma_start3A_1314, %dma_start3A_1315] : memref<2048x8xi32, #tpu.memory_space<vmem>> -> memref<128x8xi32, #tpu.memory_space<vmem>>
      %dma_start3A_1317 = arith.constant 1792 : i32
      %dma_start3A_1318 = tpu.memref_slice %arg8[%dma_start3A_1317] : memref<2048xi32, #tpu.memory_space<vmem>> -> memref<128xi32, #tpu.memory_space<vmem>>
      %dma_start3A_1319 = arith.constant 0 : i32
      %dma_start3A_1320 = arith.constant 0 : i32
      %dma_start3A_1321 = tpu.memref_slice %arg2[%dma_start3A_1319, %dma_start3A_1320] : memref<100000x8xi32, #tpu.memory_space<hbm>> -> memref<100000x8xi32, #tpu.memory_space<hbm>>
      tpu.enqueue_indirect_dma source(%dma_start3A_1321 : memref<100000x8xi32, #tpu.memory_space<hbm>>) target(%dma_start3A_1316 : memref<128x8xi32, #tpu.memory_space<vmem>>) offsets(%dma_start3A_1318 : memref<128xi32, #tpu.memory_space<vmem>>) semaphore(%arg19 : memref<!tpu.dma_semaphore, #tpu.memory_space<semaphore_mem>>)
      %dma_start3A_1322 = arith.constant 1920 : i32
      %dma_start3A_1323 = arith.constant 0 : i32
      %dma_start3A_1324 = tpu.memref_slice %arg11[%dma_start3A_1322, %dma_start3A_1323] : memref<2048x8xi32, #tpu.memory_space<vmem>> -> memref<128x8xi32, #tpu.memory_space<vmem>>
      %dma_start3A_1325 = arith.constant 1920 : i32
      %dma_start3A_1326 = tpu.memref_slice %arg7[%dma_start3A_1325] : memref<2048xi32, #tpu.memory_space<vmem>> -> memref<128xi32, #tpu.memory_space<vmem>>
      %dma_start3A_1327 = arith.constant 0 : i32
      %dma_start3A_1328 = arith.constant 0 : i32
      %dma_start3A_1329 = tpu.memref_slice %arg2[%dma_start3A_1327, %dma_start3A_1328] : memref<100000x8xi32, #tpu.memory_space<hbm>> -> memref<100000x8xi32, #tpu.memory_space<hbm>>
      tpu.enqueue_indirect_dma source(%dma_start3A_1329 : memref<100000x8xi32, #tpu.memory_space<hbm>>) target(%dma_start3A_1324 : memref<128x8xi32, #tpu.memory_space<vmem>>) offsets(%dma_start3A_1326 : memref<128xi32, #tpu.memory_space<vmem>>) semaphore(%arg19 : memref<!tpu.dma_semaphore, #tpu.memory_space<semaphore_mem>>)
      %dma_start3A_1330 = arith.constant 1920 : i32
      %dma_start3A_1331 = arith.constant 0 : i32
      %dma_start3A_1332 = tpu.memref_slice %arg12[%dma_start3A_1330, %dma_start3A_1331] : memref<2048x8xi32, #tpu.memory_space<vmem>> -> memref<128x8xi32, #tpu.memory_space<vmem>>
      %dma_start3A_1333 = arith.constant 1920 : i32
      %dma_start3A_1334 = tpu.memref_slice %arg8[%dma_start3A_1333] : memref<2048xi32, #tpu.memory_space<vmem>> -> memref<128xi32, #tpu.memory_space<vmem>>
      %dma_start3A_1335 = arith.constant 0 : i32
      %dma_start3A_1336 = arith.constant 0 : i32
      %dma_start3A_1337 = tpu.memref_slice %arg2[%dma_start3A_1335, %dma_start3A_1336] : memref<100000x8xi32, #tpu.memory_space<hbm>> -> memref<100000x8xi32, #tpu.memory_space<hbm>>
      tpu.enqueue_indirect_dma source(%dma_start3A_1337 : memref<100000x8xi32, #tpu.memory_space<hbm>>) target(%dma_start3A_1332 : memref<128x8xi32, #tpu.memory_space<vmem>>) offsets(%dma_start3A_1334 : memref<128xi32, #tpu.memory_space<vmem>>) semaphore(%arg19 : memref<!tpu.dma_semaphore, #tpu.memory_space<semaphore_mem>>)
      %dma_wait3A_1338 = arith.constant 0 : i32
      %dma_wait3A_1339 = arith.constant 0 : i32
      %dma_wait3A_1340 = tpu.memref_slice %arg13[%dma_wait3A_1338, %dma_wait3A_1339] : memref<2048x8xi32, #tpu.memory_space<vmem>> -> memref<128x8xi32, #tpu.memory_space<vmem>>
      %dma_wait3A_1341 = arith.constant 0 : i32
      %dma_wait3A_1342 = tpu.memref_slice %arg9[%dma_wait3A_1341] : memref<2048xi32, #tpu.memory_space<vmem>> -> memref<128xi32, #tpu.memory_space<vmem>>
      %dma_wait3A_1343 = arith.constant 0 : i32
      %dma_wait3A_1344 = arith.constant 0 : i32
      %dma_wait3A_1345 = tpu.memref_slice %arg2[%dma_wait3A_1343, %dma_wait3A_1344] : memref<100000x8xi32, #tpu.memory_space<hbm>> -> memref<100000x8xi32, #tpu.memory_space<hbm>>
      tpu.wait_indirect_dma semaphore(%arg20 : memref<!tpu.dma_semaphore, #tpu.memory_space<semaphore_mem>>) src(%dma_wait3A_1345 : memref<100000x8xi32, #tpu.memory_space<hbm>>) dst(%dma_wait3A_1340 : memref<128x8xi32, #tpu.memory_space<vmem>>)
      %dma_wait3A_1346 = arith.constant 0 : i32
      %dma_wait3A_1347 = arith.constant 0 : i32
      %dma_wait3A_1348 = tpu.memref_slice %arg14[%dma_wait3A_1346, %dma_wait3A_1347] : memref<2048x8xi32, #tpu.memory_space<vmem>> -> memref<128x8xi32, #tpu.memory_space<vmem>>
      %dma_wait3A_1349 = arith.constant 0 : i32
      %dma_wait3A_1350 = tpu.memref_slice %arg10[%dma_wait3A_1349] : memref<2048xi32, #tpu.memory_space<vmem>> -> memref<128xi32, #tpu.memory_space<vmem>>
      %dma_wait3A_1351 = arith.constant 0 : i32
      %dma_wait3A_1352 = arith.constant 0 : i32
      %dma_wait3A_1353 = tpu.memref_slice %arg2[%dma_wait3A_1351, %dma_wait3A_1352] : memref<100000x8xi32, #tpu.memory_space<hbm>> -> memref<100000x8xi32, #tpu.memory_space<hbm>>
      tpu.wait_indirect_dma semaphore(%arg20 : memref<!tpu.dma_semaphore, #tpu.memory_space<semaphore_mem>>) src(%dma_wait3A_1353 : memref<100000x8xi32, #tpu.memory_space<hbm>>) dst(%dma_wait3A_1348 : memref<128x8xi32, #tpu.memory_space<vmem>>)
      %dma_wait3A_1354 = arith.constant 128 : i32
      %dma_wait3A_1355 = arith.constant 0 : i32
      %dma_wait3A_1356 = tpu.memref_slice %arg13[%dma_wait3A_1354, %dma_wait3A_1355] : memref<2048x8xi32, #tpu.memory_space<vmem>> -> memref<128x8xi32, #tpu.memory_space<vmem>>
      %dma_wait3A_1357 = arith.constant 128 : i32
      %dma_wait3A_1358 = tpu.memref_slice %arg9[%dma_wait3A_1357] : memref<2048xi32, #tpu.memory_space<vmem>> -> memref<128xi32, #tpu.memory_space<vmem>>
      %dma_wait3A_1359 = arith.constant 0 : i32
      %dma_wait3A_1360 = arith.constant 0 : i32
      %dma_wait3A_1361 = tpu.memref_slice %arg2[%dma_wait3A_1359, %dma_wait3A_1360] : memref<100000x8xi32, #tpu.memory_space<hbm>> -> memref<100000x8xi32, #tpu.memory_space<hbm>>
      tpu.wait_indirect_dma semaphore(%arg20 : memref<!tpu.dma_semaphore, #tpu.memory_space<semaphore_mem>>) src(%dma_wait3A_1361 : memref<100000x8xi32, #tpu.memory_space<hbm>>) dst(%dma_wait3A_1356 : memref<128x8xi32, #tpu.memory_space<vmem>>)
      %dma_wait3A_1362 = arith.constant 128 : i32
      %dma_wait3A_1363 = arith.constant 0 : i32
      %dma_wait3A_1364 = tpu.memref_slice %arg14[%dma_wait3A_1362, %dma_wait3A_1363] : memref<2048x8xi32, #tpu.memory_space<vmem>> -> memref<128x8xi32, #tpu.memory_space<vmem>>
      %dma_wait3A_1365 = arith.constant 128 : i32
      %dma_wait3A_1366 = tpu.memref_slice %arg10[%dma_wait3A_1365] : memref<2048xi32, #tpu.memory_space<vmem>> -> memref<128xi32, #tpu.memory_space<vmem>>
      %dma_wait3A_1367 = arith.constant 0 : i32
      %dma_wait3A_1368 = arith.constant 0 : i32
      %dma_wait3A_1369 = tpu.memref_slice %arg2[%dma_wait3A_1367, %dma_wait3A_1368] : memref<100000x8xi32, #tpu.memory_space<hbm>> -> memref<100000x8xi32, #tpu.memory_space<hbm>>
      tpu.wait_indirect_dma semaphore(%arg20 : memref<!tpu.dma_semaphore, #tpu.memory_space<semaphore_mem>>) src(%dma_wait3A_1369 : memref<100000x8xi32, #tpu.memory_space<hbm>>) dst(%dma_wait3A_1364 : memref<128x8xi32, #tpu.memory_space<vmem>>)
      %dma_wait3A_1370 = arith.constant 256 : i32
      %dma_wait3A_1371 = arith.constant 0 : i32
      %dma_wait3A_1372 = tpu.memref_slice %arg13[%dma_wait3A_1370, %dma_wait3A_1371] : memref<2048x8xi32, #tpu.memory_space<vmem>> -> memref<128x8xi32, #tpu.memory_space<vmem>>
      %dma_wait3A_1373 = arith.constant 256 : i32
      %dma_wait3A_1374 = tpu.memref_slice %arg9[%dma_wait3A_1373] : memref<2048xi32, #tpu.memory_space<vmem>> -> memref<128xi32, #tpu.memory_space<vmem>>
      %dma_wait3A_1375 = arith.constant 0 : i32
      %dma_wait3A_1376 = arith.constant 0 : i32
      %dma_wait3A_1377 = tpu.memref_slice %arg2[%dma_wait3A_1375, %dma_wait3A_1376] : memref<100000x8xi32, #tpu.memory_space<hbm>> -> memref<100000x8xi32, #tpu.memory_space<hbm>>
      tpu.wait_indirect_dma semaphore(%arg20 : memref<!tpu.dma_semaphore, #tpu.memory_space<semaphore_mem>>) src(%dma_wait3A_1377 : memref<100000x8xi32, #tpu.memory_space<hbm>>) dst(%dma_wait3A_1372 : memref<128x8xi32, #tpu.memory_space<vmem>>)
      %dma_wait3A_1378 = arith.constant 256 : i32
      %dma_wait3A_1379 = arith.constant 0 : i32
      %dma_wait3A_1380 = tpu.memref_slice %arg14[%dma_wait3A_1378, %dma_wait3A_1379] : memref<2048x8xi32, #tpu.memory_space<vmem>> -> memref<128x8xi32, #tpu.memory_space<vmem>>
      %dma_wait3A_1381 = arith.constant 256 : i32
      %dma_wait3A_1382 = tpu.memref_slice %arg10[%dma_wait3A_1381] : memref<2048xi32, #tpu.memory_space<vmem>> -> memref<128xi32, #tpu.memory_space<vmem>>
      %dma_wait3A_1383 = arith.constant 0 : i32
      %dma_wait3A_1384 = arith.constant 0 : i32
      %dma_wait3A_1385 = tpu.memref_slice %arg2[%dma_wait3A_1383, %dma_wait3A_1384] : memref<100000x8xi32, #tpu.memory_space<hbm>> -> memref<100000x8xi32, #tpu.memory_space<hbm>>
      tpu.wait_indirect_dma semaphore(%arg20 : memref<!tpu.dma_semaphore, #tpu.memory_space<semaphore_mem>>) src(%dma_wait3A_1385 : memref<100000x8xi32, #tpu.memory_space<hbm>>) dst(%dma_wait3A_1380 : memref<128x8xi32, #tpu.memory_space<vmem>>)
      %dma_wait3A_1386 = arith.constant 384 : i32
      %dma_wait3A_1387 = arith.constant 0 : i32
      %dma_wait3A_1388 = tpu.memref_slice %arg13[%dma_wait3A_1386, %dma_wait3A_1387] : memref<2048x8xi32, #tpu.memory_space<vmem>> -> memref<128x8xi32, #tpu.memory_space<vmem>>
      %dma_wait3A_1389 = arith.constant 384 : i32
      %dma_wait3A_1390 = tpu.memref_slice %arg9[%dma_wait3A_1389] : memref<2048xi32, #tpu.memory_space<vmem>> -> memref<128xi32, #tpu.memory_space<vmem>>
      %dma_wait3A_1391 = arith.constant 0 : i32
      %dma_wait3A_1392 = arith.constant 0 : i32
      %dma_wait3A_1393 = tpu.memref_slice %arg2[%dma_wait3A_1391, %dma_wait3A_1392] : memref<100000x8xi32, #tpu.memory_space<hbm>> -> memref<100000x8xi32, #tpu.memory_space<hbm>>
      tpu.wait_indirect_dma semaphore(%arg20 : memref<!tpu.dma_semaphore, #tpu.memory_space<semaphore_mem>>) src(%dma_wait3A_1393 : memref<100000x8xi32, #tpu.memory_space<hbm>>) dst(%dma_wait3A_1388 : memref<128x8xi32, #tpu.memory_space<vmem>>)
      %dma_wait3A_1394 = arith.constant 384 : i32
      %dma_wait3A_1395 = arith.constant 0 : i32
      %dma_wait3A_1396 = tpu.memref_slice %arg14[%dma_wait3A_1394, %dma_wait3A_1395] : memref<2048x8xi32, #tpu.memory_space<vmem>> -> memref<128x8xi32, #tpu.memory_space<vmem>>
      %dma_wait3A_1397 = arith.constant 384 : i32
      %dma_wait3A_1398 = tpu.memref_slice %arg10[%dma_wait3A_1397] : memref<2048xi32, #tpu.memory_space<vmem>> -> memref<128xi32, #tpu.memory_space<vmem>>
      %dma_wait3A_1399 = arith.constant 0 : i32
      %dma_wait3A_1400 = arith.constant 0 : i32
      %dma_wait3A_1401 = tpu.memref_slice %arg2[%dma_wait3A_1399, %dma_wait3A_1400] : memref<100000x8xi32, #tpu.memory_space<hbm>> -> memref<100000x8xi32, #tpu.memory_space<hbm>>
      tpu.wait_indirect_dma semaphore(%arg20 : memref<!tpu.dma_semaphore, #tpu.memory_space<semaphore_mem>>) src(%dma_wait3A_1401 : memref<100000x8xi32, #tpu.memory_space<hbm>>) dst(%dma_wait3A_1396 : memref<128x8xi32, #tpu.memory_space<vmem>>)
      %dma_wait3A_1402 = arith.constant 512 : i32
      %dma_wait3A_1403 = arith.constant 0 : i32
      %dma_wait3A_1404 = tpu.memref_slice %arg13[%dma_wait3A_1402, %dma_wait3A_1403] : memref<2048x8xi32, #tpu.memory_space<vmem>> -> memref<128x8xi32, #tpu.memory_space<vmem>>
      %dma_wait3A_1405 = arith.constant 512 : i32
      %dma_wait3A_1406 = tpu.memref_slice %arg9[%dma_wait3A_1405] : memref<2048xi32, #tpu.memory_space<vmem>> -> memref<128xi32, #tpu.memory_space<vmem>>
      %dma_wait3A_1407 = arith.constant 0 : i32
      %dma_wait3A_1408 = arith.constant 0 : i32
      %dma_wait3A_1409 = tpu.memref_slice %arg2[%dma_wait3A_1407, %dma_wait3A_1408] : memref<100000x8xi32, #tpu.memory_space<hbm>> -> memref<100000x8xi32, #tpu.memory_space<hbm>>
      tpu.wait_indirect_dma semaphore(%arg20 : memref<!tpu.dma_semaphore, #tpu.memory_space<semaphore_mem>>) src(%dma_wait3A_1409 : memref<100000x8xi32, #tpu.memory_space<hbm>>) dst(%dma_wait3A_1404 : memref<128x8xi32, #tpu.memory_space<vmem>>)
      %dma_wait3A_1410 = arith.constant 512 : i32
      %dma_wait3A_1411 = arith.constant 0 : i32
      %dma_wait3A_1412 = tpu.memref_slice %arg14[%dma_wait3A_1410, %dma_wait3A_1411] : memref<2048x8xi32, #tpu.memory_space<vmem>> -> memref<128x8xi32, #tpu.memory_space<vmem>>
      %dma_wait3A_1413 = arith.constant 512 : i32
      %dma_wait3A_1414 = tpu.memref_slice %arg10[%dma_wait3A_1413] : memref<2048xi32, #tpu.memory_space<vmem>> -> memref<128xi32, #tpu.memory_space<vmem>>
      %dma_wait3A_1415 = arith.constant 0 : i32
      %dma_wait3A_1416 = arith.constant 0 : i32
      %dma_wait3A_1417 = tpu.memref_slice %arg2[%dma_wait3A_1415, %dma_wait3A_1416] : memref<100000x8xi32, #tpu.memory_space<hbm>> -> memref<100000x8xi32, #tpu.memory_space<hbm>>
      tpu.wait_indirect_dma semaphore(%arg20 : memref<!tpu.dma_semaphore, #tpu.memory_space<semaphore_mem>>) src(%dma_wait3A_1417 : memref<100000x8xi32, #tpu.memory_space<hbm>>) dst(%dma_wait3A_1412 : memref<128x8xi32, #tpu.memory_space<vmem>>)
      %dma_wait3A_1418 = arith.constant 640 : i32
      %dma_wait3A_1419 = arith.constant 0 : i32
      %dma_wait3A_1420 = tpu.memref_slice %arg13[%dma_wait3A_1418, %dma_wait3A_1419] : memref<2048x8xi32, #tpu.memory_space<vmem>> -> memref<128x8xi32, #tpu.memory_space<vmem>>
      %dma_wait3A_1421 = arith.constant 640 : i32
      %dma_wait3A_1422 = tpu.memref_slice %arg9[%dma_wait3A_1421] : memref<2048xi32, #tpu.memory_space<vmem>> -> memref<128xi32, #tpu.memory_space<vmem>>
      %dma_wait3A_1423 = arith.constant 0 : i32
      %dma_wait3A_1424 = arith.constant 0 : i32
      %dma_wait3A_1425 = tpu.memref_slice %arg2[%dma_wait3A_1423, %dma_wait3A_1424] : memref<100000x8xi32, #tpu.memory_space<hbm>> -> memref<100000x8xi32, #tpu.memory_space<hbm>>
      tpu.wait_indirect_dma semaphore(%arg20 : memref<!tpu.dma_semaphore, #tpu.memory_space<semaphore_mem>>) src(%dma_wait3A_1425 : memref<100000x8xi32, #tpu.memory_space<hbm>>) dst(%dma_wait3A_1420 : memref<128x8xi32, #tpu.memory_space<vmem>>)
      %dma_wait3A_1426 = arith.constant 640 : i32
      %dma_wait3A_1427 = arith.constant 0 : i32
      %dma_wait3A_1428 = tpu.memref_slice %arg14[%dma_wait3A_1426, %dma_wait3A_1427] : memref<2048x8xi32, #tpu.memory_space<vmem>> -> memref<128x8xi32, #tpu.memory_space<vmem>>
      %dma_wait3A_1429 = arith.constant 640 : i32
      %dma_wait3A_1430 = tpu.memref_slice %arg10[%dma_wait3A_1429] : memref<2048xi32, #tpu.memory_space<vmem>> -> memref<128xi32, #tpu.memory_space<vmem>>
      %dma_wait3A_1431 = arith.constant 0 : i32
      %dma_wait3A_1432 = arith.constant 0 : i32
      %dma_wait3A_1433 = tpu.memref_slice %arg2[%dma_wait3A_1431, %dma_wait3A_1432] : memref<100000x8xi32, #tpu.memory_space<hbm>> -> memref<100000x8xi32, #tpu.memory_space<hbm>>
      tpu.wait_indirect_dma semaphore(%arg20 : memref<!tpu.dma_semaphore, #tpu.memory_space<semaphore_mem>>) src(%dma_wait3A_1433 : memref<100000x8xi32, #tpu.memory_space<hbm>>) dst(%dma_wait3A_1428 : memref<128x8xi32, #tpu.memory_space<vmem>>)
      %dma_wait3A_1434 = arith.constant 768 : i32
      %dma_wait3A_1435 = arith.constant 0 : i32
      %dma_wait3A_1436 = tpu.memref_slice %arg13[%dma_wait3A_1434, %dma_wait3A_1435] : memref<2048x8xi32, #tpu.memory_space<vmem>> -> memref<128x8xi32, #tpu.memory_space<vmem>>
      %dma_wait3A_1437 = arith.constant 768 : i32
      %dma_wait3A_1438 = tpu.memref_slice %arg9[%dma_wait3A_1437] : memref<2048xi32, #tpu.memory_space<vmem>> -> memref<128xi32, #tpu.memory_space<vmem>>
      %dma_wait3A_1439 = arith.constant 0 : i32
      %dma_wait3A_1440 = arith.constant 0 : i32
      %dma_wait3A_1441 = tpu.memref_slice %arg2[%dma_wait3A_1439, %dma_wait3A_1440] : memref<100000x8xi32, #tpu.memory_space<hbm>> -> memref<100000x8xi32, #tpu.memory_space<hbm>>
      tpu.wait_indirect_dma semaphore(%arg20 : memref<!tpu.dma_semaphore, #tpu.memory_space<semaphore_mem>>) src(%dma_wait3A_1441 : memref<100000x8xi32, #tpu.memory_space<hbm>>) dst(%dma_wait3A_1436 : memref<128x8xi32, #tpu.memory_space<vmem>>)
      %dma_wait3A_1442 = arith.constant 768 : i32
      %dma_wait3A_1443 = arith.constant 0 : i32
      %dma_wait3A_1444 = tpu.memref_slice %arg14[%dma_wait3A_1442, %dma_wait3A_1443] : memref<2048x8xi32, #tpu.memory_space<vmem>> -> memref<128x8xi32, #tpu.memory_space<vmem>>
      %dma_wait3A_1445 = arith.constant 768 : i32
      %dma_wait3A_1446 = tpu.memref_slice %arg10[%dma_wait3A_1445] : memref<2048xi32, #tpu.memory_space<vmem>> -> memref<128xi32, #tpu.memory_space<vmem>>
      %dma_wait3A_1447 = arith.constant 0 : i32
      %dma_wait3A_1448 = arith.constant 0 : i32
      %dma_wait3A_1449 = tpu.memref_slice %arg2[%dma_wait3A_1447, %dma_wait3A_1448] : memref<100000x8xi32, #tpu.memory_space<hbm>> -> memref<100000x8xi32, #tpu.memory_space<hbm>>
      tpu.wait_indirect_dma semaphore(%arg20 : memref<!tpu.dma_semaphore, #tpu.memory_space<semaphore_mem>>) src(%dma_wait3A_1449 : memref<100000x8xi32, #tpu.memory_space<hbm>>) dst(%dma_wait3A_1444 : memref<128x8xi32, #tpu.memory_space<vmem>>)
      %dma_wait3A_1450 = arith.constant 896 : i32
      %dma_wait3A_1451 = arith.constant 0 : i32
      %dma_wait3A_1452 = tpu.memref_slice %arg13[%dma_wait3A_1450, %dma_wait3A_1451] : memref<2048x8xi32, #tpu.memory_space<vmem>> -> memref<128x8xi32, #tpu.memory_space<vmem>>
      %dma_wait3A_1453 = arith.constant 896 : i32
      %dma_wait3A_1454 = tpu.memref_slice %arg9[%dma_wait3A_1453] : memref<2048xi32, #tpu.memory_space<vmem>> -> memref<128xi32, #tpu.memory_space<vmem>>
      %dma_wait3A_1455 = arith.constant 0 : i32
      %dma_wait3A_1456 = arith.constant 0 : i32
      %dma_wait3A_1457 = tpu.memref_slice %arg2[%dma_wait3A_1455, %dma_wait3A_1456] : memref<100000x8xi32, #tpu.memory_space<hbm>> -> memref<100000x8xi32, #tpu.memory_space<hbm>>
      tpu.wait_indirect_dma semaphore(%arg20 : memref<!tpu.dma_semaphore, #tpu.memory_space<semaphore_mem>>) src(%dma_wait3A_1457 : memref<100000x8xi32, #tpu.memory_space<hbm>>) dst(%dma_wait3A_1452 : memref<128x8xi32, #tpu.memory_space<vmem>>)
      %dma_wait3A_1458 = arith.constant 896 : i32
      %dma_wait3A_1459 = arith.constant 0 : i32
      %dma_wait3A_1460 = tpu.memref_slice %arg14[%dma_wait3A_1458, %dma_wait3A_1459] : memref<2048x8xi32, #tpu.memory_space<vmem>> -> memref<128x8xi32, #tpu.memory_space<vmem>>
      %dma_wait3A_1461 = arith.constant 896 : i32
      %dma_wait3A_1462 = tpu.memref_slice %arg10[%dma_wait3A_1461] : memref<2048xi32, #tpu.memory_space<vmem>> -> memref<128xi32, #tpu.memory_space<vmem>>
      %dma_wait3A_1463 = arith.constant 0 : i32
      %dma_wait3A_1464 = arith.constant 0 : i32
      %dma_wait3A_1465 = tpu.memref_slice %arg2[%dma_wait3A_1463, %dma_wait3A_1464] : memref<100000x8xi32, #tpu.memory_space<hbm>> -> memref<100000x8xi32, #tpu.memory_space<hbm>>
      tpu.wait_indirect_dma semaphore(%arg20 : memref<!tpu.dma_semaphore, #tpu.memory_space<semaphore_mem>>) src(%dma_wait3A_1465 : memref<100000x8xi32, #tpu.memory_space<hbm>>) dst(%dma_wait3A_1460 : memref<128x8xi32, #tpu.memory_space<vmem>>)
      %dma_wait3A_1466 = arith.constant 1024 : i32
      %dma_wait3A_1467 = arith.constant 0 : i32
      %dma_wait3A_1468 = tpu.memref_slice %arg13[%dma_wait3A_1466, %dma_wait3A_1467] : memref<2048x8xi32, #tpu.memory_space<vmem>> -> memref<128x8xi32, #tpu.memory_space<vmem>>
      %dma_wait3A_1469 = arith.constant 1024 : i32
      %dma_wait3A_1470 = tpu.memref_slice %arg9[%dma_wait3A_1469] : memref<2048xi32, #tpu.memory_space<vmem>> -> memref<128xi32, #tpu.memory_space<vmem>>
      %dma_wait3A_1471 = arith.constant 0 : i32
      %dma_wait3A_1472 = arith.constant 0 : i32
      %dma_wait3A_1473 = tpu.memref_slice %arg2[%dma_wait3A_1471, %dma_wait3A_1472] : memref<100000x8xi32, #tpu.memory_space<hbm>> -> memref<100000x8xi32, #tpu.memory_space<hbm>>
      tpu.wait_indirect_dma semaphore(%arg20 : memref<!tpu.dma_semaphore, #tpu.memory_space<semaphore_mem>>) src(%dma_wait3A_1473 : memref<100000x8xi32, #tpu.memory_space<hbm>>) dst(%dma_wait3A_1468 : memref<128x8xi32, #tpu.memory_space<vmem>>)
      %dma_wait3A_1474 = arith.constant 1024 : i32
      %dma_wait3A_1475 = arith.constant 0 : i32
      %dma_wait3A_1476 = tpu.memref_slice %arg14[%dma_wait3A_1474, %dma_wait3A_1475] : memref<2048x8xi32, #tpu.memory_space<vmem>> -> memref<128x8xi32, #tpu.memory_space<vmem>>
      %dma_wait3A_1477 = arith.constant 1024 : i32
      %dma_wait3A_1478 = tpu.memref_slice %arg10[%dma_wait3A_1477] : memref<2048xi32, #tpu.memory_space<vmem>> -> memref<128xi32, #tpu.memory_space<vmem>>
      %dma_wait3A_1479 = arith.constant 0 : i32
      %dma_wait3A_1480 = arith.constant 0 : i32
      %dma_wait3A_1481 = tpu.memref_slice %arg2[%dma_wait3A_1479, %dma_wait3A_1480] : memref<100000x8xi32, #tpu.memory_space<hbm>> -> memref<100000x8xi32, #tpu.memory_space<hbm>>
      tpu.wait_indirect_dma semaphore(%arg20 : memref<!tpu.dma_semaphore, #tpu.memory_space<semaphore_mem>>) src(%dma_wait3A_1481 : memref<100000x8xi32, #tpu.memory_space<hbm>>) dst(%dma_wait3A_1476 : memref<128x8xi32, #tpu.memory_space<vmem>>)
      %dma_wait3A_1482 = arith.constant 1152 : i32
      %dma_wait3A_1483 = arith.constant 0 : i32
      %dma_wait3A_1484 = tpu.memref_slice %arg13[%dma_wait3A_1482, %dma_wait3A_1483] : memref<2048x8xi32, #tpu.memory_space<vmem>> -> memref<128x8xi32, #tpu.memory_space<vmem>>
      %dma_wait3A_1485 = arith.constant 1152 : i32
      %dma_wait3A_1486 = tpu.memref_slice %arg9[%dma_wait3A_1485] : memref<2048xi32, #tpu.memory_space<vmem>> -> memref<128xi32, #tpu.memory_space<vmem>>
      %dma_wait3A_1487 = arith.constant 0 : i32
      %dma_wait3A_1488 = arith.constant 0 : i32
      %dma_wait3A_1489 = tpu.memref_slice %arg2[%dma_wait3A_1487, %dma_wait3A_1488] : memref<100000x8xi32, #tpu.memory_space<hbm>> -> memref<100000x8xi32, #tpu.memory_space<hbm>>
      tpu.wait_indirect_dma semaphore(%arg20 : memref<!tpu.dma_semaphore, #tpu.memory_space<semaphore_mem>>) src(%dma_wait3A_1489 : memref<100000x8xi32, #tpu.memory_space<hbm>>) dst(%dma_wait3A_1484 : memref<128x8xi32, #tpu.memory_space<vmem>>)
      %dma_wait3A_1490 = arith.constant 1152 : i32
      %dma_wait3A_1491 = arith.constant 0 : i32
      %dma_wait3A_1492 = tpu.memref_slice %arg14[%dma_wait3A_1490, %dma_wait3A_1491] : memref<2048x8xi32, #tpu.memory_space<vmem>> -> memref<128x8xi32, #tpu.memory_space<vmem>>
      %dma_wait3A_1493 = arith.constant 1152 : i32
      %dma_wait3A_1494 = tpu.memref_slice %arg10[%dma_wait3A_1493] : memref<2048xi32, #tpu.memory_space<vmem>> -> memref<128xi32, #tpu.memory_space<vmem>>
      %dma_wait3A_1495 = arith.constant 0 : i32
      %dma_wait3A_1496 = arith.constant 0 : i32
      %dma_wait3A_1497 = tpu.memref_slice %arg2[%dma_wait3A_1495, %dma_wait3A_1496] : memref<100000x8xi32, #tpu.memory_space<hbm>> -> memref<100000x8xi32, #tpu.memory_space<hbm>>
      tpu.wait_indirect_dma semaphore(%arg20 : memref<!tpu.dma_semaphore, #tpu.memory_space<semaphore_mem>>) src(%dma_wait3A_1497 : memref<100000x8xi32, #tpu.memory_space<hbm>>) dst(%dma_wait3A_1492 : memref<128x8xi32, #tpu.memory_space<vmem>>)
      %dma_wait3A_1498 = arith.constant 1280 : i32
      %dma_wait3A_1499 = arith.constant 0 : i32
      %dma_wait3A_1500 = tpu.memref_slice %arg13[%dma_wait3A_1498, %dma_wait3A_1499] : memref<2048x8xi32, #tpu.memory_space<vmem>> -> memref<128x8xi32, #tpu.memory_space<vmem>>
      %dma_wait3A_1501 = arith.constant 1280 : i32
      %dma_wait3A_1502 = tpu.memref_slice %arg9[%dma_wait3A_1501] : memref<2048xi32, #tpu.memory_space<vmem>> -> memref<128xi32, #tpu.memory_space<vmem>>
      %dma_wait3A_1503 = arith.constant 0 : i32
      %dma_wait3A_1504 = arith.constant 0 : i32
      %dma_wait3A_1505 = tpu.memref_slice %arg2[%dma_wait3A_1503, %dma_wait3A_1504] : memref<100000x8xi32, #tpu.memory_space<hbm>> -> memref<100000x8xi32, #tpu.memory_space<hbm>>
      tpu.wait_indirect_dma semaphore(%arg20 : memref<!tpu.dma_semaphore, #tpu.memory_space<semaphore_mem>>) src(%dma_wait3A_1505 : memref<100000x8xi32, #tpu.memory_space<hbm>>) dst(%dma_wait3A_1500 : memref<128x8xi32, #tpu.memory_space<vmem>>)
      %dma_wait3A_1506 = arith.constant 1280 : i32
      %dma_wait3A_1507 = arith.constant 0 : i32
      %dma_wait3A_1508 = tpu.memref_slice %arg14[%dma_wait3A_1506, %dma_wait3A_1507] : memref<2048x8xi32, #tpu.memory_space<vmem>> -> memref<128x8xi32, #tpu.memory_space<vmem>>
      %dma_wait3A_1509 = arith.constant 1280 : i32
      %dma_wait3A_1510 = tpu.memref_slice %arg10[%dma_wait3A_1509] : memref<2048xi32, #tpu.memory_space<vmem>> -> memref<128xi32, #tpu.memory_space<vmem>>
      %dma_wait3A_1511 = arith.constant 0 : i32
      %dma_wait3A_1512 = arith.constant 0 : i32
      %dma_wait3A_1513 = tpu.memref_slice %arg2[%dma_wait3A_1511, %dma_wait3A_1512] : memref<100000x8xi32, #tpu.memory_space<hbm>> -> memref<100000x8xi32, #tpu.memory_space<hbm>>
      tpu.wait_indirect_dma semaphore(%arg20 : memref<!tpu.dma_semaphore, #tpu.memory_space<semaphore_mem>>) src(%dma_wait3A_1513 : memref<100000x8xi32, #tpu.memory_space<hbm>>) dst(%dma_wait3A_1508 : memref<128x8xi32, #tpu.memory_space<vmem>>)
      %dma_wait3A_1514 = arith.constant 1408 : i32
      %dma_wait3A_1515 = arith.constant 0 : i32
      %dma_wait3A_1516 = tpu.memref_slice %arg13[%dma_wait3A_1514, %dma_wait3A_1515] : memref<2048x8xi32, #tpu.memory_space<vmem>> -> memref<128x8xi32, #tpu.memory_space<vmem>>
      %dma_wait3A_1517 = arith.constant 1408 : i32
      %dma_wait3A_1518 = tpu.memref_slice %arg9[%dma_wait3A_1517] : memref<2048xi32, #tpu.memory_space<vmem>> -> memref<128xi32, #tpu.memory_space<vmem>>
      %dma_wait3A_1519 = arith.constant 0 : i32
      %dma_wait3A_1520 = arith.constant 0 : i32
      %dma_wait3A_1521 = tpu.memref_slice %arg2[%dma_wait3A_1519, %dma_wait3A_1520] : memref<100000x8xi32, #tpu.memory_space<hbm>> -> memref<100000x8xi32, #tpu.memory_space<hbm>>
      tpu.wait_indirect_dma semaphore(%arg20 : memref<!tpu.dma_semaphore, #tpu.memory_space<semaphore_mem>>) src(%dma_wait3A_1521 : memref<100000x8xi32, #tpu.memory_space<hbm>>) dst(%dma_wait3A_1516 : memref<128x8xi32, #tpu.memory_space<vmem>>)
      %dma_wait3A_1522 = arith.constant 1408 : i32
      %dma_wait3A_1523 = arith.constant 0 : i32
      %dma_wait3A_1524 = tpu.memref_slice %arg14[%dma_wait3A_1522, %dma_wait3A_1523] : memref<2048x8xi32, #tpu.memory_space<vmem>> -> memref<128x8xi32, #tpu.memory_space<vmem>>
      %dma_wait3A_1525 = arith.constant 1408 : i32
      %dma_wait3A_1526 = tpu.memref_slice %arg10[%dma_wait3A_1525] : memref<2048xi32, #tpu.memory_space<vmem>> -> memref<128xi32, #tpu.memory_space<vmem>>
      %dma_wait3A_1527 = arith.constant 0 : i32
      %dma_wait3A_1528 = arith.constant 0 : i32
      %dma_wait3A_1529 = tpu.memref_slice %arg2[%dma_wait3A_1527, %dma_wait3A_1528] : memref<100000x8xi32, #tpu.memory_space<hbm>> -> memref<100000x8xi32, #tpu.memory_space<hbm>>
      tpu.wait_indirect_dma semaphore(%arg20 : memref<!tpu.dma_semaphore, #tpu.memory_space<semaphore_mem>>) src(%dma_wait3A_1529 : memref<100000x8xi32, #tpu.memory_space<hbm>>) dst(%dma_wait3A_1524 : memref<128x8xi32, #tpu.memory_space<vmem>>)
      %dma_wait3A_1530 = arith.constant 1536 : i32
      %dma_wait3A_1531 = arith.constant 0 : i32
      %dma_wait3A_1532 = tpu.memref_slice %arg13[%dma_wait3A_1530, %dma_wait3A_1531] : memref<2048x8xi32, #tpu.memory_space<vmem>> -> memref<128x8xi32, #tpu.memory_space<vmem>>
      %dma_wait3A_1533 = arith.constant 1536 : i32
      %dma_wait3A_1534 = tpu.memref_slice %arg9[%dma_wait3A_1533] : memref<2048xi32, #tpu.memory_space<vmem>> -> memref<128xi32, #tpu.memory_space<vmem>>
      %dma_wait3A_1535 = arith.constant 0 : i32
      %dma_wait3A_1536 = arith.constant 0 : i32
      %dma_wait3A_1537 = tpu.memref_slice %arg2[%dma_wait3A_1535, %dma_wait3A_1536] : memref<100000x8xi32, #tpu.memory_space<hbm>> -> memref<100000x8xi32, #tpu.memory_space<hbm>>
      tpu.wait_indirect_dma semaphore(%arg20 : memref<!tpu.dma_semaphore, #tpu.memory_space<semaphore_mem>>) src(%dma_wait3A_1537 : memref<100000x8xi32, #tpu.memory_space<hbm>>) dst(%dma_wait3A_1532 : memref<128x8xi32, #tpu.memory_space<vmem>>)
      %dma_wait3A_1538 = arith.constant 1536 : i32
      %dma_wait3A_1539 = arith.constant 0 : i32
      %dma_wait3A_1540 = tpu.memref_slice %arg14[%dma_wait3A_1538, %dma_wait3A_1539] : memref<2048x8xi32, #tpu.memory_space<vmem>> -> memref<128x8xi32, #tpu.memory_space<vmem>>
      %dma_wait3A_1541 = arith.constant 1536 : i32
      %dma_wait3A_1542 = tpu.memref_slice %arg10[%dma_wait3A_1541] : memref<2048xi32, #tpu.memory_space<vmem>> -> memref<128xi32, #tpu.memory_space<vmem>>
      %dma_wait3A_1543 = arith.constant 0 : i32
      %dma_wait3A_1544 = arith.constant 0 : i32
      %dma_wait3A_1545 = tpu.memref_slice %arg2[%dma_wait3A_1543, %dma_wait3A_1544] : memref<100000x8xi32, #tpu.memory_space<hbm>> -> memref<100000x8xi32, #tpu.memory_space<hbm>>
      tpu.wait_indirect_dma semaphore(%arg20 : memref<!tpu.dma_semaphore, #tpu.memory_space<semaphore_mem>>) src(%dma_wait3A_1545 : memref<100000x8xi32, #tpu.memory_space<hbm>>) dst(%dma_wait3A_1540 : memref<128x8xi32, #tpu.memory_space<vmem>>)
      %dma_wait3A_1546 = arith.constant 1664 : i32
      %dma_wait3A_1547 = arith.constant 0 : i32
      %dma_wait3A_1548 = tpu.memref_slice %arg13[%dma_wait3A_1546, %dma_wait3A_1547] : memref<2048x8xi32, #tpu.memory_space<vmem>> -> memref<128x8xi32, #tpu.memory_space<vmem>>
      %dma_wait3A_1549 = arith.constant 1664 : i32
      %dma_wait3A_1550 = tpu.memref_slice %arg9[%dma_wait3A_1549] : memref<2048xi32, #tpu.memory_space<vmem>> -> memref<128xi32, #tpu.memory_space<vmem>>
      %dma_wait3A_1551 = arith.constant 0 : i32
      %dma_wait3A_1552 = arith.constant 0 : i32
      %dma_wait3A_1553 = tpu.memref_slice %arg2[%dma_wait3A_1551, %dma_wait3A_1552] : memref<100000x8xi32, #tpu.memory_space<hbm>> -> memref<100000x8xi32, #tpu.memory_space<hbm>>
      tpu.wait_indirect_dma semaphore(%arg20 : memref<!tpu.dma_semaphore, #tpu.memory_space<semaphore_mem>>) src(%dma_wait3A_1553 : memref<100000x8xi32, #tpu.memory_space<hbm>>) dst(%dma_wait3A_1548 : memref<128x8xi32, #tpu.memory_space<vmem>>)
      %dma_wait3A_1554 = arith.constant 1664 : i32
      %dma_wait3A_1555 = arith.constant 0 : i32
      %dma_wait3A_1556 = tpu.memref_slice %arg14[%dma_wait3A_1554, %dma_wait3A_1555] : memref<2048x8xi32, #tpu.memory_space<vmem>> -> memref<128x8xi32, #tpu.memory_space<vmem>>
      %dma_wait3A_1557 = arith.constant 1664 : i32
      %dma_wait3A_1558 = tpu.memref_slice %arg10[%dma_wait3A_1557] : memref<2048xi32, #tpu.memory_space<vmem>> -> memref<128xi32, #tpu.memory_space<vmem>>
      %dma_wait3A_1559 = arith.constant 0 : i32
      %dma_wait3A_1560 = arith.constant 0 : i32
      %dma_wait3A_1561 = tpu.memref_slice %arg2[%dma_wait3A_1559, %dma_wait3A_1560] : memref<100000x8xi32, #tpu.memory_space<hbm>> -> memref<100000x8xi32, #tpu.memory_space<hbm>>
      tpu.wait_indirect_dma semaphore(%arg20 : memref<!tpu.dma_semaphore, #tpu.memory_space<semaphore_mem>>) src(%dma_wait3A_1561 : memref<100000x8xi32, #tpu.memory_space<hbm>>) dst(%dma_wait3A_1556 : memref<128x8xi32, #tpu.memory_space<vmem>>)
      %dma_wait3A_1562 = arith.constant 1792 : i32
      %dma_wait3A_1563 = arith.constant 0 : i32
      %dma_wait3A_1564 = tpu.memref_slice %arg13[%dma_wait3A_1562, %dma_wait3A_1563] : memref<2048x8xi32, #tpu.memory_space<vmem>> -> memref<128x8xi32, #tpu.memory_space<vmem>>
      %dma_wait3A_1565 = arith.constant 1792 : i32
      %dma_wait3A_1566 = tpu.memref_slice %arg9[%dma_wait3A_1565] : memref<2048xi32, #tpu.memory_space<vmem>> -> memref<128xi32, #tpu.memory_space<vmem>>
      %dma_wait3A_1567 = arith.constant 0 : i32
      %dma_wait3A_1568 = arith.constant 0 : i32
      %dma_wait3A_1569 = tpu.memref_slice %arg2[%dma_wait3A_1567, %dma_wait3A_1568] : memref<100000x8xi32, #tpu.memory_space<hbm>> -> memref<100000x8xi32, #tpu.memory_space<hbm>>
      tpu.wait_indirect_dma semaphore(%arg20 : memref<!tpu.dma_semaphore, #tpu.memory_space<semaphore_mem>>) src(%dma_wait3A_1569 : memref<100000x8xi32, #tpu.memory_space<hbm>>) dst(%dma_wait3A_1564 : memref<128x8xi32, #tpu.memory_space<vmem>>)
      %dma_wait3A_1570 = arith.constant 1792 : i32
      %dma_wait3A_1571 = arith.constant 0 : i32
      %dma_wait3A_1572 = tpu.memref_slice %arg14[%dma_wait3A_1570, %dma_wait3A_1571] : memref<2048x8xi32, #tpu.memory_space<vmem>> -> memref<128x8xi32, #tpu.memory_space<vmem>>
      %dma_wait3A_1573 = arith.constant 1792 : i32
      %dma_wait3A_1574 = tpu.memref_slice %arg10[%dma_wait3A_1573] : memref<2048xi32, #tpu.memory_space<vmem>> -> memref<128xi32, #tpu.memory_space<vmem>>
      %dma_wait3A_1575 = arith.constant 0 : i32
      %dma_wait3A_1576 = arith.constant 0 : i32
      %dma_wait3A_1577 = tpu.memref_slice %arg2[%dma_wait3A_1575, %dma_wait3A_1576] : memref<100000x8xi32, #tpu.memory_space<hbm>> -> memref<100000x8xi32, #tpu.memory_space<hbm>>
      tpu.wait_indirect_dma semaphore(%arg20 : memref<!tpu.dma_semaphore, #tpu.memory_space<semaphore_mem>>) src(%dma_wait3A_1577 : memref<100000x8xi32, #tpu.memory_space<hbm>>) dst(%dma_wait3A_1572 : memref<128x8xi32, #tpu.memory_space<vmem>>)
      %dma_wait3A_1578 = arith.constant 1920 : i32
      %dma_wait3A_1579 = arith.constant 0 : i32
      %dma_wait3A_1580 = tpu.memref_slice %arg13[%dma_wait3A_1578, %dma_wait3A_1579] : memref<2048x8xi32, #tpu.memory_space<vmem>> -> memref<128x8xi32, #tpu.memory_space<vmem>>
      %dma_wait3A_1581 = arith.constant 1920 : i32
      %dma_wait3A_1582 = tpu.memref_slice %arg9[%dma_wait3A_1581] : memref<2048xi32, #tpu.memory_space<vmem>> -> memref<128xi32, #tpu.memory_space<vmem>>
      %dma_wait3A_1583 = arith.constant 0 : i32
      %dma_wait3A_1584 = arith.constant 0 : i32
      %dma_wait3A_1585 = tpu.memref_slice %arg2[%dma_wait3A_1583, %dma_wait3A_1584] : memref<100000x8xi32, #tpu.memory_space<hbm>> -> memref<100000x8xi32, #tpu.memory_space<hbm>>
      tpu.wait_indirect_dma semaphore(%arg20 : memref<!tpu.dma_semaphore, #tpu.memory_space<semaphore_mem>>) src(%dma_wait3A_1585 : memref<100000x8xi32, #tpu.memory_space<hbm>>) dst(%dma_wait3A_1580 : memref<128x8xi32, #tpu.memory_space<vmem>>)
      %dma_wait3A_1586 = arith.constant 1920 : i32
      %dma_wait3A_1587 = arith.constant 0 : i32
      %dma_wait3A_1588 = tpu.memref_slice %arg14[%dma_wait3A_1586, %dma_wait3A_1587] : memref<2048x8xi32, #tpu.memory_space<vmem>> -> memref<128x8xi32, #tpu.memory_space<vmem>>
      %dma_wait3A_1589 = arith.constant 1920 : i32
      %dma_wait3A_1590 = tpu.memref_slice %arg10[%dma_wait3A_1589] : memref<2048xi32, #tpu.memory_space<vmem>> -> memref<128xi32, #tpu.memory_space<vmem>>
      %dma_wait3A_1591 = arith.constant 0 : i32
      %dma_wait3A_1592 = arith.constant 0 : i32
      %dma_wait3A_1593 = tpu.memref_slice %arg2[%dma_wait3A_1591, %dma_wait3A_1592] : memref<100000x8xi32, #tpu.memory_space<hbm>> -> memref<100000x8xi32, #tpu.memory_space<hbm>>
      tpu.wait_indirect_dma semaphore(%arg20 : memref<!tpu.dma_semaphore, #tpu.memory_space<semaphore_mem>>) src(%dma_wait3A_1593 : memref<100000x8xi32, #tpu.memory_space<hbm>>) dst(%dma_wait3A_1588 : memref<128x8xi32, #tpu.memory_space<vmem>>)
      %scan3A_1594 = arith.constant 0 : i32
      %scan3A_1595 = arith.constant 0 : i32
      %scan3A_1596 = arith.constant 128 : i32
      %scan3A_1597 = arith.addi %scan3A_1595, %scan3A_1596 : i32
      %scan3A_1598 = arith.constant 1 : i32
      scf.for %scan3A_1611 = %scan3A_1595 to %scan3A_1597 step %scan3A_1598  : i32 {
        %mul3A_1612 = arith.constant 16 : i32
        %mul3A_1613 = arith.muli %scan3A_1611, %mul3A_1612 : i32
        %add3A_1614 = vector.broadcast %mul3A_1613 : i32 to vector<16xi32>
        %add3A_1615 = arith.addi %iota3A, %add3A_1614 : vector<16xi32>
        %gather3A = tpu.vector_load_idx %arg13[%add3A_1615, %broadcast_in_dim3A_1] : memref<2048x8xi32, #tpu.memory_space<vmem>>[vector<16xi32>, vector<16xi32>], vector<16xi32>,
        %bitcast3A = vector.bitcast %gather3A : vector<16xi32> to vector<16xf32>
        %gather3A_1616 = tpu.vector_load_idx %arg13[%add3A_1615, %broadcast_in_dim3A_3] : memref<2048x8xi32, #tpu.memory_space<vmem>>[vector<16xi32>, vector<16xi32>], vector<16xi32>,
        %bitcast3A_1617 = vector.bitcast %gather3A_1616 : vector<16xi32> to vector<16xf32>
        %gather3A_1618 = tpu.vector_load_idx %arg13[%add3A_1615, %broadcast_in_dim3A_5] : memref<2048x8xi32, #tpu.memory_space<vmem>>[vector<16xi32>, vector<16xi32>], vector<16xi32>,
        %bitcast3A_1619 = vector.bitcast %gather3A_1618 : vector<16xi32> to vector<16xf32>
        %gather3A_1620 = tpu.vector_load_idx %arg13[%add3A_1615, %broadcast_in_dim3A_7] : memref<2048x8xi32, #tpu.memory_space<vmem>>[vector<16xi32>, vector<16xi32>], vector<16xi32>,
        %gather3A_1621 = tpu.vector_load_idx %arg14[%add3A_1615, %broadcast_in_dim3A_1] : memref<2048x8xi32, #tpu.memory_space<vmem>>[vector<16xi32>, vector<16xi32>], vector<16xi32>,
        %bitcast3A_1622 = vector.bitcast %gather3A_1621 : vector<16xi32> to vector<16xf32>
        %gather3A_1623 = tpu.vector_load_idx %arg14[%add3A_1615, %broadcast_in_dim3A_3] : memref<2048x8xi32, #tpu.memory_space<vmem>>[vector<16xi32>, vector<16xi32>], vector<16xi32>,
        %bitcast3A_1624 = vector.bitcast %gather3A_1623 : vector<16xi32> to vector<16xf32>
        %gather3A_1625 = tpu.vector_load_idx %arg14[%add3A_1615, %broadcast_in_dim3A_5] : memref<2048x8xi32, #tpu.memory_space<vmem>>[vector<16xi32>, vector<16xi32>], vector<16xi32>,
        %bitcast3A_1626 = vector.bitcast %gather3A_1625 : vector<16xi32> to vector<16xf32>
        %gather3A_1627 = tpu.vector_load_idx %arg14[%add3A_1615, %broadcast_in_dim3A_7] : memref<2048x8xi32, #tpu.memory_space<vmem>>[vector<16xi32>, vector<16xi32>], vector<16xi32>,
        %sub3A = arith.subf %bitcast3A_1622, %bitcast3A : vector<16xf32>
        %sub3A_1628 = arith.subf %bitcast3A_1624, %bitcast3A_1617 : vector<16xf32>
        %sub3A_1629 = arith.subf %bitcast3A_1626, %bitcast3A_1619 : vector<16xf32>
        %mul3A_1630 = arith.mulf %sub3A, %sub3A : vector<16xf32>
        %mul3A_1631 = arith.mulf %sub3A_1628, %sub3A_1628 : vector<16xf32>
        %add3A_1632 = arith.addf %mul3A_1630, %mul3A_1631 : vector<16xf32>
        %mul3A_1633 = arith.mulf %sub3A_1629, %sub3A_1629 : vector<16xf32>
        %add3A_1634 = arith.addf %add3A_1632, %mul3A_1633 : vector<16xf32>
        %bitcast3A_1635 = vector.bitcast %add3A_1634 : vector<16xf32> to vector<16xi32>
        %shift_right_arithmetic3A = arith.constant 1 : i32
        %shift_right_arithmetic3A_1636 = vector.broadcast %shift_right_arithmetic3A : i32 to vector<16xi32>
        %shift_right_arithmetic3A_1637 = arith.shrsi %bitcast3A_1635, %shift_right_arithmetic3A_1636 : vector<16xi32>
        %sub3A_1638 = arith.constant 1597463007 : i32
        %sub3A_1639 = vector.broadcast %sub3A_1638 : i32 to vector<16xi32>
        %sub3A_1640 = arith.subi %sub3A_1639, %shift_right_arithmetic3A_1637 : vector<16xi32>
        %bitcast3A_1641 = vector.bitcast %sub3A_1640 : vector<16xi32> to vector<16xf32>
        %mul3A_1642 = arith.constant 5.000000e-01 : f32
        %mul3A_1643 = vector.broadcast %mul3A_1642 : f32 to vector<16xf32>
        %mul3A_1644 = arith.mulf %mul3A_1643, %add3A_1634 : vector<16xf32>
        %mul3A_1645 = arith.mulf %mul3A_1644, %bitcast3A_1641 : vector<16xf32>
        %mul3A_1646 = arith.mulf %mul3A_1645, %bitcast3A_1641 : vector<16xf32>
        %sub3A_1647 = arith.constant 1.500000e+00 : f32
        %sub3A_1648 = vector.broadcast %sub3A_1647 : f32 to vector<16xf32>
        %sub3A_1649 = arith.subf %sub3A_1648, %mul3A_1646 : vector<16xf32>
        %mul3A_1650 = arith.mulf %bitcast3A_1641, %sub3A_1649 : vector<16xf32>
        %mul3A_1651 = arith.mulf %mul3A_1644, %mul3A_1650 : vector<16xf32>
        %mul3A_1652 = arith.mulf %mul3A_1651, %mul3A_1650 : vector<16xf32>
        %sub3A_1653 = arith.constant 1.500000e+00 : f32
        %sub3A_1654 = vector.broadcast %sub3A_1653 : f32 to vector<16xf32>
        %sub3A_1655 = arith.subf %sub3A_1654, %mul3A_1652 : vector<16xf32>
        %mul3A_1656 = arith.mulf %mul3A_1650, %sub3A_1655 : vector<16xf32>
        %mul3A_1657 = arith.mulf %add3A_1634, %mul3A_1656 : vector<16xf32>
        %mul3A_1658 = arith.constant 4 : i32
        %mul3A_1659 = vector.broadcast %mul3A_1658 : i32 to vector<16xi32>
        %mul3A_1660 = arith.muli %gather3A_1620, %mul3A_1659 : vector<16xi32>
        %add3A_1661 = arith.addi %mul3A_1660, %gather3A_1627 : vector<16xi32>
        %gather3A_1662 = tpu.vector_load_idx %arg18[%add3A_1661] : memref<16xf32, #tpu.memory_space<vmem>>[vector<16xi32>], vector<16xf32>,
        %mul3A_1663 = arith.constant 16 : i32
        %mul3A_1664 = arith.muli %scan3A_1611, %mul3A_1663 : i32
        %mul3A_1665 = arith.mulf %mul3A_1657, %gather3A_1662 : vector<16xf32>
        %swap3A = arith.index_cast %mul3A_1664 : i32 to index
        %swap3A_1666 = tpu.vector_load %arg15[%swap3A] {strides = array<i32>} : memref<2048xf32, #tpu.memory_space<vmem>>, vector<16xf32>,
        tpu.vector_store %arg15[%swap3A], %mul3A_1665 {strides = array<i32>} : memref<2048xf32, #tpu.memory_space<vmem>>, vector<16xf32>,
        %swap3A_1667 = arith.index_cast %mul3A_1664 : i32 to index
        %swap3A_1668 = tpu.vector_load %arg16[%swap3A_1667] {strides = array<i32>} : memref<2048xi32, #tpu.memory_space<vmem>>, vector<16xi32>,
        tpu.vector_store %arg16[%swap3A_1667], %gather3A_1620 {strides = array<i32>} : memref<2048xi32, #tpu.memory_space<vmem>>, vector<16xi32>,
        %swap3A_1669 = arith.index_cast %mul3A_1664 : i32 to index
        %swap3A_1670 = tpu.vector_load %arg17[%swap3A_1669] {strides = array<i32>} : memref<2048xi32, #tpu.memory_space<vmem>>, vector<16xi32>,
        tpu.vector_store %arg17[%swap3A_1669], %gather3A_1627 {strides = array<i32>} : memref<2048xi32, #tpu.memory_space<vmem>>, vector<16xi32>,
      }
      %scan3A_1599 = arith.constant 128 : i32
      %add3A_1600 = arith.constant 1 : i32
      %add3A_1601 = arith.addi %mul3A_532, %add3A_1600 : i32
      %mul3A_1602 = arith.constant 200000 : i32
      %mul3A_1603 = arith.muli %add3A, %mul3A_1602 : i32
      %mul3A_1604 = arith.constant 2048 : i32
      %mul3A_1605 = arith.muli %add3A_1601, %mul3A_1604 : i32
      %min3A_1606 = arith.constant 197952 : i32
      %min3A_1607 = arith.minsi %mul3A_1605, %min3A_1606 : i32
      %add3A_1608 = arith.addi %mul3A_1603, %min3A_1607 : i32
      "tpu.region"() ({
        %run_scoped3A = tpu.sem_alloc : memref<!tpu.dma_semaphore, #tpu.memory_space<semaphore_mem>>
        %dma_start3A_1611 = tpu.memref_slice %arg5[%add3A_1608] : memref<6400000xf32, #tpu.memory_space<hbm>> -> memref<2048xf32, #tpu.memory_space<hbm>>
        %dma_start3A_1612 = tpu.memref_slice %arg5[%add3A_1608] : memref<6400000xf32, #tpu.memory_space<hbm>> -> memref<2048xf32, #tpu.memory_space<hbm>>
        tpu.enqueue_dma source(%arg15 : memref<2048xf32, #tpu.memory_space<vmem>>) target(%dma_start3A_1612 : memref<2048xf32, #tpu.memory_space<hbm>>) target_semaphore(%run_scoped3A : memref<!tpu.dma_semaphore, #tpu.memory_space<semaphore_mem>>)
        %dma_wait3A_1613 = tpu.memref_slice %arg5[%add3A_1608] : memref<6400000xf32, #tpu.memory_space<hbm>> -> memref<2048xf32, #tpu.memory_space<hbm>>
        %dma_wait3A_1614 = tpu.memref_slice %arg5[%add3A_1608] : memref<6400000xf32, #tpu.memory_space<hbm>> -> memref<2048xf32, #tpu.memory_space<hbm>>
        tpu.wait_dma2 semaphore(%run_scoped3A : memref<!tpu.dma_semaphore, #tpu.memory_space<semaphore_mem>>) src(%arg15 : memref<2048xf32, #tpu.memory_space<vmem>>) dst(%dma_wait3A_1614 : memref<2048xf32, #tpu.memory_space<hbm>>)
        tpu.yield
      }) : () -> ()
      "tpu.region"() ({
        %run_scoped3A = tpu.sem_alloc : memref<!tpu.dma_semaphore, #tpu.memory_space<semaphore_mem>>
        %dma_start3A_1611 = tpu.memref_slice %arg6[%add3A_1608] : memref<12800000xi32, #tpu.memory_space<hbm>> -> memref<2048xi32, #tpu.memory_space<hbm>>
        %dma_start3A_1612 = tpu.memref_slice %arg6[%add3A_1608] : memref<12800000xi32, #tpu.memory_space<hbm>> -> memref<2048xi32, #tpu.memory_space<hbm>>
        tpu.enqueue_dma source(%arg16 : memref<2048xi32, #tpu.memory_space<vmem>>) target(%dma_start3A_1612 : memref<2048xi32, #tpu.memory_space<hbm>>) target_semaphore(%run_scoped3A : memref<!tpu.dma_semaphore, #tpu.memory_space<semaphore_mem>>)
        %dma_wait3A_1613 = tpu.memref_slice %arg6[%add3A_1608] : memref<12800000xi32, #tpu.memory_space<hbm>> -> memref<2048xi32, #tpu.memory_space<hbm>>
        %dma_wait3A_1614 = tpu.memref_slice %arg6[%add3A_1608] : memref<12800000xi32, #tpu.memory_space<hbm>> -> memref<2048xi32, #tpu.memory_space<hbm>>
        tpu.wait_dma2 semaphore(%run_scoped3A : memref<!tpu.dma_semaphore, #tpu.memory_space<semaphore_mem>>) src(%arg16 : memref<2048xi32, #tpu.memory_space<vmem>>) dst(%dma_wait3A_1614 : memref<2048xi32, #tpu.memory_space<hbm>>)
        tpu.yield
      }) : () -> ()
      %add3A_1609 = arith.constant 6400000 : i32
      %add3A_1610 = arith.addi %add3A_1609, %add3A_1608 : i32
      "tpu.region"() ({
        %run_scoped3A = tpu.sem_alloc : memref<!tpu.dma_semaphore, #tpu.memory_space<semaphore_mem>>
        %dma_start3A_1611 = tpu.memref_slice %arg6[%add3A_1610] : memref<12800000xi32, #tpu.memory_space<hbm>> -> memref<2048xi32, #tpu.memory_space<hbm>>
        %dma_start3A_1612 = tpu.memref_slice %arg6[%add3A_1610] : memref<12800000xi32, #tpu.memory_space<hbm>> -> memref<2048xi32, #tpu.memory_space<hbm>>
        tpu.enqueue_dma source(%arg17 : memref<2048xi32, #tpu.memory_space<vmem>>) target(%dma_start3A_1612 : memref<2048xi32, #tpu.memory_space<hbm>>) target_semaphore(%run_scoped3A : memref<!tpu.dma_semaphore, #tpu.memory_space<semaphore_mem>>)
        %dma_wait3A_1613 = tpu.memref_slice %arg6[%add3A_1610] : memref<12800000xi32, #tpu.memory_space<hbm>> -> memref<2048xi32, #tpu.memory_space<hbm>>
        %dma_wait3A_1614 = tpu.memref_slice %arg6[%add3A_1610] : memref<12800000xi32, #tpu.memory_space<hbm>> -> memref<2048xi32, #tpu.memory_space<hbm>>
        tpu.wait_dma2 semaphore(%run_scoped3A : memref<!tpu.dma_semaphore, #tpu.memory_space<semaphore_mem>>) src(%arg17 : memref<2048xi32, #tpu.memory_space<vmem>>) dst(%dma_wait3A_1614 : memref<2048xi32, #tpu.memory_space<hbm>>)
        tpu.yield
      }) : () -> ()
    }
    %scan3A_274 = arith.constant 49 : i32
    %dma_wait3A = arith.constant 0 : i32
    %dma_wait3A_275 = arith.constant 0 : i32
    %dma_wait3A_276 = tpu.memref_slice %arg11[%dma_wait3A, %dma_wait3A_275] : memref<2048x8xi32, #tpu.memory_space<vmem>> -> memref<128x8xi32, #tpu.memory_space<vmem>>
    %dma_wait3A_277 = arith.constant 0 : i32
    %dma_wait3A_278 = tpu.memref_slice %arg7[%dma_wait3A_277] : memref<2048xi32, #tpu.memory_space<vmem>> -> memref<128xi32, #tpu.memory_space<vmem>>
    %dma_wait3A_279 = arith.constant 0 : i32
    %dma_wait3A_280 = arith.constant 0 : i32
    %dma_wait3A_281 = tpu.memref_slice %arg2[%dma_wait3A_279, %dma_wait3A_280] : memref<100000x8xi32, #tpu.memory_space<hbm>> -> memref<100000x8xi32, #tpu.memory_space<hbm>>
    tpu.wait_indirect_dma semaphore(%arg19 : memref<!tpu.dma_semaphore, #tpu.memory_space<semaphore_mem>>) src(%dma_wait3A_281 : memref<100000x8xi32, #tpu.memory_space<hbm>>) dst(%dma_wait3A_276 : memref<128x8xi32, #tpu.memory_space<vmem>>)
    %dma_wait3A_282 = arith.constant 0 : i32
    %dma_wait3A_283 = arith.constant 0 : i32
    %dma_wait3A_284 = tpu.memref_slice %arg12[%dma_wait3A_282, %dma_wait3A_283] : memref<2048x8xi32, #tpu.memory_space<vmem>> -> memref<128x8xi32, #tpu.memory_space<vmem>>
    %dma_wait3A_285 = arith.constant 0 : i32
    %dma_wait3A_286 = tpu.memref_slice %arg8[%dma_wait3A_285] : memref<2048xi32, #tpu.memory_space<vmem>> -> memref<128xi32, #tpu.memory_space<vmem>>
    %dma_wait3A_287 = arith.constant 0 : i32
    %dma_wait3A_288 = arith.constant 0 : i32
    %dma_wait3A_289 = tpu.memref_slice %arg2[%dma_wait3A_287, %dma_wait3A_288] : memref<100000x8xi32, #tpu.memory_space<hbm>> -> memref<100000x8xi32, #tpu.memory_space<hbm>>
    tpu.wait_indirect_dma semaphore(%arg19 : memref<!tpu.dma_semaphore, #tpu.memory_space<semaphore_mem>>) src(%dma_wait3A_289 : memref<100000x8xi32, #tpu.memory_space<hbm>>) dst(%dma_wait3A_284 : memref<128x8xi32, #tpu.memory_space<vmem>>)
    %dma_wait3A_290 = arith.constant 128 : i32
    %dma_wait3A_291 = arith.constant 0 : i32
    %dma_wait3A_292 = tpu.memref_slice %arg11[%dma_wait3A_290, %dma_wait3A_291] : memref<2048x8xi32, #tpu.memory_space<vmem>> -> memref<128x8xi32, #tpu.memory_space<vmem>>
    %dma_wait3A_293 = arith.constant 128 : i32
    %dma_wait3A_294 = tpu.memref_slice %arg7[%dma_wait3A_293] : memref<2048xi32, #tpu.memory_space<vmem>> -> memref<128xi32, #tpu.memory_space<vmem>>
    %dma_wait3A_295 = arith.constant 0 : i32
    %dma_wait3A_296 = arith.constant 0 : i32
    %dma_wait3A_297 = tpu.memref_slice %arg2[%dma_wait3A_295, %dma_wait3A_296] : memref<100000x8xi32, #tpu.memory_space<hbm>> -> memref<100000x8xi32, #tpu.memory_space<hbm>>
    tpu.wait_indirect_dma semaphore(%arg19 : memref<!tpu.dma_semaphore, #tpu.memory_space<semaphore_mem>>) src(%dma_wait3A_297 : memref<100000x8xi32, #tpu.memory_space<hbm>>) dst(%dma_wait3A_292 : memref<128x8xi32, #tpu.memory_space<vmem>>)
    %dma_wait3A_298 = arith.constant 128 : i32
    %dma_wait3A_299 = arith.constant 0 : i32
    %dma_wait3A_300 = tpu.memref_slice %arg12[%dma_wait3A_298, %dma_wait3A_299] : memref<2048x8xi32, #tpu.memory_space<vmem>> -> memref<128x8xi32, #tpu.memory_space<vmem>>
    %dma_wait3A_301 = arith.constant 128 : i32
    %dma_wait3A_302 = tpu.memref_slice %arg8[%dma_wait3A_301] : memref<2048xi32, #tpu.memory_space<vmem>> -> memref<128xi32, #tpu.memory_space<vmem>>
    %dma_wait3A_303 = arith.constant 0 : i32
    %dma_wait3A_304 = arith.constant 0 : i32
    %dma_wait3A_305 = tpu.memref_slice %arg2[%dma_wait3A_303, %dma_wait3A_304] : memref<100000x8xi32, #tpu.memory_space<hbm>> -> memref<100000x8xi32, #tpu.memory_space<hbm>>
    tpu.wait_indirect_dma semaphore(%arg19 : memref<!tpu.dma_semaphore, #tpu.memory_space<semaphore_mem>>) src(%dma_wait3A_305 : memref<100000x8xi32, #tpu.memory_space<hbm>>) dst(%dma_wait3A_300 : memref<128x8xi32, #tpu.memory_space<vmem>>)
    %dma_wait3A_306 = arith.constant 256 : i32
    %dma_wait3A_307 = arith.constant 0 : i32
    %dma_wait3A_308 = tpu.memref_slice %arg11[%dma_wait3A_306, %dma_wait3A_307] : memref<2048x8xi32, #tpu.memory_space<vmem>> -> memref<128x8xi32, #tpu.memory_space<vmem>>
    %dma_wait3A_309 = arith.constant 256 : i32
    %dma_wait3A_310 = tpu.memref_slice %arg7[%dma_wait3A_309] : memref<2048xi32, #tpu.memory_space<vmem>> -> memref<128xi32, #tpu.memory_space<vmem>>
    %dma_wait3A_311 = arith.constant 0 : i32
    %dma_wait3A_312 = arith.constant 0 : i32
    %dma_wait3A_313 = tpu.memref_slice %arg2[%dma_wait3A_311, %dma_wait3A_312] : memref<100000x8xi32, #tpu.memory_space<hbm>> -> memref<100000x8xi32, #tpu.memory_space<hbm>>
    tpu.wait_indirect_dma semaphore(%arg19 : memref<!tpu.dma_semaphore, #tpu.memory_space<semaphore_mem>>) src(%dma_wait3A_313 : memref<100000x8xi32, #tpu.memory_space<hbm>>) dst(%dma_wait3A_308 : memref<128x8xi32, #tpu.memory_space<vmem>>)
    %dma_wait3A_314 = arith.constant 256 : i32
    %dma_wait3A_315 = arith.constant 0 : i32
    %dma_wait3A_316 = tpu.memref_slice %arg12[%dma_wait3A_314, %dma_wait3A_315] : memref<2048x8xi32, #tpu.memory_space<vmem>> -> memref<128x8xi32, #tpu.memory_space<vmem>>
    %dma_wait3A_317 = arith.constant 256 : i32
    %dma_wait3A_318 = tpu.memref_slice %arg8[%dma_wait3A_317] : memref<2048xi32, #tpu.memory_space<vmem>> -> memref<128xi32, #tpu.memory_space<vmem>>
    %dma_wait3A_319 = arith.constant 0 : i32
    %dma_wait3A_320 = arith.constant 0 : i32
    %dma_wait3A_321 = tpu.memref_slice %arg2[%dma_wait3A_319, %dma_wait3A_320] : memref<100000x8xi32, #tpu.memory_space<hbm>> -> memref<100000x8xi32, #tpu.memory_space<hbm>>
    tpu.wait_indirect_dma semaphore(%arg19 : memref<!tpu.dma_semaphore, #tpu.memory_space<semaphore_mem>>) src(%dma_wait3A_321 : memref<100000x8xi32, #tpu.memory_space<hbm>>) dst(%dma_wait3A_316 : memref<128x8xi32, #tpu.memory_space<vmem>>)
    %dma_wait3A_322 = arith.constant 384 : i32
    %dma_wait3A_323 = arith.constant 0 : i32
    %dma_wait3A_324 = tpu.memref_slice %arg11[%dma_wait3A_322, %dma_wait3A_323] : memref<2048x8xi32, #tpu.memory_space<vmem>> -> memref<128x8xi32, #tpu.memory_space<vmem>>
    %dma_wait3A_325 = arith.constant 384 : i32
    %dma_wait3A_326 = tpu.memref_slice %arg7[%dma_wait3A_325] : memref<2048xi32, #tpu.memory_space<vmem>> -> memref<128xi32, #tpu.memory_space<vmem>>
    %dma_wait3A_327 = arith.constant 0 : i32
    %dma_wait3A_328 = arith.constant 0 : i32
    %dma_wait3A_329 = tpu.memref_slice %arg2[%dma_wait3A_327, %dma_wait3A_328] : memref<100000x8xi32, #tpu.memory_space<hbm>> -> memref<100000x8xi32, #tpu.memory_space<hbm>>
    tpu.wait_indirect_dma semaphore(%arg19 : memref<!tpu.dma_semaphore, #tpu.memory_space<semaphore_mem>>) src(%dma_wait3A_329 : memref<100000x8xi32, #tpu.memory_space<hbm>>) dst(%dma_wait3A_324 : memref<128x8xi32, #tpu.memory_space<vmem>>)
    %dma_wait3A_330 = arith.constant 384 : i32
    %dma_wait3A_331 = arith.constant 0 : i32
    %dma_wait3A_332 = tpu.memref_slice %arg12[%dma_wait3A_330, %dma_wait3A_331] : memref<2048x8xi32, #tpu.memory_space<vmem>> -> memref<128x8xi32, #tpu.memory_space<vmem>>
    %dma_wait3A_333 = arith.constant 384 : i32
    %dma_wait3A_334 = tpu.memref_slice %arg8[%dma_wait3A_333] : memref<2048xi32, #tpu.memory_space<vmem>> -> memref<128xi32, #tpu.memory_space<vmem>>
    %dma_wait3A_335 = arith.constant 0 : i32
    %dma_wait3A_336 = arith.constant 0 : i32
    %dma_wait3A_337 = tpu.memref_slice %arg2[%dma_wait3A_335, %dma_wait3A_336] : memref<100000x8xi32, #tpu.memory_space<hbm>> -> memref<100000x8xi32, #tpu.memory_space<hbm>>
    tpu.wait_indirect_dma semaphore(%arg19 : memref<!tpu.dma_semaphore, #tpu.memory_space<semaphore_mem>>) src(%dma_wait3A_337 : memref<100000x8xi32, #tpu.memory_space<hbm>>) dst(%dma_wait3A_332 : memref<128x8xi32, #tpu.memory_space<vmem>>)
    %dma_wait3A_338 = arith.constant 512 : i32
    %dma_wait3A_339 = arith.constant 0 : i32
    %dma_wait3A_340 = tpu.memref_slice %arg11[%dma_wait3A_338, %dma_wait3A_339] : memref<2048x8xi32, #tpu.memory_space<vmem>> -> memref<128x8xi32, #tpu.memory_space<vmem>>
    %dma_wait3A_341 = arith.constant 512 : i32
    %dma_wait3A_342 = tpu.memref_slice %arg7[%dma_wait3A_341] : memref<2048xi32, #tpu.memory_space<vmem>> -> memref<128xi32, #tpu.memory_space<vmem>>
    %dma_wait3A_343 = arith.constant 0 : i32
    %dma_wait3A_344 = arith.constant 0 : i32
    %dma_wait3A_345 = tpu.memref_slice %arg2[%dma_wait3A_343, %dma_wait3A_344] : memref<100000x8xi32, #tpu.memory_space<hbm>> -> memref<100000x8xi32, #tpu.memory_space<hbm>>
    tpu.wait_indirect_dma semaphore(%arg19 : memref<!tpu.dma_semaphore, #tpu.memory_space<semaphore_mem>>) src(%dma_wait3A_345 : memref<100000x8xi32, #tpu.memory_space<hbm>>) dst(%dma_wait3A_340 : memref<128x8xi32, #tpu.memory_space<vmem>>)
    %dma_wait3A_346 = arith.constant 512 : i32
    %dma_wait3A_347 = arith.constant 0 : i32
    %dma_wait3A_348 = tpu.memref_slice %arg12[%dma_wait3A_346, %dma_wait3A_347] : memref<2048x8xi32, #tpu.memory_space<vmem>> -> memref<128x8xi32, #tpu.memory_space<vmem>>
    %dma_wait3A_349 = arith.constant 512 : i32
    %dma_wait3A_350 = tpu.memref_slice %arg8[%dma_wait3A_349] : memref<2048xi32, #tpu.memory_space<vmem>> -> memref<128xi32, #tpu.memory_space<vmem>>
    %dma_wait3A_351 = arith.constant 0 : i32
    %dma_wait3A_352 = arith.constant 0 : i32
    %dma_wait3A_353 = tpu.memref_slice %arg2[%dma_wait3A_351, %dma_wait3A_352] : memref<100000x8xi32, #tpu.memory_space<hbm>> -> memref<100000x8xi32, #tpu.memory_space<hbm>>
    tpu.wait_indirect_dma semaphore(%arg19 : memref<!tpu.dma_semaphore, #tpu.memory_space<semaphore_mem>>) src(%dma_wait3A_353 : memref<100000x8xi32, #tpu.memory_space<hbm>>) dst(%dma_wait3A_348 : memref<128x8xi32, #tpu.memory_space<vmem>>)
    %dma_wait3A_354 = arith.constant 640 : i32
    %dma_wait3A_355 = arith.constant 0 : i32
    %dma_wait3A_356 = tpu.memref_slice %arg11[%dma_wait3A_354, %dma_wait3A_355] : memref<2048x8xi32, #tpu.memory_space<vmem>> -> memref<128x8xi32, #tpu.memory_space<vmem>>
    %dma_wait3A_357 = arith.constant 640 : i32
    %dma_wait3A_358 = tpu.memref_slice %arg7[%dma_wait3A_357] : memref<2048xi32, #tpu.memory_space<vmem>> -> memref<128xi32, #tpu.memory_space<vmem>>
    %dma_wait3A_359 = arith.constant 0 : i32
    %dma_wait3A_360 = arith.constant 0 : i32
    %dma_wait3A_361 = tpu.memref_slice %arg2[%dma_wait3A_359, %dma_wait3A_360] : memref<100000x8xi32, #tpu.memory_space<hbm>> -> memref<100000x8xi32, #tpu.memory_space<hbm>>
    tpu.wait_indirect_dma semaphore(%arg19 : memref<!tpu.dma_semaphore, #tpu.memory_space<semaphore_mem>>) src(%dma_wait3A_361 : memref<100000x8xi32, #tpu.memory_space<hbm>>) dst(%dma_wait3A_356 : memref<128x8xi32, #tpu.memory_space<vmem>>)
    %dma_wait3A_362 = arith.constant 640 : i32
    %dma_wait3A_363 = arith.constant 0 : i32
    %dma_wait3A_364 = tpu.memref_slice %arg12[%dma_wait3A_362, %dma_wait3A_363] : memref<2048x8xi32, #tpu.memory_space<vmem>> -> memref<128x8xi32, #tpu.memory_space<vmem>>
    %dma_wait3A_365 = arith.constant 640 : i32
    %dma_wait3A_366 = tpu.memref_slice %arg8[%dma_wait3A_365] : memref<2048xi32, #tpu.memory_space<vmem>> -> memref<128xi32, #tpu.memory_space<vmem>>
    %dma_wait3A_367 = arith.constant 0 : i32
    %dma_wait3A_368 = arith.constant 0 : i32
    %dma_wait3A_369 = tpu.memref_slice %arg2[%dma_wait3A_367, %dma_wait3A_368] : memref<100000x8xi32, #tpu.memory_space<hbm>> -> memref<100000x8xi32, #tpu.memory_space<hbm>>
    tpu.wait_indirect_dma semaphore(%arg19 : memref<!tpu.dma_semaphore, #tpu.memory_space<semaphore_mem>>) src(%dma_wait3A_369 : memref<100000x8xi32, #tpu.memory_space<hbm>>) dst(%dma_wait3A_364 : memref<128x8xi32, #tpu.memory_space<vmem>>)
    %dma_wait3A_370 = arith.constant 768 : i32
    %dma_wait3A_371 = arith.constant 0 : i32
    %dma_wait3A_372 = tpu.memref_slice %arg11[%dma_wait3A_370, %dma_wait3A_371] : memref<2048x8xi32, #tpu.memory_space<vmem>> -> memref<128x8xi32, #tpu.memory_space<vmem>>
    %dma_wait3A_373 = arith.constant 768 : i32
    %dma_wait3A_374 = tpu.memref_slice %arg7[%dma_wait3A_373] : memref<2048xi32, #tpu.memory_space<vmem>> -> memref<128xi32, #tpu.memory_space<vmem>>
    %dma_wait3A_375 = arith.constant 0 : i32
    %dma_wait3A_376 = arith.constant 0 : i32
    %dma_wait3A_377 = tpu.memref_slice %arg2[%dma_wait3A_375, %dma_wait3A_376] : memref<100000x8xi32, #tpu.memory_space<hbm>> -> memref<100000x8xi32, #tpu.memory_space<hbm>>
    tpu.wait_indirect_dma semaphore(%arg19 : memref<!tpu.dma_semaphore, #tpu.memory_space<semaphore_mem>>) src(%dma_wait3A_377 : memref<100000x8xi32, #tpu.memory_space<hbm>>) dst(%dma_wait3A_372 : memref<128x8xi32, #tpu.memory_space<vmem>>)
    %dma_wait3A_378 = arith.constant 768 : i32
    %dma_wait3A_379 = arith.constant 0 : i32
    %dma_wait3A_380 = tpu.memref_slice %arg12[%dma_wait3A_378, %dma_wait3A_379] : memref<2048x8xi32, #tpu.memory_space<vmem>> -> memref<128x8xi32, #tpu.memory_space<vmem>>
    %dma_wait3A_381 = arith.constant 768 : i32
    %dma_wait3A_382 = tpu.memref_slice %arg8[%dma_wait3A_381] : memref<2048xi32, #tpu.memory_space<vmem>> -> memref<128xi32, #tpu.memory_space<vmem>>
    %dma_wait3A_383 = arith.constant 0 : i32
    %dma_wait3A_384 = arith.constant 0 : i32
    %dma_wait3A_385 = tpu.memref_slice %arg2[%dma_wait3A_383, %dma_wait3A_384] : memref<100000x8xi32, #tpu.memory_space<hbm>> -> memref<100000x8xi32, #tpu.memory_space<hbm>>
    tpu.wait_indirect_dma semaphore(%arg19 : memref<!tpu.dma_semaphore, #tpu.memory_space<semaphore_mem>>) src(%dma_wait3A_385 : memref<100000x8xi32, #tpu.memory_space<hbm>>) dst(%dma_wait3A_380 : memref<128x8xi32, #tpu.memory_space<vmem>>)
    %dma_wait3A_386 = arith.constant 896 : i32
    %dma_wait3A_387 = arith.constant 0 : i32
    %dma_wait3A_388 = tpu.memref_slice %arg11[%dma_wait3A_386, %dma_wait3A_387] : memref<2048x8xi32, #tpu.memory_space<vmem>> -> memref<128x8xi32, #tpu.memory_space<vmem>>
    %dma_wait3A_389 = arith.constant 896 : i32
    %dma_wait3A_390 = tpu.memref_slice %arg7[%dma_wait3A_389] : memref<2048xi32, #tpu.memory_space<vmem>> -> memref<128xi32, #tpu.memory_space<vmem>>
    %dma_wait3A_391 = arith.constant 0 : i32
    %dma_wait3A_392 = arith.constant 0 : i32
    %dma_wait3A_393 = tpu.memref_slice %arg2[%dma_wait3A_391, %dma_wait3A_392] : memref<100000x8xi32, #tpu.memory_space<hbm>> -> memref<100000x8xi32, #tpu.memory_space<hbm>>
    tpu.wait_indirect_dma semaphore(%arg19 : memref<!tpu.dma_semaphore, #tpu.memory_space<semaphore_mem>>) src(%dma_wait3A_393 : memref<100000x8xi32, #tpu.memory_space<hbm>>) dst(%dma_wait3A_388 : memref<128x8xi32, #tpu.memory_space<vmem>>)
    %dma_wait3A_394 = arith.constant 896 : i32
    %dma_wait3A_395 = arith.constant 0 : i32
    %dma_wait3A_396 = tpu.memref_slice %arg12[%dma_wait3A_394, %dma_wait3A_395] : memref<2048x8xi32, #tpu.memory_space<vmem>> -> memref<128x8xi32, #tpu.memory_space<vmem>>
    %dma_wait3A_397 = arith.constant 896 : i32
    %dma_wait3A_398 = tpu.memref_slice %arg8[%dma_wait3A_397] : memref<2048xi32, #tpu.memory_space<vmem>> -> memref<128xi32, #tpu.memory_space<vmem>>
    %dma_wait3A_399 = arith.constant 0 : i32
    %dma_wait3A_400 = arith.constant 0 : i32
    %dma_wait3A_401 = tpu.memref_slice %arg2[%dma_wait3A_399, %dma_wait3A_400] : memref<100000x8xi32, #tpu.memory_space<hbm>> -> memref<100000x8xi32, #tpu.memory_space<hbm>>
    tpu.wait_indirect_dma semaphore(%arg19 : memref<!tpu.dma_semaphore, #tpu.memory_space<semaphore_mem>>) src(%dma_wait3A_401 : memref<100000x8xi32, #tpu.memory_space<hbm>>) dst(%dma_wait3A_396 : memref<128x8xi32, #tpu.memory_space<vmem>>)
    %dma_wait3A_402 = arith.constant 1024 : i32
    %dma_wait3A_403 = arith.constant 0 : i32
    %dma_wait3A_404 = tpu.memref_slice %arg11[%dma_wait3A_402, %dma_wait3A_403] : memref<2048x8xi32, #tpu.memory_space<vmem>> -> memref<128x8xi32, #tpu.memory_space<vmem>>
    %dma_wait3A_405 = arith.constant 1024 : i32
    %dma_wait3A_406 = tpu.memref_slice %arg7[%dma_wait3A_405] : memref<2048xi32, #tpu.memory_space<vmem>> -> memref<128xi32, #tpu.memory_space<vmem>>
    %dma_wait3A_407 = arith.constant 0 : i32
    %dma_wait3A_408 = arith.constant 0 : i32
    %dma_wait3A_409 = tpu.memref_slice %arg2[%dma_wait3A_407, %dma_wait3A_408] : memref<100000x8xi32, #tpu.memory_space<hbm>> -> memref<100000x8xi32, #tpu.memory_space<hbm>>
    tpu.wait_indirect_dma semaphore(%arg19 : memref<!tpu.dma_semaphore, #tpu.memory_space<semaphore_mem>>) src(%dma_wait3A_409 : memref<100000x8xi32, #tpu.memory_space<hbm>>) dst(%dma_wait3A_404 : memref<128x8xi32, #tpu.memory_space<vmem>>)
    %dma_wait3A_410 = arith.constant 1024 : i32
    %dma_wait3A_411 = arith.constant 0 : i32
    %dma_wait3A_412 = tpu.memref_slice %arg12[%dma_wait3A_410, %dma_wait3A_411] : memref<2048x8xi32, #tpu.memory_space<vmem>> -> memref<128x8xi32, #tpu.memory_space<vmem>>
    %dma_wait3A_413 = arith.constant 1024 : i32
    %dma_wait3A_414 = tpu.memref_slice %arg8[%dma_wait3A_413] : memref<2048xi32, #tpu.memory_space<vmem>> -> memref<128xi32, #tpu.memory_space<vmem>>
    %dma_wait3A_415 = arith.constant 0 : i32
    %dma_wait3A_416 = arith.constant 0 : i32
    %dma_wait3A_417 = tpu.memref_slice %arg2[%dma_wait3A_415, %dma_wait3A_416] : memref<100000x8xi32, #tpu.memory_space<hbm>> -> memref<100000x8xi32, #tpu.memory_space<hbm>>
    tpu.wait_indirect_dma semaphore(%arg19 : memref<!tpu.dma_semaphore, #tpu.memory_space<semaphore_mem>>) src(%dma_wait3A_417 : memref<100000x8xi32, #tpu.memory_space<hbm>>) dst(%dma_wait3A_412 : memref<128x8xi32, #tpu.memory_space<vmem>>)
    %dma_wait3A_418 = arith.constant 1152 : i32
    %dma_wait3A_419 = arith.constant 0 : i32
    %dma_wait3A_420 = tpu.memref_slice %arg11[%dma_wait3A_418, %dma_wait3A_419] : memref<2048x8xi32, #tpu.memory_space<vmem>> -> memref<128x8xi32, #tpu.memory_space<vmem>>
    %dma_wait3A_421 = arith.constant 1152 : i32
    %dma_wait3A_422 = tpu.memref_slice %arg7[%dma_wait3A_421] : memref<2048xi32, #tpu.memory_space<vmem>> -> memref<128xi32, #tpu.memory_space<vmem>>
    %dma_wait3A_423 = arith.constant 0 : i32
    %dma_wait3A_424 = arith.constant 0 : i32
    %dma_wait3A_425 = tpu.memref_slice %arg2[%dma_wait3A_423, %dma_wait3A_424] : memref<100000x8xi32, #tpu.memory_space<hbm>> -> memref<100000x8xi32, #tpu.memory_space<hbm>>
    tpu.wait_indirect_dma semaphore(%arg19 : memref<!tpu.dma_semaphore, #tpu.memory_space<semaphore_mem>>) src(%dma_wait3A_425 : memref<100000x8xi32, #tpu.memory_space<hbm>>) dst(%dma_wait3A_420 : memref<128x8xi32, #tpu.memory_space<vmem>>)
    %dma_wait3A_426 = arith.constant 1152 : i32
    %dma_wait3A_427 = arith.constant 0 : i32
    %dma_wait3A_428 = tpu.memref_slice %arg12[%dma_wait3A_426, %dma_wait3A_427] : memref<2048x8xi32, #tpu.memory_space<vmem>> -> memref<128x8xi32, #tpu.memory_space<vmem>>
    %dma_wait3A_429 = arith.constant 1152 : i32
    %dma_wait3A_430 = tpu.memref_slice %arg8[%dma_wait3A_429] : memref<2048xi32, #tpu.memory_space<vmem>> -> memref<128xi32, #tpu.memory_space<vmem>>
    %dma_wait3A_431 = arith.constant 0 : i32
    %dma_wait3A_432 = arith.constant 0 : i32
    %dma_wait3A_433 = tpu.memref_slice %arg2[%dma_wait3A_431, %dma_wait3A_432] : memref<100000x8xi32, #tpu.memory_space<hbm>> -> memref<100000x8xi32, #tpu.memory_space<hbm>>
    tpu.wait_indirect_dma semaphore(%arg19 : memref<!tpu.dma_semaphore, #tpu.memory_space<semaphore_mem>>) src(%dma_wait3A_433 : memref<100000x8xi32, #tpu.memory_space<hbm>>) dst(%dma_wait3A_428 : memref<128x8xi32, #tpu.memory_space<vmem>>)
    %dma_wait3A_434 = arith.constant 1280 : i32
    %dma_wait3A_435 = arith.constant 0 : i32
    %dma_wait3A_436 = tpu.memref_slice %arg11[%dma_wait3A_434, %dma_wait3A_435] : memref<2048x8xi32, #tpu.memory_space<vmem>> -> memref<128x8xi32, #tpu.memory_space<vmem>>
    %dma_wait3A_437 = arith.constant 1280 : i32
    %dma_wait3A_438 = tpu.memref_slice %arg7[%dma_wait3A_437] : memref<2048xi32, #tpu.memory_space<vmem>> -> memref<128xi32, #tpu.memory_space<vmem>>
    %dma_wait3A_439 = arith.constant 0 : i32
    %dma_wait3A_440 = arith.constant 0 : i32
    %dma_wait3A_441 = tpu.memref_slice %arg2[%dma_wait3A_439, %dma_wait3A_440] : memref<100000x8xi32, #tpu.memory_space<hbm>> -> memref<100000x8xi32, #tpu.memory_space<hbm>>
    tpu.wait_indirect_dma semaphore(%arg19 : memref<!tpu.dma_semaphore, #tpu.memory_space<semaphore_mem>>) src(%dma_wait3A_441 : memref<100000x8xi32, #tpu.memory_space<hbm>>) dst(%dma_wait3A_436 : memref<128x8xi32, #tpu.memory_space<vmem>>)
    %dma_wait3A_442 = arith.constant 1280 : i32
    %dma_wait3A_443 = arith.constant 0 : i32
    %dma_wait3A_444 = tpu.memref_slice %arg12[%dma_wait3A_442, %dma_wait3A_443] : memref<2048x8xi32, #tpu.memory_space<vmem>> -> memref<128x8xi32, #tpu.memory_space<vmem>>
    %dma_wait3A_445 = arith.constant 1280 : i32
    %dma_wait3A_446 = tpu.memref_slice %arg8[%dma_wait3A_445] : memref<2048xi32, #tpu.memory_space<vmem>> -> memref<128xi32, #tpu.memory_space<vmem>>
    %dma_wait3A_447 = arith.constant 0 : i32
    %dma_wait3A_448 = arith.constant 0 : i32
    %dma_wait3A_449 = tpu.memref_slice %arg2[%dma_wait3A_447, %dma_wait3A_448] : memref<100000x8xi32, #tpu.memory_space<hbm>> -> memref<100000x8xi32, #tpu.memory_space<hbm>>
    tpu.wait_indirect_dma semaphore(%arg19 : memref<!tpu.dma_semaphore, #tpu.memory_space<semaphore_mem>>) src(%dma_wait3A_449 : memref<100000x8xi32, #tpu.memory_space<hbm>>) dst(%dma_wait3A_444 : memref<128x8xi32, #tpu.memory_space<vmem>>)
    %dma_wait3A_450 = arith.constant 1408 : i32
    %dma_wait3A_451 = arith.constant 0 : i32
    %dma_wait3A_452 = tpu.memref_slice %arg11[%dma_wait3A_450, %dma_wait3A_451] : memref<2048x8xi32, #tpu.memory_space<vmem>> -> memref<128x8xi32, #tpu.memory_space<vmem>>
    %dma_wait3A_453 = arith.constant 1408 : i32
    %dma_wait3A_454 = tpu.memref_slice %arg7[%dma_wait3A_453] : memref<2048xi32, #tpu.memory_space<vmem>> -> memref<128xi32, #tpu.memory_space<vmem>>
    %dma_wait3A_455 = arith.constant 0 : i32
    %dma_wait3A_456 = arith.constant 0 : i32
    %dma_wait3A_457 = tpu.memref_slice %arg2[%dma_wait3A_455, %dma_wait3A_456] : memref<100000x8xi32, #tpu.memory_space<hbm>> -> memref<100000x8xi32, #tpu.memory_space<hbm>>
    tpu.wait_indirect_dma semaphore(%arg19 : memref<!tpu.dma_semaphore, #tpu.memory_space<semaphore_mem>>) src(%dma_wait3A_457 : memref<100000x8xi32, #tpu.memory_space<hbm>>) dst(%dma_wait3A_452 : memref<128x8xi32, #tpu.memory_space<vmem>>)
    %dma_wait3A_458 = arith.constant 1408 : i32
    %dma_wait3A_459 = arith.constant 0 : i32
    %dma_wait3A_460 = tpu.memref_slice %arg12[%dma_wait3A_458, %dma_wait3A_459] : memref<2048x8xi32, #tpu.memory_space<vmem>> -> memref<128x8xi32, #tpu.memory_space<vmem>>
    %dma_wait3A_461 = arith.constant 1408 : i32
    %dma_wait3A_462 = tpu.memref_slice %arg8[%dma_wait3A_461] : memref<2048xi32, #tpu.memory_space<vmem>> -> memref<128xi32, #tpu.memory_space<vmem>>
    %dma_wait3A_463 = arith.constant 0 : i32
    %dma_wait3A_464 = arith.constant 0 : i32
    %dma_wait3A_465 = tpu.memref_slice %arg2[%dma_wait3A_463, %dma_wait3A_464] : memref<100000x8xi32, #tpu.memory_space<hbm>> -> memref<100000x8xi32, #tpu.memory_space<hbm>>
    tpu.wait_indirect_dma semaphore(%arg19 : memref<!tpu.dma_semaphore, #tpu.memory_space<semaphore_mem>>) src(%dma_wait3A_465 : memref<100000x8xi32, #tpu.memory_space<hbm>>) dst(%dma_wait3A_460 : memref<128x8xi32, #tpu.memory_space<vmem>>)
    %dma_wait3A_466 = arith.constant 1536 : i32
    %dma_wait3A_467 = arith.constant 0 : i32
    %dma_wait3A_468 = tpu.memref_slice %arg11[%dma_wait3A_466, %dma_wait3A_467] : memref<2048x8xi32, #tpu.memory_space<vmem>> -> memref<128x8xi32, #tpu.memory_space<vmem>>
    %dma_wait3A_469 = arith.constant 1536 : i32
    %dma_wait3A_470 = tpu.memref_slice %arg7[%dma_wait3A_469] : memref<2048xi32, #tpu.memory_space<vmem>> -> memref<128xi32, #tpu.memory_space<vmem>>
    %dma_wait3A_471 = arith.constant 0 : i32
    %dma_wait3A_472 = arith.constant 0 : i32
    %dma_wait3A_473 = tpu.memref_slice %arg2[%dma_wait3A_471, %dma_wait3A_472] : memref<100000x8xi32, #tpu.memory_space<hbm>> -> memref<100000x8xi32, #tpu.memory_space<hbm>>
    tpu.wait_indirect_dma semaphore(%arg19 : memref<!tpu.dma_semaphore, #tpu.memory_space<semaphore_mem>>) src(%dma_wait3A_473 : memref<100000x8xi32, #tpu.memory_space<hbm>>) dst(%dma_wait3A_468 : memref<128x8xi32, #tpu.memory_space<vmem>>)
    %dma_wait3A_474 = arith.constant 1536 : i32
    %dma_wait3A_475 = arith.constant 0 : i32
    %dma_wait3A_476 = tpu.memref_slice %arg12[%dma_wait3A_474, %dma_wait3A_475] : memref<2048x8xi32, #tpu.memory_space<vmem>> -> memref<128x8xi32, #tpu.memory_space<vmem>>
    %dma_wait3A_477 = arith.constant 1536 : i32
    %dma_wait3A_478 = tpu.memref_slice %arg8[%dma_wait3A_477] : memref<2048xi32, #tpu.memory_space<vmem>> -> memref<128xi32, #tpu.memory_space<vmem>>
    %dma_wait3A_479 = arith.constant 0 : i32
    %dma_wait3A_480 = arith.constant 0 : i32
    %dma_wait3A_481 = tpu.memref_slice %arg2[%dma_wait3A_479, %dma_wait3A_480] : memref<100000x8xi32, #tpu.memory_space<hbm>> -> memref<100000x8xi32, #tpu.memory_space<hbm>>
    tpu.wait_indirect_dma semaphore(%arg19 : memref<!tpu.dma_semaphore, #tpu.memory_space<semaphore_mem>>) src(%dma_wait3A_481 : memref<100000x8xi32, #tpu.memory_space<hbm>>) dst(%dma_wait3A_476 : memref<128x8xi32, #tpu.memory_space<vmem>>)
    %dma_wait3A_482 = arith.constant 1664 : i32
    %dma_wait3A_483 = arith.constant 0 : i32
    %dma_wait3A_484 = tpu.memref_slice %arg11[%dma_wait3A_482, %dma_wait3A_483] : memref<2048x8xi32, #tpu.memory_space<vmem>> -> memref<128x8xi32, #tpu.memory_space<vmem>>
    %dma_wait3A_485 = arith.constant 1664 : i32
    %dma_wait3A_486 = tpu.memref_slice %arg7[%dma_wait3A_485] : memref<2048xi32, #tpu.memory_space<vmem>> -> memref<128xi32, #tpu.memory_space<vmem>>
    %dma_wait3A_487 = arith.constant 0 : i32
    %dma_wait3A_488 = arith.constant 0 : i32
    %dma_wait3A_489 = tpu.memref_slice %arg2[%dma_wait3A_487, %dma_wait3A_488] : memref<100000x8xi32, #tpu.memory_space<hbm>> -> memref<100000x8xi32, #tpu.memory_space<hbm>>
    tpu.wait_indirect_dma semaphore(%arg19 : memref<!tpu.dma_semaphore, #tpu.memory_space<semaphore_mem>>) src(%dma_wait3A_489 : memref<100000x8xi32, #tpu.memory_space<hbm>>) dst(%dma_wait3A_484 : memref<128x8xi32, #tpu.memory_space<vmem>>)
    %dma_wait3A_490 = arith.constant 1664 : i32
    %dma_wait3A_491 = arith.constant 0 : i32
    %dma_wait3A_492 = tpu.memref_slice %arg12[%dma_wait3A_490, %dma_wait3A_491] : memref<2048x8xi32, #tpu.memory_space<vmem>> -> memref<128x8xi32, #tpu.memory_space<vmem>>
    %dma_wait3A_493 = arith.constant 1664 : i32
    %dma_wait3A_494 = tpu.memref_slice %arg8[%dma_wait3A_493] : memref<2048xi32, #tpu.memory_space<vmem>> -> memref<128xi32, #tpu.memory_space<vmem>>
    %dma_wait3A_495 = arith.constant 0 : i32
    %dma_wait3A_496 = arith.constant 0 : i32
    %dma_wait3A_497 = tpu.memref_slice %arg2[%dma_wait3A_495, %dma_wait3A_496] : memref<100000x8xi32, #tpu.memory_space<hbm>> -> memref<100000x8xi32, #tpu.memory_space<hbm>>
    tpu.wait_indirect_dma semaphore(%arg19 : memref<!tpu.dma_semaphore, #tpu.memory_space<semaphore_mem>>) src(%dma_wait3A_497 : memref<100000x8xi32, #tpu.memory_space<hbm>>) dst(%dma_wait3A_492 : memref<128x8xi32, #tpu.memory_space<vmem>>)
    %dma_wait3A_498 = arith.constant 1792 : i32
    %dma_wait3A_499 = arith.constant 0 : i32
    %dma_wait3A_500 = tpu.memref_slice %arg11[%dma_wait3A_498, %dma_wait3A_499] : memref<2048x8xi32, #tpu.memory_space<vmem>> -> memref<128x8xi32, #tpu.memory_space<vmem>>
    %dma_wait3A_501 = arith.constant 1792 : i32
    %dma_wait3A_502 = tpu.memref_slice %arg7[%dma_wait3A_501] : memref<2048xi32, #tpu.memory_space<vmem>> -> memref<128xi32, #tpu.memory_space<vmem>>
    %dma_wait3A_503 = arith.constant 0 : i32
    %dma_wait3A_504 = arith.constant 0 : i32
    %dma_wait3A_505 = tpu.memref_slice %arg2[%dma_wait3A_503, %dma_wait3A_504] : memref<100000x8xi32, #tpu.memory_space<hbm>> -> memref<100000x8xi32, #tpu.memory_space<hbm>>
    tpu.wait_indirect_dma semaphore(%arg19 : memref<!tpu.dma_semaphore, #tpu.memory_space<semaphore_mem>>) src(%dma_wait3A_505 : memref<100000x8xi32, #tpu.memory_space<hbm>>) dst(%dma_wait3A_500 : memref<128x8xi32, #tpu.memory_space<vmem>>)
    %dma_wait3A_506 = arith.constant 1792 : i32
    %dma_wait3A_507 = arith.constant 0 : i32
    %dma_wait3A_508 = tpu.memref_slice %arg12[%dma_wait3A_506, %dma_wait3A_507] : memref<2048x8xi32, #tpu.memory_space<vmem>> -> memref<128x8xi32, #tpu.memory_space<vmem>>
    %dma_wait3A_509 = arith.constant 1792 : i32
    %dma_wait3A_510 = tpu.memref_slice %arg8[%dma_wait3A_509] : memref<2048xi32, #tpu.memory_space<vmem>> -> memref<128xi32, #tpu.memory_space<vmem>>
    %dma_wait3A_511 = arith.constant 0 : i32
    %dma_wait3A_512 = arith.constant 0 : i32
    %dma_wait3A_513 = tpu.memref_slice %arg2[%dma_wait3A_511, %dma_wait3A_512] : memref<100000x8xi32, #tpu.memory_space<hbm>> -> memref<100000x8xi32, #tpu.memory_space<hbm>>
    tpu.wait_indirect_dma semaphore(%arg19 : memref<!tpu.dma_semaphore, #tpu.memory_space<semaphore_mem>>) src(%dma_wait3A_513 : memref<100000x8xi32, #tpu.memory_space<hbm>>) dst(%dma_wait3A_508 : memref<128x8xi32, #tpu.memory_space<vmem>>)
    %dma_wait3A_514 = arith.constant 1920 : i32
    %dma_wait3A_515 = arith.constant 0 : i32
    %dma_wait3A_516 = tpu.memref_slice %arg11[%dma_wait3A_514, %dma_wait3A_515] : memref<2048x8xi32, #tpu.memory_space<vmem>> -> memref<128x8xi32, #tpu.memory_space<vmem>>
    %dma_wait3A_517 = arith.constant 1920 : i32
    %dma_wait3A_518 = tpu.memref_slice %arg7[%dma_wait3A_517] : memref<2048xi32, #tpu.memory_space<vmem>> -> memref<128xi32, #tpu.memory_space<vmem>>
    %dma_wait3A_519 = arith.constant 0 : i32
    %dma_wait3A_520 = arith.constant 0 : i32
    %dma_wait3A_521 = tpu.memref_slice %arg2[%dma_wait3A_519, %dma_wait3A_520] : memref<100000x8xi32, #tpu.memory_space<hbm>> -> memref<100000x8xi32, #tpu.memory_space<hbm>>
    tpu.wait_indirect_dma semaphore(%arg19 : memref<!tpu.dma_semaphore, #tpu.memory_space<semaphore_mem>>) src(%dma_wait3A_521 : memref<100000x8xi32, #tpu.memory_space<hbm>>) dst(%dma_wait3A_516 : memref<128x8xi32, #tpu.memory_space<vmem>>)
    %dma_wait3A_522 = arith.constant 1920 : i32
    %dma_wait3A_523 = arith.constant 0 : i32
    %dma_wait3A_524 = tpu.memref_slice %arg12[%dma_wait3A_522, %dma_wait3A_523] : memref<2048x8xi32, #tpu.memory_space<vmem>> -> memref<128x8xi32, #tpu.memory_space<vmem>>
    %dma_wait3A_525 = arith.constant 1920 : i32
    %dma_wait3A_526 = tpu.memref_slice %arg8[%dma_wait3A_525] : memref<2048xi32, #tpu.memory_space<vmem>> -> memref<128xi32, #tpu.memory_space<vmem>>
    %dma_wait3A_527 = arith.constant 0 : i32
    %dma_wait3A_528 = arith.constant 0 : i32
    %dma_wait3A_529 = tpu.memref_slice %arg2[%dma_wait3A_527, %dma_wait3A_528] : memref<100000x8xi32, #tpu.memory_space<hbm>> -> memref<100000x8xi32, #tpu.memory_space<hbm>>
    tpu.wait_indirect_dma semaphore(%arg19 : memref<!tpu.dma_semaphore, #tpu.memory_space<semaphore_mem>>) src(%dma_wait3A_529 : memref<100000x8xi32, #tpu.memory_space<hbm>>) dst(%dma_wait3A_524 : memref<128x8xi32, #tpu.memory_space<vmem>>)
    return
  }
}

</mosaic_0001>

<sc_bundles>
// kernel: kernel.3.cloned.1.call-start
scs
__scs_entry_jumppad:
0x0: {  	(pc) =	sbr.rel $0x88, $3  }
0x1: {  	(tag) =	ssettag $0x0;
	lr =	simm.s32 $0x1  }
0x2: {  	[smem:$0x3F9D] =	sst lr;
	_ =	strace $0xD0000000  }
0x3: {  	_ = 	snop  }
0x4: {  	_ = 	snop  }
0x5: {  	_ = 	snop  }
0x6: {  	_ = 	snop  }
0x7: {  	_ = 	snop  }
__scs_overlays_trampoline_lowered:
0x8: {  	[smem:$0x3FAC] =	sst s0  }
0x9: {  	[smem:$0x3FAD] =	sst s1  }
0xa: {  	[smem:$0x3FAE] =	sst s2  }
0xb: {  	[smem:$0x3FAF] =	sst s3  }
0xc: {  	[smem:$0x3FB0] =	sst s4  }
0xd: {  	[smem:$0x3FB1] =	sst s5  }
0xe: {  	[smem:$0x3FB2] =	sst s6  }
0xf: {  	[smem:$0x3FB3] =	sst s7  }
0x10: {  	[smem:$0x3FB4] =	sst s8  }
0x11: {  	[smem:$0x3FB5] =	sst s9;
	s0 =	simm.s32 @!p0 $0x0  }
0x12: {  	s1 =	sld [smem:$0x3F9B];
	s0 =	simm.s32 @p0 $0x1  }
0x13: {  	[smem:$0x3FB6] =	sst s0;
	s0 =	simm.s32 @!p1 $0x0  }
0x14: {  	s2 =	sld [smem:$0x3F9A];
	s0 =	simm.s32 @p1 $0x1  }
0x15: {  	[smem:$0x3FB7] =	sst s0;
	s0 =	simm.s32 @!p2 $0x0  }
0x16: {  	s3 =	sld [smem:$0x3FDB];
	s0 =	simm.s32 @p2 $0x1  }
0x17: {  	s4 =	simm.s32 $0x1BF5;
	[smem:$0x3FB9] =	sst s0  }
0x18: {  	s0 =	sld [smem:$0x3F9C];
	_ =	swait.ge [sflag:s4], $0x0  }
0x19: {  	s7 =	sld [smem:$0x3F9D]  }
0x1a: {  	s8 =	sadd.s32 $0xFFFFE003, lr  }
0x1b: {  	s9 =	sadd.s32 $0xFFFFFEF7, lr;
	s5 =	simm.s32 $0xFFFFFFFF;
	p2 =	slt.u32 s8, $0xFFFFF086  }
0x1c: {  	p1 =	slt.u32 s9, $0xF7A;
	s5 =	simm.s32 @!p2 $0x0  }
0x1d: {  	s5 =	simm.s32 @p1 $0x1;
	p0 =	seq.s32 s7, s2  }
0x1e: {  	s7 =	smul.u32 @!p0 $0xF7A, s2;
	p2 =	seq.s32 @!p0 s5, $0x0  }
0x1f: {  	s9 =	smul.u32 $0xF7A, s1;
	s8 =	simm.s32 @!p0 $0x1BF5;
	p2 =	por !p2, p0  }
0x20: {  	[sflag:s8] =	ssyncset.s32 @!p0 $0xFFFFF086;
	s6 =	sadd.s32 @!p0 s3, s7;
	s7 =	simm.s32 @!p0 $0x108  }
0x21: {  	s3 =	sadd.s32 s3, s9;
	s6 =	sadd.s32 @!p0 $0x88, s6;
	s7 =	simm.s32 @p2 $0x1082  }
0x22: {  	[simem:s7], [sflag:s8] =	dma.local @!p0 [hbm:s6], $0xF7A  }
0x23: {  	s9 =	sor.u32 $0xD0000000, s2;
	s6 =	simm.s32 $0x108;
	_ =	swait.ge @!p0 [sflag:s8], $0x0  }
0x24: {  	s3 =	sadd.s32 $0x88, s3;
	s6 =	simm.s32 @!p1 $0x1082;
	[sflag:s4] =	ssyncset.s32 $0xFFFFF086  }
0x25: {  	[simem:s6], [sflag:s4] =	dma.local [hbm:s3], $0xF7A  }
0x26: {  	[smem:$0x3F9D] =	sst s1;
	(tag) =	ssettag s2;
	_ =	strace s9  }
0x27: {  	s1 =	sld [smem:$0x3FAD]  }
0x28: {  	s2 =	sld [smem:$0x3FAE]  }
0x29: {  	s4 =	sld [smem:$0x3FB0]  }
0x2a: {  	p0 =	seq.s32 s5, $0x0;
	s5 =	sld [smem:$0x3FB1]  }
0x2b: {  	s6 =	sld [smem:$0x3FB2]  }
0x2c: {  	s7 =	sld [smem:$0x3FB3]  }
0x2d: {  	s3 =	simm.s32 $0x108;
	s8 =	sld [smem:$0x3FB4]  }
0x2e: {  	s3 =	simm.s32 @!p0 $0x1082;
	s9 =	sld [smem:$0x3FB5]  }
0x2f: {  	lr =	sadd.s32 s0, s3;
	s0 =	sld [smem:$0x3FAC]  }
0x30: {  	s3 =	sld [smem:$0x3FAF]  }
0x31: {  	[smem:$0x3FB8] =	sst s10  }
0x32: {  	s10 =	sld [smem:$0x3FB6];
	_ =	sdelay $0x3  }
0x33: {  	p0 =	seq.s32 s10, $0x1;
	s10 =	sld [smem:$0x3FB8];
	_ =	sdelay $0x3  }
0x34: {  	[smem:$0x3FB8] =	sst s10  }
0x35: {  	s10 =	sld [smem:$0x3FB7];
	_ =	sdelay $0x3  }
0x36: {  	p1 =	seq.s32 s10, $0x1;
	s10 =	sld [smem:$0x3FB8];
	_ =	sdelay $0x3  }
0x37: {  	[smem:$0x3FB8] =	sst s10  }
0x38: {  	s10 =	sld [smem:$0x3FB9]  }
0x39: {  	_ = 	snop;
	(pc) =	sbr.ind lr, $3  }
0x3a: {  	_ = 	snop  }
0x3b: {  	_ = 	snop  }
0x3c: {  	p2 =	seq.s32 s10, $0x1;
	s10 =	sld [smem:$0x3FB8]  }
0x3d: {  	_ =	shalt  }
0x3e: {  	_ =	shalt  }
0x3f: {  	_ =	shalt  }
0x40: {  	_ =	shalt  }
0x41: {  	_ =	shalt  }
0x42: {  	_ =	shalt  }
0x43: {  	_ =	shalt  }
0x44: {  	_ =	shalt  }
0x45: {  	_ =	shalt  }
0x46: {  	_ =	shalt  }
0x47: {  	_ =	shalt  }
0x48: {  	_ =	shalt  }
0x49: {  	_ =	shalt  }
0x4a: {  	_ =	shalt  }
0x4b: {  	_ =	shalt  }
0x4c: {  	_ =	shalt  }
0x4d: {  	_ =	shalt  }
0x4e: {  	_ =	shalt  }
0x4f: {  	_ =	shalt  }
0x50: {  	_ =	shalt  }
0x51: {  	_ =	shalt  }
0x52: {  	_ =	shalt  }
0x53: {  	_ =	shalt  }
0x54: {  	_ =	shalt  }
0x55: {  	_ =	shalt  }
0x56: {  	_ =	shalt  }
0x57: {  	_ =	shalt  }
0x58: {  	_ =	shalt  }
0x59: {  	_ =	shalt  }
0x5a: {  	_ =	shalt  }
0x5b: {  	_ =	shalt  }
0x5c: {  	_ =	shalt  }
0x5d: {  	_ =	shalt  }
0x5e: {  	_ =	shalt  }
0x5f: {  	_ =	shalt  }
0x60: {  	_ =	shalt  }
0x61: {  	_ =	shalt  }
0x62: {  	_ =	shalt  }
0x63: {  	_ =	shalt  }
0x64: {  	_ =	shalt  }
0x65: {  	_ =	shalt  }
0x66: {  	_ =	shalt  }
0x67: {  	_ =	shalt  }
0x68: {  	_ =	shalt  }
0x69: {  	_ =	shalt  }
0x6a: {  	_ =	shalt  }
0x6b: {  	_ =	shalt  }
0x6c: {  	_ =	shalt  }
0x6d: {  	_ =	shalt  }
0x6e: {  	_ =	shalt  }
0x6f: {  	_ =	shalt  }
0x70: {  	_ =	shalt  }
0x71: {  	_ =	shalt  }
0x72: {  	_ =	shalt  }
0x73: {  	_ =	shalt  }
0x74: {  	_ =	shalt  }
0x75: {  	_ =	shalt  }
0x76: {  	_ =	shalt  }
0x77: {  	_ =	shalt  }
0x78: {  	_ =	shalt  }
0x79: {  	_ =	shalt  }
0x7a: {  	_ =	shalt  }
0x7b: {  	_ =	shalt  }
0x7c: {  	_ =	shalt  }
0x7d: {  	_ =	shalt  }
0x7e: {  	_ =	shalt  }
0x7f: {  	_ =	shalt  }
0x80: {  	_ =	shalt  }
0x81: {  	_ =	shalt  }
0x82: {  	_ =	shalt  }
0x83: {  	_ =	shalt  }
0x84: {  	_ =	shalt  }
0x85: {  	_ =	shalt  }
0x86: {  	_ =	shalt  }
0x87: {  	_ =	shalt  }
.Lfunc_end0:
.L_simem_size_0:
called_computation.1_lowered:
.L_overlay_start_0:
0x88: {  	s2 =	sld [smem:$0x3FD9]  }
0x89: {  	s3 =	sld [smem:$0x3FFE];
	_ =	sdelay $0x1  }
0x8a: {  	s1 =	srdreg.scid  }
0x8b: {  	s0 =	sand.u32 $0x1, s1  }
0x8c: {  	s14 =	sshll.u32 s0, $0xA;
	s2 =	sadd.s32 s3, s2  }
0x8d: {  	s2 =	sadd.s32 s2, s14  }
0x8e: {  	[smem:$0x3FC4] =	sst s2  }
0x8f: {  	_ = 	snop  }
0x90: {  	s2 =	sld [smem:$0x3FD0];
	_ =	sdelay $0x2  }
0x91: {  	s4 =	simm.s32 $0xA;
	s5 =	simm.s32 $0x10;
	s15 =	sld [smem:$0x3FC6]  }
0x92: {  	[smem:s5], [sflag:s4] =	dma.local [hbm:s2], $0x1  }
0x93: {  	_ =	swait.eq [sflag:s4], $0x1  }
0x94: {  	[sflag:s4] =	ssyncset.done $0x0  }
0x95: {  	[sflag:s4] =	ssyncadd.s32 $0xFFFFFFFF  }
0x96: {  	s16 =	sld [smem:$0x10];
	(tm) =	ssettm $0x1  }
0x97: {  	s17 =	sld [smem:$0x3FFB];
	_ =	sdelay $0x3  }
0x98: {  	_ =	strace s17  }
0x99: {  	s4 =	sld [smem:$0x3FFC];
	_ =	sdelay $0x3  }
0x9a: {  	_ =	strace s4  }
0x9b: {  	s4 =	sld [smem:$0x3FFD];
	_ =	sdelay $0x3  }
0x9c: {  	_ =	strace s4  }
0x9d: {  	_ =	strace $0x8FFFFFFF  }
0x9e: {  	s18 =	sld [smem:$0x3FDB];
	_ =	sdelay $0x1  }
0x9f: {  	s19 =	simm.s32 $_scs_section_size  }
0xa0: {  	s6 =	simm.s32 $_size__tile_overlayer_lowered;
	s7 =	simm.s32 $_tile_overlayer_lowered  }
0xa1: {  	s22 =	simm.s32 $0x1BFF;
	s21 =	sshll.u32 s7, $0x1;
	s4 =	sadd.s32 s19, s18  }
0xa2: {  	s8 =	simm.s32 $0x0;
	s20 =	sshll.u32 s6, $0x1;
	s6 =	sadd.s32 s21, s4  }
0xa3: {  	[timem:s8], [sflag:s22] =	dma.local [hbm:s6], s20  }
0xa4: {  	_ =	swait.ge [sflag:s22], s20  }
0xa5: {  	s5 =	ssub.s32 $0x0, s20;
	[sflag:s22] =	ssyncset.done $0x0  }
0xa6: {  	[sflag:s22] =	ssyncadd.s32 s5;
	_ =	sdelay $0x1  }
0xa7: {  	s23 =	simm.s32 $0x1B8B  }
0xa8: {  	_ =	swait.ge [sflag:s23], $0x1  }
0xa9: {  	[sflag:s23] =	ssyncset.done $0x0  }
0xaa: {  	s25 =	simm.s32 $0x1B8E;
	s24 =	sld [smem:$0x3FFE];
	[sflag:s23] =	ssyncadd.s32 $0xFFFFFFFF  }
0xab: {  	s26 =	simm.s32 $execute0_lowered;
	[smem:$0x3FD2] =	sst s25  }
0xac: {  	s6 =	sshll.u32 s26, $0x1;
	_ =	strace $0x80000049;
	[dreg:$0x1] =	wrdreg $0xFFFFFFFF  }
0xad: {  	s28 =	simm.s32 $_size_execute0_lowered;
	s4 =	sadd.s32 s4, s6;
	[dreg:$0x0] =	wrdreg $0x0  }
0xae: {  	s6 =	sshll.u32 s28, $0x1;
	[dreg:$0x2] =	wrdreg s4  }
0xaf: {  	[dreg:$0x3] =	wrdreg s6  }
0xb0: {  	[dreg:$0x4] =	wrdreg $0xC0  }
0xb1: {  	_ =	task [dreg:s8], $0x5FFFF  }
0xb2: {  	[dreg:$0x1] =	wrdreg $0xFFFFFFFF  }
0xb3: {  	[dreg:$0x0] =	wrdreg $0x60  }
0xb4: {  	[dreg:$0x2] =	wrdreg s24  }
0xb5: {  	[dreg:$0x3] =	wrdreg s15  }
0xb6: {  	[dreg:$0x4] =	wrdreg s16  }
0xb7: {  	[dreg:$0x5] =	wrdreg $0x9  }
0xb8: {  	_ =	task.clear_ibuf [dreg:s8], $0x6FFFF;
	_ =	strace $0x90000049  }
0xb9: {  	s29 =	simm.s32 $0x9;
	_ =	strace $0x8000004B  }
0xba: {  	_ =	swait.ge [sflag:s29], $0x1  }
0xbb: {  	[sflag:s29] =	ssyncadd.s32 $0xFFFFFFFF  }
0xbc: {  	_ =	strace $0x9000004B  }
0xbd: {  	_ =	sfence  }
0xbe: {  	s30 =	sld [smem:$0x0];
	_ =	sdelay $0x2  }
0xbf: {  	s31 =	sshll.u32 s1, $0xD;
	s1 =	sshrl.u32 s1, $0x2  }
0xc0: {  	s3 =	sand.u32 $0x4000, s31;
	s1 =	sadd.s32 s1, s30  }
0xc1: {  	s0 =	sor.u32 s3, s0;
	s1 =	sshll.u32 s1, $0x11  }
0xc2: {  	s0 =	sor.u32 s1, s0  }
0xc3: {  	s0 =	sadd.s32 $0x8F2B, s0  }
0xc4: {  	[sflag:s0] =	ssyncadd.remote.s32 $0x1  }
0xc5: {  	_ =	sfence.sel $0xFFFF  }
0xc6: {  	[dreg:$0x0] =	wrdreg $0xFFFFFFFF;
	(pc) =	sbr.abs _section_cstart, $3  }
0xc7: {  	[dreg:$0x1] =	wrdreg $0xFFFFFFFF  }
0xc8: {  	_ =	task.clear_ibuf [dreg:s8], $0x2FFFF;
	_ =	strace $0x9FFFFFFF  }
0xc9: {  	(tm) =	ssettm $0x7FFFFFFF  }
tec
execute0_lowered:
.L_overlay_start_1:
0x0: {  	(tag) =	ssettag $0x1  }
0x1: {  	s0 =	rddreg [dreg:$0x0];
	s1 =	srdreg.scid  }
0x2: {  	s2 =	stileid.u32;
	s3 =	rddreg [dreg:$0x2];
	s4 =	simm.s32 $0x0  }
0x3: {  	s13 =	simm.s32 $0x13800;
	s14 =	simm.s32 $0x3;
	s15 =	simm.s32 $0x800  }
0x4: {  	s16 =	simm.s32 $0x80;
	s17 =	simm.s32 $0x2000;
	s18 =	simm.s32 $0x6000  }
0x5: {  	s24 =	simm.s32 $0x1000;
	s25 =	simm.s32 $0x1800;
	s28 =	simm.s32 $0xE000  }
0x6: {  	s19 =	simm.s32 $0x1;
	s31 =	simm.s32 $0x2;
	s20 =	simm.s32 $0x12000  }
0x7: {  	s21 =	simm.s32 $0x13000;
	s1 =	sand.u32 $0x1, s1;
	s2 =	sshll.u32 s2, $0x1  }
0x8: {  	[smem:$0x7FF] =	sst s4;
	s2 =	sor.u32 s1, s2;
	s1 =	ssub.s32 $0x2, s1  }
0x9: {  	s6 =	sadd.s32 $0x187C00, s0;
	s5 =	smul.u32 $0x30D40, s2;
	s26 =	sshrl.u32 s1, $0x1  }
0xa: {  	s7 =	sadd.s32 $0x1200, s0;
	s8 =	sadd.s32 $0x1A0400, s0;
	s29 =	ssub.s32 s1, s26  }
0xb: {  	_ =	strace $0x8000004A;
	s9 =	sshrl.u32 s5, $0x3;
	s0 =	smax.u32 s29, $0x1  }
0xc: {  	s2 =	simm.s32 $0x12800;
	s30 =	sadd.s32 s7, s9;
	[dreg:$0x6] =	wrdreg s0  }
0xd: {  	v0 =	vlaneseq.u32;
	s26 =	simm.s32 $0xA000;
	[dreg:$0x4] =	wrdreg s30;
	s1 =	sadd.s32 $0xC3500, s30  }
0xe: {  	v0 =	vmul.u32 $0x8, v0;
	s11 =	sadd.s32 $0x1000, s5;
	[dreg:$0x5] =	wrdreg s1;
	s1 =	simm.s32 $0x0  }
.LBB2_1:
0xf: {  	[dreg:$0x7] =	wrdreg s1  }
0x10: {  	s0 =	rddreg [dreg:$0x1]  }
0x11: {  	[tilespmem:s13], [sflag:$0x3] =	stream.linear.gather [hbm4b:s0+s4], $0x10, $0x38;
	[tilespmem:$0x13810] =	vst v63  }
0x12: {  	_ =	swait.ge [sflag:s14], $0x10  }
0x13: {  	[sflag:s14] =	ssyncset.done $0x0  }
0x14: {  	s12 =	rddreg [dreg:$0x4];
	[sflag:s14] =	ssyncadd.s32 $0xFFFFFFF0  }
0x15: {  	[tilespmem:s4], [sflag:$0x3] =	stream.linear.gather [hbm4b:s12+s4], $0x800, $0x38;
	[tilespmem:$0x13810] =	vst v63  }
0x16: {  	_ =	swait.ge [sflag:s14], $0x800  }
0x17: {  	[sflag:s14] =	ssyncset.done $0x0  }
0x18: {  	s22 =	rddreg [dreg:$0x5];
	[sflag:s14] =	ssyncadd.s32 $0xFFFFF800  }
0x19: {  	[tilespmem:s15], [sflag:$0x3] =	stream.linear.gather [hbm4b:s22+s4], $0x800, $0x38;
	[tilespmem:$0x13810] =	vst v63  }
0x1a: {  	_ =	swait.ge [sflag:s14], $0x800  }
0x1b: {  	[sflag:s14] =	ssyncset.done $0x0  }
0x1c: {  	[sflag:s14] =	ssyncadd.s32 $0xFFFFF800  }
0x1d: {  	[tilespmem:s17], [sflag:$0x1] =	stream.indirect.gather [hbm4b:s6+s16], $0x8, s4, s16, $0xb8;
	[tilespmem:$0x13810] =	vst v63  }
0x1e: {  	_ = 	snop  }
0x1f: {  	[tilespmem:s18], [sflag:$0x1] =	stream.indirect.gather [hbm4b:s6+s16], $0x8, s15, s16, $0xb8;
	[tilespmem:$0x13810] =	vst v63  }
0x20: {  	s23 =	simm.s32 $0x2400  }
0x21: {  	[tilespmem:s23], [sflag:$0x1] =	stream.indirect.gather [hbm4b:s6+s16], $0x8, s16, s16, $0xb8;
	[tilespmem:$0x13810] =	vst v63  }
0x22: {  	s29 =	simm.s32 $0x880;
	s30 =	simm.s32 $0x6400  }
0x23: {  	[tilespmem:s30], [sflag:$0x1] =	stream.indirect.gather [hbm4b:s6+s16], $0x8, s29, s16, $0xb8;
	[tilespmem:$0x13810] =	vst v63  }
0x24: {  	s1 =	simm.s32 $0x100;
	s9 =	simm.s32 $0x2800  }
0x25: {  	[tilespmem:s9], [sflag:$0x1] =	stream.indirect.gather [hbm4b:s6+s16], $0x8, s1, s16, $0xb8;
	[tilespmem:$0x13810] =	vst v63  }
0x26: {  	s10 =	simm.s32 $0x900;
	s12 =	simm.s32 $0x6800  }
0x27: {  	[tilespmem:s12], [sflag:$0x1] =	stream.indirect.gather [hbm4b:s6+s16], $0x8, s10, s16, $0xb8;
	[tilespmem:$0x13810] =	vst v63  }
0x28: {  	s22 =	simm.s32 $0x180;
	s23 =	simm.s32 $0x2C00  }
0x29: {  	[tilespmem:s23], [sflag:$0x1] =	stream.indirect.gather [hbm4b:s6+s16], $0x8, s22, s16, $0xb8;
	[tilespmem:$0x13810] =	vst v63  }
0x2a: {  	s29 =	simm.s32 $0x980;
	s30 =	simm.s32 $0x6C00  }
0x2b: {  	[tilespmem:s30], [sflag:$0x1] =	stream.indirect.gather [hbm4b:s6+s16], $0x8, s29, s16, $0xb8;
	[tilespmem:$0x13810] =	vst v63  }
0x2c: {  	s1 =	simm.s32 $0x200;
	s9 =	simm.s32 $0x3000  }
0x2d: {  	[tilespmem:s9], [sflag:$0x1] =	stream.indirect.gather [hbm4b:s6+s16], $0x8, s1, s16, $0xb8;
	[tilespmem:$0x13810] =	vst v63  }
0x2e: {  	s10 =	simm.s32 $0xA00;
	s12 =	simm.s32 $0x7000  }
0x2f: {  	[tilespmem:s12], [sflag:$0x1] =	stream.indirect.gather [hbm4b:s6+s16], $0x8, s10, s16, $0xb8;
	[tilespmem:$0x13810] =	vst v63  }
0x30: {  	s22 =	simm.s32 $0x280;
	s23 =	simm.s32 $0x3400  }
0x31: {  	[tilespmem:s23], [sflag:$0x1] =	stream.indirect.gather [hbm4b:s6+s16], $0x8, s22, s16, $0xb8;
	[tilespmem:$0x13810] =	vst v63  }
0x32: {  	s29 =	simm.s32 $0xA80;
	s30 =	simm.s32 $0x7400  }
0x33: {  	[tilespmem:s30], [sflag:$0x1] =	stream.indirect.gather [hbm4b:s6+s16], $0x8, s29, s16, $0xb8;
	[tilespmem:$0x13810] =	vst v63  }
0x34: {  	s1 =	simm.s32 $0x300;
	s9 =	simm.s32 $0x3800  }
0x35: {  	[tilespmem:s9], [sflag:$0x1] =	stream.indirect.gather [hbm4b:s6+s16], $0x8, s1, s16, $0xb8;
	[tilespmem:$0x13810] =	vst v63  }
0x36: {  	s10 =	simm.s32 $0xB00;
	s12 =	simm.s32 $0x7800  }
0x37: {  	[tilespmem:s12], [sflag:$0x1] =	stream.indirect.gather [hbm4b:s6+s16], $0x8, s10, s16, $0xb8;
	[tilespmem:$0x13810] =	vst v63  }
0x38: {  	s22 =	simm.s32 $0x380;
	s23 =	simm.s32 $0x3C00  }
0x39: {  	[tilespmem:s23], [sflag:$0x1] =	stream.indirect.gather [hbm4b:s6+s16], $0x8, s22, s16, $0xb8;
	[tilespmem:$0x13810] =	vst v63  }
0x3a: {  	s29 =	simm.s32 $0xB80;
	s30 =	simm.s32 $0x7C00  }
0x3b: {  	[tilespmem:s30], [sflag:$0x1] =	stream.indirect.gather [hbm4b:s6+s16], $0x8, s29, s16, $0xb8;
	[tilespmem:$0x13810] =	vst v63  }
0x3c: {  	s1 =	simm.s32 $0x400;
	s9 =	simm.s32 $0x4000  }
0x3d: {  	[tilespmem:s9], [sflag:$0x1] =	stream.indirect.gather [hbm4b:s6+s16], $0x8, s1, s16, $0xb8;
	[tilespmem:$0x13810] =	vst v63  }
0x3e: {  	s10 =	simm.s32 $0xC00;
	s12 =	simm.s32 $0x8000  }
0x3f: {  	[tilespmem:s12], [sflag:$0x1] =	stream.indirect.gather [hbm4b:s6+s16], $0x8, s10, s16, $0xb8;
	[tilespmem:$0x13810] =	vst v63  }
0x40: {  	s22 =	simm.s32 $0x480;
	s23 =	simm.s32 $0x4400  }
0x41: {  	[tilespmem:s23], [sflag:$0x1] =	stream.indirect.gather [hbm4b:s6+s16], $0x8, s22, s16, $0xb8;
	[tilespmem:$0x13810] =	vst v63  }
0x42: {  	s29 =	simm.s32 $0xC80;
	s30 =	simm.s32 $0x8400  }
0x43: {  	[tilespmem:s30], [sflag:$0x1] =	stream.indirect.gather [hbm4b:s6+s16], $0x8, s29, s16, $0xb8;
	[tilespmem:$0x13810] =	vst v63  }
0x44: {  	s1 =	simm.s32 $0x500;
	s9 =	simm.s32 $0x4800  }
0x45: {  	[tilespmem:s9], [sflag:$0x1] =	stream.indirect.gather [hbm4b:s6+s16], $0x8, s1, s16, $0xb8;
	[tilespmem:$0x13810] =	vst v63  }
0x46: {  	s10 =	simm.s32 $0xD00;
	s12 =	simm.s32 $0x8800  }
0x47: {  	[tilespmem:s12], [sflag:$0x1] =	stream.indirect.gather [hbm4b:s6+s16], $0x8, s10, s16, $0xb8;
	[tilespmem:$0x13810] =	vst v63  }
0x48: {  	s22 =	simm.s32 $0x580;
	s23 =	simm.s32 $0x4C00  }
0x49: {  	[tilespmem:s23], [sflag:$0x1] =	stream.indirect.gather [hbm4b:s6+s16], $0x8, s22, s16, $0xb8;
	[tilespmem:$0x13810] =	vst v63  }
0x4a: {  	s29 =	simm.s32 $0xD80;
	s30 =	simm.s32 $0x8C00  }
0x4b: {  	[tilespmem:s30], [sflag:$0x1] =	stream.indirect.gather [hbm4b:s6+s16], $0x8, s29, s16, $0xb8;
	[tilespmem:$0x13810] =	vst v63  }
0x4c: {  	s1 =	simm.s32 $0x600;
	s9 =	simm.s32 $0x5000  }
0x4d: {  	[tilespmem:s9], [sflag:$0x1] =	stream.indirect.gather [hbm4b:s6+s16], $0x8, s1, s16, $0xb8;
	[tilespmem:$0x13810] =	vst v63  }
0x4e: {  	s10 =	simm.s32 $0xE00;
	s12 =	simm.s32 $0x9000  }
0x4f: {  	[tilespmem:s12], [sflag:$0x1] =	stream.indirect.gather [hbm4b:s6+s16], $0x8, s10, s16, $0xb8;
	[tilespmem:$0x13810] =	vst v63  }
0x50: {  	s22 =	simm.s32 $0x680;
	s23 =	simm.s32 $0x5400  }
0x51: {  	[tilespmem:s23], [sflag:$0x1] =	stream.indirect.gather [hbm4b:s6+s16], $0x8, s22, s16, $0xb8;
	[tilespmem:$0x13810] =	vst v63  }
0x52: {  	s29 =	simm.s32 $0xE80;
	s30 =	simm.s32 $0x9400  }
0x53: {  	[tilespmem:s30], [sflag:$0x1] =	stream.indirect.gather [hbm4b:s6+s16], $0x8, s29, s16, $0xb8;
	[tilespmem:$0x13810] =	vst v63  }
0x54: {  	s1 =	simm.s32 $0x700;
	s9 =	simm.s32 $0x5800  }
0x55: {  	[tilespmem:s9], [sflag:$0x1] =	stream.indirect.gather [hbm4b:s6+s16], $0x8, s1, s16, $0xb8;
	[tilespmem:$0x13810] =	vst v63  }
0x56: {  	s10 =	simm.s32 $0xF00;
	s12 =	simm.s32 $0x9800  }
0x57: {  	[tilespmem:s12], [sflag:$0x1] =	stream.indirect.gather [hbm4b:s6+s16], $0x8, s10, s16, $0xb8;
	[tilespmem:$0x13810] =	vst v63  }
0x58: {  	s22 =	simm.s32 $0x780;
	s23 =	simm.s32 $0x5C00  }
0x59: {  	[tilespmem:s23], [sflag:$0x1] =	stream.indirect.gather [hbm4b:s6+s16], $0x8, s22, s16, $0xb8;
	[tilespmem:$0x13810] =	vst v63  }
0x5a: {  	s29 =	simm.s32 $0xF80;
	s30 =	simm.s32 $0x9C00;
	s22 =	simm.s32 $0x0  }
0x5b: {  	[tilespmem:s30], [sflag:$0x1] =	stream.indirect.gather [hbm4b:s6+s16], $0x8, s29, s16, $0xb8;
	[tilespmem:$0x13810] =	vst v63  }
.LBB2_2:
0x5c: {  	s10 =	sshll.u32 s22, $0xC  }
0x5d: {  	s1 =	sor.u32 $0x800, s10  }
0x5e: {  	s1 =	smin.u32 s1, $0x30540  }
0x5f: {  	s1 =	sadd.s32 s5, s1  }
0x60: {  	s30 =	sshrl.u32 s1, $0x3  }
0x61: {  	s1 =	simm.s32 $0x0;
	s9 =	sadd.s32 s7, s30  }
0x62: {  	[tilespmem:s24], [sflag:$0x3] =	stream.linear.gather [hbm4b:s9+s1], $0x800, $0x38;
	[tilespmem:$0x13810] =	vst v63  }
0x63: {  	_ =	swait.ge [sflag:s14], $0x800  }
0x64: {  	s23 =	sadd.s32 $0xC3500, s30;
	[sflag:s14] =	ssyncset.done $0x0  }
0x65: {  	s0 =	sadd.s32 s7, s23;
	[sflag:s14] =	ssyncadd.s32 $0xFFFFF800  }
0x66: {  	[tilespmem:s25], [sflag:$0x3] =	stream.linear.gather [hbm4b:s0+s1], $0x800, $0x38;
	[tilespmem:$0x13810] =	vst v63  }
0x67: {  	_ =	swait.ge [sflag:s14], $0x800  }
0x68: {  	[sflag:s14] =	ssyncset.done $0x0  }
0x69: {  	[sflag:s14] =	ssyncadd.s32 $0xFFFFF800  }
0x6a: {  	[tilespmem:s26], [sflag:$0x2] =	stream.indirect.gather [hbm4b:s6+s16], $0x8, s24, s16, $0xb8;
	[tilespmem:$0x13810] =	vst v63  }
0x6b: {  	_ = 	snop  }
0x6c: {  	[tilespmem:s28], [sflag:$0x2] =	stream.indirect.gather [hbm4b:s6+s16], $0x8, s25, s16, $0xb8;
	[tilespmem:$0x13810] =	vst v63  }
0x6d: {  	s12 =	simm.s32 $0xA400;
	s0 =	simm.s32 $0x1080  }
0x6e: {  	[tilespmem:s12], [sflag:$0x2] =	stream.indirect.gather [hbm4b:s6+s16], $0x8, s0, s16, $0xb8;
	[tilespmem:$0x13810] =	vst v63  }
0x6f: {  	s9 =	simm.s32 $0x1880;
	s12 =	simm.s32 $0xE400  }
0x70: {  	[tilespmem:s12], [sflag:$0x2] =	stream.indirect.gather [hbm4b:s6+s16], $0x8, s9, s16, $0xb8;
	[tilespmem:$0x13810] =	vst v63  }
0x71: {  	s9 =	simm.s32 $0x1100;
	s12 =	simm.s32 $0xA800  }
0x72: {  	[tilespmem:s12], [sflag:$0x2] =	stream.indirect.gather [hbm4b:s6+s16], $0x8, s9, s16, $0xb8;
	[tilespmem:$0x13810] =	vst v63  }
0x73: {  	s9 =	simm.s32 $0x1900;
	s12 =	simm.s32 $0xE800  }
0x74: {  	[tilespmem:s12], [sflag:$0x2] =	stream.indirect.gather [hbm4b:s6+s16], $0x8, s9, s16, $0xb8;
	[tilespmem:$0x13810] =	vst v63  }
0x75: {  	s9 =	simm.s32 $0x1180;
	s12 =	simm.s32 $0xAC00  }
0x76: {  	[tilespmem:s12], [sflag:$0x2] =	stream.indirect.gather [hbm4b:s6+s16], $0x8, s9, s16, $0xb8;
	[tilespmem:$0x13810] =	vst v63  }
0x77: {  	s9 =	simm.s32 $0x1980;
	s12 =	simm.s32 $0xEC00  }
0x78: {  	[tilespmem:s12], [sflag:$0x2] =	stream.indirect.gather [hbm4b:s6+s16], $0x8, s9, s16, $0xb8;
	[tilespmem:$0x13810] =	vst v63  }
0x79: {  	s9 =	simm.s32 $0x1200;
	s12 =	simm.s32 $0xB000  }
0x7a: {  	[tilespmem:s12], [sflag:$0x2] =	stream.indirect.gather [hbm4b:s6+s16], $0x8, s9, s16, $0xb8;
	[tilespmem:$0x13810] =	vst v63  }
0x7b: {  	s9 =	simm.s32 $0x1A00;
	s12 =	simm.s32 $0xF000  }
0x7c: {  	[tilespmem:s12], [sflag:$0x2] =	stream.indirect.gather [hbm4b:s6+s16], $0x8, s9, s16, $0xb8;
	[tilespmem:$0x13810] =	vst v63  }
0x7d: {  	s9 =	simm.s32 $0x1280;
	s12 =	simm.s32 $0xB400  }
0x7e: {  	[tilespmem:s12], [sflag:$0x2] =	stream.indirect.gather [hbm4b:s6+s16], $0x8, s9, s16, $0xb8;
	[tilespmem:$0x13810] =	vst v63  }
0x7f: {  	s9 =	simm.s32 $0x1A80;
	s12 =	simm.s32 $0xF400  }
0x80: {  	[tilespmem:s12], [sflag:$0x2] =	stream.indirect.gather [hbm4b:s6+s16], $0x8, s9, s16, $0xb8;
	[tilespmem:$0x13810] =	vst v63  }
0x81: {  	s9 =	simm.s32 $0x1300;
	s12 =	simm.s32 $0xB800  }
0x82: {  	[tilespmem:s12], [sflag:$0x2] =	stream.indirect.gather [hbm4b:s6+s16], $0x8, s9, s16, $0xb8;
	[tilespmem:$0x13810] =	vst v63  }
0x83: {  	s9 =	simm.s32 $0x1B00;
	s12 =	simm.s32 $0xF800  }
0x84: {  	[tilespmem:s12], [sflag:$0x2] =	stream.indirect.gather [hbm4b:s6+s16], $0x8, s9, s16, $0xb8;
	[tilespmem:$0x13810] =	vst v63  }
0x85: {  	s9 =	simm.s32 $0x1380;
	s12 =	simm.s32 $0xBC00  }
0x86: {  	[tilespmem:s12], [sflag:$0x2] =	stream.indirect.gather [hbm4b:s6+s16], $0x8, s9, s16, $0xb8;
	[tilespmem:$0x13810] =	vst v63  }
0x87: {  	s9 =	simm.s32 $0x1B80;
	s12 =	simm.s32 $0xFC00  }
0x88: {  	[tilespmem:s12], [sflag:$0x2] =	stream.indirect.gather [hbm4b:s6+s16], $0x8, s9, s16, $0xb8;
	[tilespmem:$0x13810] =	vst v63  }
0x89: {  	s9 =	simm.s32 $0x1400;
	s12 =	simm.s32 $0xC000  }
0x8a: {  	[tilespmem:s12], [sflag:$0x2] =	stream.indirect.gather [hbm4b:s6+s16], $0x8, s9, s16, $0xb8;
	[tilespmem:$0x13810] =	vst v63  }
0x8b: {  	s9 =	simm.s32 $0x1C00;
	s12 =	simm.s32 $0x10000  }
0x8c: {  	[tilespmem:s12], [sflag:$0x2] =	stream.indirect.gather [hbm4b:s6+s16], $0x8, s9, s16, $0xb8;
	[tilespmem:$0x13810] =	vst v63  }
0x8d: {  	s9 =	simm.s32 $0x1480;
	s12 =	simm.s32 $0xC400  }
0x8e: {  	[tilespmem:s12], [sflag:$0x2] =	stream.indirect.gather [hbm4b:s6+s16], $0x8, s9, s16, $0xb8;
	[tilespmem:$0x13810] =	vst v63  }
0x8f: {  	s9 =	simm.s32 $0x1C80;
	s12 =	simm.s32 $0x10400  }
0x90: {  	[tilespmem:s12], [sflag:$0x2] =	stream.indirect.gather [hbm4b:s6+s16], $0x8, s9, s16, $0xb8;
	[tilespmem:$0x13810] =	vst v63  }
0x91: {  	s9 =	simm.s32 $0x1500;
	s12 =	simm.s32 $0xC800  }
0x92: {  	[tilespmem:s12], [sflag:$0x2] =	stream.indirect.gather [hbm4b:s6+s16], $0x8, s9, s16, $0xb8;
	[tilespmem:$0x13810] =	vst v63  }
0x93: {  	s9 =	simm.s32 $0x1D00;
	s12 =	simm.s32 $0x10800  }
0x94: {  	[tilespmem:s12], [sflag:$0x2] =	stream.indirect.gather [hbm4b:s6+s16], $0x8, s9, s16, $0xb8;
	[tilespmem:$0x13810] =	vst v63  }
0x95: {  	s9 =	simm.s32 $0x1580;
	s12 =	simm.s32 $0xCC00  }
0x96: {  	[tilespmem:s12], [sflag:$0x2] =	stream.indirect.gather [hbm4b:s6+s16], $0x8, s9, s16, $0xb8;
	[tilespmem:$0x13810] =	vst v63  }
0x97: {  	s9 =	simm.s32 $0x1D80;
	s12 =	simm.s32 $0x10C00  }
0x98: {  	[tilespmem:s12], [sflag:$0x2] =	stream.indirect.gather [hbm4b:s6+s16], $0x8, s9, s16, $0xb8;
	[tilespmem:$0x13810] =	vst v63  }
0x99: {  	s9 =	simm.s32 $0x1600;
	s12 =	simm.s32 $0xD000  }
0x9a: {  	[tilespmem:s12], [sflag:$0x2] =	stream.indirect.gather [hbm4b:s6+s16], $0x8, s9, s16, $0xb8;
	[tilespmem:$0x13810] =	vst v63  }
0x9b: {  	s9 =	simm.s32 $0x1E00;
	s12 =	simm.s32 $0x11000  }
0x9c: {  	[tilespmem:s12], [sflag:$0x2] =	stream.indirect.gather [hbm4b:s6+s16], $0x8, s9, s16, $0xb8;
	[tilespmem:$0x13810] =	vst v63  }
0x9d: {  	s9 =	simm.s32 $0x1680;
	s12 =	simm.s32 $0xD400  }
0x9e: {  	[tilespmem:s12], [sflag:$0x2] =	stream.indirect.gather [hbm4b:s6+s16], $0x8, s9, s16, $0xb8;
	[tilespmem:$0x13810] =	vst v63  }
0x9f: {  	s9 =	simm.s32 $0x1E80;
	s12 =	simm.s32 $0x11400  }
0xa0: {  	[tilespmem:s12], [sflag:$0x2] =	stream.indirect.gather [hbm4b:s6+s16], $0x8, s9, s16, $0xb8;
	[tilespmem:$0x13810] =	vst v63  }
0xa1: {  	s9 =	simm.s32 $0x1700;
	s12 =	simm.s32 $0xD800  }
0xa2: {  	[tilespmem:s12], [sflag:$0x2] =	stream.indirect.gather [hbm4b:s6+s16], $0x8, s9, s16, $0xb8;
	[tilespmem:$0x13810] =	vst v63  }
0xa3: {  	s9 =	simm.s32 $0x1F00;
	s12 =	simm.s32 $0x11800  }
0xa4: {  	[tilespmem:s12], [sflag:$0x2] =	stream.indirect.gather [hbm4b:s6+s16], $0x8, s9, s16, $0xb8;
	[tilespmem:$0x13810] =	vst v63  }
0xa5: {  	s9 =	simm.s32 $0x1780;
	s12 =	simm.s32 $0xDC00  }
0xa6: {  	[tilespmem:s12], [sflag:$0x2] =	stream.indirect.gather [hbm4b:s6+s16], $0x8, s9, s16, $0xb8;
	[tilespmem:$0x13810] =	vst v63  }
0xa7: {  	s9 =	simm.s32 $0x1F80;
	s12 =	simm.s32 $0x11C00  }
0xa8: {  	[tilespmem:s12], [sflag:$0x2] =	stream.indirect.gather [hbm4b:s6+s16], $0x8, s9, s16, $0xb8;
	[tilespmem:$0x13810] =	vst v63  }
0xa9: {  	_ =	swait.ge [sflag:s19], $0x400  }
0xaa: {  	[sflag:s19] =	ssyncset.done $0x0  }
0xab: {  	[sflag:s19] =	ssyncadd.s32 $0xFFFFFC00  }
0xac: {  	_ =	swait.ge [sflag:s19], $0x400  }
0xad: {  	[sflag:s19] =	ssyncset.done $0x0  }
0xae: {  	[sflag:s19] =	ssyncadd.s32 $0xFFFFFC00  }
0xaf: {  	_ =	swait.ge [sflag:s19], $0x400  }
0xb0: {  	[sflag:s19] =	ssyncset.done $0x0  }
0xb1: {  	[sflag:s19] =	ssyncadd.s32 $0xFFFFFC00  }
0xb2: {  	_ =	swait.ge [sflag:s19], $0x400  }
0xb3: {  	[sflag:s19] =	ssyncset.done $0x0  }
0xb4: {  	[sflag:s19] =	ssyncadd.s32 $0xFFFFFC00  }
0xb5: {  	_ =	swait.ge [sflag:s19], $0x400  }
0xb6: {  	[sflag:s19] =	ssyncset.done $0x0  }
0xb7: {  	[sflag:s19] =	ssyncadd.s32 $0xFFFFFC00  }
0xb8: {  	_ =	swait.ge [sflag:s19], $0x400  }
0xb9: {  	[sflag:s19] =	ssyncset.done $0x0  }
0xba: {  	[sflag:s19] =	ssyncadd.s32 $0xFFFFFC00  }
0xbb: {  	_ =	swait.ge [sflag:s19], $0x400  }
0xbc: {  	[sflag:s19] =	ssyncset.done $0x0  }
0xbd: {  	[sflag:s19] =	ssyncadd.s32 $0xFFFFFC00  }
0xbe: {  	_ =	swait.ge [sflag:s19], $0x400  }
0xbf: {  	[sflag:s19] =	ssyncset.done $0x0  }
0xc0: {  	[sflag:s19] =	ssyncadd.s32 $0xFFFFFC00  }
0xc1: {  	_ =	swait.ge [sflag:s19], $0x400  }
0xc2: {  	[sflag:s19] =	ssyncset.done $0x0  }
0xc3: {  	[sflag:s19] =	ssyncadd.s32 $0xFFFFFC00  }
0xc4: {  	_ =	swait.ge [sflag:s19], $0x400  }
0xc5: {  	[sflag:s19] =	ssyncset.done $0x0  }
0xc6: {  	[sflag:s19] =	ssyncadd.s32 $0xFFFFFC00  }
0xc7: {  	_ =	swait.ge [sflag:s19], $0x400  }
0xc8: {  	[sflag:s19] =	ssyncset.done $0x0  }
0xc9: {  	[sflag:s19] =	ssyncadd.s32 $0xFFFFFC00  }
0xca: {  	_ =	swait.ge [sflag:s19], $0x400  }
0xcb: {  	[sflag:s19] =	ssyncset.done $0x0  }
0xcc: {  	[sflag:s19] =	ssyncadd.s32 $0xFFFFFC00  }
0xcd: {  	_ =	swait.ge [sflag:s19], $0x400  }
0xce: {  	[sflag:s19] =	ssyncset.done $0x0  }
0xcf: {  	[sflag:s19] =	ssyncadd.s32 $0xFFFFFC00  }
0xd0: {  	_ =	swait.ge [sflag:s19], $0x400  }
0xd1: {  	[sflag:s19] =	ssyncset.done $0x0  }
0xd2: {  	[sflag:s19] =	ssyncadd.s32 $0xFFFFFC00  }
0xd3: {  	_ =	swait.ge [sflag:s19], $0x400  }
0xd4: {  	[sflag:s19] =	ssyncset.done $0x0  }
0xd5: {  	[sflag:s19] =	ssyncadd.s32 $0xFFFFFC00  }
0xd6: {  	_ =	swait.ge [sflag:s19], $0x400  }
0xd7: {  	[sflag:s19] =	ssyncset.done $0x0  }
0xd8: {  	[sflag:s19] =	ssyncadd.s32 $0xFFFFFC00  }
0xd9: {  	_ =	swait.ge [sflag:s19], $0x400  }
0xda: {  	[sflag:s19] =	ssyncset.done $0x0  }
0xdb: {  	[sflag:s19] =	ssyncadd.s32 $0xFFFFFC00  }
0xdc: {  	_ =	swait.ge [sflag:s19], $0x400  }
0xdd: {  	[sflag:s19] =	ssyncset.done $0x0  }
0xde: {  	[sflag:s19] =	ssyncadd.s32 $0xFFFFFC00  }
0xdf: {  	_ =	swait.ge [sflag:s19], $0x400  }
0xe0: {  	[sflag:s19] =	ssyncset.done $0x0  }
0xe1: {  	[sflag:s19] =	ssyncadd.s32 $0xFFFFFC00  }
0xe2: {  	_ =	swait.ge [sflag:s19], $0x400  }
0xe3: {  	[sflag:s19] =	ssyncset.done $0x0  }
0xe4: {  	[sflag:s19] =	ssyncadd.s32 $0xFFFFFC00  }
0xe5: {  	_ =	swait.ge [sflag:s19], $0x400  }
0xe6: {  	[sflag:s19] =	ssyncset.done $0x0  }
0xe7: {  	[sflag:s19] =	ssyncadd.s32 $0xFFFFFC00  }
0xe8: {  	_ =	swait.ge [sflag:s19], $0x400  }
0xe9: {  	[sflag:s19] =	ssyncset.done $0x0  }
0xea: {  	[sflag:s19] =	ssyncadd.s32 $0xFFFFFC00  }
0xeb: {  	_ =	swait.ge [sflag:s19], $0x400  }
0xec: {  	[sflag:s19] =	ssyncset.done $0x0  }
0xed: {  	[sflag:s19] =	ssyncadd.s32 $0xFFFFFC00  }
0xee: {  	_ =	swait.ge [sflag:s19], $0x400  }
0xef: {  	[sflag:s19] =	ssyncset.done $0x0  }
0xf0: {  	[sflag:s19] =	ssyncadd.s32 $0xFFFFFC00  }
0xf1: {  	_ =	swait.ge [sflag:s19], $0x400  }
0xf2: {  	[sflag:s19] =	ssyncset.done $0x0  }
0xf3: {  	[sflag:s19] =	ssyncadd.s32 $0xFFFFFC00  }
0xf4: {  	_ =	swait.ge [sflag:s19], $0x400  }
0xf5: {  	[sflag:s19] =	ssyncset.done $0x0  }
0xf6: {  	[sflag:s19] =	ssyncadd.s32 $0xFFFFFC00  }
0xf7: {  	_ =	swait.ge [sflag:s19], $0x400  }
0xf8: {  	[sflag:s19] =	ssyncset.done $0x0  }
0xf9: {  	[sflag:s19] =	ssyncadd.s32 $0xFFFFFC00  }
0xfa: {  	_ =	swait.ge [sflag:s19], $0x400  }
0xfb: {  	[sflag:s19] =	ssyncset.done $0x0  }
0xfc: {  	[sflag:s19] =	ssyncadd.s32 $0xFFFFFC00  }
0xfd: {  	_ =	swait.ge [sflag:s19], $0x400  }
0xfe: {  	[sflag:s19] =	ssyncset.done $0x0  }
0xff: {  	[sflag:s19] =	ssyncadd.s32 $0xFFFFFC00  }
0x100: {  	_ =	swait.ge [sflag:s19], $0x400  }
0x101: {  	[sflag:s19] =	ssyncset.done $0x0  }
0x102: {  	v1 =	vmov s1;
	[sflag:s19] =	ssyncadd.s32 $0xFFFFFC00  }
0x103: {  	v1 =	vshll.u32 v1, $0x3;
	_ =	swait.ge [sflag:s19], $0x400  }
0x104: {  	v1 =	vor.u32 v0, v1;
	[sflag:s19] =	ssyncset.done $0x0  }
0x105: {  	[sflag:s19] =	ssyncadd.s32 $0xFFFFFC00  }
0x106: {  	v2 =	vor.u32 $0x1, v1;
	_ =	swait.ge [sflag:s19], $0x400  }
0x107: {  	[sflag:s19] =	ssyncset.done $0x0  }
0x108: {  	v3 =	vor.u32 $0x2, v1;
	[sflag:s19] =	ssyncadd.s32 $0xFFFFFC00  }
0x109: {  	v4 =	vld.idx.msk [tilespmem:v1+s17+$0x0], $0xffff  }
0x10a: {  	v5 =	vld.idx.msk [tilespmem:v1+s18+$0x0], $0xffff  }
0x10b: {  	v6 =	vld.idx.msk [tilespmem:v2+s17+$0x0], $0xffff  }
0x10c: {  	v2 =	vld.idx.msk [tilespmem:v2+s18+$0x0], $0xffff  }
0x10d: {  	v7 =	vld.idx.msk [tilespmem:v3+s17+$0x0], $0xffff  }
0x10e: {  	v3 =	vld.idx.msk [tilespmem:v3+s18+$0x0], $0xffff;
	_ =	sdelay $0x2  }
0x10f: {  	v4 =	vsub.f32 v5, v4;
	v2 =	vsub.f32 v2, v6;
	_ =	sdelay $0x1  }
0x110: {  	v3 =	vsub.f32 v3, v7;
	v4 =	vmul.f32 v4, v4;
	v2 =	vmul.f32 v2, v2;
	_ =	sdelay $0x1  }
0x111: {  	v3 =	vmul.f32 v3, v3;
	v2 =	vadd.f32 v2, v4;
	_ =	sdelay $0x1  }
0x112: {  	v2 =	vadd.f32 v3, v2  }
0x113: {  	v1 =	vor.u32 $0x3, v1  }
0x114: {  	v3 =	vshra.s32 v2, $0x1;
	v4 =	vmul.f32 $5.000000000e-01, v2  }
0x115: {  	v3 =	vsub.s32 $0x5F3759DF, v3  }
0x116: {  	v5 =	vmul.f32 v3, v4;
	_ =	sdelay $0x1  }
0x117: {  	v6 =	vld.idx.msk [tilespmem:v1+s17+$0x0], $0xffff;
	v5 =	vmul.f32 v3, v5  }
0x118: {  	v1 =	vld.idx.msk [tilespmem:v1+s18+$0x0], $0xffff  }
0x119: {  	v5 =	vsub.f32 $1.500000000e+00, v5;
	_ =	sdelay $0x1  }
0x11a: {  	v3 =	vmul.f32 v3, v5  }
0x11b: {  	v5 =	vshll.u32 v6, $0x2  }
0x11c: {  	v5 =	vadd.s32 v5, v1;
	v4 =	vmul.f32 v3, v4;
	_ =	sdelay $0x1  }
0x11d: {  	v4 =	vmul.f32 v4, v3;
	_ =	sdelay $0x1  }
0x11e: {  	v4 =	vsub.f32 $1.500000000e+00, v4  }
0x11f: {  	v5 =	vld.idx.msk [tilespmem:v5+s13+$0x0], $0xffff  }
0x120: {  	v3 =	vmul.f32 v4, v3  }
0x121: {  	s9 =	simm.s32 $0x10  }
0x122: {  	v4 =	vmov s9;
	v2 =	vmul.f32 v3, v2  }
0x123: {  	v3 =	vshll.u32 v4, $0x3  }
0x124: {  	v3 =	vor.u32 v0, v3;
	v2 =	vmul.f32 v2, v5  }
0x125: {  	s12 =	simm.s32 $0x12000  }
0x126: {  	s0 =	simm.s32 $0x12800;
	v4 =	vor.u32 $0x1, v3;
	[tilespmem:s12+$0x0] =	vst v2  }
0x127: {  	s1 =	simm.s32 $0x13000;
	[tilespmem:s0+$0x0] =	vst v6  }
0x128: {  	v2 =	vor.u32 $0x2, v3;
	[tilespmem:s1+$0x0] =	vst v1  }
0x129: {  	v1 =	vld.idx.msk [tilespmem:v3+s17+$0x0], $0xffff  }
0x12a: {  	v5 =	vld.idx.msk [tilespmem:v3+s18+$0x0], $0xffff  }
0x12b: {  	v6 =	vld.idx.msk [tilespmem:v4+s17+$0x0], $0xffff  }
0x12c: {  	v4 =	vld.idx.msk [tilespmem:v4+s18+$0x0], $0xffff  }
0x12d: {  	v7 =	vld.idx.msk [tilespmem:v2+s17+$0x0], $0xffff  }
0x12e: {  	v2 =	vld.idx.msk [tilespmem:v2+s18+$0x0], $0xffff;
	_ =	sdelay $0x2  }
0x12f: {  	v1 =	vsub.f32 v5, v1;
	v4 =	vsub.f32 v4, v6;
	_ =	sdelay $0x1  }
0x130: {  	v2 =	vsub.f32 v2, v7;
	v1 =	vmul.f32 v1, v1;
	v4 =	vmul.f32 v4, v4;
	_ =	sdelay $0x1  }
0x131: {  	v1 =	vadd.f32 v4, v1;
	v2 =	vmul.f32 v2, v2;
	_ =	sdelay $0x1  }
0x132: {  	v4 =	vadd.f32 v2, v1  }
0x133: {  	v1 =	vor.u32 $0x3, v3  }
0x134: {  	v2 =	vshra.s32 v4, $0x1;
	v3 =	vmul.f32 $5.000000000e-01, v4  }
0x135: {  	v5 =	vsub.s32 $0x5F3759DF, v2  }
0x136: {  	v6 =	vmul.f32 v5, v3;
	_ =	sdelay $0x1  }
0x137: {  	v2 =	vld.idx.msk [tilespmem:v1+s17+$0x0], $0xffff;
	v6 =	vmul.f32 v5, v6  }
0x138: {  	v1 =	vld.idx.msk [tilespmem:v1+s18+$0x0], $0xffff  }
0x139: {  	v6 =	vsub.f32 $1.500000000e+00, v6;
	_ =	sdelay $0x1  }
0x13a: {  	v5 =	vmul.f32 v5, v6  }
0x13b: {  	v6 =	vshll.u32 v2, $0x2  }
0x13c: {  	v6 =	vadd.s32 v6, v1;
	v3 =	vmul.f32 v5, v3;
	_ =	sdelay $0x1  }
0x13d: {  	v3 =	vmul.f32 v3, v5;
	_ =	sdelay $0x1  }
0x13e: {  	v3 =	vsub.f32 $1.500000000e+00, v3  }
0x13f: {  	v6 =	vld.idx.msk [tilespmem:v6+s13+$0x0], $0xffff  }
0x140: {  	v3 =	vmul.f32 v3, v5;
	_ =	sdelay $0x1  }
0x141: {  	s12 =	simm.s32 $0x20;
	v3 =	vmul.f32 v3, v4  }
0x142: {  	v4 =	vmov s12  }
0x143: {  	v4 =	vshll.u32 v4, $0x3;
	v5 =	vmul.f32 v3, v6  }
0x144: {  	s9 =	simm.s32 $0x12010;
	v3 =	vor.u32 v0, v4  }
0x145: {  	s29 =	simm.s32 $0x30;
	s12 =	simm.s32 $0x12810;
	v4 =	vor.u32 $0x1, v3;
	[tilespmem:s9+$0x0] =	vst v5  }
.LBB2_3:
0x146: {  	p0 =	sne.s32 s29, $0x7F0;
	[tilespmem:s12+$0x0] =	vst v2;
	s1 =	sadd.s32 $0x10, s1  }
0x147: {  	v2 =	vor.u32 $0x2, v3;
	[tilespmem:s1+$0x0] =	vst v1  }
0x148: {  	v5 =	vld.idx.msk [tilespmem:v3+s17+$0x0], $0xffff  }
0x149: {  	v1 =	vor.u32 $0x3, v3;
	v3 =	vld.idx.msk [tilespmem:v3+s18+$0x0], $0xffff  }
0x14a: {  	v6 =	vld.idx.msk [tilespmem:v4+s17+$0x0], $0xffff  }
0x14b: {  	v4 =	vld.idx.msk [tilespmem:v4+s18+$0x0], $0xffff  }
0x14c: {  	v7 =	vld.idx.msk [tilespmem:v2+s17+$0x0], $0xffff  }
0x14d: {  	v8 =	vld.idx.msk [tilespmem:v2+s18+$0x0], $0xffff  }
0x14e: {  	v2 =	vld.idx.msk [tilespmem:v1+s17+$0x0], $0xffff  }
0x14f: {  	v1 =	vld.idx.msk [tilespmem:v1+s18+$0x0], $0xffff;
	_ =	sdelay $0x1  }
0x150: {  	v3 =	vsub.f32 v3, v5;
	v4 =	vsub.f32 v4, v6;
	_ =	sdelay $0x1  }
0x151: {  	v3 =	vmul.f32 v3, v3;
	v5 =	vsub.f32 v8, v7;
	v4 =	vmul.f32 v4, v4;
	_ =	sdelay $0x1  }
0x152: {  	v3 =	vadd.f32 v4, v3;
	v4 =	vmul.f32 v5, v5;
	_ =	sdelay $0x1  }
0x153: {  	v3 =	vadd.f32 v4, v3;
	_ =	sdelay $0x1  }
0x154: {  	v4 =	vshra.s32 v3, $0x1;
	v5 =	vmul.f32 $5.000000000e-01, v3  }
0x155: {  	v4 =	vsub.s32 $0x5F3759DF, v4  }
0x156: {  	v6 =	vmul.f32 v4, v5;
	_ =	sdelay $0x1  }
0x157: {  	v6 =	vmul.f32 v4, v6;
	_ =	sdelay $0x1  }
0x158: {  	v6 =	vsub.f32 $1.500000000e+00, v6;
	_ =	sdelay $0x1  }
0x159: {  	v4 =	vmul.f32 v4, v6;
	v6 =	vshll.u32 v2, $0x2  }
0x15a: {  	v6 =	vadd.s32 v6, v1  }
0x15b: {  	v5 =	vmul.f32 v4, v5;
	_ =	sdelay $0x1  }
0x15c: {  	v5 =	vmul.f32 v5, v4;
	_ =	sdelay $0x1  }
0x15d: {  	v5 =	vsub.f32 $1.500000000e+00, v5;
	v6 =	vld.idx.msk [tilespmem:v6+s13+$0x0], $0xffff;
	_ =	sdelay $0x1  }
0x15e: {  	v4 =	vmul.f32 v5, v4;
	_ =	sdelay $0x1  }
.Ltmp0:
0x15f: {  	v5 =	vmov s29;
	v4 =	vmul.f32 v4, v3;
	(pc) =	sbr.rel @p0 .LBB2_3-.Ltmp0, $4  }
0x160: {  	v3 =	vshll.u32 v5, $0x3  }
0x161: {  	v3 =	vor.u32 v0, v3;
	v5 =	vmul.f32 v4, v6  }
0x162: {  	s9 =	sadd.s32 $0x10, s9  }
0x163: {  	s12 =	sadd.s32 $0x10, s12;
	s29 =	sadd.s32 $0x10, s29;
	v4 =	vor.u32 $0x1, v3;
	[tilespmem:s9+$0x0] =	vst v5  }
0x164: {  	_ =	sdelay $0x1  }
0x165: {  	[tilespmem:s12+$0x0] =	vst v2;
	s1 =	sadd.s32 $0x10, s1  }
0x166: {  	v2 =	vor.u32 $0x2, v3;
	[tilespmem:s1+$0x0] =	vst v1  }
0x167: {  	v1 =	vld.idx.msk [tilespmem:v3+s17+$0x0], $0xffff  }
0x168: {  	v5 =	vld.idx.msk [tilespmem:v3+s18+$0x0], $0xffff  }
0x169: {  	v6 =	vld.idx.msk [tilespmem:v4+s17+$0x0], $0xffff  }
0x16a: {  	v4 =	vld.idx.msk [tilespmem:v4+s18+$0x0], $0xffff  }
0x16b: {  	v7 =	vld.idx.msk [tilespmem:v2+s17+$0x0], $0xffff  }
0x16c: {  	v2 =	vld.idx.msk [tilespmem:v2+s18+$0x0], $0xffff;
	_ =	sdelay $0x2  }
0x16d: {  	v1 =	vsub.f32 v5, v1;
	v4 =	vsub.f32 v4, v6;
	_ =	sdelay $0x1  }
0x16e: {  	v1 =	vmul.f32 v1, v1;
	v4 =	vmul.f32 v4, v4;
	v2 =	vsub.f32 v2, v7;
	_ =	sdelay $0x1  }
0x16f: {  	v1 =	vadd.f32 v4, v1;
	v2 =	vmul.f32 v2, v2;
	_ =	sdelay $0x1  }
0x170: {  	v1 =	vadd.f32 v2, v1  }
0x171: {  	v2 =	vor.u32 $0x3, v3  }
0x172: {  	v3 =	vshra.s32 v1, $0x1;
	v4 =	vmul.f32 $5.000000000e-01, v1  }
0x173: {  	v3 =	vsub.s32 $0x5F3759DF, v3  }
0x174: {  	v5 =	vmul.f32 v3, v4;
	_ =	sdelay $0x1  }
0x175: {  	v6 =	vld.idx.msk [tilespmem:v2+s17+$0x0], $0xffff;
	v5 =	vmul.f32 v3, v5  }
0x176: {  	v2 =	vld.idx.msk [tilespmem:v2+s18+$0x0], $0xffff  }
0x177: {  	v5 =	vsub.f32 $1.500000000e+00, v5;
	_ =	sdelay $0x1  }
0x178: {  	v3 =	vmul.f32 v3, v5  }
0x179: {  	v5 =	vshll.u32 v6, $0x2  }
0x17a: {  	v5 =	vadd.s32 v5, v2;
	v4 =	vmul.f32 v3, v4;
	_ =	sdelay $0x1  }
0x17b: {  	v4 =	vmul.f32 v4, v3;
	_ =	sdelay $0x1  }
0x17c: {  	v4 =	vsub.f32 $1.500000000e+00, v4  }
0x17d: {  	v5 =	vld.idx.msk [tilespmem:v5+s13+$0x0], $0xffff  }
0x17e: {  	v3 =	vmul.f32 v4, v3;
	_ =	sdelay $0x1  }
0x17f: {  	v1 =	vmul.f32 v3, v1;
	_ =	sdelay $0x1  }
0x180: {  	v1 =	vmul.f32 v1, v5  }
0x181: {  	s9 =	sadd.s32 $0x10, s9  }
0x182: {  	s12 =	sadd.s32 $0x10, s12;
	s29 =	sadd.s32 s5, s10;
	[tilespmem:s9+$0x0] =	vst v1  }
0x183: {  	s1 =	sadd.s32 $0x10, s1;
	s29 =	sshrl.u32 s29, $0x3;
	[tilespmem:s12+$0x0] =	vst v6  }
0x184: {  	s0 =	sadd.s32 s3, s29;
	s9 =	simm.s32 $0x0;
	s12 =	simm.s32 $0x12000;
	[tilespmem:s1+$0x0] =	vst v2  }
0x185: {  	[hbm4b:s0+s9] =	stream.linear.scatter [tilespmem:s12], [sflag:$0x3], $0x800, $0x38;
	[tilespmem:$0x13810] =	vst v63  }
0x186: {  	_ =	swait.ge [sflag:s14], $0x800  }
0x187: {  	[sflag:s14] =	ssyncset.done $0x0  }
0x188: {  	s0 =	sadd.s32 s8, s29;
	s29 =	simm.s32 $0x12800;
	[sflag:s14] =	ssyncadd.s32 $0xFFFFF800  }
0x189: {  	[hbm4b:s0+s9] =	stream.linear.scatter [tilespmem:s29], [sflag:$0x3], $0x800, $0x38;
	[tilespmem:$0x13810] =	vst v63  }
0x18a: {  	_ =	swait.ge [sflag:s14], $0x800  }
0x18b: {  	s10 =	smin.u32 s10, $0x2F540;
	[sflag:s14] =	ssyncset.done $0x0  }
0x18c: {  	s1 =	simm.s32 $0x13000;
	s0 =	sadd.s32 $0xC3500, s0;
	[sflag:s14] =	ssyncadd.s32 $0xFFFFF800  }
0x18d: {  	[hbm4b:s0+s9] =	stream.linear.scatter [tilespmem:s1], [sflag:$0x3], $0x800, $0x38;
	[tilespmem:$0x13810] =	vst v63  }
0x18e: {  	s0 =	sadd.s32 s10, s11;
	_ =	swait.ge [sflag:s14], $0x800  }
0x18f: {  	s0 =	sshrl.u32 s0, $0x3;
	[sflag:s14] =	ssyncset.done $0x0  }
0x190: {  	s0 =	sadd.s32 s7, s0;
	[sflag:s14] =	ssyncadd.s32 $0xFFFFF800  }
0x191: {  	[tilespmem:s9], [sflag:$0x3] =	stream.linear.gather [hbm4b:s0+s9], $0x800, $0x38;
	[tilespmem:$0x13810] =	vst v63  }
0x192: {  	_ =	swait.ge [sflag:s14], $0x800  }
0x193: {  	[sflag:s14] =	ssyncset.done $0x0  }
0x194: {  	s0 =	sadd.s32 $0xC3500, s0;
	[sflag:s14] =	ssyncadd.s32 $0xFFFFF800  }
0x195: {  	[tilespmem:s15], [sflag:$0x3] =	stream.linear.gather [hbm4b:s0+s9], $0x800, $0x38;
	[tilespmem:$0x13810] =	vst v63  }
0x196: {  	_ =	swait.ge [sflag:s14], $0x800  }
0x197: {  	[sflag:s14] =	ssyncset.done $0x0  }
0x198: {  	[sflag:s14] =	ssyncadd.s32 $0xFFFFF800  }
0x199: {  	[tilespmem:s17], [sflag:$0x1] =	stream.indirect.gather [hbm4b:s6+s16], $0x8, s9, s16, $0xb8;
	[tilespmem:$0x13810] =	vst v63  }
0x19a: {  	_ = 	snop  }
0x19b: {  	[tilespmem:s18], [sflag:$0x1] =	stream.indirect.gather [hbm4b:s6+s16], $0x8, s15, s16, $0xb8;
	[tilespmem:$0x13810] =	vst v63  }
0x19c: {  	s10 =	simm.s32 $0x2400  }
0x19d: {  	[tilespmem:s10], [sflag:$0x1] =	stream.indirect.gather [hbm4b:s6+s16], $0x8, s16, s16, $0xb8;
	[tilespmem:$0x13810] =	vst v63  }
0x19e: {  	s0 =	simm.s32 $0x880;
	s10 =	simm.s32 $0x6400  }
0x19f: {  	[tilespmem:s10], [sflag:$0x1] =	stream.indirect.gather [hbm4b:s6+s16], $0x8, s0, s16, $0xb8;
	[tilespmem:$0x13810] =	vst v63  }
0x1a0: {  	s0 =	simm.s32 $0x100;
	s10 =	simm.s32 $0x2800  }
0x1a1: {  	[tilespmem:s10], [sflag:$0x1] =	stream.indirect.gather [hbm4b:s6+s16], $0x8, s0, s16, $0xb8;
	[tilespmem:$0x13810] =	vst v63  }
0x1a2: {  	s0 =	simm.s32 $0x900;
	s10 =	simm.s32 $0x6800  }
0x1a3: {  	[tilespmem:s10], [sflag:$0x1] =	stream.indirect.gather [hbm4b:s6+s16], $0x8, s0, s16, $0xb8;
	[tilespmem:$0x13810] =	vst v63  }
0x1a4: {  	s0 =	simm.s32 $0x180;
	s10 =	simm.s32 $0x2C00  }
0x1a5: {  	[tilespmem:s10], [sflag:$0x1] =	stream.indirect.gather [hbm4b:s6+s16], $0x8, s0, s16, $0xb8;
	[tilespmem:$0x13810] =	vst v63  }
0x1a6: {  	s0 =	simm.s32 $0x980;
	s10 =	simm.s32 $0x6C00  }
0x1a7: {  	[tilespmem:s10], [sflag:$0x1] =	stream.indirect.gather [hbm4b:s6+s16], $0x8, s0, s16, $0xb8;
	[tilespmem:$0x13810] =	vst v63  }
0x1a8: {  	s0 =	simm.s32 $0x200;
	s10 =	simm.s32 $0x3000  }
0x1a9: {  	[tilespmem:s10], [sflag:$0x1] =	stream.indirect.gather [hbm4b:s6+s16], $0x8, s0, s16, $0xb8;
	[tilespmem:$0x13810] =	vst v63  }
0x1aa: {  	s0 =	simm.s32 $0xA00;
	s10 =	simm.s32 $0x7000  }
0x1ab: {  	[tilespmem:s10], [sflag:$0x1] =	stream.indirect.gather [hbm4b:s6+s16], $0x8, s0, s16, $0xb8;
	[tilespmem:$0x13810] =	vst v63  }
0x1ac: {  	s0 =	simm.s32 $0x280;
	s10 =	simm.s32 $0x3400  }
0x1ad: {  	[tilespmem:s10], [sflag:$0x1] =	stream.indirect.gather [hbm4b:s6+s16], $0x8, s0, s16, $0xb8;
	[tilespmem:$0x13810] =	vst v63  }
0x1ae: {  	s0 =	simm.s32 $0xA80;
	s10 =	simm.s32 $0x7400  }
0x1af: {  	[tilespmem:s10], [sflag:$0x1] =	stream.indirect.gather [hbm4b:s6+s16], $0x8, s0, s16, $0xb8;
	[tilespmem:$0x13810] =	vst v63  }
0x1b0: {  	s0 =	simm.s32 $0x300;
	s10 =	simm.s32 $0x3800  }
0x1b1: {  	[tilespmem:s10], [sflag:$0x1] =	stream.indirect.gather [hbm4b:s6+s16], $0x8, s0, s16, $0xb8;
	[tilespmem:$0x13810] =	vst v63  }
0x1b2: {  	s0 =	simm.s32 $0xB00;
	s10 =	simm.s32 $0x7800  }
0x1b3: {  	[tilespmem:s10], [sflag:$0x1] =	stream.indirect.gather [hbm4b:s6+s16], $0x8, s0, s16, $0xb8;
	[tilespmem:$0x13810] =	vst v63  }
0x1b4: {  	s0 =	simm.s32 $0x380;
	s10 =	simm.s32 $0x3C00  }
0x1b5: {  	[tilespmem:s10], [sflag:$0x1] =	stream.indirect.gather [hbm4b:s6+s16], $0x8, s0, s16, $0xb8;
	[tilespmem:$0x13810] =	vst v63  }
0x1b6: {  	s0 =	simm.s32 $0xB80;
	s10 =	simm.s32 $0x7C00  }
0x1b7: {  	[tilespmem:s10], [sflag:$0x1] =	stream.indirect.gather [hbm4b:s6+s16], $0x8, s0, s16, $0xb8;
	[tilespmem:$0x13810] =	vst v63  }
0x1b8: {  	s0 =	simm.s32 $0x400;
	s10 =	simm.s32 $0x4000  }
0x1b9: {  	[tilespmem:s10], [sflag:$0x1] =	stream.indirect.gather [hbm4b:s6+s16], $0x8, s0, s16, $0xb8;
	[tilespmem:$0x13810] =	vst v63  }
0x1ba: {  	s0 =	simm.s32 $0xC00;
	s10 =	simm.s32 $0x8000  }
0x1bb: {  	[tilespmem:s10], [sflag:$0x1] =	stream.indirect.gather [hbm4b:s6+s16], $0x8, s0, s16, $0xb8;
	[tilespmem:$0x13810] =	vst v63  }
0x1bc: {  	s0 =	simm.s32 $0x480;
	s10 =	simm.s32 $0x4400  }
0x1bd: {  	[tilespmem:s10], [sflag:$0x1] =	stream.indirect.gather [hbm4b:s6+s16], $0x8, s0, s16, $0xb8;
	[tilespmem:$0x13810] =	vst v63  }
0x1be: {  	s0 =	simm.s32 $0xC80;
	s10 =	simm.s32 $0x8400  }
0x1bf: {  	[tilespmem:s10], [sflag:$0x1] =	stream.indirect.gather [hbm4b:s6+s16], $0x8, s0, s16, $0xb8;
	[tilespmem:$0x13810] =	vst v63  }
0x1c0: {  	s0 =	simm.s32 $0x500;
	s10 =	simm.s32 $0x4800  }
0x1c1: {  	[tilespmem:s10], [sflag:$0x1] =	stream.indirect.gather [hbm4b:s6+s16], $0x8, s0, s16, $0xb8;
	[tilespmem:$0x13810] =	vst v63  }
0x1c2: {  	s0 =	simm.s32 $0xD00;
	s10 =	simm.s32 $0x8800  }
0x1c3: {  	[tilespmem:s10], [sflag:$0x1] =	stream.indirect.gather [hbm4b:s6+s16], $0x8, s0, s16, $0xb8;
	[tilespmem:$0x13810] =	vst v63  }
0x1c4: {  	s0 =	simm.s32 $0x580;
	s10 =	simm.s32 $0x4C00  }
0x1c5: {  	[tilespmem:s10], [sflag:$0x1] =	stream.indirect.gather [hbm4b:s6+s16], $0x8, s0, s16, $0xb8;
	[tilespmem:$0x13810] =	vst v63  }
0x1c6: {  	s0 =	simm.s32 $0xD80;
	s10 =	simm.s32 $0x8C00  }
0x1c7: {  	[tilespmem:s10], [sflag:$0x1] =	stream.indirect.gather [hbm4b:s6+s16], $0x8, s0, s16, $0xb8;
	[tilespmem:$0x13810] =	vst v63  }
0x1c8: {  	s0 =	simm.s32 $0x600;
	s10 =	simm.s32 $0x5000  }
0x1c9: {  	[tilespmem:s10], [sflag:$0x1] =	stream.indirect.gather [hbm4b:s6+s16], $0x8, s0, s16, $0xb8;
	[tilespmem:$0x13810] =	vst v63  }
0x1ca: {  	s0 =	simm.s32 $0xE00;
	s10 =	simm.s32 $0x9000  }
0x1cb: {  	[tilespmem:s10], [sflag:$0x1] =	stream.indirect.gather [hbm4b:s6+s16], $0x8, s0, s16, $0xb8;
	[tilespmem:$0x13810] =	vst v63  }
0x1cc: {  	s0 =	simm.s32 $0x680;
	s10 =	simm.s32 $0x5400  }
0x1cd: {  	[tilespmem:s10], [sflag:$0x1] =	stream.indirect.gather [hbm4b:s6+s16], $0x8, s0, s16, $0xb8;
	[tilespmem:$0x13810] =	vst v63  }
0x1ce: {  	s0 =	simm.s32 $0xE80;
	s10 =	simm.s32 $0x9400  }
0x1cf: {  	[tilespmem:s10], [sflag:$0x1] =	stream.indirect.gather [hbm4b:s6+s16], $0x8, s0, s16, $0xb8;
	[tilespmem:$0x13810] =	vst v63  }
0x1d0: {  	s0 =	simm.s32 $0x700;
	s10 =	simm.s32 $0x5800  }
0x1d1: {  	[tilespmem:s10], [sflag:$0x1] =	stream.indirect.gather [hbm4b:s6+s16], $0x8, s0, s16, $0xb8;
	[tilespmem:$0x13810] =	vst v63  }
0x1d2: {  	s0 =	simm.s32 $0xF00;
	s10 =	simm.s32 $0x9800  }
0x1d3: {  	[tilespmem:s10], [sflag:$0x1] =	stream.indirect.gather [hbm4b:s6+s16], $0x8, s0, s16, $0xb8;
	[tilespmem:$0x13810] =	vst v63  }
0x1d4: {  	s0 =	simm.s32 $0x780;
	s10 =	simm.s32 $0x5C00  }
0x1d5: {  	[tilespmem:s10], [sflag:$0x1] =	stream.indirect.gather [hbm4b:s6+s16], $0x8, s0, s16, $0xb8;
	[tilespmem:$0x13810] =	vst v63  }
0x1d6: {  	s0 =	simm.s32 $0xF80;
	s10 =	simm.s32 $0x9C00  }
0x1d7: {  	[tilespmem:s10], [sflag:$0x1] =	stream.indirect.gather [hbm4b:s6+s16], $0x8, s0, s16, $0xb8;
	[tilespmem:$0x13810] =	vst v63  }
0x1d8: {  	_ =	swait.ge [sflag:s31], $0x400  }
0x1d9: {  	[sflag:s31] =	ssyncset.done $0x0  }
0x1da: {  	[sflag:s31] =	ssyncadd.s32 $0xFFFFFC00  }
0x1db: {  	_ =	swait.ge [sflag:s31], $0x400  }
0x1dc: {  	[sflag:s31] =	ssyncset.done $0x0  }
0x1dd: {  	[sflag:s31] =	ssyncadd.s32 $0xFFFFFC00  }
0x1de: {  	_ =	swait.ge [sflag:s31], $0x400  }
0x1df: {  	[sflag:s31] =	ssyncset.done $0x0  }
0x1e0: {  	[sflag:s31] =	ssyncadd.s32 $0xFFFFFC00  }
0x1e1: {  	_ =	swait.ge [sflag:s31], $0x400  }
0x1e2: {  	[sflag:s31] =	ssyncset.done $0x0  }
0x1e3: {  	[sflag:s31] =	ssyncadd.s32 $0xFFFFFC00  }
0x1e4: {  	_ =	swait.ge [sflag:s31], $0x400  }
0x1e5: {  	[sflag:s31] =	ssyncset.done $0x0  }
0x1e6: {  	[sflag:s31] =	ssyncadd.s32 $0xFFFFFC00  }
0x1e7: {  	_ =	swait.ge [sflag:s31], $0x400  }
0x1e8: {  	[sflag:s31] =	ssyncset.done $0x0  }
0x1e9: {  	[sflag:s31] =	ssyncadd.s32 $0xFFFFFC00  }
0x1ea: {  	_ =	swait.ge [sflag:s31], $0x400  }
0x1eb: {  	[sflag:s31] =	ssyncset.done $0x0  }
0x1ec: {  	[sflag:s31] =	ssyncadd.s32 $0xFFFFFC00  }
0x1ed: {  	_ =	swait.ge [sflag:s31], $0x400  }
0x1ee: {  	[sflag:s31] =	ssyncset.done $0x0  }
0x1ef: {  	[sflag:s31] =	ssyncadd.s32 $0xFFFFFC00  }
0x1f0: {  	_ =	swait.ge [sflag:s31], $0x400  }
0x1f1: {  	[sflag:s31] =	ssyncset.done $0x0  }
0x1f2: {  	[sflag:s31] =	ssyncadd.s32 $0xFFFFFC00  }
0x1f3: {  	_ =	swait.ge [sflag:s31], $0x400  }
0x1f4: {  	[sflag:s31] =	ssyncset.done $0x0  }
0x1f5: {  	[sflag:s31] =	ssyncadd.s32 $0xFFFFFC00  }
0x1f6: {  	_ =	swait.ge [sflag:s31], $0x400  }
0x1f7: {  	[sflag:s31] =	ssyncset.done $0x0  }
0x1f8: {  	[sflag:s31] =	ssyncadd.s32 $0xFFFFFC00  }
0x1f9: {  	_ =	swait.ge [sflag:s31], $0x400  }
0x1fa: {  	[sflag:s31] =	ssyncset.done $0x0  }
0x1fb: {  	[sflag:s31] =	ssyncadd.s32 $0xFFFFFC00  }
0x1fc: {  	_ =	swait.ge [sflag:s31], $0x400  }
0x1fd: {  	[sflag:s31] =	ssyncset.done $0x0  }
0x1fe: {  	[sflag:s31] =	ssyncadd.s32 $0xFFFFFC00  }
0x1ff: {  	_ =	swait.ge [sflag:s31], $0x400  }
0x200: {  	[sflag:s31] =	ssyncset.done $0x0  }
0x201: {  	[sflag:s31] =	ssyncadd.s32 $0xFFFFFC00  }
0x202: {  	_ =	swait.ge [sflag:s31], $0x400  }
0x203: {  	[sflag:s31] =	ssyncset.done $0x0  }
0x204: {  	[sflag:s31] =	ssyncadd.s32 $0xFFFFFC00  }
0x205: {  	_ =	swait.ge [sflag:s31], $0x400  }
0x206: {  	[sflag:s31] =	ssyncset.done $0x0  }
0x207: {  	[sflag:s31] =	ssyncadd.s32 $0xFFFFFC00  }
0x208: {  	_ =	swait.ge [sflag:s31], $0x400  }
0x209: {  	[sflag:s31] =	ssyncset.done $0x0  }
0x20a: {  	[sflag:s31] =	ssyncadd.s32 $0xFFFFFC00  }
0x20b: {  	_ =	swait.ge [sflag:s31], $0x400  }
0x20c: {  	[sflag:s31] =	ssyncset.done $0x0  }
0x20d: {  	[sflag:s31] =	ssyncadd.s32 $0xFFFFFC00  }
0x20e: {  	_ =	swait.ge [sflag:s31], $0x400  }
0x20f: {  	[sflag:s31] =	ssyncset.done $0x0  }
0x210: {  	[sflag:s31] =	ssyncadd.s32 $0xFFFFFC00  }
0x211: {  	_ =	swait.ge [sflag:s31], $0x400  }
0x212: {  	[sflag:s31] =	ssyncset.done $0x0  }
0x213: {  	[sflag:s31] =	ssyncadd.s32 $0xFFFFFC00  }
0x214: {  	_ =	swait.ge [sflag:s31], $0x400  }
0x215: {  	[sflag:s31] =	ssyncset.done $0x0  }
0x216: {  	[sflag:s31] =	ssyncadd.s32 $0xFFFFFC00  }
0x217: {  	_ =	swait.ge [sflag:s31], $0x400  }
0x218: {  	[sflag:s31] =	ssyncset.done $0x0  }
0x219: {  	[sflag:s31] =	ssyncadd.s32 $0xFFFFFC00  }
0x21a: {  	_ =	swait.ge [sflag:s31], $0x400  }
0x21b: {  	[sflag:s31] =	ssyncset.done $0x0  }
0x21c: {  	[sflag:s31] =	ssyncadd.s32 $0xFFFFFC00  }
0x21d: {  	_ =	swait.ge [sflag:s31], $0x400  }
0x21e: {  	[sflag:s31] =	ssyncset.done $0x0  }
0x21f: {  	[sflag:s31] =	ssyncadd.s32 $0xFFFFFC00  }
0x220: {  	_ =	swait.ge [sflag:s31], $0x400  }
0x221: {  	[sflag:s31] =	ssyncset.done $0x0  }
0x222: {  	[sflag:s31] =	ssyncadd.s32 $0xFFFFFC00  }
0x223: {  	_ =	swait.ge [sflag:s31], $0x400  }
0x224: {  	[sflag:s31] =	ssyncset.done $0x0  }
0x225: {  	[sflag:s31] =	ssyncadd.s32 $0xFFFFFC00  }
0x226: {  	_ =	swait.ge [sflag:s31], $0x400  }
0x227: {  	[sflag:s31] =	ssyncset.done $0x0  }
0x228: {  	[sflag:s31] =	ssyncadd.s32 $0xFFFFFC00  }
0x229: {  	_ =	swait.ge [sflag:s31], $0x400  }
0x22a: {  	[sflag:s31] =	ssyncset.done $0x0  }
0x22b: {  	[sflag:s31] =	ssyncadd.s32 $0xFFFFFC00  }
0x22c: {  	_ =	swait.ge [sflag:s31], $0x400  }
0x22d: {  	[sflag:s31] =	ssyncset.done $0x0  }
0x22e: {  	[sflag:s31] =	ssyncadd.s32 $0xFFFFFC00  }
0x22f: {  	_ =	swait.ge [sflag:s31], $0x400  }
0x230: {  	[sflag:s31] =	ssyncset.done $0x0  }
0x231: {  	v1 =	vmov s9;
	[sflag:s31] =	ssyncadd.s32 $0xFFFFFC00  }
0x232: {  	v1 =	vshll.u32 v1, $0x3;
	_ =	swait.ge [sflag:s31], $0x400  }
0x233: {  	v1 =	vor.u32 v0, v1;
	[sflag:s31] =	ssyncset.done $0x0  }
0x234: {  	[sflag:s31] =	ssyncadd.s32 $0xFFFFFC00  }
0x235: {  	v2 =	vor.u32 $0x1, v1;
	_ =	swait.ge [sflag:s31], $0x400  }
0x236: {  	[sflag:s31] =	ssyncset.done $0x0  }
0x237: {  	v3 =	vor.u32 $0x2, v1;
	[sflag:s31] =	ssyncadd.s32 $0xFFFFFC00  }
0x238: {  	v4 =	vld.idx.msk [tilespmem:v1+s26+$0x0], $0xffff  }
0x239: {  	v5 =	vld.idx.msk [tilespmem:v1+s28+$0x0], $0xffff  }
0x23a: {  	v6 =	vld.idx.msk [tilespmem:v2+s26+$0x0], $0xffff  }
0x23b: {  	v2 =	vld.idx.msk [tilespmem:v2+s28+$0x0], $0xffff  }
0x23c: {  	v7 =	vld.idx.msk [tilespmem:v3+s26+$0x0], $0xffff  }
0x23d: {  	v3 =	vld.idx.msk [tilespmem:v3+s28+$0x0], $0xffff;
	_ =	sdelay $0x2  }
0x23e: {  	v4 =	vsub.f32 v5, v4;
	v2 =	vsub.f32 v2, v6;
	_ =	sdelay $0x1  }
0x23f: {  	v3 =	vsub.f32 v3, v7;
	v4 =	vmul.f32 v4, v4;
	v2 =	vmul.f32 v2, v2;
	_ =	sdelay $0x1  }
0x240: {  	v3 =	vmul.f32 v3, v3;
	v2 =	vadd.f32 v2, v4;
	_ =	sdelay $0x1  }
0x241: {  	v2 =	vadd.f32 v3, v2  }
0x242: {  	v1 =	vor.u32 $0x3, v1  }
0x243: {  	v3 =	vshra.s32 v2, $0x1;
	v4 =	vmul.f32 $5.000000000e-01, v2  }
0x244: {  	v3 =	vsub.s32 $0x5F3759DF, v3  }
0x245: {  	v5 =	vmul.f32 v3, v4;
	_ =	sdelay $0x1  }
0x246: {  	v6 =	vld.idx.msk [tilespmem:v1+s26+$0x0], $0xffff;
	v5 =	vmul.f32 v3, v5  }
0x247: {  	v1 =	vld.idx.msk [tilespmem:v1+s28+$0x0], $0xffff  }
0x248: {  	v5 =	vsub.f32 $1.500000000e+00, v5;
	_ =	sdelay $0x1  }
0x249: {  	v3 =	vmul.f32 v3, v5  }
0x24a: {  	v5 =	vshll.u32 v6, $0x2  }
0x24b: {  	v5 =	vadd.s32 v5, v1;
	v4 =	vmul.f32 v3, v4;
	_ =	sdelay $0x1  }
0x24c: {  	v4 =	vmul.f32 v4, v3;
	_ =	sdelay $0x1  }
0x24d: {  	v4 =	vsub.f32 $1.500000000e+00, v4  }
0x24e: {  	v5 =	vld.idx.msk [tilespmem:v5+s13+$0x0], $0xffff  }
0x24f: {  	v3 =	vmul.f32 v4, v3  }
0x250: {  	s10 =	simm.s32 $0x10  }
0x251: {  	v4 =	vmov s10;
	v2 =	vmul.f32 v3, v2  }
0x252: {  	v3 =	vshll.u32 v4, $0x3  }
0x253: {  	v3 =	vor.u32 v0, v3;
	v2 =	vmul.f32 v2, v5;
	_ =	sdelay $0x1  }
0x254: {  	v4 =	vor.u32 $0x1, v3;
	[tilespmem:s12+$0x0] =	vst v2  }
0x255: {  	[tilespmem:s29+$0x0] =	vst v6  }
0x256: {  	v2 =	vor.u32 $0x2, v3;
	[tilespmem:s1+$0x0] =	vst v1  }
0x257: {  	v1 =	vld.idx.msk [tilespmem:v3+s26+$0x0], $0xffff  }
0x258: {  	v5 =	vld.idx.msk [tilespmem:v3+s28+$0x0], $0xffff  }
0x259: {  	v6 =	vld.idx.msk [tilespmem:v4+s26+$0x0], $0xffff  }
0x25a: {  	v4 =	vld.idx.msk [tilespmem:v4+s28+$0x0], $0xffff  }
0x25b: {  	v7 =	vld.idx.msk [tilespmem:v2+s26+$0x0], $0xffff  }
0x25c: {  	v2 =	vld.idx.msk [tilespmem:v2+s28+$0x0], $0xffff;
	_ =	sdelay $0x2  }
0x25d: {  	v1 =	vsub.f32 v5, v1;
	v4 =	vsub.f32 v4, v6;
	_ =	sdelay $0x1  }
0x25e: {  	v2 =	vsub.f32 v2, v7;
	v1 =	vmul.f32 v1, v1;
	v4 =	vmul.f32 v4, v4;
	_ =	sdelay $0x1  }
0x25f: {  	v1 =	vadd.f32 v4, v1;
	v2 =	vmul.f32 v2, v2;
	_ =	sdelay $0x1  }
0x260: {  	v4 =	vadd.f32 v2, v1  }
0x261: {  	v1 =	vor.u32 $0x3, v3  }
0x262: {  	v2 =	vshra.s32 v4, $0x1;
	v3 =	vmul.f32 $5.000000000e-01, v4  }
0x263: {  	v5 =	vsub.s32 $0x5F3759DF, v2  }
0x264: {  	v6 =	vmul.f32 v5, v3;
	_ =	sdelay $0x1  }
0x265: {  	v2 =	vld.idx.msk [tilespmem:v1+s26+$0x0], $0xffff;
	v6 =	vmul.f32 v5, v6  }
0x266: {  	v1 =	vld.idx.msk [tilespmem:v1+s28+$0x0], $0xffff  }
0x267: {  	v6 =	vsub.f32 $1.500000000e+00, v6;
	_ =	sdelay $0x1  }
0x268: {  	v5 =	vmul.f32 v5, v6  }
0x269: {  	v6 =	vshll.u32 v2, $0x2  }
0x26a: {  	v6 =	vadd.s32 v6, v1;
	v3 =	vmul.f32 v5, v3;
	_ =	sdelay $0x1  }
0x26b: {  	v3 =	vmul.f32 v3, v5;
	_ =	sdelay $0x1  }
0x26c: {  	v3 =	vsub.f32 $1.500000000e+00, v3  }
0x26d: {  	v6 =	vld.idx.msk [tilespmem:v6+s13+$0x0], $0xffff  }
0x26e: {  	v3 =	vmul.f32 v3, v5;
	_ =	sdelay $0x1  }
0x26f: {  	s29 =	simm.s32 $0x20;
	v3 =	vmul.f32 v3, v4  }
0x270: {  	v4 =	vmov s29  }
0x271: {  	v4 =	vshll.u32 v4, $0x3;
	v5 =	vmul.f32 v3, v6  }
0x272: {  	s9 =	simm.s32 $0x12010;
	v3 =	vor.u32 v0, v4  }
0x273: {  	s10 =	simm.s32 $0x12810;
	s12 =	simm.s32 $0x30;
	v4 =	vor.u32 $0x1, v3;
	[tilespmem:s9+$0x0] =	vst v5  }
.LBB2_5:
0x274: {  	p0 =	sne.s32 s12, $0x7F0;
	[tilespmem:s10+$0x0] =	vst v2;
	s1 =	sadd.s32 $0x10, s1  }
0x275: {  	v2 =	vor.u32 $0x2, v3;
	[tilespmem:s1+$0x0] =	vst v1  }
0x276: {  	v5 =	vld.idx.msk [tilespmem:v3+s26+$0x0], $0xffff  }
0x277: {  	v1 =	vor.u32 $0x3, v3;
	v3 =	vld.idx.msk [tilespmem:v3+s28+$0x0], $0xffff  }
0x278: {  	v6 =	vld.idx.msk [tilespmem:v4+s26+$0x0], $0xffff  }
0x279: {  	v4 =	vld.idx.msk [tilespmem:v4+s28+$0x0], $0xffff  }
0x27a: {  	v7 =	vld.idx.msk [tilespmem:v2+s26+$0x0], $0xffff  }
0x27b: {  	v8 =	vld.idx.msk [tilespmem:v2+s28+$0x0], $0xffff  }
0x27c: {  	v2 =	vld.idx.msk [tilespmem:v1+s26+$0x0], $0xffff  }
0x27d: {  	v1 =	vld.idx.msk [tilespmem:v1+s28+$0x0], $0xffff;
	_ =	sdelay $0x1  }
0x27e: {  	v3 =	vsub.f32 v3, v5;
	v4 =	vsub.f32 v4, v6;
	_ =	sdelay $0x1  }
0x27f: {  	v3 =	vmul.f32 v3, v3;
	v5 =	vsub.f32 v8, v7;
	v4 =	vmul.f32 v4, v4;
	_ =	sdelay $0x1  }
0x280: {  	v3 =	vadd.f32 v4, v3;
	v4 =	vmul.f32 v5, v5;
	_ =	sdelay $0x1  }
0x281: {  	v3 =	vadd.f32 v4, v3;
	_ =	sdelay $0x1  }
0x282: {  	v4 =	vshra.s32 v3, $0x1;
	v5 =	vmul.f32 $5.000000000e-01, v3  }
0x283: {  	v4 =	vsub.s32 $0x5F3759DF, v4  }
0x284: {  	v6 =	vmul.f32 v4, v5;
	_ =	sdelay $0x1  }
0x285: {  	v6 =	vmul.f32 v4, v6;
	_ =	sdelay $0x1  }
0x286: {  	v6 =	vsub.f32 $1.500000000e+00, v6;
	_ =	sdelay $0x1  }
0x287: {  	v4 =	vmul.f32 v4, v6;
	v6 =	vshll.u32 v2, $0x2  }
0x288: {  	v6 =	vadd.s32 v6, v1  }
0x289: {  	v5 =	vmul.f32 v4, v5;
	_ =	sdelay $0x1  }
0x28a: {  	v5 =	vmul.f32 v5, v4;
	_ =	sdelay $0x1  }
0x28b: {  	v5 =	vsub.f32 $1.500000000e+00, v5;
	v6 =	vld.idx.msk [tilespmem:v6+s13+$0x0], $0xffff;
	_ =	sdelay $0x1  }
0x28c: {  	v4 =	vmul.f32 v5, v4;
	_ =	sdelay $0x1  }
.Ltmp1:
0x28d: {  	v5 =	vmov s12;
	v4 =	vmul.f32 v4, v3;
	(pc) =	sbr.rel @p0 .LBB2_5-.Ltmp1, $4  }
0x28e: {  	v3 =	vshll.u32 v5, $0x3  }
0x28f: {  	v3 =	vor.u32 v0, v3;
	v5 =	vmul.f32 v4, v6  }
0x290: {  	s9 =	sadd.s32 $0x10, s9  }
0x291: {  	s10 =	sadd.s32 $0x10, s10;
	s12 =	sadd.s32 $0x10, s12;
	v4 =	vor.u32 $0x1, v3;
	[tilespmem:s9+$0x0] =	vst v5  }
0x292: {  	_ =	sdelay $0x1  }
0x293: {  	[tilespmem:s10+$0x0] =	vst v2;
	s0 =	sadd.s32 $0x10, s1  }
0x294: {  	v2 =	vor.u32 $0x2, v3;
	[tilespmem:s0+$0x0] =	vst v1  }
0x295: {  	v1 =	vld.idx.msk [tilespmem:v3+s26+$0x0], $0xffff  }
0x296: {  	v5 =	vld.idx.msk [tilespmem:v3+s28+$0x0], $0xffff  }
0x297: {  	v6 =	vld.idx.msk [tilespmem:v4+s26+$0x0], $0xffff  }
0x298: {  	v59 =	vld.idx.msk [tilespmem:v4+s28+$0x0], $0xffff  }
0x299: {  	v7 =	vld.idx.msk [tilespmem:v2+s26+$0x0], $0xffff  }
0x29a: {  	v2 =	vld.idx.msk [tilespmem:v2+s28+$0x0], $0xffff;
	_ =	sdelay $0x2  }
0x29b: {  	v1 =	vsub.f32 v5, v1;
	v4 =	vsub.f32 v59, v6;
	_ =	sdelay $0x1  }
0x29c: {  	v1 =	vmul.f32 v1, v1;
	v4 =	vmul.f32 v4, v4;
	v2 =	vsub.f32 v2, v7;
	_ =	sdelay $0x1  }
0x29d: {  	v1 =	vadd.f32 v4, v1;
	v2 =	vmul.f32 v2, v2;
	_ =	sdelay $0x1  }
0x29e: {  	v1 =	vadd.f32 v2, v1  }
0x29f: {  	v2 =	vor.u32 $0x3, v3  }
0x2a0: {  	v3 =	vshra.s32 v1, $0x1;
	v60 =	vmul.f32 $5.000000000e-01, v1  }
0x2a1: {  	v3 =	vsub.s32 $0x5F3759DF, v3  }
0x2a2: {  	v61 =	vmul.f32 v3, v60;
	_ =	sdelay $0x1  }
0x2a3: {  	v62 =	vld.idx.msk [tilespmem:v2+s26+$0x0], $0xffff;
	v5 =	vmul.f32 v3, v61  }
0x2a4: {  	v2 =	vld.idx.msk [tilespmem:v2+s28+$0x0], $0xffff  }
0x2a5: {  	v5 =	vsub.f32 $1.500000000e+00, v5;
	_ =	sdelay $0x1  }
0x2a6: {  	v3 =	vmul.f32 v3, v5  }
0x2a7: {  	v63 =	vshll.u32 v62, $0x2  }
0x2a8: {  	v5 =	vadd.s32 v63, v2;
	v4 =	vmul.f32 v3, v60;
	_ =	sdelay $0x1  }
0x2a9: {  	v4 =	vmul.f32 v4, v3;
	_ =	sdelay $0x1  }
0x2aa: {  	v4 =	vsub.f32 $1.500000000e+00, v4  }
0x2ab: {  	v5 =	vld.idx.msk [tilespmem:v5+s13+$0x0], $0xffff  }
0x2ac: {  	v3 =	vmul.f32 v4, v3;
	_ =	sdelay $0x1  }
0x2ad: {  	v1 =	vmul.f32 v3, v1;
	_ =	sdelay $0x1  }
0x2ae: {  	v1 =	vmul.f32 v1, v5  }
0x2af: {  	s9 =	sadd.s32 $0x10, s9  }
0x2b0: {  	s10 =	sadd.s32 $0x10, s10;
	[tilespmem:s9+$0x0] =	vst v1  }
0x2b1: {  	s0 =	sadd.s32 $0x10, s0;
	[tilespmem:s10+$0x0] =	vst v62  }
0x2b2: {  	s12 =	sadd.s32 s3, s30;
	[tilespmem:s0+$0x0] =	vst v2  }
0x2b3: {  	[hbm4b:s12+s4] =	stream.linear.scatter [tilespmem:s20], [sflag:$0x3], $0x800, $0x38;
	[tilespmem:$0x13810] =	vst v63  }
0x2b4: {  	_ =	swait.ge [sflag:s14], $0x800  }
0x2b5: {  	[sflag:s14] =	ssyncset.done $0x0  }
0x2b6: {  	s29 =	sadd.s32 s8, s30;
	[sflag:s14] =	ssyncadd.s32 $0xFFFFF800  }
0x2b7: {  	[hbm4b:s29+s4] =	stream.linear.scatter [tilespmem:s2], [sflag:$0x3], $0x800, $0x38;
	[tilespmem:$0x13810] =	vst v63  }
0x2b8: {  	s22 =	sadd.s32 $0x1, s22;
	_ =	swait.ge [sflag:s14], $0x800  }
0x2b9: {  	p0 =	sne.s32 s22, $0x31;
	[sflag:s14] =	ssyncset.done $0x0  }
.Ltmp2:
0x2ba: {  	s30 =	sadd.s32 s8, s23;
	[sflag:s14] =	ssyncadd.s32 $0xFFFFF800;
	(pc) =	sbr.rel @p0 .LBB2_2-.Ltmp2, $4  }
0x2bb: {  	[hbm4b:s30+s4] =	stream.linear.scatter [tilespmem:s21], [sflag:$0x3], $0x800, $0x38;
	[tilespmem:$0x13810] =	vst v63  }
0x2bc: {  	_ =	swait.ge [sflag:s14], $0x800  }
0x2bd: {  	[sflag:s14] =	ssyncset.done $0x0  }
0x2be: {  	[sflag:s14] =	ssyncadd.s32 $0xFFFFF800  }
0x2bf: {  	_ =	swait.ge [sflag:s19], $0x400  }
0x2c0: {  	[sflag:s19] =	ssyncset.done $0x0  }
0x2c1: {  	[sflag:s19] =	ssyncadd.s32 $0xFFFFFC00  }
0x2c2: {  	_ =	swait.ge [sflag:s19], $0x400  }
0x2c3: {  	[sflag:s19] =	ssyncset.done $0x0  }
0x2c4: {  	[sflag:s19] =	ssyncadd.s32 $0xFFFFFC00  }
0x2c5: {  	_ =	swait.ge [sflag:s19], $0x400  }
0x2c6: {  	[sflag:s19] =	ssyncset.done $0x0  }
0x2c7: {  	[sflag:s19] =	ssyncadd.s32 $0xFFFFFC00  }
0x2c8: {  	_ =	swait.ge [sflag:s19], $0x400  }
0x2c9: {  	[sflag:s19] =	ssyncset.done $0x0  }
0x2ca: {  	[sflag:s19] =	ssyncadd.s32 $0xFFFFFC00  }
0x2cb: {  	_ =	swait.ge [sflag:s19], $0x400  }
0x2cc: {  	[sflag:s19] =	ssyncset.done $0x0  }
0x2cd: {  	[sflag:s19] =	ssyncadd.s32 $0xFFFFFC00  }
0x2ce: {  	_ =	swait.ge [sflag:s19], $0x400  }
0x2cf: {  	[sflag:s19] =	ssyncset.done $0x0  }
0x2d0: {  	[sflag:s19] =	ssyncadd.s32 $0xFFFFFC00  }
0x2d1: {  	_ =	swait.ge [sflag:s19], $0x400  }
0x2d2: {  	[sflag:s19] =	ssyncset.done $0x0  }
0x2d3: {  	[sflag:s19] =	ssyncadd.s32 $0xFFFFFC00  }
0x2d4: {  	_ =	swait.ge [sflag:s19], $0x400  }
0x2d5: {  	[sflag:s19] =	ssyncset.done $0x0  }
0x2d6: {  	[sflag:s19] =	ssyncadd.s32 $0xFFFFFC00  }
0x2d7: {  	_ =	swait.ge [sflag:s19], $0x400  }
0x2d8: {  	[sflag:s19] =	ssyncset.done $0x0  }
0x2d9: {  	[sflag:s19] =	ssyncadd.s32 $0xFFFFFC00  }
0x2da: {  	_ =	swait.ge [sflag:s19], $0x400  }
0x2db: {  	[sflag:s19] =	ssyncset.done $0x0  }
0x2dc: {  	[sflag:s19] =	ssyncadd.s32 $0xFFFFFC00  }
0x2dd: {  	_ =	swait.ge [sflag:s19], $0x400  }
0x2de: {  	[sflag:s19] =	ssyncset.done $0x0  }
0x2df: {  	[sflag:s19] =	ssyncadd.s32 $0xFFFFFC00  }
0x2e0: {  	_ =	swait.ge [sflag:s19], $0x400  }
0x2e1: {  	[sflag:s19] =	ssyncset.done $0x0  }
0x2e2: {  	[sflag:s19] =	ssyncadd.s32 $0xFFFFFC00  }
0x2e3: {  	_ =	swait.ge [sflag:s19], $0x400  }
0x2e4: {  	[sflag:s19] =	ssyncset.done $0x0  }
0x2e5: {  	[sflag:s19] =	ssyncadd.s32 $0xFFFFFC00  }
0x2e6: {  	_ =	swait.ge [sflag:s19], $0x400  }
0x2e7: {  	[sflag:s19] =	ssyncset.done $0x0  }
0x2e8: {  	[sflag:s19] =	ssyncadd.s32 $0xFFFFFC00  }
0x2e9: {  	_ =	swait.ge [sflag:s19], $0x400  }
0x2ea: {  	[sflag:s19] =	ssyncset.done $0x0  }
0x2eb: {  	[sflag:s19] =	ssyncadd.s32 $0xFFFFFC00  }
0x2ec: {  	_ =	swait.ge [sflag:s19], $0x400  }
0x2ed: {  	[sflag:s19] =	ssyncset.done $0x0  }
0x2ee: {  	[sflag:s19] =	ssyncadd.s32 $0xFFFFFC00  }
0x2ef: {  	_ =	swait.ge [sflag:s19], $0x400  }
0x2f0: {  	[sflag:s19] =	ssyncset.done $0x0  }
0x2f1: {  	[sflag:s19] =	ssyncadd.s32 $0xFFFFFC00  }
0x2f2: {  	_ =	swait.ge [sflag:s19], $0x400  }
0x2f3: {  	[sflag:s19] =	ssyncset.done $0x0  }
0x2f4: {  	[sflag:s19] =	ssyncadd.s32 $0xFFFFFC00  }
0x2f5: {  	_ =	swait.ge [sflag:s19], $0x400  }
0x2f6: {  	[sflag:s19] =	ssyncset.done $0x0  }
0x2f7: {  	[sflag:s19] =	ssyncadd.s32 $0xFFFFFC00  }
0x2f8: {  	_ =	swait.ge [sflag:s19], $0x400  }
0x2f9: {  	[sflag:s19] =	ssyncset.done $0x0  }
0x2fa: {  	[sflag:s19] =	ssyncadd.s32 $0xFFFFFC00  }
0x2fb: {  	_ =	swait.ge [sflag:s19], $0x400  }
0x2fc: {  	[sflag:s19] =	ssyncset.done $0x0  }
0x2fd: {  	[sflag:s19] =	ssyncadd.s32 $0xFFFFFC00  }
0x2fe: {  	_ =	swait.ge [sflag:s19], $0x400  }
0x2ff: {  	[sflag:s19] =	ssyncset.done $0x0  }
0x300: {  	[sflag:s19] =	ssyncadd.s32 $0xFFFFFC00  }
0x301: {  	_ =	swait.ge [sflag:s19], $0x400  }
0x302: {  	[sflag:s19] =	ssyncset.done $0x0  }
0x303: {  	[sflag:s19] =	ssyncadd.s32 $0xFFFFFC00  }
0x304: {  	_ =	swait.ge [sflag:s19], $0x400  }
0x305: {  	[sflag:s19] =	ssyncset.done $0x0  }
0x306: {  	[sflag:s19] =	ssyncadd.s32 $0xFFFFFC00  }
0x307: {  	_ =	swait.ge [sflag:s19], $0x400  }
0x308: {  	[sflag:s19] =	ssyncset.done $0x0  }
0x309: {  	[sflag:s19] =	ssyncadd.s32 $0xFFFFFC00  }
0x30a: {  	_ =	swait.ge [sflag:s19], $0x400  }
0x30b: {  	[sflag:s19] =	ssyncset.done $0x0  }
0x30c: {  	[sflag:s19] =	ssyncadd.s32 $0xFFFFFC00  }
0x30d: {  	_ =	swait.ge [sflag:s19], $0x400  }
0x30e: {  	[sflag:s19] =	ssyncset.done $0x0  }
0x30f: {  	[sflag:s19] =	ssyncadd.s32 $0xFFFFFC00  }
0x310: {  	_ =	swait.ge [sflag:s19], $0x400  }
0x311: {  	[sflag:s19] =	ssyncset.done $0x0  }
0x312: {  	[sflag:s19] =	ssyncadd.s32 $0xFFFFFC00  }
0x313: {  	_ =	swait.ge [sflag:s19], $0x400  }
0x314: {  	[sflag:s19] =	ssyncset.done $0x0  }
0x315: {  	[sflag:s19] =	ssyncadd.s32 $0xFFFFFC00  }
0x316: {  	_ =	swait.ge [sflag:s19], $0x400  }
0x317: {  	[sflag:s19] =	ssyncset.done $0x0  }
0x318: {  	[sflag:s19] =	ssyncadd.s32 $0xFFFFFC00  }
0x319: {  	_ =	swait.ge [sflag:s19], $0x400  }
0x31a: {  	[sflag:s19] =	ssyncset.done $0x0  }
0x31b: {  	[sflag:s19] =	ssyncadd.s32 $0xFFFFFC00  }
0x31c: {  	_ =	swait.ge [sflag:s19], $0x400  }
0x31d: {  	s1 =	rddreg [dreg:$0x7]  }
0x31e: {  	s0 =	rddreg [dreg:$0x6];
	s1 =	sadd.s32 $0x1, s1  }
0x31f: {  	p0 =	sne.s32 s1, s0  }
.Ltmp3:
0x320: {  	_ = 	snop;
	(pc) =	sbr.rel @p0 .LBB2_1-.Ltmp3, $3  }
0x321: {  	_ =	sdelay $0x1  }
0x322: {  	[sflag:s19] =	ssyncset.done $0x0  }
0x323: {  	[sflag:s19] =	ssyncadd.s32 $0xFFFFFC00  }
0x324: {  	_ =	sfence.sel $0x180000  }
0x325: {  	[bflag:$0x0] =	sbarrier.arrive $0xFFFF  }
0x326: {  	_ =	strace $0x9000004A  }
0x327: {  	s0 =	stileid.u32;
	[bflag:$0x2] =	sbarrier.arrive $0xFFFF  }
0x328: {  	p0 =	sne.s32 s0, $0x0;
	s0 =	rddreg [dreg:$0x3]  }
0x329: {  	s0 =	sadd.s32 @!p0 $0x100000, s0  }
0x32a: {  	[sflag:s0] =	ssyncadd.tile.s32 @!p0 $0x1;
	_ =	shalt  }
.Lfunc_end2:
_tile_overlayer_lowered:
.L_overlay_start_2:
0x32b: {  	(tag) =	ssettag $0x2  }
0x32c: {  	s0 =	rddreg [dreg:$0x0];
	s2 =	stileid.u32  }
0x32d: {  	s1 =	rddreg [dreg:$0x1];
	p0 =	sne.s32 s2, $0x0  }
0x32e: {  	s3 =	rddreg [dreg:$0x2];
	[bflag:$0x3] =	sbarrier.arrive $0xFFFF;
	s2 =	simm.s32 @!p0 $0x1C03  }
0x32f: {  	[timem:s3], [sflag:s2] =	dma.local @!p0 [hbm:s0], s1  }
0x330: {  	s0 =	simm.s32 @!p0 $0x3  }
0x331: {  	_ =	swait.ge @!p0 [sflag:s0], s1  }
0x332: {  	s1 =	ssub.s32 @!p0 $0x0, s1;
	[sflag:s0] =	ssyncset.done @!p0 $0x0  }
0x333: {  	[sflag:s0] =	ssyncadd.s32 @!p0 s1  }
0x334: {  	[bflag:$0x3] =	sbarrier.arrive $0xFFFF  }
0x335: {  	_ =	shalt  }

// kernel: sparse-core-data-format-call.cloned.1.call-start
scs
called_computation_lowered:
.L_overlay_start_0:
0x0: {  	s2 =	sld [smem:$0x3FD9]  }
0x1: {  	s3 =	sld [smem:$0x3FFE];
	_ =	sdelay $0x1  }
0x2: {  	s1 =	srdreg.scid  }
0x3: {  	s0 =	sand.u32 $0x1, s1  }
0x4: {  	s18 =	sshll.u32 s0, $0xA;
	s2 =	sadd.s32 s3, s2  }
0x5: {  	s2 =	sadd.s32 s2, s18  }
0x6: {  	[smem:$0x3FC4] =	sst s2  }
0x7: {  	_ = 	snop  }
0x8: {  	s2 =	sld [smem:$0x3FC8];
	(tm) =	ssettm $0x1  }
0x9: {  	s19 =	sld [smem:$0x3FFB];
	_ =	sdelay $0x3  }
0xa: {  	_ =	strace s19  }
0xb: {  	s3 =	sld [smem:$0x3FFC];
	_ =	sdelay $0x3  }
0xc: {  	_ =	strace s3  }
0xd: {  	s3 =	sld [smem:$0x3FFD];
	_ =	sdelay $0x3  }
0xe: {  	_ =	strace s3  }
0xf: {  	_ =	strace $0x8FFFFFFF  }
0x10: {  	s20 =	sld [smem:$0x3FDB];
	_ =	sdelay $0x1  }
0x11: {  	s4 =	simm.s32 $_scs_section_size  }
0x12: {  	s5 =	simm.s32 $_size__tile_overlayer_lowered;
	s6 =	simm.s32 $_tile_overlayer_lowered  }
0x13: {  	s23 =	simm.s32 $0x1BFF;
	s22 =	sshll.u32 s6, $0x1;
	s3 =	sadd.s32 s4, s20  }
0x14: {  	s7 =	simm.s32 $0x0;
	s21 =	sshll.u32 s5, $0x1;
	s5 =	sadd.s32 s22, s3  }
0x15: {  	[timem:s7], [sflag:s23] =	dma.local [hbm:s5], s21  }
0x16: {  	_ =	swait.ge [sflag:s23], s21  }
0x17: {  	s4 =	ssub.s32 $0x0, s21;
	[sflag:s23] =	ssyncset.done $0x0  }
0x18: {  	[sflag:s23] =	ssyncadd.s32 s4;
	_ =	sdelay $0x1  }
0x19: {  	s24 =	simm.s32 $0x1B8B  }
0x1a: {  	_ =	swait.ge [sflag:s24], $0x1  }
0x1b: {  	[sflag:s24] =	ssyncset.done $0x0  }
0x1c: {  	s26 =	simm.s32 $0x1B8E;
	s25 =	sld [smem:$0x3FFE];
	[sflag:s24] =	ssyncadd.s32 $0xFFFFFFFF  }
0x1d: {  	s27 =	simm.s32 $execute0_lowered;
	[smem:$0x3FD2] =	sst s26  }
0x1e: {  	s5 =	sshll.u32 s27, $0x1;
	_ =	strace $0x80000046;
	[dreg:$0x1] =	wrdreg $0xFFFFFFFF  }
0x1f: {  	s28 =	simm.s32 $_size_execute0_lowered;
	s3 =	sadd.s32 s3, s5;
	[dreg:$0x0] =	wrdreg $0x0  }
0x20: {  	s5 =	sshll.u32 s28, $0x1;
	[dreg:$0x2] =	wrdreg s3  }
0x21: {  	[dreg:$0x3] =	wrdreg s5  }
0x22: {  	[dreg:$0x4] =	wrdreg $0xC0  }
0x23: {  	_ =	task [dreg:s7], $0x5FFFF  }
0x24: {  	[dreg:$0x1] =	wrdreg $0xFFFFFFFF  }
0x25: {  	[dreg:$0x0] =	wrdreg $0x60  }
0x26: {  	[dreg:$0x2] =	wrdreg s2  }
0x27: {  	[dreg:$0x3] =	wrdreg s25  }
0x28: {  	[dreg:$0x4] =	wrdreg $0x9  }
0x29: {  	_ =	task.clear_ibuf [dreg:s7], $0x5FFFF;
	_ =	strace $0x90000046  }
0x2a: {  	s29 =	simm.s32 $0x9;
	_ =	strace $0x80000048  }
0x2b: {  	_ =	swait.ge [sflag:s29], $0x1  }
0x2c: {  	[sflag:s29] =	ssyncadd.s32 $0xFFFFFFFF  }
0x2d: {  	_ =	strace $0x90000048  }
0x2e: {  	_ =	sfence  }
0x2f: {  	s30 =	sld [smem:$0x0];
	_ =	sdelay $0x2  }
0x30: {  	s31 =	sshll.u32 s1, $0xD;
	s1 =	sshrl.u32 s1, $0x2  }
0x31: {  	s3 =	sand.u32 $0x4000, s31;
	s1 =	sadd.s32 s1, s30  }
0x32: {  	s0 =	sor.u32 s3, s0;
	s1 =	sshll.u32 s1, $0x11  }
0x33: {  	s0 =	sor.u32 s1, s0  }
0x34: {  	s0 =	sadd.s32 $0x8F2B, s0  }
0x35: {  	[sflag:s0] =	ssyncadd.remote.s32 $0x1  }
0x36: {  	_ =	sfence.sel $0xFFFF  }
0x37: {  	[dreg:$0x0] =	wrdreg $0xFFFFFFFF;
	(pc) =	sbr.abs _section_cstart, $3  }
0x38: {  	[dreg:$0x1] =	wrdreg $0xFFFFFFFF  }
0x39: {  	_ =	task.clear_ibuf [dreg:s7], $0x2FFFF;
	_ =	strace $0x9FFFFFFF  }
0x3a: {  	(tm) =	ssettm $0x7FFFFFFF  }
0x3b: {  	_ =	shalt  }
tec
execute0_lowered:
.L_overlay_start_1:
0x0: {  	(tag) =	ssettag $0x1  }
0x1: {  	s0 =	stileid.u32;
	s7 =	rddreg [dreg:$0x0]  }
0x2: {  	s1 =	srdreg.scid;
	s4 =	rddreg [dreg:$0x1]  }
0x3: {  	s30 =	simm.s32 $0x2;
	s10 =	simm.s32 $0x0;
	s14 =	simm.s32 $0x0  }
0x4: {  	s15 =	simm.s32 $0x0;
	s11 =	simm.s32 $0x0;
	s13 =	simm.s32 $0x0  }
0x5: {  	s2 =	sand.u32 $0x1, s1;
	s3 =	sshll.u32 s0, $0x7;
	s1 =	rddreg [dreg:$0x2]  }
0x6: {  	_ =	strace $0x80000047;
	s5 =	ssub.s32 $0xC300, s3;
	s6 =	ssub.s32 $0x2, s2  }
.Ltmp0:
0x7: {  	s5 =	sshrl.u32 s5, $0xB;
	s8 =	sshrl.u32 s6, $0x1;
	(pc) =	sbr.rel .LBB1_1-.Ltmp0, $4  }
0x8: {  	s4 =	sadd.s32 $0x1200, s4;
	s9 =	sadd.s32 $0x1, s5;
	s6 =	ssub.s32 s6, s8  }
0x9: {  	s31 =	sshll.u32 s2, $0x4;
	s5 =	simm.s32 $0x1;
	s6 =	smul.u32 s9, s6  }
0xa: {  	s12 =	smov.u32 s3;
	s7 =	sadd.s32 s7, s31;
	[sflag:s5] =	ssyncpa.u1 $0x0  }
0xb: {  	s9 =	simm.s32 $0x0;
	[sflag:s30] =	ssyncpa.u1 $0x0;
	s8 =	sadd.s32 $0x1, s6  }
.LBB1_4:
0xc: {  	s21 =	simm.s32 $0x0  }
.LBB1_8:
0xd: {  	_ =	sdelay $0x3  }
0xe: {  	v6 =	vld [tilespmem:s18+$0xFFFFFFC0];
	[tilespmem:v0+s20+$0x30 ss:$0x1] =	vst.idx.msk @p0 $0xffff, v2  }
0xf: {  	v58 =	vld [tilespmem:s18+$0xFFFFFFD0];
	[tilespmem:v0+s20+$0x40 ss:$0x1] =	vst.idx.msk @p0 $0xffff, v3;
	s21 =	sadd.s32 @p0 $0x80, s21  }
0x10: {  	v59 =	vld [tilespmem:s18+$0xFFFFFFE0];
	[tilespmem:v0+s20+$0x50 ss:$0x1] =	vst.idx.msk @p0 $0xffff, v5;
	s19 =	smov.u32 @p0 s21  }
0x11: {  	v60 =	vld [tilespmem:s18+$0xFFFFFFF0];
	[tilespmem:v0+s20+$0x60 ss:$0x1] =	vst.idx.msk @p0 $0xffff, v4;
	s19 =	sand.u32 $0x3F80, s19  }
0x12: {  	v61 =	vld [tilespmem:s18+$0x0];
	[tilespmem:v0+s19+$0x70 ss:$0x1] =	vst.idx.msk $0xffff, v1  }
0x13: {  	v62 =	vld [tilespmem:s18+$0x10];
	[tilespmem:v0+s19+$0x0 ss:$0x1] =	vst.idx.msk $0xffff, v6  }
0x14: {  	v63 =	vld [tilespmem:s18+$0x20];
	[tilespmem:v0+s19+$0x10 ss:$0x1] =	vst.idx.msk $0xffff, v58  }
0x15: {  	[tilespmem:v0+s19+$0x20 ss:$0x1] =	vst.idx.msk $0xffff, v59  }
0x16: {  	[tilespmem:v0+s19+$0x30 ss:$0x1] =	vst.idx.msk $0xffff, v60  }
0x17: {  	[tilespmem:v0+s19+$0x40 ss:$0x1] =	vst.idx.msk $0xffff, v61  }
0x18: {  	[tilespmem:v0+s19+$0x50 ss:$0x1] =	vst.idx.msk $0xffff, v62  }
0x19: {  	[tilespmem:v0+s19+$0x60 ss:$0x1] =	vst.idx.msk $0xffff, v63  }
.LBB1_9:
0x1a: {  	s18 =	sand.u32 $0x1FFFFFF, s11  }
0x1b: {  	s19 =	smulhi.u32 $0x14F8B59, s18;
	_ =	sdelay $0x1  }
0x1c: {  	s19 =	sshrl.u32 s19, $0x8  }
0x1d: {  	s19 =	smul.u32 $0xC350, s19  }
0x1e: {  	s15 =	smul.u32 $0xC3500, s15  }
0x1f: {  	s18 =	ssub.s32 s18, s19  }
0x20: {  	s15 =	sadd.s32 s4, s15;
	s18 =	sshll.u32 s18, $0x4  }
0x21: {  	s15 =	sadd.s32 s18, s15  }
0x22: {  	[hbm4b:s15+s9] =	stream.linear.scatter [tilespmem:s17], [sflag:$0x2], s16, $0x38;
	[tilespmem:$0x10000] =	vst v63  }
.LBB1_10:
0x23: {  	p0 =	slt.u32 s13, $0x2  }
0x24: {  	p1 =	sgt.s32 @!p0 s14, $0xC2D0  }
0x25: {  	s15 =	smov.u32 s14;
	s16 =	sshra.s32 @!p0 s14, $0x1F;
	p1 =	por !p1, p0  }
0x26: {  	s14 =	sand.u32 @!p0 s16, s14;
	s15 =	simm.s32 @p1 $0xC2D0  }
0x27: {  	s14 =	ssub.s32 @!p0 s15, s14  }
0x28: {  	s14 =	sadd.s32 @!p0 $0xFFFF3D30, s14  }
0x29: {  	s15 =	sshll.u32 @!p0 s14, $0x7  }
0x2a: {  	p1 =	sgt.s32 @!p0 s14, $0x7F;
	s14 =	ssub.s32 @!p0 $0x4000, s15  }
0x2b: {  	s16 =	sadd.s32 $0x800, s12;
	p1 =	por !p1, p0;
	s14 =	sand.u32 @!p0 $0x3FFFFF80, s14  }
0x2c: {  	s14 =	simm.s32 @!p1 $0x0;
	p1 =	sgt.s32 s16, $0xC34F  }
0x2d: {  	s16 =	smov.u32 @p1 s3;
	p1 =	sne.s32 s13, s8  }
.Ltmp1:
0x2e: {  	_ = 	snop;
	(pc) =	sbr.rel @!p1 .LBB1_11-.Ltmp1, $4  }
0x2f: {  	s10 =	sadd.s32 $0x4000, s10;
	s15 =	simm.s32 @!p0 $0x2  }
0x30: {  	_ =	swait.ge @!p0 [sflag:s15], s14;
	s17 =	ssub.s32 @!p0 $0x0, s14;
	s14 =	smov.u32 s11  }
0x31: {  	s13 =	sadd.s32 $0x1, s13;
	s11 =	smov.u32 s12;
	[sflag:s15] =	ssyncset.done @!p0 $0x0  }
0x32: {  	s12 =	smov.u32 s16;
	[sflag:s15] =	ssyncadd.s32 @!p0 s17;
	s15 =	smov.u32 s2  }
.LBB1_1:
0x33: {  	p0 =	sge.u32 s13, s6  }
0x34: {  	p1 =	sgt.s32 @!p0 s12, $0xC2D0  }
0x35: {  	s16 =	smov.u32 s12;
	s17 =	sshra.s32 @!p0 s12, $0x1F;
	p1 =	por !p1, p0  }
0x36: {  	s17 =	sand.u32 @!p0 s17, s12;
	s16 =	simm.s32 @p1 $0xC2D0  }
0x37: {  	s16 =	ssub.s32 @!p0 s16, s17  }
0x38: {  	s31 =	sadd.s32 $0xFFFFFFFF, s13;
	s18 =	sxor.u32 @!p0 $0xFFFFFFFF, s13;
	s16 =	sadd.s32 @!p0 $0xFFFF3D30, s16  }
0x39: {  	s19 =	simm.s32 @!p0 $0x80;
	s20 =	simm.s32 @!p0 $0x100;
	s17 =	sshll.u32 @!p0 s16, $0x7  }
0x3a: {  	p1 =	sgt.s32 @!p0 s16, $0x7F;
	s16 =	ssub.s32 @!p0 $0x4000, s17;
	s17 =	sshll.u32 @!p0 s18, $0xE  }
0x3b: {  	p1 =	por !p1, p0;
	s18 =	sshll.u32 @!p0 s12, $0x5;
	s16 =	sand.u32 @!p0 $0x3FFFFF80, s16  }
0x3c: {  	s17 =	sand.u32 @!p0 $0x4000, s17;
	s18 =	sadd.s32 @!p0 s18, s7;
	s16 =	simm.s32 @!p1 $0x0  }
0x3d: {  	[tilespmem:s17], [sflag:$0x1] =	stream.strided.gather @!p0 [hbm4b:s18+s19], s16, s20, s19, $0x38;
	[tilespmem:$0x10000] =	vst v63  }
0x3e: {  	p0 =	sge.u32 s31, s6  }
.Ltmp2:
0x3f: {  	_ = 	snop;
	(pc) =	sbr.rel @p0 .LBB1_10-.Ltmp2, $1  }
0x40: {  	_ =	sdelay $0x3  }
0x41: {  	p0 =	sgt.s32 s11, $0xC2D0;
	s16 =	smov.u32 s11;
	s17 =	sshra.s32 s11, $0x1F  }
0x42: {  	s16 =	simm.s32 @!p0 $0xC2D0;
	s17 =	sand.u32 s17, s11  }
0x43: {  	s16 =	ssub.s32 s16, s17  }
0x44: {  	s16 =	sadd.s32 $0xFFFF3D30, s16  }
0x45: {  	s30 =	sshll.u32 s16, $0x7  }
0x46: {  	s17 =	ssub.s32 $0x4000, s30  }
0x47: {  	p0 =	sgt.s32 s16, $0x7F;
	s16 =	sand.u32 $0x3FFFFF80, s17;
	s17 =	sadd.s32 $0x80, s11  }
0x48: {  	s16 =	simm.s32 @p0 $0x0;
	p0 =	slt.s32 s17, $0xC350  }
0x49: {  	s17 =	simm.s32 @!p0 $0xC350  }
0x4a: {  	s20 =	ssub.s32 s17, s11  }
0x4b: {  	p0 =	slt.s32 s20, $0x1  }
.Ltmp3:
0x4c: {  	_ = 	snop;
	(pc) =	sbr.rel @p0 .LBB1_9-.Ltmp3, $4  }
0x4d: {  	_ = 	snop  }
0x4e: {  	s19 =	sshll.u32 s13, $0xE;
	_ =	swait.ge [sflag:s5], s16  }
0x4f: {  	s31 =	sand.u32 $0x4000, s19;
	s18 =	ssub.s32 $0x0, s16;
	[sflag:s5] =	ssyncset.done $0x0  }
0x50: {  	s17 =	sor.u32 $0x8000, s31;
	[sflag:s5] =	ssyncadd.s32 s18  }
0x51: {  	p1 =	sne.s32 s20, $0x1  }
.Ltmp4:
0x52: {  	v0 =	vmov s17;
	(pc) =	sbr.rel @!p1 .LBB1_4-.Ltmp4, $4  }
0x53: {  	_ = 	snop  }
0x54: {  	s18 =	sand.u32 $0x4000, s10  }
0x55: {  	s18 =	sor.u32 $0x40, s18  }
0x56: {  	s19 =	simm.s32 $0x0;
	s21 =	sadd.s32 $0xFFFFFFFF, s20;
	p0 =	por $0x0, $0x0;
	v1 =	vld [tilespmem:s18+$0x30]  }
0x57: {  	v4 =	vld [tilespmem:s18+$0xFFFFFFC0]  }
0x58: {  	v6 =	vld [tilespmem:s18+$0xFFFFFFD0]  }
0x59: {  	v7 =	vld [tilespmem:s18+$0xFFFFFFE0];
	p1 =	sne.s32 s21, $0x1  }
.Ltmp5:
0x5a: {  	v2 =	vld [tilespmem:s18+$0xFFFFFFF0];
	s20 =	sand.u32 $0x3F80, s19;
	(pc) =	sbr.rel @!p1 .LBB1_6-.Ltmp5, $4  }
0x5b: {  	v3 =	vld [tilespmem:s18+$0x0];
	[tilespmem:v0+s20+$0x70 ss:$0x1] =	vst.idx.msk $0xffff, v1  }
0x5c: {  	v5 =	vld [tilespmem:s18+$0x10];
	[tilespmem:v0+s20+$0x0 ss:$0x1] =	vst.idx.msk $0xffff, v4  }
0x5d: {  	v4 =	vld [tilespmem:s18+$0x20];
	[tilespmem:v0+s20+$0x10 ss:$0x1] =	vst.idx.msk $0xffff, v6;
	s18 =	sadd.s32 $0x80, s18  }
0x5e: {  	s22 =	sadd.s32 $0xFFFFFFFF, s21;
	p0 =	por $0x1, $0x1;
	s21 =	simm.s32 $0x0;
	[tilespmem:v0+s20+$0x20 ss:$0x1] =	vst.idx.msk $0xffff, v7;
	v1 =	vld [tilespmem:s18+$0x30]  }
.LBB1_7:
0x5f: {  	p1 =	sne.s32 s22, $0x1;
	v6 =	vld [tilespmem:s18+$0xFFFFFFC0];
	[tilespmem:v0+s20+$0x30 ss:$0x1] =	vst.idx.msk $0xffff, v2  }
0x60: {  	v7 =	vld [tilespmem:s18+$0xFFFFFFD0];
	[tilespmem:v0+s20+$0x40 ss:$0x1] =	vst.idx.msk $0xffff, v3  }
0x61: {  	s21 =	sadd.s32 $0x80, s21;
	v8 =	vld [tilespmem:s18+$0xFFFFFFE0];
	[tilespmem:v0+s20+$0x50 ss:$0x1] =	vst.idx.msk $0xffff, v5  }
.Ltmp6:
0x62: {  	v2 =	vld [tilespmem:s18+$0xFFFFFFF0];
	[tilespmem:v0+s20+$0x60 ss:$0x1] =	vst.idx.msk $0xffff, v4;
	s20 =	sand.u32 $0x3F80, s21;
	(pc) =	sbr.rel @p1 .LBB1_7-.Ltmp6, $4  }
0x63: {  	v3 =	vld [tilespmem:s18+$0x0];
	[tilespmem:v0+s20+$0x70 ss:$0x1] =	vst.idx.msk $0xffff, v1  }
0x64: {  	[tilespmem:v0+s20+$0x0 ss:$0x1] =	vst.idx.msk $0xffff, v6;
	v5 =	vld [tilespmem:s18+$0x10]  }
0x65: {  	[tilespmem:v0+s20+$0x10 ss:$0x1] =	vst.idx.msk $0xffff, v7;
	v4 =	vld [tilespmem:s18+$0x20];
	s18 =	sadd.s32 $0x80, s18  }
0x66: {  	s22 =	sadd.s32 $0xFFFFFFFF, s22;
	v1 =	vld [tilespmem:s18+$0x30];
	[tilespmem:v0+s20+$0x20 ss:$0x1] =	vst.idx.msk $0xffff, v8  }
.Ltmp7:
0x67: {  	_ = 	snop;
	(pc) =	sbr.rel .LBB1_8-.Ltmp7, $1  }
0x68: {  	_ =	sdelay $0x3  }
.LBB1_6:
.Ltmp8:
0x69: {  	(pc) =	sbr.rel .LBB1_8-.Ltmp8, $2  }
0x6a: {  	_ =	sdelay $0x2  }
0x6b: {  	s21 =	simm.s32 $0x0  }
.LBB1_11:
0x6c: {  	_ =	sfence.sel $0x180000  }
0x6d: {  	s2 =	simm.s32 $0x1;
	[bflag:$0x0] =	sbarrier.arrive $0xFFFF  }
0x6e: {  	s31 =	simm.s32 $0x2;
	[sflag:s2] =	ssyncpa.u1 $0x1  }
0x6f: {  	[sflag:s31] =	ssyncpa.u1 $0x1  }
0x70: {  	p0 =	sne.s32 s0, $0x0;
	_ =	strace $0x90000047  }
0x71: {  	s0 =	sadd.s32 @!p0 $0x100000, s1;
	[bflag:$0x2] =	sbarrier.arrive $0xFFFF  }
0x72: {  	[sflag:s0] =	ssyncadd.tile.s32 @!p0 $0x1;
	_ =	shalt  }
.Lfunc_end1:
_tile_overlayer_lowered:
.L_overlay_start_2:
0x73: {  	(tag) =	ssettag $0x2  }
0x74: {  	s0 =	rddreg [dreg:$0x0];
	s2 =	stileid.u32  }
0x75: {  	s1 =	rddreg [dreg:$0x1];
	p0 =	sne.s32 s2, $0x0  }
0x76: {  	s3 =	rddreg [dreg:$0x2];
	[bflag:$0x3] =	sbarrier.arrive $0xFFFF;
	s2 =	simm.s32 @!p0 $0x1C01  }
0x77: {  	[timem:s3], [sflag:s2] =	dma.local @!p0 [hbm:s0], s1  }
0x78: {  	s0 =	simm.s32 @!p0 $0x1  }
0x79: {  	_ =	swait.ge @!p0 [sflag:s0], s1  }
0x7a: {  	s1 =	ssub.s32 @!p0 $0x0, s1;
	[sflag:s0] =	ssyncset.done @!p0 $0x0  }
0x7b: {  	[sflag:s0] =	ssyncadd.s32 @!p0 s1  }
0x7c: {  	[bflag:$0x3] =	sbarrier.arrive $0xFFFF  }
0x7d: {  	_ =	shalt  }

</sc_bundles>
